<compile_context>
chip_gen: v7x
topology: tpu7x:2x2x1
jax: 0.10.2.dev20260603
libtpu: 0.0.44.dev20260713+nightly
codegen_flags: <defaults>
</compile_context>

<pallas_src>
import functools

import jax
import jax.numpy as jnp
from jax import lax
from jax.experimental import pallas as pl
from jax.experimental.pallas import tpu as pltpu
from jax.experimental.pallas import tpu_sc as plsc

N = 10000
E = 320000
DF = 128
H = 1024
A = 64
G = 16

NC, NS, L = 2, 16, 16
NW = NC * NS
NP = 10240
RT = NP // NS
K = 96
CH = 108
EP = NW * CH * K
NB = 3
ZC = 80
KD = 128
CHD = EP // (NW * KD)
TRASH = N

def _make_deg(mesh):
    @functools.partial(
        pl.kernel,
        out_type=jax.ShapeDtypeStruct((2 * NP, L), jnp.float32),
        mesh=mesh,
        scratch_types=[
            pltpu.VMEM((CHD, KD), jnp.int32),
            pltpu.VMEM((NP,), jnp.float32),
            pltpu.VMEM((NS, RT), jnp.float32),
            pltpu.VMEM((RT, L), jnp.float32),
            pltpu.VMEM_SHARED((NS, NP), jnp.float32),
            pltpu.SemaphoreType.DMA,
        ],
        compiler_params=pltpu.CompilerParams(needs_layout_passes=False),
    )
    def _deg_sc(dst_hbm, out_hbm, dst_v, part_v, red_v, rep_v, deg_sh, sem):
        c = lax.axis_index("c")
        s = lax.axis_index("s")
        wid = c * NS + s
        zero = jnp.zeros((L,), jnp.float32)
        ones = jnp.ones((L,), jnp.float32)

        def _z(i, carry):
            part_v[pl.ds(i * L, L)] = zero
            return carry

        lax.fori_loop(0, NP // L, _z, 0)

        pltpu.sync_copy(dst_hbm.at[wid], dst_v)

        def _scat(ch, carry):
            for j in range(KD // L):
                idx = dst_v[ch, pl.ds(j * L, L)]
                plsc.addupdate_scatter(part_v, [idx], ones)
            return carry

        lax.fori_loop(0, CHD, _scat, 0)
        pltpu.sync_copy(part_v, deg_sh.at[s])
        plsc.subcore_barrier()

        pltpu.sync_copy(deg_sh.at[:, pl.ds(s * RT, RT)], red_v)

        def _red(g, carry):
            tot = red_v[0, pl.ds(g * L, L)]
            for t in range(1, NS):
                tot = tot + red_v[t, pl.ds(g * L, L)]
            part_v[pl.ds(g * L, L)] = tot
            return carry

        lax.fori_loop(0, RT // L, _red, 0)

        def _rep(g, carry):
            vals = part_v[pl.ds(g * L, L)]
            for t in range(L):
                rep_v[g * L + t] = ones * vals[t]
            return carry

        lax.fori_loop(0, RT // L, _rep, 0)
        pltpu.sync_copy(
            rep_v, out_hbm.at[pl.ds(c * NP + s * RT, RT)]
        )

    return _deg_sc


NST = 3
CHH = CH // NST


def _make_agg(mesh, D):
    @functools.partial(
        pl.kernel,
        out_type=jax.ShapeDtypeStruct((2 * NP, D), jnp.float32),
        mesh=mesh,
        scratch_types=[
            pltpu.VMEM((CHH, K), jnp.int32),
            pltpu.VMEM((CHH, K), jnp.int32),
            pltpu.VMEM((K, D), jnp.float32),
            pltpu.VMEM((K, D), jnp.float32),
            pltpu.VMEM((K, D), jnp.float32),
            pltpu.VMEM_SHARED((NP, D), jnp.float32),
            pltpu.SemaphoreType.DMA,
            pltpu.SemaphoreType.DMA,
            pltpu.SemaphoreType.DMA,
            pltpu.SemaphoreType.DMA,
            pltpu.SemaphoreType.DMA,
            pltpu.SemaphoreType.DMA,
        ],
    )
    def _agg(u_hbm, src_hbm, dst_hbm, out_hbm, src_v, dst_v,
             r0, r1, r2, acc_sh, g0, g1, g2, s0, s1, s2):
        rows = (r0, r1, r2)
        gsem = (g0, g1, g2)
        ssem = (s0, s1, s2)
        c = lax.axis_index("c")
        s = lax.axis_index("s")
        wid = c * NS + s
        zero = jnp.zeros((L,), jnp.float32)

        def _zrow(i, carry):
            for j in range(D // L):
                r0[i, pl.ds(j * L, L)] = zero
            return carry

        lax.fori_loop(0, K, _zrow, 0)

        def _zcp(j, carry):
            pltpu.sync_copy(
                r0.at[pl.ds(0, ZC)], acc_sh.at[pl.ds(s * RT + j * ZC, ZC)]
            )
            return carry

        lax.fori_loop(0, RT // ZC, _zcp, 0)
        plsc.subcore_barrier()

        for half in range(NST):
            pltpu.sync_copy(src_hbm.at[wid, half], src_v)
            pltpu.sync_copy(dst_hbm.at[wid, half], dst_v)
            gd = [
                pltpu.async_copy(u_hbm.at[src_v.at[p]], rows[p], gsem[p])
                for p in range(NB)
            ]

            def _edge(i, carry):
                base = i * NB
                for p in range(NB):
                    ch = base + p
                    gd[p].wait()
                    pltpu.async_copy(
                        rows[p], acc_sh.at[dst_v.at[ch]], ssem[p], add=True
                    ).wait()

                    @pl.when(ch + NB < CHH)
                    def _():
                        pltpu.async_copy(
                            u_hbm.at[src_v.at[ch + NB]], rows[p], gsem[p]
                        )

                return carry

            lax.fori_loop(0, CHH // NB, _edge, 0)

        plsc.subcore_barrier()
        pltpu.sync_copy(
            acc_sh.at[pl.ds(s * RT, RT)], out_hbm.at[pl.ds(c * NP + s * RT, RT)]
        )

    return _agg


@functools.lru_cache(maxsize=1)
def _sc_kernels():
    mesh = plsc.VectorSubcoreMesh(
        core_axis_name="c", subcore_axis_name="s", num_cores=NC, num_subcores=NS
    )
    return _make_deg(mesh), _make_agg(mesh, DF)


def _prep_body(degp, xp, w2, wl, b2, bl, dis_o, u1_o, wc_o, bc_o):
    d = degp[...]
    deg = d[0:NP, 0:1] + d[NP : 2 * NP, 0:1] + 1.0
    dis = lax.rsqrt(deg)
    dis_o[...] = dis
    u1_o[...] = xp[...] * dis
    wc = jnp.dot(w2[...], wl[...], preferred_element_type=jnp.float32)
    wc_o[...] = jnp.pad(wc, ((0, 0), (0, DF - A)))
    bc_o[...] = (
        jnp.dot(b2[...], wl[...], preferred_element_type=jnp.float32) + bl[...]
    )


_prep = pl.pallas_call(
    _prep_body,
    out_shape=[
        jax.ShapeDtypeStruct((NP, 1), jnp.float32),
        jax.ShapeDtypeStruct((NP, DF), jnp.float32),
        jax.ShapeDtypeStruct((H, DF), jnp.float32),
        jax.ShapeDtypeStruct((1, A), jnp.float32),
    ],
)

RB = 1024
GR = NP // RB


def _mid_body(a0, a1, u1, dis, w1, b1, wc, u2_o):
    z1 = dis[...] * (a0[...] + a1[...] + u1[...])
    h1 = jnp.maximum(
        jnp.dot(z1, w1[...], preferred_element_type=jnp.float32) + b1[...], 0.0
    )
    u2_o[...] = dis[...] * jnp.dot(h1, wc[...], preferred_element_type=jnp.float32)


_mid = pl.pallas_call(
    _mid_body,
    grid=(GR,),
    in_specs=[
        pl.BlockSpec((RB, DF), lambda i: (i, 0)),
        pl.BlockSpec((RB, DF), lambda i: (i + GR, 0)),
        pl.BlockSpec((RB, DF), lambda i: (i, 0)),
        pl.BlockSpec((RB, 1), lambda i: (i, 0)),
        pl.BlockSpec((DF, H), lambda i: (0, 0)),
        pl.BlockSpec((1, H), lambda i: (0, 0)),
        pl.BlockSpec((H, DF), lambda i: (0, 0)),
    ],
    out_specs=pl.BlockSpec((RB, DF), lambda i: (i, 0)),
    out_shape=jax.ShapeDtypeStruct((NP, DF), jnp.float32),
)


def _final_body(a2, u2, dis, bc, batch2, out):
    acc = a2[...]
    z2 = dis[...] * (
        acc[0:NP, 0:A] + acc[NP : 2 * NP, 0:A] + u2[...][:, 0:A]
    )
    y = jnp.tanh(z2 + bc[...])
    gids = lax.broadcasted_iota(jnp.int32, (G, NP), 0)
    p = (batch2[...] == gids).astype(jnp.float32)
    sums = jnp.dot(p, y, preferred_element_type=jnp.float32)
    counts = jnp.sum(p, axis=1, keepdims=True)
    out[...] = sums / jnp.maximum(counts, 1.0)


_final = pl.pallas_call(
    _final_body,
    out_shape=jax.ShapeDtypeStruct((G, A), jnp.float32),
)


def kernel(x, edge_index, batch, W1, b1, W2, b2, Wl, bl):
    src = edge_index[0].astype(jnp.int32)
    dst = edge_index[1].astype(jnp.int32)
    pad = TRASH + jnp.arange(EP - E, dtype=jnp.int32) % (NP - N)
    src3 = jnp.concatenate([src, pad]).reshape(NW, NST, CHH, K)
    dst3 = jnp.concatenate([dst, pad]).reshape(NW, NST, CHH, K)
    dstd = dst3.reshape(NW, CHD, KD)
    xp = jnp.pad(x, ((0, NP - N), (0, 0)))
    batch2 = jnp.pad(
        batch.astype(jnp.int32), (0, NP - N), constant_values=G
    ).reshape(1, NP)

    deg_sc, agg128 = _sc_kernels()
    degp = deg_sc(dstd)
    dis, u1, wc, bc = _prep(degp, xp, W2, Wl, b2.reshape(1, H), bl.reshape(1, A))
    acc1 = agg128(u1, src3, dst3)
    u2 = _mid(acc1, acc1, u1, dis, W1, b1.reshape(1, H), wc)
    acc2 = agg128(u2, src3, dst3)
    return _final(acc2, u2, dis, bc, batch2)

# --- scband reference (transcript-rebuilt; emitter-appended) ---
"""Pipeline reference for scband-gcnpolicy-26542897889601 (READ-ONLY COPY).

The authoritative reference and input builder live on the scoring server;
editing this copy changes nothing except your own understanding.
"""

import jax, jax.numpy as jnp
import numpy as np

N = 10000
E = 320000
DF = 128
H = 1024
A = 64
G = 16


def setup_inputs(seed: int = 0) -> dict:
    key = jax.random.key(seed)
    ks = jax.random.split(key, 10)
    x = jax.random.normal(ks[0], (N, DF), dtype=jnp.float32)
    edge_index = jax.random.randint(ks[1], (2, E), 0, N)
    batch = jnp.sort(jax.random.randint(ks[2], (N,), 0, G))
    W1 = jax.random.normal(ks[3], (DF, H), dtype=jnp.float32) * (1.0 / np.sqrt(DF))
    b1 = jnp.zeros((H,), dtype=jnp.float32)
    W2 = jax.random.normal(ks[4], (H, H), dtype=jnp.float32) * (1.0 / np.sqrt(H))
    b2 = jnp.zeros((H,), dtype=jnp.float32)
    Wl = jax.random.normal(ks[5], (H, A), dtype=jnp.float32) * (1.0 / np.sqrt(H))
    bl = jnp.zeros((A,), dtype=jnp.float32)
    return {"x": x, "edge_index": edge_index, "batch": batch, "W1": W1, "b1": b1, "W2": W2, "b2": b2, "Wl": Wl, "bl": bl}


def _gcn_conv(x, edge_index, W, b, n):
    # PyG GCNConv: linear transform, add self-loops, symmetric normalization, scatter-add aggregation
    xw = x @ W
    loop = jnp.arange(n, dtype=edge_index.dtype)
    src = jnp.concatenate([edge_index[0], loop])
    dst = jnp.concatenate([edge_index[1], loop])
    ones = jnp.ones(src.shape[0], dtype=x.dtype)
    deg = jax.ops.segment_sum(ones, dst, num_segments=n)
    deg_inv_sqrt = jnp.where(deg > 0, deg ** -0.5, 0.0)
    norm = deg_inv_sqrt[src] * deg_inv_sqrt[dst]
    msgs = xw[src] * norm[:, None]
    out = jax.ops.segment_sum(msgs, dst, num_segments=n)
    return out + b


def _global_mean_pool(h, batch, num_graphs):
    sums = jax.ops.segment_sum(h, batch, num_segments=num_graphs)
    counts = jax.ops.segment_sum(jnp.ones(h.shape[0], dtype=h.dtype), batch, num_segments=num_graphs)
    return sums / jnp.maximum(counts, 1.0)[:, None]


def reference(x, edge_index, batch, W1, b1, W2, b2, Wl, bl):
    h = _gcn_conv(x, edge_index, W1, b1, N)
    h = jax.nn.relu(h)
    h = _gcn_conv(h, edge_index, W2, b2, N)
    h = h @ Wl + bl
    h = jnp.tanh(h)
    out = _global_mean_pool(h, batch, G)
    return out

if __name__ == "__main__":
    import jax
    _d = setup_inputs()
    print(jax.jit(kernel)(*tuple(_d.values())))

</pallas_src>

<mosaic_0001>
#map = affine_map<(d0, d1) -> (0, 0)>
#map1 = affine_map<(d0, d1) -> (0, 0, 0, 0)>
module attributes {stable_mosaic.version = 14 : i64} {
  func.func @_agg(%arg0: i32, %arg1: i32, %arg2: memref<10240x128xf32, #tpu.memory_space<hbm>>, %arg3: memref<32x3x36x96xi32, #tpu.memory_space<hbm>>, %arg4: memref<32x3x36x96xi32, #tpu.memory_space<hbm>>, %arg5: memref<20480x128xf32, #tpu.memory_space<hbm>>, %arg6: memref<36x96xi32, #tpu.memory_space<vmem>>, %arg7: memref<36x96xi32, #tpu.memory_space<vmem>>, %arg8: memref<96x128xf32, #tpu.memory_space<vmem>>, %arg9: memref<96x128xf32, #tpu.memory_space<vmem>>, %arg10: memref<96x128xf32, #tpu.memory_space<vmem>>, %arg11: memref<10240x128xf32, #tpu.memory_space<vmem_shared>>, %arg12: memref<!tpu.dma_semaphore, #tpu.memory_space<semaphore_mem>>, %arg13: memref<!tpu.dma_semaphore, #tpu.memory_space<semaphore_mem>>, %arg14: memref<!tpu.dma_semaphore, #tpu.memory_space<semaphore_mem>>, %arg15: memref<!tpu.dma_semaphore, #tpu.memory_space<semaphore_mem>>, %arg16: memref<!tpu.dma_semaphore, #tpu.memory_space<semaphore_mem>>, %arg17: memref<!tpu.dma_semaphore, #tpu.memory_space<semaphore_mem>>) attributes {dimension_semantics = [#tpu.dimension_semantics<core_parallel>, #tpu.dimension_semantics<subcore_parallel>], iteration_bounds = array<i64: 2, 16>, scalar_prefetch = 0 : i64, scratch_operands = 12 : i64, tpu.core_type = #tpu.core_type<sc_vector_subcore>, window_params = [{transform_indices = #map}, {transform_indices = #map1}, {transform_indices = #map1}, {transform_indices = #map}]} {
    %mul3A = arith.constant 16 : i32
    %mul3A_0 = arith.muli %arg0, %mul3A : i32
    %add3A = arith.addi %mul3A_0, %arg1 : i32
    %broadcast_in_dim3A = arith.constant 0.000000e+00 : f32
    %broadcast_in_dim3A_1 = vector.broadcast %broadcast_in_dim3A : f32 to vector<16xf32>
    %scan3A = arith.constant 0 : i32
    %scan3A_2 = arith.constant 0 : i32
    %scan3A_3 = arith.constant 96 : i32
    %scan3A_4 = arith.addi %scan3A_2, %scan3A_3 : i32
    %scan3A_5 = arith.constant 1 : i32
    scf.for %scan3A_115 = %scan3A_2 to %scan3A_4 step %scan3A_5  : i32 {
      %swap3A = arith.index_cast %scan3A_115 : i32 to index
      %swap3A_116 = arith.constant 0 : index
      %swap3A_117 = tpu.vector_load %arg8[%swap3A, %swap3A_116] {strides = array<i32>} : memref<96x128xf32, #tpu.memory_space<vmem>>, vector<1x16xf32>,
      %swap3A_118 = vector.shape_cast %swap3A_117 : vector<1x16xf32> to vector<16xf32>
      %swap3A_119 = vector.shape_cast %broadcast_in_dim3A_1 : vector<16xf32> to vector<1x16xf32>
      tpu.vector_store %arg8[%swap3A, %swap3A_116], %swap3A_119 {strides = array<i32>} : memref<96x128xf32, #tpu.memory_space<vmem>>, vector<1x16xf32>,
      %swap3A_120 = arith.index_cast %scan3A_115 : i32 to index
      %swap3A_121 = arith.constant 16 : index
      %swap3A_122 = tpu.vector_load %arg8[%swap3A_120, %swap3A_121] {strides = array<i32>} : memref<96x128xf32, #tpu.memory_space<vmem>>, vector<1x16xf32>,
      %swap3A_123 = vector.shape_cast %swap3A_122 : vector<1x16xf32> to vector<16xf32>
      %swap3A_124 = vector.shape_cast %broadcast_in_dim3A_1 : vector<16xf32> to vector<1x16xf32>
      tpu.vector_store %arg8[%swap3A_120, %swap3A_121], %swap3A_124 {strides = array<i32>} : memref<96x128xf32, #tpu.memory_space<vmem>>, vector<1x16xf32>,
      %swap3A_125 = arith.index_cast %scan3A_115 : i32 to index
      %swap3A_126 = arith.constant 32 : index
      %swap3A_127 = tpu.vector_load %arg8[%swap3A_125, %swap3A_126] {strides = array<i32>} : memref<96x128xf32, #tpu.memory_space<vmem>>, vector<1x16xf32>,
      %swap3A_128 = vector.shape_cast %swap3A_127 : vector<1x16xf32> to vector<16xf32>
      %swap3A_129 = vector.shape_cast %broadcast_in_dim3A_1 : vector<16xf32> to vector<1x16xf32>
      tpu.vector_store %arg8[%swap3A_125, %swap3A_126], %swap3A_129 {strides = array<i32>} : memref<96x128xf32, #tpu.memory_space<vmem>>, vector<1x16xf32>,
      %swap3A_130 = arith.index_cast %scan3A_115 : i32 to index
      %swap3A_131 = arith.constant 48 : index
      %swap3A_132 = tpu.vector_load %arg8[%swap3A_130, %swap3A_131] {strides = array<i32>} : memref<96x128xf32, #tpu.memory_space<vmem>>, vector<1x16xf32>,
      %swap3A_133 = vector.shape_cast %swap3A_132 : vector<1x16xf32> to vector<16xf32>
      %swap3A_134 = vector.shape_cast %broadcast_in_dim3A_1 : vector<16xf32> to vector<1x16xf32>
      tpu.vector_store %arg8[%swap3A_130, %swap3A_131], %swap3A_134 {strides = array<i32>} : memref<96x128xf32, #tpu.memory_space<vmem>>, vector<1x16xf32>,
      %swap3A_135 = arith.index_cast %scan3A_115 : i32 to index
      %swap3A_136 = arith.constant 64 : index
      %swap3A_137 = tpu.vector_load %arg8[%swap3A_135, %swap3A_136] {strides = array<i32>} : memref<96x128xf32, #tpu.memory_space<vmem>>, vector<1x16xf32>,
      %swap3A_138 = vector.shape_cast %swap3A_137 : vector<1x16xf32> to vector<16xf32>
      %swap3A_139 = vector.shape_cast %broadcast_in_dim3A_1 : vector<16xf32> to vector<1x16xf32>
      tpu.vector_store %arg8[%swap3A_135, %swap3A_136], %swap3A_139 {strides = array<i32>} : memref<96x128xf32, #tpu.memory_space<vmem>>, vector<1x16xf32>,
      %swap3A_140 = arith.index_cast %scan3A_115 : i32 to index
      %swap3A_141 = arith.constant 80 : index
      %swap3A_142 = tpu.vector_load %arg8[%swap3A_140, %swap3A_141] {strides = array<i32>} : memref<96x128xf32, #tpu.memory_space<vmem>>, vector<1x16xf32>,
      %swap3A_143 = vector.shape_cast %swap3A_142 : vector<1x16xf32> to vector<16xf32>
      %swap3A_144 = vector.shape_cast %broadcast_in_dim3A_1 : vector<16xf32> to vector<1x16xf32>
      tpu.vector_store %arg8[%swap3A_140, %swap3A_141], %swap3A_144 {strides = array<i32>} : memref<96x128xf32, #tpu.memory_space<vmem>>, vector<1x16xf32>,
      %swap3A_145 = arith.index_cast %scan3A_115 : i32 to index
      %swap3A_146 = arith.constant 96 : index
      %swap3A_147 = tpu.vector_load %arg8[%swap3A_145, %swap3A_146] {strides = array<i32>} : memref<96x128xf32, #tpu.memory_space<vmem>>, vector<1x16xf32>,
      %swap3A_148 = vector.shape_cast %swap3A_147 : vector<1x16xf32> to vector<16xf32>
      %swap3A_149 = vector.shape_cast %broadcast_in_dim3A_1 : vector<16xf32> to vector<1x16xf32>
      tpu.vector_store %arg8[%swap3A_145, %swap3A_146], %swap3A_149 {strides = array<i32>} : memref<96x128xf32, #tpu.memory_space<vmem>>, vector<1x16xf32>,
      %swap3A_150 = arith.index_cast %scan3A_115 : i32 to index
      %swap3A_151 = arith.constant 112 : index
      %swap3A_152 = tpu.vector_load %arg8[%swap3A_150, %swap3A_151] {strides = array<i32>} : memref<96x128xf32, #tpu.memory_space<vmem>>, vector<1x16xf32>,
      %swap3A_153 = vector.shape_cast %swap3A_152 : vector<1x16xf32> to vector<16xf32>
      %swap3A_154 = vector.shape_cast %broadcast_in_dim3A_1 : vector<16xf32> to vector<1x16xf32>
      tpu.vector_store %arg8[%swap3A_150, %swap3A_151], %swap3A_154 {strides = array<i32>} : memref<96x128xf32, #tpu.memory_space<vmem>>, vector<1x16xf32>,
    }
    %scan3A_6 = arith.constant 96 : i32
    %scan3A_7 = arith.constant 0 : i32
    %scan3A_8 = arith.constant 0 : i32
    %scan3A_9 = arith.constant 8 : i32
    %scan3A_10 = arith.addi %scan3A_8, %scan3A_9 : i32
    %scan3A_11 = arith.constant 1 : i32
    scf.for %scan3A_115 = %scan3A_8 to %scan3A_10 step %scan3A_11  : i32 {
      %mul3A_116 = arith.constant 640 : i32
      %mul3A_117 = arith.muli %arg1, %mul3A_116 : i32
      %mul3A_118 = arith.constant 80 : i32
      %mul3A_119 = arith.muli %scan3A_115, %mul3A_118 : i32
      %add3A_120 = arith.addi %mul3A_117, %mul3A_119 : i32
      "tpu.region"() ({
        %run_scoped3A_121 = tpu.sem_alloc : memref<!tpu.dma_semaphore, #tpu.memory_space<semaphore_mem>>
        %dma_start3A_122 = arith.constant 0 : i32
        %dma_start3A_123 = arith.constant 0 : i32
        %dma_start3A_124 = tpu.memref_slice %arg8[%dma_start3A_122, %dma_start3A_123] : memref<96x128xf32, #tpu.memory_space<vmem>> -> memref<80x128xf32, #tpu.memory_space<vmem>>
        %dma_start3A_125 = arith.constant 0 : i32
        %dma_start3A_126 = tpu.memref_slice %arg11[%add3A_120, %dma_start3A_125] : memref<10240x128xf32, #tpu.memory_space<vmem_shared>> -> memref<80x128xf32, #tpu.memory_space<vmem_shared>>
        %dma_start3A_127 = arith.constant 0 : i32
        %dma_start3A_128 = tpu.memref_slice %arg11[%add3A_120, %dma_start3A_127] : memref<10240x128xf32, #tpu.memory_space<vmem_shared>> -> memref<80x128xf32, #tpu.memory_space<vmem_shared>>
        %dma_start3A_129 = arith.constant 0 : i32
        %dma_start3A_130 = arith.constant 0 : i32
        %dma_start3A_131 = tpu.memref_slice %arg8[%dma_start3A_129, %dma_start3A_130] : memref<96x128xf32, #tpu.memory_space<vmem>> -> memref<80x128xf32, #tpu.memory_space<vmem>>
        tpu.enqueue_dma source(%dma_start3A_131 : memref<80x128xf32, #tpu.memory_space<vmem>>) target(%dma_start3A_128 : memref<80x128xf32, #tpu.memory_space<vmem_shared>>) target_semaphore(%run_scoped3A_121 : memref<!tpu.dma_semaphore, #tpu.memory_space<semaphore_mem>>)
        %dma_wait3A = arith.constant 0 : i32
        %dma_wait3A_132 = arith.constant 0 : i32
        %dma_wait3A_133 = tpu.memref_slice %arg8[%dma_wait3A, %dma_wait3A_132] : memref<96x128xf32, #tpu.memory_space<vmem>> -> memref<80x128xf32, #tpu.memory_space<vmem>>
        %dma_wait3A_134 = arith.constant 0 : i32
        %dma_wait3A_135 = tpu.memref_slice %arg11[%add3A_120, %dma_wait3A_134] : memref<10240x128xf32, #tpu.memory_space<vmem_shared>> -> memref<80x128xf32, #tpu.memory_space<vmem_shared>>
        %dma_wait3A_136 = arith.constant 0 : i32
        %dma_wait3A_137 = tpu.memref_slice %arg11[%add3A_120, %dma_wait3A_136] : memref<10240x128xf32, #tpu.memory_space<vmem_shared>> -> memref<80x128xf32, #tpu.memory_space<vmem_shared>>
        %dma_wait3A_138 = arith.constant 0 : i32
        %dma_wait3A_139 = arith.constant 0 : i32
        %dma_wait3A_140 = tpu.memref_slice %arg8[%dma_wait3A_138, %dma_wait3A_139] : memref<96x128xf32, #tpu.memory_space<vmem>> -> memref<80x128xf32, #tpu.memory_space<vmem>>
        tpu.wait_dma2 semaphore(%run_scoped3A_121 : memref<!tpu.dma_semaphore, #tpu.memory_space<semaphore_mem>>) src(%dma_wait3A_140 : memref<80x128xf32, #tpu.memory_space<vmem>>) dst(%dma_wait3A_137 : memref<80x128xf32, #tpu.memory_space<vmem_shared>>)
        tpu.yield
      }) : () -> ()
    }
    %scan3A_12 = arith.constant 8 : i32
    %barrier3A = arith.constant 0 : index
    tpu.barrier barrier_id(%barrier3A)
    %run_scoped3A = arith.constant 0 : i32
    "tpu.region"() ({
      %run_scoped3A_115 = tpu.sem_alloc : memref<!tpu.dma_semaphore, #tpu.memory_space<semaphore_mem>>
      %dma_start3A_116 = arith.constant 0 : i32
      %dma_start3A_117 = arith.constant 0 : i32
      %dma_start3A_118 = tpu.memref_slice %arg3[%add3A, %run_scoped3A, %dma_start3A_116, %dma_start3A_117] : memref<32x3x36x96xi32, #tpu.memory_space<hbm>> -> memref<1x1x36x96xi32, #tpu.memory_space<hbm>>
      %dma_start3A_119 = tpu.memref_squeeze %dma_start3A_118 : memref<1x1x36x96xi32, #tpu.memory_space<hbm>> -> memref<36x96xi32, #tpu.memory_space<hbm>>
      %dma_start3A_120 = arith.constant 0 : i32
      %dma_start3A_121 = arith.constant 0 : i32
      %dma_start3A_122 = tpu.memref_slice %arg3[%add3A, %run_scoped3A, %dma_start3A_120, %dma_start3A_121] : memref<32x3x36x96xi32, #tpu.memory_space<hbm>> -> memref<1x1x36x96xi32, #tpu.memory_space<hbm>>
      %dma_start3A_123 = tpu.memref_squeeze %dma_start3A_122 : memref<1x1x36x96xi32, #tpu.memory_space<hbm>> -> memref<36x96xi32, #tpu.memory_space<hbm>>
      tpu.enqueue_dma source(%dma_start3A_123 : memref<36x96xi32, #tpu.memory_space<hbm>>) target(%arg6 : memref<36x96xi32, #tpu.memory_space<vmem>>) target_semaphore(%run_scoped3A_115 : memref<!tpu.dma_semaphore, #tpu.memory_space<semaphore_mem>>)
      %dma_wait3A = arith.constant 0 : i32
      %dma_wait3A_124 = arith.constant 0 : i32
      %dma_wait3A_125 = tpu.memref_slice %arg3[%add3A, %run_scoped3A, %dma_wait3A, %dma_wait3A_124] : memref<32x3x36x96xi32, #tpu.memory_space<hbm>> -> memref<1x1x36x96xi32, #tpu.memory_space<hbm>>
      %dma_wait3A_126 = tpu.memref_squeeze %dma_wait3A_125 : memref<1x1x36x96xi32, #tpu.memory_space<hbm>> -> memref<36x96xi32, #tpu.memory_space<hbm>>
      %dma_wait3A_127 = arith.constant 0 : i32
      %dma_wait3A_128 = arith.constant 0 : i32
      %dma_wait3A_129 = tpu.memref_slice %arg3[%add3A, %run_scoped3A, %dma_wait3A_127, %dma_wait3A_128] : memref<32x3x36x96xi32, #tpu.memory_space<hbm>> -> memref<1x1x36x96xi32, #tpu.memory_space<hbm>>
      %dma_wait3A_130 = tpu.memref_squeeze %dma_wait3A_129 : memref<1x1x36x96xi32, #tpu.memory_space<hbm>> -> memref<36x96xi32, #tpu.memory_space<hbm>>
      tpu.wait_dma2 semaphore(%run_scoped3A_115 : memref<!tpu.dma_semaphore, #tpu.memory_space<semaphore_mem>>) src(%dma_wait3A_130 : memref<36x96xi32, #tpu.memory_space<hbm>>) dst(%arg6 : memref<36x96xi32, #tpu.memory_space<vmem>>)
      tpu.yield
    }) : () -> ()
    %run_scoped3A_13 = arith.constant 0 : i32
    "tpu.region"() ({
      %run_scoped3A_115 = tpu.sem_alloc : memref<!tpu.dma_semaphore, #tpu.memory_space<semaphore_mem>>
      %dma_start3A_116 = arith.constant 0 : i32
      %dma_start3A_117 = arith.constant 0 : i32
      %dma_start3A_118 = tpu.memref_slice %arg4[%add3A, %run_scoped3A_13, %dma_start3A_116, %dma_start3A_117] : memref<32x3x36x96xi32, #tpu.memory_space<hbm>> -> memref<1x1x36x96xi32, #tpu.memory_space<hbm>>
      %dma_start3A_119 = tpu.memref_squeeze %dma_start3A_118 : memref<1x1x36x96xi32, #tpu.memory_space<hbm>> -> memref<36x96xi32, #tpu.memory_space<hbm>>
      %dma_start3A_120 = arith.constant 0 : i32
      %dma_start3A_121 = arith.constant 0 : i32
      %dma_start3A_122 = tpu.memref_slice %arg4[%add3A, %run_scoped3A_13, %dma_start3A_120, %dma_start3A_121] : memref<32x3x36x96xi32, #tpu.memory_space<hbm>> -> memref<1x1x36x96xi32, #tpu.memory_space<hbm>>
      %dma_start3A_123 = tpu.memref_squeeze %dma_start3A_122 : memref<1x1x36x96xi32, #tpu.memory_space<hbm>> -> memref<36x96xi32, #tpu.memory_space<hbm>>
      tpu.enqueue_dma source(%dma_start3A_123 : memref<36x96xi32, #tpu.memory_space<hbm>>) target(%arg7 : memref<36x96xi32, #tpu.memory_space<vmem>>) target_semaphore(%run_scoped3A_115 : memref<!tpu.dma_semaphore, #tpu.memory_space<semaphore_mem>>)
      %dma_wait3A = arith.constant 0 : i32
      %dma_wait3A_124 = arith.constant 0 : i32
      %dma_wait3A_125 = tpu.memref_slice %arg4[%add3A, %run_scoped3A_13, %dma_wait3A, %dma_wait3A_124] : memref<32x3x36x96xi32, #tpu.memory_space<hbm>> -> memref<1x1x36x96xi32, #tpu.memory_space<hbm>>
      %dma_wait3A_126 = tpu.memref_squeeze %dma_wait3A_125 : memref<1x1x36x96xi32, #tpu.memory_space<hbm>> -> memref<36x96xi32, #tpu.memory_space<hbm>>
      %dma_wait3A_127 = arith.constant 0 : i32
      %dma_wait3A_128 = arith.constant 0 : i32
      %dma_wait3A_129 = tpu.memref_slice %arg4[%add3A, %run_scoped3A_13, %dma_wait3A_127, %dma_wait3A_128] : memref<32x3x36x96xi32, #tpu.memory_space<hbm>> -> memref<1x1x36x96xi32, #tpu.memory_space<hbm>>
      %dma_wait3A_130 = tpu.memref_squeeze %dma_wait3A_129 : memref<1x1x36x96xi32, #tpu.memory_space<hbm>> -> memref<36x96xi32, #tpu.memory_space<hbm>>
      tpu.wait_dma2 semaphore(%run_scoped3A_115 : memref<!tpu.dma_semaphore, #tpu.memory_space<semaphore_mem>>) src(%dma_wait3A_130 : memref<36x96xi32, #tpu.memory_space<hbm>>) dst(%arg7 : memref<36x96xi32, #tpu.memory_space<vmem>>)
      tpu.yield
    }) : () -> ()
    %dma_start3A = arith.constant 0 : i32
    %dma_start3A_14 = arith.constant 0 : i32
    %dma_start3A_15 = tpu.memref_slice %arg6[%dma_start3A, %dma_start3A_14] : memref<36x96xi32, #tpu.memory_space<vmem>> -> memref<1x96xi32, #tpu.memory_space<vmem>>
    %dma_start3A_16 = tpu.memref_squeeze %dma_start3A_15 : memref<1x96xi32, #tpu.memory_space<vmem>> -> memref<96xi32, #tpu.memory_space<vmem>>
    %dma_start3A_17 = arith.constant 0 : i32
    %dma_start3A_18 = arith.constant 0 : i32
    %dma_start3A_19 = tpu.memref_slice %arg2[%dma_start3A_17, %dma_start3A_18] : memref<10240x128xf32, #tpu.memory_space<hbm>> -> memref<10240x128xf32, #tpu.memory_space<hbm>>
    tpu.enqueue_indirect_dma source(%dma_start3A_19 : memref<10240x128xf32, #tpu.memory_space<hbm>>) target(%arg8 : memref<96x128xf32, #tpu.memory_space<vmem>>) offsets(%dma_start3A_16 : memref<96xi32, #tpu.memory_space<vmem>>) semaphore(%arg12 : memref<!tpu.dma_semaphore, #tpu.memory_space<semaphore_mem>>)
    %dma_start3A_20 = arith.constant 1 : i32
    %dma_start3A_21 = arith.constant 0 : i32
    %dma_start3A_22 = tpu.memref_slice %arg6[%dma_start3A_20, %dma_start3A_21] : memref<36x96xi32, #tpu.memory_space<vmem>> -> memref<1x96xi32, #tpu.memory_space<vmem>>
    %dma_start3A_23 = tpu.memref_squeeze %dma_start3A_22 : memref<1x96xi32, #tpu.memory_space<vmem>> -> memref<96xi32, #tpu.memory_space<vmem>>
    %dma_start3A_24 = arith.constant 0 : i32
    %dma_start3A_25 = arith.constant 0 : i32
    %dma_start3A_26 = tpu.memref_slice %arg2[%dma_start3A_24, %dma_start3A_25] : memref<10240x128xf32, #tpu.memory_space<hbm>> -> memref<10240x128xf32, #tpu.memory_space<hbm>>
    tpu.enqueue_indirect_dma source(%dma_start3A_26 : memref<10240x128xf32, #tpu.memory_space<hbm>>) target(%arg9 : memref<96x128xf32, #tpu.memory_space<vmem>>) offsets(%dma_start3A_23 : memref<96xi32, #tpu.memory_space<vmem>>) semaphore(%arg13 : memref<!tpu.dma_semaphore, #tpu.memory_space<semaphore_mem>>)
    %dma_start3A_27 = arith.constant 2 : i32
    %dma_start3A_28 = arith.constant 0 : i32
    %dma_start3A_29 = tpu.memref_slice %arg6[%dma_start3A_27, %dma_start3A_28] : memref<36x96xi32, #tpu.memory_space<vmem>> -> memref<1x96xi32, #tpu.memory_space<vmem>>
    %dma_start3A_30 = tpu.memref_squeeze %dma_start3A_29 : memref<1x96xi32, #tpu.memory_space<vmem>> -> memref<96xi32, #tpu.memory_space<vmem>>
    %dma_start3A_31 = arith.constant 0 : i32
    %dma_start3A_32 = arith.constant 0 : i32
    %dma_start3A_33 = tpu.memref_slice %arg2[%dma_start3A_31, %dma_start3A_32] : memref<10240x128xf32, #tpu.memory_space<hbm>> -> memref<10240x128xf32, #tpu.memory_space<hbm>>
    tpu.enqueue_indirect_dma source(%dma_start3A_33 : memref<10240x128xf32, #tpu.memory_space<hbm>>) target(%arg10 : memref<96x128xf32, #tpu.memory_space<vmem>>) offsets(%dma_start3A_30 : memref<96xi32, #tpu.memory_space<vmem>>) semaphore(%arg14 : memref<!tpu.dma_semaphore, #tpu.memory_space<semaphore_mem>>)
    %scan3A_34 = arith.constant 0 : i32
    %scan3A_35 = arith.constant 0 : i32
    %scan3A_36 = arith.constant 1 : i32
    %scan3A_37 = arith.constant 2 : i32
    %scan3A_38 = arith.constant 0 : i32
    %scan3A_39 = arith.constant 12 : i32
    %scan3A_40 = arith.addi %scan3A_38, %scan3A_39 : i32
    %scan3A_41 = arith.constant 1 : i32
    scf.for %scan3A_115 = %scan3A_38 to %scan3A_40 step %scan3A_41  : i32 {
      %mul3A_116 = arith.constant 3 : i32
      %mul3A_117 = arith.muli %scan3A_115, %mul3A_116 : i32
      %add3A_118 = arith.constant 0 : i32
      %add3A_119 = arith.addi %mul3A_117, %add3A_118 : i32
      %dma_wait3A = arith.constant 0 : i32
      %dma_wait3A_120 = tpu.memref_slice %arg6[%scan3A_35, %dma_wait3A] : memref<36x96xi32, #tpu.memory_space<vmem>> -> memref<1x96xi32, #tpu.memory_space<vmem>>
      %dma_wait3A_121 = tpu.memref_squeeze %dma_wait3A_120 : memref<1x96xi32, #tpu.memory_space<vmem>> -> memref<96xi32, #tpu.memory_space<vmem>>
      %dma_wait3A_122 = arith.constant 0 : i32
      %dma_wait3A_123 = arith.constant 0 : i32
      %dma_wait3A_124 = tpu.memref_slice %arg2[%dma_wait3A_122, %dma_wait3A_123] : memref<10240x128xf32, #tpu.memory_space<hbm>> -> memref<10240x128xf32, #tpu.memory_space<hbm>>
      tpu.wait_indirect_dma semaphore(%arg12 : memref<!tpu.dma_semaphore, #tpu.memory_space<semaphore_mem>>) src(%dma_wait3A_124 : memref<10240x128xf32, #tpu.memory_space<hbm>>) dst(%arg8 : memref<96x128xf32, #tpu.memory_space<vmem>>)
      %dma_start3A_125 = arith.constant 0 : i32
      %dma_start3A_126 = tpu.memref_slice %arg7[%add3A_119, %dma_start3A_125] : memref<36x96xi32, #tpu.memory_space<vmem>> -> memref<1x96xi32, #tpu.memory_space<vmem>>
      %dma_start3A_127 = tpu.memref_squeeze %dma_start3A_126 : memref<1x96xi32, #tpu.memory_space<vmem>> -> memref<96xi32, #tpu.memory_space<vmem>>
      %dma_start3A_128 = arith.constant 0 : i32
      %dma_start3A_129 = arith.constant 0 : i32
      %dma_start3A_130 = tpu.memref_slice %arg11[%dma_start3A_128, %dma_start3A_129] : memref<10240x128xf32, #tpu.memory_space<vmem_shared>> -> memref<10240x128xf32, #tpu.memory_space<vmem_shared>>
      tpu.enqueue_indirect_dma source(%arg8 : memref<96x128xf32, #tpu.memory_space<vmem>>) target(%dma_start3A_130 : memref<10240x128xf32, #tpu.memory_space<vmem_shared>>) offsets(%dma_start3A_127 : memref<96xi32, #tpu.memory_space<vmem>>) semaphore(%arg15 : memref<!tpu.dma_semaphore, #tpu.memory_space<semaphore_mem>>) {add = true}
      %dma_wait3A_131 = arith.constant 0 : i32
      %dma_wait3A_132 = tpu.memref_slice %arg7[%add3A_119, %dma_wait3A_131] : memref<36x96xi32, #tpu.memory_space<vmem>> -> memref<1x96xi32, #tpu.memory_space<vmem>>
      %dma_wait3A_133 = tpu.memref_squeeze %dma_wait3A_132 : memref<1x96xi32, #tpu.memory_space<vmem>> -> memref<96xi32, #tpu.memory_space<vmem>>
      %dma_wait3A_134 = arith.constant 0 : i32
      %dma_wait3A_135 = arith.constant 0 : i32
      %dma_wait3A_136 = tpu.memref_slice %arg11[%dma_wait3A_134, %dma_wait3A_135] : memref<10240x128xf32, #tpu.memory_space<vmem_shared>> -> memref<10240x128xf32, #tpu.memory_space<vmem_shared>>
      tpu.wait_indirect_dma semaphore(%arg15 : memref<!tpu.dma_semaphore, #tpu.memory_space<semaphore_mem>>) src(%arg8 : memref<96x128xf32, #tpu.memory_space<vmem>>) dst(%dma_wait3A_136 : memref<10240x128xf32, #tpu.memory_space<vmem_shared>>)
      %add3A_137 = arith.constant 3 : i32
      %add3A_138 = arith.addi %add3A_119, %add3A_137 : i32
      %lt3A = arith.constant 36 : i32
      %lt3A_139 = arith.cmpi slt, %add3A_138, %lt3A : i32
      %convert_element_type3A = arith.extui %lt3A_139 : i1 to i32
      %cond3A = arith.constant 0 : i32
      %cond3A_140 = arith.cmpi ne, %convert_element_type3A, %cond3A : i32
      scf.if %cond3A_140 {
        %add3A_195 = arith.constant 3 : i32
        %add3A_196 = arith.addi %add3A_119, %add3A_195 : i32
        %dma_start3A_197 = arith.constant 0 : i32
        %dma_start3A_198 = tpu.memref_slice %arg6[%add3A_196, %dma_start3A_197] : memref<36x96xi32, #tpu.memory_space<vmem>> -> memref<1x96xi32, #tpu.memory_space<vmem>>
        %dma_start3A_199 = tpu.memref_squeeze %dma_start3A_198 : memref<1x96xi32, #tpu.memory_space<vmem>> -> memref<96xi32, #tpu.memory_space<vmem>>
        %dma_start3A_200 = arith.constant 0 : i32
        %dma_start3A_201 = arith.constant 0 : i32
        %dma_start3A_202 = tpu.memref_slice %arg2[%dma_start3A_200, %dma_start3A_201] : memref<10240x128xf32, #tpu.memory_space<hbm>> -> memref<10240x128xf32, #tpu.memory_space<hbm>>
        tpu.enqueue_indirect_dma source(%dma_start3A_202 : memref<10240x128xf32, #tpu.memory_space<hbm>>) target(%arg8 : memref<96x128xf32, #tpu.memory_space<vmem>>) offsets(%dma_start3A_199 : memref<96xi32, #tpu.memory_space<vmem>>) semaphore(%arg12 : memref<!tpu.dma_semaphore, #tpu.memory_space<semaphore_mem>>)
      } else {
      }
      %add3A_141 = arith.constant 1 : i32
      %add3A_142 = arith.addi %mul3A_117, %add3A_141 : i32
      %dma_wait3A_143 = arith.constant 0 : i32
      %dma_wait3A_144 = tpu.memref_slice %arg6[%scan3A_36, %dma_wait3A_143] : memref<36x96xi32, #tpu.memory_space<vmem>> -> memref<1x96xi32, #tpu.memory_space<vmem>>
      %dma_wait3A_145 = tpu.memref_squeeze %dma_wait3A_144 : memref<1x96xi32, #tpu.memory_space<vmem>> -> memref<96xi32, #tpu.memory_space<vmem>>
      %dma_wait3A_146 = arith.constant 0 : i32
      %dma_wait3A_147 = arith.constant 0 : i32
      %dma_wait3A_148 = tpu.memref_slice %arg2[%dma_wait3A_146, %dma_wait3A_147] : memref<10240x128xf32, #tpu.memory_space<hbm>> -> memref<10240x128xf32, #tpu.memory_space<hbm>>
      tpu.wait_indirect_dma semaphore(%arg13 : memref<!tpu.dma_semaphore, #tpu.memory_space<semaphore_mem>>) src(%dma_wait3A_148 : memref<10240x128xf32, #tpu.memory_space<hbm>>) dst(%arg9 : memref<96x128xf32, #tpu.memory_space<vmem>>)
      %dma_start3A_149 = arith.constant 0 : i32
      %dma_start3A_150 = tpu.memref_slice %arg7[%add3A_142, %dma_start3A_149] : memref<36x96xi32, #tpu.memory_space<vmem>> -> memref<1x96xi32, #tpu.memory_space<vmem>>
      %dma_start3A_151 = tpu.memref_squeeze %dma_start3A_150 : memref<1x96xi32, #tpu.memory_space<vmem>> -> memref<96xi32, #tpu.memory_space<vmem>>
      %dma_start3A_152 = arith.constant 0 : i32
      %dma_start3A_153 = arith.constant 0 : i32
      %dma_start3A_154 = tpu.memref_slice %arg11[%dma_start3A_152, %dma_start3A_153] : memref<10240x128xf32, #tpu.memory_space<vmem_shared>> -> memref<10240x128xf32, #tpu.memory_space<vmem_shared>>
      tpu.enqueue_indirect_dma source(%arg9 : memref<96x128xf32, #tpu.memory_space<vmem>>) target(%dma_start3A_154 : memref<10240x128xf32, #tpu.memory_space<vmem_shared>>) offsets(%dma_start3A_151 : memref<96xi32, #tpu.memory_space<vmem>>) semaphore(%arg16 : memref<!tpu.dma_semaphore, #tpu.memory_space<semaphore_mem>>) {add = true}
      %dma_wait3A_155 = arith.constant 0 : i32
      %dma_wait3A_156 = tpu.memref_slice %arg7[%add3A_142, %dma_wait3A_155] : memref<36x96xi32, #tpu.memory_space<vmem>> -> memref<1x96xi32, #tpu.memory_space<vmem>>
      %dma_wait3A_157 = tpu.memref_squeeze %dma_wait3A_156 : memref<1x96xi32, #tpu.memory_space<vmem>> -> memref<96xi32, #tpu.memory_space<vmem>>
      %dma_wait3A_158 = arith.constant 0 : i32
      %dma_wait3A_159 = arith.constant 0 : i32
      %dma_wait3A_160 = tpu.memref_slice %arg11[%dma_wait3A_158, %dma_wait3A_159] : memref<10240x128xf32, #tpu.memory_space<vmem_shared>> -> memref<10240x128xf32, #tpu.memory_space<vmem_shared>>
      tpu.wait_indirect_dma semaphore(%arg16 : memref<!tpu.dma_semaphore, #tpu.memory_space<semaphore_mem>>) src(%arg9 : memref<96x128xf32, #tpu.memory_space<vmem>>) dst(%dma_wait3A_160 : memref<10240x128xf32, #tpu.memory_space<vmem_shared>>)
      %add3A_161 = arith.constant 3 : i32
      %add3A_162 = arith.addi %add3A_142, %add3A_161 : i32
      %lt3A_163 = arith.constant 36 : i32
      %lt3A_164 = arith.cmpi slt, %add3A_162, %lt3A_163 : i32
      %convert_element_type3A_165 = arith.extui %lt3A_164 : i1 to i32
      %cond3A_166 = arith.constant 0 : i32
      %cond3A_167 = arith.cmpi ne, %convert_element_type3A_165, %cond3A_166 : i32
      scf.if %cond3A_167 {
        %add3A_195 = arith.constant 3 : i32
        %add3A_196 = arith.addi %add3A_142, %add3A_195 : i32
        %dma_start3A_197 = arith.constant 0 : i32
        %dma_start3A_198 = tpu.memref_slice %arg6[%add3A_196, %dma_start3A_197] : memref<36x96xi32, #tpu.memory_space<vmem>> -> memref<1x96xi32, #tpu.memory_space<vmem>>
        %dma_start3A_199 = tpu.memref_squeeze %dma_start3A_198 : memref<1x96xi32, #tpu.memory_space<vmem>> -> memref<96xi32, #tpu.memory_space<vmem>>
        %dma_start3A_200 = arith.constant 0 : i32
        %dma_start3A_201 = arith.constant 0 : i32
        %dma_start3A_202 = tpu.memref_slice %arg2[%dma_start3A_200, %dma_start3A_201] : memref<10240x128xf32, #tpu.memory_space<hbm>> -> memref<10240x128xf32, #tpu.memory_space<hbm>>
        tpu.enqueue_indirect_dma source(%dma_start3A_202 : memref<10240x128xf32, #tpu.memory_space<hbm>>) target(%arg9 : memref<96x128xf32, #tpu.memory_space<vmem>>) offsets(%dma_start3A_199 : memref<96xi32, #tpu.memory_space<vmem>>) semaphore(%arg13 : memref<!tpu.dma_semaphore, #tpu.memory_space<semaphore_mem>>)
      } else {
      }
      %add3A_168 = arith.constant 2 : i32
      %add3A_169 = arith.addi %mul3A_117, %add3A_168 : i32
      %dma_wait3A_170 = arith.constant 0 : i32
      %dma_wait3A_171 = tpu.memref_slice %arg6[%scan3A_37, %dma_wait3A_170] : memref<36x96xi32, #tpu.memory_space<vmem>> -> memref<1x96xi32, #tpu.memory_space<vmem>>
      %dma_wait3A_172 = tpu.memref_squeeze %dma_wait3A_171 : memref<1x96xi32, #tpu.memory_space<vmem>> -> memref<96xi32, #tpu.memory_space<vmem>>
      %dma_wait3A_173 = arith.constant 0 : i32
      %dma_wait3A_174 = arith.constant 0 : i32
      %dma_wait3A_175 = tpu.memref_slice %arg2[%dma_wait3A_173, %dma_wait3A_174] : memref<10240x128xf32, #tpu.memory_space<hbm>> -> memref<10240x128xf32, #tpu.memory_space<hbm>>
      tpu.wait_indirect_dma semaphore(%arg14 : memref<!tpu.dma_semaphore, #tpu.memory_space<semaphore_mem>>) src(%dma_wait3A_175 : memref<10240x128xf32, #tpu.memory_space<hbm>>) dst(%arg10 : memref<96x128xf32, #tpu.memory_space<vmem>>)
      %dma_start3A_176 = arith.constant 0 : i32
      %dma_start3A_177 = tpu.memref_slice %arg7[%add3A_169, %dma_start3A_176] : memref<36x96xi32, #tpu.memory_space<vmem>> -> memref<1x96xi32, #tpu.memory_space<vmem>>
      %dma_start3A_178 = tpu.memref_squeeze %dma_start3A_177 : memref<1x96xi32, #tpu.memory_space<vmem>> -> memref<96xi32, #tpu.memory_space<vmem>>
      %dma_start3A_179 = arith.constant 0 : i32
      %dma_start3A_180 = arith.constant 0 : i32
      %dma_start3A_181 = tpu.memref_slice %arg11[%dma_start3A_179, %dma_start3A_180] : memref<10240x128xf32, #tpu.memory_space<vmem_shared>> -> memref<10240x128xf32, #tpu.memory_space<vmem_shared>>
      tpu.enqueue_indirect_dma source(%arg10 : memref<96x128xf32, #tpu.memory_space<vmem>>) target(%dma_start3A_181 : memref<10240x128xf32, #tpu.memory_space<vmem_shared>>) offsets(%dma_start3A_178 : memref<96xi32, #tpu.memory_space<vmem>>) semaphore(%arg17 : memref<!tpu.dma_semaphore, #tpu.memory_space<semaphore_mem>>) {add = true}
      %dma_wait3A_182 = arith.constant 0 : i32
      %dma_wait3A_183 = tpu.memref_slice %arg7[%add3A_169, %dma_wait3A_182] : memref<36x96xi32, #tpu.memory_space<vmem>> -> memref<1x96xi32, #tpu.memory_space<vmem>>
      %dma_wait3A_184 = tpu.memref_squeeze %dma_wait3A_183 : memref<1x96xi32, #tpu.memory_space<vmem>> -> memref<96xi32, #tpu.memory_space<vmem>>
      %dma_wait3A_185 = arith.constant 0 : i32
      %dma_wait3A_186 = arith.constant 0 : i32
      %dma_wait3A_187 = tpu.memref_slice %arg11[%dma_wait3A_185, %dma_wait3A_186] : memref<10240x128xf32, #tpu.memory_space<vmem_shared>> -> memref<10240x128xf32, #tpu.memory_space<vmem_shared>>
      tpu.wait_indirect_dma semaphore(%arg17 : memref<!tpu.dma_semaphore, #tpu.memory_space<semaphore_mem>>) src(%arg10 : memref<96x128xf32, #tpu.memory_space<vmem>>) dst(%dma_wait3A_187 : memref<10240x128xf32, #tpu.memory_space<vmem_shared>>)
      %add3A_188 = arith.constant 3 : i32
      %add3A_189 = arith.addi %add3A_169, %add3A_188 : i32
      %lt3A_190 = arith.constant 36 : i32
      %lt3A_191 = arith.cmpi slt, %add3A_189, %lt3A_190 : i32
      %convert_element_type3A_192 = arith.extui %lt3A_191 : i1 to i32
      %cond3A_193 = arith.constant 0 : i32
      %cond3A_194 = arith.cmpi ne, %convert_element_type3A_192, %cond3A_193 : i32
      scf.if %cond3A_194 {
        %add3A_195 = arith.constant 3 : i32
        %add3A_196 = arith.addi %add3A_169, %add3A_195 : i32
        %dma_start3A_197 = arith.constant 0 : i32
        %dma_start3A_198 = tpu.memref_slice %arg6[%add3A_196, %dma_start3A_197] : memref<36x96xi32, #tpu.memory_space<vmem>> -> memref<1x96xi32, #tpu.memory_space<vmem>>
        %dma_start3A_199 = tpu.memref_squeeze %dma_start3A_198 : memref<1x96xi32, #tpu.memory_space<vmem>> -> memref<96xi32, #tpu.memory_space<vmem>>
        %dma_start3A_200 = arith.constant 0 : i32
        %dma_start3A_201 = arith.constant 0 : i32
        %dma_start3A_202 = tpu.memref_slice %arg2[%dma_start3A_200, %dma_start3A_201] : memref<10240x128xf32, #tpu.memory_space<hbm>> -> memref<10240x128xf32, #tpu.memory_space<hbm>>
        tpu.enqueue_indirect_dma source(%dma_start3A_202 : memref<10240x128xf32, #tpu.memory_space<hbm>>) target(%arg10 : memref<96x128xf32, #tpu.memory_space<vmem>>) offsets(%dma_start3A_199 : memref<96xi32, #tpu.memory_space<vmem>>) semaphore(%arg14 : memref<!tpu.dma_semaphore, #tpu.memory_space<semaphore_mem>>)
      } else {
      }
    }
    %scan3A_42 = arith.constant 12 : i32
    %run_scoped3A_43 = arith.constant 1 : i32
    "tpu.region"() ({
      %run_scoped3A_115 = tpu.sem_alloc : memref<!tpu.dma_semaphore, #tpu.memory_space<semaphore_mem>>
      %dma_start3A_116 = arith.constant 0 : i32
      %dma_start3A_117 = arith.constant 0 : i32
      %dma_start3A_118 = tpu.memref_slice %arg3[%add3A, %run_scoped3A_43, %dma_start3A_116, %dma_start3A_117] : memref<32x3x36x96xi32, #tpu.memory_space<hbm>> -> memref<1x1x36x96xi32, #tpu.memory_space<hbm>>
      %dma_start3A_119 = tpu.memref_squeeze %dma_start3A_118 : memref<1x1x36x96xi32, #tpu.memory_space<hbm>> -> memref<36x96xi32, #tpu.memory_space<hbm>>
      %dma_start3A_120 = arith.constant 0 : i32
      %dma_start3A_121 = arith.constant 0 : i32
      %dma_start3A_122 = tpu.memref_slice %arg3[%add3A, %run_scoped3A_43, %dma_start3A_120, %dma_start3A_121] : memref<32x3x36x96xi32, #tpu.memory_space<hbm>> -> memref<1x1x36x96xi32, #tpu.memory_space<hbm>>
      %dma_start3A_123 = tpu.memref_squeeze %dma_start3A_122 : memref<1x1x36x96xi32, #tpu.memory_space<hbm>> -> memref<36x96xi32, #tpu.memory_space<hbm>>
      tpu.enqueue_dma source(%dma_start3A_123 : memref<36x96xi32, #tpu.memory_space<hbm>>) target(%arg6 : memref<36x96xi32, #tpu.memory_space<vmem>>) target_semaphore(%run_scoped3A_115 : memref<!tpu.dma_semaphore, #tpu.memory_space<semaphore_mem>>)
      %dma_wait3A = arith.constant 0 : i32
      %dma_wait3A_124 = arith.constant 0 : i32
      %dma_wait3A_125 = tpu.memref_slice %arg3[%add3A, %run_scoped3A_43, %dma_wait3A, %dma_wait3A_124] : memref<32x3x36x96xi32, #tpu.memory_space<hbm>> -> memref<1x1x36x96xi32, #tpu.memory_space<hbm>>
      %dma_wait3A_126 = tpu.memref_squeeze %dma_wait3A_125 : memref<1x1x36x96xi32, #tpu.memory_space<hbm>> -> memref<36x96xi32, #tpu.memory_space<hbm>>
      %dma_wait3A_127 = arith.constant 0 : i32
      %dma_wait3A_128 = arith.constant 0 : i32
      %dma_wait3A_129 = tpu.memref_slice %arg3[%add3A, %run_scoped3A_43, %dma_wait3A_127, %dma_wait3A_128] : memref<32x3x36x96xi32, #tpu.memory_space<hbm>> -> memref<1x1x36x96xi32, #tpu.memory_space<hbm>>
      %dma_wait3A_130 = tpu.memref_squeeze %dma_wait3A_129 : memref<1x1x36x96xi32, #tpu.memory_space<hbm>> -> memref<36x96xi32, #tpu.memory_space<hbm>>
      tpu.wait_dma2 semaphore(%run_scoped3A_115 : memref<!tpu.dma_semaphore, #tpu.memory_space<semaphore_mem>>) src(%dma_wait3A_130 : memref<36x96xi32, #tpu.memory_space<hbm>>) dst(%arg6 : memref<36x96xi32, #tpu.memory_space<vmem>>)
      tpu.yield
    }) : () -> ()
    %run_scoped3A_44 = arith.constant 1 : i32
    "tpu.region"() ({
      %run_scoped3A_115 = tpu.sem_alloc : memref<!tpu.dma_semaphore, #tpu.memory_space<semaphore_mem>>
      %dma_start3A_116 = arith.constant 0 : i32
      %dma_start3A_117 = arith.constant 0 : i32
      %dma_start3A_118 = tpu.memref_slice %arg4[%add3A, %run_scoped3A_44, %dma_start3A_116, %dma_start3A_117] : memref<32x3x36x96xi32, #tpu.memory_space<hbm>> -> memref<1x1x36x96xi32, #tpu.memory_space<hbm>>
      %dma_start3A_119 = tpu.memref_squeeze %dma_start3A_118 : memref<1x1x36x96xi32, #tpu.memory_space<hbm>> -> memref<36x96xi32, #tpu.memory_space<hbm>>
      %dma_start3A_120 = arith.constant 0 : i32
      %dma_start3A_121 = arith.constant 0 : i32
      %dma_start3A_122 = tpu.memref_slice %arg4[%add3A, %run_scoped3A_44, %dma_start3A_120, %dma_start3A_121] : memref<32x3x36x96xi32, #tpu.memory_space<hbm>> -> memref<1x1x36x96xi32, #tpu.memory_space<hbm>>
      %dma_start3A_123 = tpu.memref_squeeze %dma_start3A_122 : memref<1x1x36x96xi32, #tpu.memory_space<hbm>> -> memref<36x96xi32, #tpu.memory_space<hbm>>
      tpu.enqueue_dma source(%dma_start3A_123 : memref<36x96xi32, #tpu.memory_space<hbm>>) target(%arg7 : memref<36x96xi32, #tpu.memory_space<vmem>>) target_semaphore(%run_scoped3A_115 : memref<!tpu.dma_semaphore, #tpu.memory_space<semaphore_mem>>)
      %dma_wait3A = arith.constant 0 : i32
      %dma_wait3A_124 = arith.constant 0 : i32
      %dma_wait3A_125 = tpu.memref_slice %arg4[%add3A, %run_scoped3A_44, %dma_wait3A, %dma_wait3A_124] : memref<32x3x36x96xi32, #tpu.memory_space<hbm>> -> memref<1x1x36x96xi32, #tpu.memory_space<hbm>>
      %dma_wait3A_126 = tpu.memref_squeeze %dma_wait3A_125 : memref<1x1x36x96xi32, #tpu.memory_space<hbm>> -> memref<36x96xi32, #tpu.memory_space<hbm>>
      %dma_wait3A_127 = arith.constant 0 : i32
      %dma_wait3A_128 = arith.constant 0 : i32
      %dma_wait3A_129 = tpu.memref_slice %arg4[%add3A, %run_scoped3A_44, %dma_wait3A_127, %dma_wait3A_128] : memref<32x3x36x96xi32, #tpu.memory_space<hbm>> -> memref<1x1x36x96xi32, #tpu.memory_space<hbm>>
      %dma_wait3A_130 = tpu.memref_squeeze %dma_wait3A_129 : memref<1x1x36x96xi32, #tpu.memory_space<hbm>> -> memref<36x96xi32, #tpu.memory_space<hbm>>
      tpu.wait_dma2 semaphore(%run_scoped3A_115 : memref<!tpu.dma_semaphore, #tpu.memory_space<semaphore_mem>>) src(%dma_wait3A_130 : memref<36x96xi32, #tpu.memory_space<hbm>>) dst(%arg7 : memref<36x96xi32, #tpu.memory_space<vmem>>)
      tpu.yield
    }) : () -> ()
    %dma_start3A_45 = arith.constant 0 : i32
    %dma_start3A_46 = arith.constant 0 : i32
    %dma_start3A_47 = tpu.memref_slice %arg6[%dma_start3A_45, %dma_start3A_46] : memref<36x96xi32, #tpu.memory_space<vmem>> -> memref<1x96xi32, #tpu.memory_space<vmem>>
    %dma_start3A_48 = tpu.memref_squeeze %dma_start3A_47 : memref<1x96xi32, #tpu.memory_space<vmem>> -> memref<96xi32, #tpu.memory_space<vmem>>
    %dma_start3A_49 = arith.constant 0 : i32
    %dma_start3A_50 = arith.constant 0 : i32
    %dma_start3A_51 = tpu.memref_slice %arg2[%dma_start3A_49, %dma_start3A_50] : memref<10240x128xf32, #tpu.memory_space<hbm>> -> memref<10240x128xf32, #tpu.memory_space<hbm>>
    tpu.enqueue_indirect_dma source(%dma_start3A_51 : memref<10240x128xf32, #tpu.memory_space<hbm>>) target(%arg8 : memref<96x128xf32, #tpu.memory_space<vmem>>) offsets(%dma_start3A_48 : memref<96xi32, #tpu.memory_space<vmem>>) semaphore(%arg12 : memref<!tpu.dma_semaphore, #tpu.memory_space<semaphore_mem>>)
    %dma_start3A_52 = arith.constant 1 : i32
    %dma_start3A_53 = arith.constant 0 : i32
    %dma_start3A_54 = tpu.memref_slice %arg6[%dma_start3A_52, %dma_start3A_53] : memref<36x96xi32, #tpu.memory_space<vmem>> -> memref<1x96xi32, #tpu.memory_space<vmem>>
    %dma_start3A_55 = tpu.memref_squeeze %dma_start3A_54 : memref<1x96xi32, #tpu.memory_space<vmem>> -> memref<96xi32, #tpu.memory_space<vmem>>
    %dma_start3A_56 = arith.constant 0 : i32
    %dma_start3A_57 = arith.constant 0 : i32
    %dma_start3A_58 = tpu.memref_slice %arg2[%dma_start3A_56, %dma_start3A_57] : memref<10240x128xf32, #tpu.memory_space<hbm>> -> memref<10240x128xf32, #tpu.memory_space<hbm>>
    tpu.enqueue_indirect_dma source(%dma_start3A_58 : memref<10240x128xf32, #tpu.memory_space<hbm>>) target(%arg9 : memref<96x128xf32, #tpu.memory_space<vmem>>) offsets(%dma_start3A_55 : memref<96xi32, #tpu.memory_space<vmem>>) semaphore(%arg13 : memref<!tpu.dma_semaphore, #tpu.memory_space<semaphore_mem>>)
    %dma_start3A_59 = arith.constant 2 : i32
    %dma_start3A_60 = arith.constant 0 : i32
    %dma_start3A_61 = tpu.memref_slice %arg6[%dma_start3A_59, %dma_start3A_60] : memref<36x96xi32, #tpu.memory_space<vmem>> -> memref<1x96xi32, #tpu.memory_space<vmem>>
    %dma_start3A_62 = tpu.memref_squeeze %dma_start3A_61 : memref<1x96xi32, #tpu.memory_space<vmem>> -> memref<96xi32, #tpu.memory_space<vmem>>
    %dma_start3A_63 = arith.constant 0 : i32
    %dma_start3A_64 = arith.constant 0 : i32
    %dma_start3A_65 = tpu.memref_slice %arg2[%dma_start3A_63, %dma_start3A_64] : memref<10240x128xf32, #tpu.memory_space<hbm>> -> memref<10240x128xf32, #tpu.memory_space<hbm>>
    tpu.enqueue_indirect_dma source(%dma_start3A_65 : memref<10240x128xf32, #tpu.memory_space<hbm>>) target(%arg10 : memref<96x128xf32, #tpu.memory_space<vmem>>) offsets(%dma_start3A_62 : memref<96xi32, #tpu.memory_space<vmem>>) semaphore(%arg14 : memref<!tpu.dma_semaphore, #tpu.memory_space<semaphore_mem>>)
    %scan3A_66 = arith.constant 0 : i32
    %scan3A_67 = arith.constant 0 : i32
    %scan3A_68 = arith.constant 1 : i32
    %scan3A_69 = arith.constant 2 : i32
    %scan3A_70 = arith.constant 0 : i32
    %scan3A_71 = arith.constant 12 : i32
    %scan3A_72 = arith.addi %scan3A_70, %scan3A_71 : i32
    %scan3A_73 = arith.constant 1 : i32
    scf.for %scan3A_115 = %scan3A_70 to %scan3A_72 step %scan3A_73  : i32 {
      %mul3A_116 = arith.constant 3 : i32
      %mul3A_117 = arith.muli %scan3A_115, %mul3A_116 : i32
      %add3A_118 = arith.constant 0 : i32
      %add3A_119 = arith.addi %mul3A_117, %add3A_118 : i32
      %dma_wait3A = arith.constant 0 : i32
      %dma_wait3A_120 = tpu.memref_slice %arg6[%scan3A_67, %dma_wait3A] : memref<36x96xi32, #tpu.memory_space<vmem>> -> memref<1x96xi32, #tpu.memory_space<vmem>>
      %dma_wait3A_121 = tpu.memref_squeeze %dma_wait3A_120 : memref<1x96xi32, #tpu.memory_space<vmem>> -> memref<96xi32, #tpu.memory_space<vmem>>
      %dma_wait3A_122 = arith.constant 0 : i32
      %dma_wait3A_123 = arith.constant 0 : i32
      %dma_wait3A_124 = tpu.memref_slice %arg2[%dma_wait3A_122, %dma_wait3A_123] : memref<10240x128xf32, #tpu.memory_space<hbm>> -> memref<10240x128xf32, #tpu.memory_space<hbm>>
      tpu.wait_indirect_dma semaphore(%arg12 : memref<!tpu.dma_semaphore, #tpu.memory_space<semaphore_mem>>) src(%dma_wait3A_124 : memref<10240x128xf32, #tpu.memory_space<hbm>>) dst(%arg8 : memref<96x128xf32, #tpu.memory_space<vmem>>)
      %dma_start3A_125 = arith.constant 0 : i32
      %dma_start3A_126 = tpu.memref_slice %arg7[%add3A_119, %dma_start3A_125] : memref<36x96xi32, #tpu.memory_space<vmem>> -> memref<1x96xi32, #tpu.memory_space<vmem>>
      %dma_start3A_127 = tpu.memref_squeeze %dma_start3A_126 : memref<1x96xi32, #tpu.memory_space<vmem>> -> memref<96xi32, #tpu.memory_space<vmem>>
      %dma_start3A_128 = arith.constant 0 : i32
      %dma_start3A_129 = arith.constant 0 : i32
      %dma_start3A_130 = tpu.memref_slice %arg11[%dma_start3A_128, %dma_start3A_129] : memref<10240x128xf32, #tpu.memory_space<vmem_shared>> -> memref<10240x128xf32, #tpu.memory_space<vmem_shared>>
      tpu.enqueue_indirect_dma source(%arg8 : memref<96x128xf32, #tpu.memory_space<vmem>>) target(%dma_start3A_130 : memref<10240x128xf32, #tpu.memory_space<vmem_shared>>) offsets(%dma_start3A_127 : memref<96xi32, #tpu.memory_space<vmem>>) semaphore(%arg15 : memref<!tpu.dma_semaphore, #tpu.memory_space<semaphore_mem>>) {add = true}
      %dma_wait3A_131 = arith.constant 0 : i32
      %dma_wait3A_132 = tpu.memref_slice %arg7[%add3A_119, %dma_wait3A_131] : memref<36x96xi32, #tpu.memory_space<vmem>> -> memref<1x96xi32, #tpu.memory_space<vmem>>
      %dma_wait3A_133 = tpu.memref_squeeze %dma_wait3A_132 : memref<1x96xi32, #tpu.memory_space<vmem>> -> memref<96xi32, #tpu.memory_space<vmem>>
      %dma_wait3A_134 = arith.constant 0 : i32
      %dma_wait3A_135 = arith.constant 0 : i32
      %dma_wait3A_136 = tpu.memref_slice %arg11[%dma_wait3A_134, %dma_wait3A_135] : memref<10240x128xf32, #tpu.memory_space<vmem_shared>> -> memref<10240x128xf32, #tpu.memory_space<vmem_shared>>
      tpu.wait_indirect_dma semaphore(%arg15 : memref<!tpu.dma_semaphore, #tpu.memory_space<semaphore_mem>>) src(%arg8 : memref<96x128xf32, #tpu.memory_space<vmem>>) dst(%dma_wait3A_136 : memref<10240x128xf32, #tpu.memory_space<vmem_shared>>)
      %add3A_137 = arith.constant 3 : i32
      %add3A_138 = arith.addi %add3A_119, %add3A_137 : i32
      %lt3A = arith.constant 36 : i32
      %lt3A_139 = arith.cmpi slt, %add3A_138, %lt3A : i32
      %convert_element_type3A = arith.extui %lt3A_139 : i1 to i32
      %cond3A = arith.constant 0 : i32
      %cond3A_140 = arith.cmpi ne, %convert_element_type3A, %cond3A : i32
      scf.if %cond3A_140 {
        %add3A_195 = arith.constant 3 : i32
        %add3A_196 = arith.addi %add3A_119, %add3A_195 : i32
        %dma_start3A_197 = arith.constant 0 : i32
        %dma_start3A_198 = tpu.memref_slice %arg6[%add3A_196, %dma_start3A_197] : memref<36x96xi32, #tpu.memory_space<vmem>> -> memref<1x96xi32, #tpu.memory_space<vmem>>
        %dma_start3A_199 = tpu.memref_squeeze %dma_start3A_198 : memref<1x96xi32, #tpu.memory_space<vmem>> -> memref<96xi32, #tpu.memory_space<vmem>>
        %dma_start3A_200 = arith.constant 0 : i32
        %dma_start3A_201 = arith.constant 0 : i32
        %dma_start3A_202 = tpu.memref_slice %arg2[%dma_start3A_200, %dma_start3A_201] : memref<10240x128xf32, #tpu.memory_space<hbm>> -> memref<10240x128xf32, #tpu.memory_space<hbm>>
        tpu.enqueue_indirect_dma source(%dma_start3A_202 : memref<10240x128xf32, #tpu.memory_space<hbm>>) target(%arg8 : memref<96x128xf32, #tpu.memory_space<vmem>>) offsets(%dma_start3A_199 : memref<96xi32, #tpu.memory_space<vmem>>) semaphore(%arg12 : memref<!tpu.dma_semaphore, #tpu.memory_space<semaphore_mem>>)
      } else {
      }
      %add3A_141 = arith.constant 1 : i32
      %add3A_142 = arith.addi %mul3A_117, %add3A_141 : i32
      %dma_wait3A_143 = arith.constant 0 : i32
      %dma_wait3A_144 = tpu.memref_slice %arg6[%scan3A_68, %dma_wait3A_143] : memref<36x96xi32, #tpu.memory_space<vmem>> -> memref<1x96xi32, #tpu.memory_space<vmem>>
      %dma_wait3A_145 = tpu.memref_squeeze %dma_wait3A_144 : memref<1x96xi32, #tpu.memory_space<vmem>> -> memref<96xi32, #tpu.memory_space<vmem>>
      %dma_wait3A_146 = arith.constant 0 : i32
      %dma_wait3A_147 = arith.constant 0 : i32
      %dma_wait3A_148 = tpu.memref_slice %arg2[%dma_wait3A_146, %dma_wait3A_147] : memref<10240x128xf32, #tpu.memory_space<hbm>> -> memref<10240x128xf32, #tpu.memory_space<hbm>>
      tpu.wait_indirect_dma semaphore(%arg13 : memref<!tpu.dma_semaphore, #tpu.memory_space<semaphore_mem>>) src(%dma_wait3A_148 : memref<10240x128xf32, #tpu.memory_space<hbm>>) dst(%arg9 : memref<96x128xf32, #tpu.memory_space<vmem>>)
      %dma_start3A_149 = arith.constant 0 : i32
      %dma_start3A_150 = tpu.memref_slice %arg7[%add3A_142, %dma_start3A_149] : memref<36x96xi32, #tpu.memory_space<vmem>> -> memref<1x96xi32, #tpu.memory_space<vmem>>
      %dma_start3A_151 = tpu.memref_squeeze %dma_start3A_150 : memref<1x96xi32, #tpu.memory_space<vmem>> -> memref<96xi32, #tpu.memory_space<vmem>>
      %dma_start3A_152 = arith.constant 0 : i32
      %dma_start3A_153 = arith.constant 0 : i32
      %dma_start3A_154 = tpu.memref_slice %arg11[%dma_start3A_152, %dma_start3A_153] : memref<10240x128xf32, #tpu.memory_space<vmem_shared>> -> memref<10240x128xf32, #tpu.memory_space<vmem_shared>>
      tpu.enqueue_indirect_dma source(%arg9 : memref<96x128xf32, #tpu.memory_space<vmem>>) target(%dma_start3A_154 : memref<10240x128xf32, #tpu.memory_space<vmem_shared>>) offsets(%dma_start3A_151 : memref<96xi32, #tpu.memory_space<vmem>>) semaphore(%arg16 : memref<!tpu.dma_semaphore, #tpu.memory_space<semaphore_mem>>) {add = true}
      %dma_wait3A_155 = arith.constant 0 : i32
      %dma_wait3A_156 = tpu.memref_slice %arg7[%add3A_142, %dma_wait3A_155] : memref<36x96xi32, #tpu.memory_space<vmem>> -> memref<1x96xi32, #tpu.memory_space<vmem>>
      %dma_wait3A_157 = tpu.memref_squeeze %dma_wait3A_156 : memref<1x96xi32, #tpu.memory_space<vmem>> -> memref<96xi32, #tpu.memory_space<vmem>>
      %dma_wait3A_158 = arith.constant 0 : i32
      %dma_wait3A_159 = arith.constant 0 : i32
      %dma_wait3A_160 = tpu.memref_slice %arg11[%dma_wait3A_158, %dma_wait3A_159] : memref<10240x128xf32, #tpu.memory_space<vmem_shared>> -> memref<10240x128xf32, #tpu.memory_space<vmem_shared>>
      tpu.wait_indirect_dma semaphore(%arg16 : memref<!tpu.dma_semaphore, #tpu.memory_space<semaphore_mem>>) src(%arg9 : memref<96x128xf32, #tpu.memory_space<vmem>>) dst(%dma_wait3A_160 : memref<10240x128xf32, #tpu.memory_space<vmem_shared>>)
      %add3A_161 = arith.constant 3 : i32
      %add3A_162 = arith.addi %add3A_142, %add3A_161 : i32
      %lt3A_163 = arith.constant 36 : i32
      %lt3A_164 = arith.cmpi slt, %add3A_162, %lt3A_163 : i32
      %convert_element_type3A_165 = arith.extui %lt3A_164 : i1 to i32
      %cond3A_166 = arith.constant 0 : i32
      %cond3A_167 = arith.cmpi ne, %convert_element_type3A_165, %cond3A_166 : i32
      scf.if %cond3A_167 {
        %add3A_195 = arith.constant 3 : i32
        %add3A_196 = arith.addi %add3A_142, %add3A_195 : i32
        %dma_start3A_197 = arith.constant 0 : i32
        %dma_start3A_198 = tpu.memref_slice %arg6[%add3A_196, %dma_start3A_197] : memref<36x96xi32, #tpu.memory_space<vmem>> -> memref<1x96xi32, #tpu.memory_space<vmem>>
        %dma_start3A_199 = tpu.memref_squeeze %dma_start3A_198 : memref<1x96xi32, #tpu.memory_space<vmem>> -> memref<96xi32, #tpu.memory_space<vmem>>
        %dma_start3A_200 = arith.constant 0 : i32
        %dma_start3A_201 = arith.constant 0 : i32
        %dma_start3A_202 = tpu.memref_slice %arg2[%dma_start3A_200, %dma_start3A_201] : memref<10240x128xf32, #tpu.memory_space<hbm>> -> memref<10240x128xf32, #tpu.memory_space<hbm>>
        tpu.enqueue_indirect_dma source(%dma_start3A_202 : memref<10240x128xf32, #tpu.memory_space<hbm>>) target(%arg9 : memref<96x128xf32, #tpu.memory_space<vmem>>) offsets(%dma_start3A_199 : memref<96xi32, #tpu.memory_space<vmem>>) semaphore(%arg13 : memref<!tpu.dma_semaphore, #tpu.memory_space<semaphore_mem>>)
      } else {
      }
      %add3A_168 = arith.constant 2 : i32
      %add3A_169 = arith.addi %mul3A_117, %add3A_168 : i32
      %dma_wait3A_170 = arith.constant 0 : i32
      %dma_wait3A_171 = tpu.memref_slice %arg6[%scan3A_69, %dma_wait3A_170] : memref<36x96xi32, #tpu.memory_space<vmem>> -> memref<1x96xi32, #tpu.memory_space<vmem>>
      %dma_wait3A_172 = tpu.memref_squeeze %dma_wait3A_171 : memref<1x96xi32, #tpu.memory_space<vmem>> -> memref<96xi32, #tpu.memory_space<vmem>>
      %dma_wait3A_173 = arith.constant 0 : i32
      %dma_wait3A_174 = arith.constant 0 : i32
      %dma_wait3A_175 = tpu.memref_slice %arg2[%dma_wait3A_173, %dma_wait3A_174] : memref<10240x128xf32, #tpu.memory_space<hbm>> -> memref<10240x128xf32, #tpu.memory_space<hbm>>
      tpu.wait_indirect_dma semaphore(%arg14 : memref<!tpu.dma_semaphore, #tpu.memory_space<semaphore_mem>>) src(%dma_wait3A_175 : memref<10240x128xf32, #tpu.memory_space<hbm>>) dst(%arg10 : memref<96x128xf32, #tpu.memory_space<vmem>>)
      %dma_start3A_176 = arith.constant 0 : i32
      %dma_start3A_177 = tpu.memref_slice %arg7[%add3A_169, %dma_start3A_176] : memref<36x96xi32, #tpu.memory_space<vmem>> -> memref<1x96xi32, #tpu.memory_space<vmem>>
      %dma_start3A_178 = tpu.memref_squeeze %dma_start3A_177 : memref<1x96xi32, #tpu.memory_space<vmem>> -> memref<96xi32, #tpu.memory_space<vmem>>
      %dma_start3A_179 = arith.constant 0 : i32
      %dma_start3A_180 = arith.constant 0 : i32
      %dma_start3A_181 = tpu.memref_slice %arg11[%dma_start3A_179, %dma_start3A_180] : memref<10240x128xf32, #tpu.memory_space<vmem_shared>> -> memref<10240x128xf32, #tpu.memory_space<vmem_shared>>
      tpu.enqueue_indirect_dma source(%arg10 : memref<96x128xf32, #tpu.memory_space<vmem>>) target(%dma_start3A_181 : memref<10240x128xf32, #tpu.memory_space<vmem_shared>>) offsets(%dma_start3A_178 : memref<96xi32, #tpu.memory_space<vmem>>) semaphore(%arg17 : memref<!tpu.dma_semaphore, #tpu.memory_space<semaphore_mem>>) {add = true}
      %dma_wait3A_182 = arith.constant 0 : i32
      %dma_wait3A_183 = tpu.memref_slice %arg7[%add3A_169, %dma_wait3A_182] : memref<36x96xi32, #tpu.memory_space<vmem>> -> memref<1x96xi32, #tpu.memory_space<vmem>>
      %dma_wait3A_184 = tpu.memref_squeeze %dma_wait3A_183 : memref<1x96xi32, #tpu.memory_space<vmem>> -> memref<96xi32, #tpu.memory_space<vmem>>
      %dma_wait3A_185 = arith.constant 0 : i32
      %dma_wait3A_186 = arith.constant 0 : i32
      %dma_wait3A_187 = tpu.memref_slice %arg11[%dma_wait3A_185, %dma_wait3A_186] : memref<10240x128xf32, #tpu.memory_space<vmem_shared>> -> memref<10240x128xf32, #tpu.memory_space<vmem_shared>>
      tpu.wait_indirect_dma semaphore(%arg17 : memref<!tpu.dma_semaphore, #tpu.memory_space<semaphore_mem>>) src(%arg10 : memref<96x128xf32, #tpu.memory_space<vmem>>) dst(%dma_wait3A_187 : memref<10240x128xf32, #tpu.memory_space<vmem_shared>>)
      %add3A_188 = arith.constant 3 : i32
      %add3A_189 = arith.addi %add3A_169, %add3A_188 : i32
      %lt3A_190 = arith.constant 36 : i32
      %lt3A_191 = arith.cmpi slt, %add3A_189, %lt3A_190 : i32
      %convert_element_type3A_192 = arith.extui %lt3A_191 : i1 to i32
      %cond3A_193 = arith.constant 0 : i32
      %cond3A_194 = arith.cmpi ne, %convert_element_type3A_192, %cond3A_193 : i32
      scf.if %cond3A_194 {
        %add3A_195 = arith.constant 3 : i32
        %add3A_196 = arith.addi %add3A_169, %add3A_195 : i32
        %dma_start3A_197 = arith.constant 0 : i32
        %dma_start3A_198 = tpu.memref_slice %arg6[%add3A_196, %dma_start3A_197] : memref<36x96xi32, #tpu.memory_space<vmem>> -> memref<1x96xi32, #tpu.memory_space<vmem>>
        %dma_start3A_199 = tpu.memref_squeeze %dma_start3A_198 : memref<1x96xi32, #tpu.memory_space<vmem>> -> memref<96xi32, #tpu.memory_space<vmem>>
        %dma_start3A_200 = arith.constant 0 : i32
        %dma_start3A_201 = arith.constant 0 : i32
        %dma_start3A_202 = tpu.memref_slice %arg2[%dma_start3A_200, %dma_start3A_201] : memref<10240x128xf32, #tpu.memory_space<hbm>> -> memref<10240x128xf32, #tpu.memory_space<hbm>>
        tpu.enqueue_indirect_dma source(%dma_start3A_202 : memref<10240x128xf32, #tpu.memory_space<hbm>>) target(%arg10 : memref<96x128xf32, #tpu.memory_space<vmem>>) offsets(%dma_start3A_199 : memref<96xi32, #tpu.memory_space<vmem>>) semaphore(%arg14 : memref<!tpu.dma_semaphore, #tpu.memory_space<semaphore_mem>>)
      } else {
      }
    }
    %scan3A_74 = arith.constant 12 : i32
    %run_scoped3A_75 = arith.constant 2 : i32
    "tpu.region"() ({
      %run_scoped3A_115 = tpu.sem_alloc : memref<!tpu.dma_semaphore, #tpu.memory_space<semaphore_mem>>
      %dma_start3A_116 = arith.constant 0 : i32
      %dma_start3A_117 = arith.constant 0 : i32
      %dma_start3A_118 = tpu.memref_slice %arg3[%add3A, %run_scoped3A_75, %dma_start3A_116, %dma_start3A_117] : memref<32x3x36x96xi32, #tpu.memory_space<hbm>> -> memref<1x1x36x96xi32, #tpu.memory_space<hbm>>
      %dma_start3A_119 = tpu.memref_squeeze %dma_start3A_118 : memref<1x1x36x96xi32, #tpu.memory_space<hbm>> -> memref<36x96xi32, #tpu.memory_space<hbm>>
      %dma_start3A_120 = arith.constant 0 : i32
      %dma_start3A_121 = arith.constant 0 : i32
      %dma_start3A_122 = tpu.memref_slice %arg3[%add3A, %run_scoped3A_75, %dma_start3A_120, %dma_start3A_121] : memref<32x3x36x96xi32, #tpu.memory_space<hbm>> -> memref<1x1x36x96xi32, #tpu.memory_space<hbm>>
      %dma_start3A_123 = tpu.memref_squeeze %dma_start3A_122 : memref<1x1x36x96xi32, #tpu.memory_space<hbm>> -> memref<36x96xi32, #tpu.memory_space<hbm>>
      tpu.enqueue_dma source(%dma_start3A_123 : memref<36x96xi32, #tpu.memory_space<hbm>>) target(%arg6 : memref<36x96xi32, #tpu.memory_space<vmem>>) target_semaphore(%run_scoped3A_115 : memref<!tpu.dma_semaphore, #tpu.memory_space<semaphore_mem>>)
      %dma_wait3A = arith.constant 0 : i32
      %dma_wait3A_124 = arith.constant 0 : i32
      %dma_wait3A_125 = tpu.memref_slice %arg3[%add3A, %run_scoped3A_75, %dma_wait3A, %dma_wait3A_124] : memref<32x3x36x96xi32, #tpu.memory_space<hbm>> -> memref<1x1x36x96xi32, #tpu.memory_space<hbm>>
      %dma_wait3A_126 = tpu.memref_squeeze %dma_wait3A_125 : memref<1x1x36x96xi32, #tpu.memory_space<hbm>> -> memref<36x96xi32, #tpu.memory_space<hbm>>
      %dma_wait3A_127 = arith.constant 0 : i32
      %dma_wait3A_128 = arith.constant 0 : i32
      %dma_wait3A_129 = tpu.memref_slice %arg3[%add3A, %run_scoped3A_75, %dma_wait3A_127, %dma_wait3A_128] : memref<32x3x36x96xi32, #tpu.memory_space<hbm>> -> memref<1x1x36x96xi32, #tpu.memory_space<hbm>>
      %dma_wait3A_130 = tpu.memref_squeeze %dma_wait3A_129 : memref<1x1x36x96xi32, #tpu.memory_space<hbm>> -> memref<36x96xi32, #tpu.memory_space<hbm>>
      tpu.wait_dma2 semaphore(%run_scoped3A_115 : memref<!tpu.dma_semaphore, #tpu.memory_space<semaphore_mem>>) src(%dma_wait3A_130 : memref<36x96xi32, #tpu.memory_space<hbm>>) dst(%arg6 : memref<36x96xi32, #tpu.memory_space<vmem>>)
      tpu.yield
    }) : () -> ()
    %run_scoped3A_76 = arith.constant 2 : i32
    "tpu.region"() ({
      %run_scoped3A_115 = tpu.sem_alloc : memref<!tpu.dma_semaphore, #tpu.memory_space<semaphore_mem>>
      %dma_start3A_116 = arith.constant 0 : i32
      %dma_start3A_117 = arith.constant 0 : i32
      %dma_start3A_118 = tpu.memref_slice %arg4[%add3A, %run_scoped3A_76, %dma_start3A_116, %dma_start3A_117] : memref<32x3x36x96xi32, #tpu.memory_space<hbm>> -> memref<1x1x36x96xi32, #tpu.memory_space<hbm>>
      %dma_start3A_119 = tpu.memref_squeeze %dma_start3A_118 : memref<1x1x36x96xi32, #tpu.memory_space<hbm>> -> memref<36x96xi32, #tpu.memory_space<hbm>>
      %dma_start3A_120 = arith.constant 0 : i32
      %dma_start3A_121 = arith.constant 0 : i32
      %dma_start3A_122 = tpu.memref_slice %arg4[%add3A, %run_scoped3A_76, %dma_start3A_120, %dma_start3A_121] : memref<32x3x36x96xi32, #tpu.memory_space<hbm>> -> memref<1x1x36x96xi32, #tpu.memory_space<hbm>>
      %dma_start3A_123 = tpu.memref_squeeze %dma_start3A_122 : memref<1x1x36x96xi32, #tpu.memory_space<hbm>> -> memref<36x96xi32, #tpu.memory_space<hbm>>
      tpu.enqueue_dma source(%dma_start3A_123 : memref<36x96xi32, #tpu.memory_space<hbm>>) target(%arg7 : memref<36x96xi32, #tpu.memory_space<vmem>>) target_semaphore(%run_scoped3A_115 : memref<!tpu.dma_semaphore, #tpu.memory_space<semaphore_mem>>)
      %dma_wait3A = arith.constant 0 : i32
      %dma_wait3A_124 = arith.constant 0 : i32
      %dma_wait3A_125 = tpu.memref_slice %arg4[%add3A, %run_scoped3A_76, %dma_wait3A, %dma_wait3A_124] : memref<32x3x36x96xi32, #tpu.memory_space<hbm>> -> memref<1x1x36x96xi32, #tpu.memory_space<hbm>>
      %dma_wait3A_126 = tpu.memref_squeeze %dma_wait3A_125 : memref<1x1x36x96xi32, #tpu.memory_space<hbm>> -> memref<36x96xi32, #tpu.memory_space<hbm>>
      %dma_wait3A_127 = arith.constant 0 : i32
      %dma_wait3A_128 = arith.constant 0 : i32
      %dma_wait3A_129 = tpu.memref_slice %arg4[%add3A, %run_scoped3A_76, %dma_wait3A_127, %dma_wait3A_128] : memref<32x3x36x96xi32, #tpu.memory_space<hbm>> -> memref<1x1x36x96xi32, #tpu.memory_space<hbm>>
      %dma_wait3A_130 = tpu.memref_squeeze %dma_wait3A_129 : memref<1x1x36x96xi32, #tpu.memory_space<hbm>> -> memref<36x96xi32, #tpu.memory_space<hbm>>
      tpu.wait_dma2 semaphore(%run_scoped3A_115 : memref<!tpu.dma_semaphore, #tpu.memory_space<semaphore_mem>>) src(%dma_wait3A_130 : memref<36x96xi32, #tpu.memory_space<hbm>>) dst(%arg7 : memref<36x96xi32, #tpu.memory_space<vmem>>)
      tpu.yield
    }) : () -> ()
    %dma_start3A_77 = arith.constant 0 : i32
    %dma_start3A_78 = arith.constant 0 : i32
    %dma_start3A_79 = tpu.memref_slice %arg6[%dma_start3A_77, %dma_start3A_78] : memref<36x96xi32, #tpu.memory_space<vmem>> -> memref<1x96xi32, #tpu.memory_space<vmem>>
    %dma_start3A_80 = tpu.memref_squeeze %dma_start3A_79 : memref<1x96xi32, #tpu.memory_space<vmem>> -> memref<96xi32, #tpu.memory_space<vmem>>
    %dma_start3A_81 = arith.constant 0 : i32
    %dma_start3A_82 = arith.constant 0 : i32
    %dma_start3A_83 = tpu.memref_slice %arg2[%dma_start3A_81, %dma_start3A_82] : memref<10240x128xf32, #tpu.memory_space<hbm>> -> memref<10240x128xf32, #tpu.memory_space<hbm>>
    tpu.enqueue_indirect_dma source(%dma_start3A_83 : memref<10240x128xf32, #tpu.memory_space<hbm>>) target(%arg8 : memref<96x128xf32, #tpu.memory_space<vmem>>) offsets(%dma_start3A_80 : memref<96xi32, #tpu.memory_space<vmem>>) semaphore(%arg12 : memref<!tpu.dma_semaphore, #tpu.memory_space<semaphore_mem>>)
    %dma_start3A_84 = arith.constant 1 : i32
    %dma_start3A_85 = arith.constant 0 : i32
    %dma_start3A_86 = tpu.memref_slice %arg6[%dma_start3A_84, %dma_start3A_85] : memref<36x96xi32, #tpu.memory_space<vmem>> -> memref<1x96xi32, #tpu.memory_space<vmem>>
    %dma_start3A_87 = tpu.memref_squeeze %dma_start3A_86 : memref<1x96xi32, #tpu.memory_space<vmem>> -> memref<96xi32, #tpu.memory_space<vmem>>
    %dma_start3A_88 = arith.constant 0 : i32
    %dma_start3A_89 = arith.constant 0 : i32
    %dma_start3A_90 = tpu.memref_slice %arg2[%dma_start3A_88, %dma_start3A_89] : memref<10240x128xf32, #tpu.memory_space<hbm>> -> memref<10240x128xf32, #tpu.memory_space<hbm>>
    tpu.enqueue_indirect_dma source(%dma_start3A_90 : memref<10240x128xf32, #tpu.memory_space<hbm>>) target(%arg9 : memref<96x128xf32, #tpu.memory_space<vmem>>) offsets(%dma_start3A_87 : memref<96xi32, #tpu.memory_space<vmem>>) semaphore(%arg13 : memref<!tpu.dma_semaphore, #tpu.memory_space<semaphore_mem>>)
    %dma_start3A_91 = arith.constant 2 : i32
    %dma_start3A_92 = arith.constant 0 : i32
    %dma_start3A_93 = tpu.memref_slice %arg6[%dma_start3A_91, %dma_start3A_92] : memref<36x96xi32, #tpu.memory_space<vmem>> -> memref<1x96xi32, #tpu.memory_space<vmem>>
    %dma_start3A_94 = tpu.memref_squeeze %dma_start3A_93 : memref<1x96xi32, #tpu.memory_space<vmem>> -> memref<96xi32, #tpu.memory_space<vmem>>
    %dma_start3A_95 = arith.constant 0 : i32
    %dma_start3A_96 = arith.constant 0 : i32
    %dma_start3A_97 = tpu.memref_slice %arg2[%dma_start3A_95, %dma_start3A_96] : memref<10240x128xf32, #tpu.memory_space<hbm>> -> memref<10240x128xf32, #tpu.memory_space<hbm>>
    tpu.enqueue_indirect_dma source(%dma_start3A_97 : memref<10240x128xf32, #tpu.memory_space<hbm>>) target(%arg10 : memref<96x128xf32, #tpu.memory_space<vmem>>) offsets(%dma_start3A_94 : memref<96xi32, #tpu.memory_space<vmem>>) semaphore(%arg14 : memref<!tpu.dma_semaphore, #tpu.memory_space<semaphore_mem>>)
    %scan3A_98 = arith.constant 0 : i32
    %scan3A_99 = arith.constant 0 : i32
    %scan3A_100 = arith.constant 1 : i32
    %scan3A_101 = arith.constant 2 : i32
    %scan3A_102 = arith.constant 0 : i32
    %scan3A_103 = arith.constant 12 : i32
    %scan3A_104 = arith.addi %scan3A_102, %scan3A_103 : i32
    %scan3A_105 = arith.constant 1 : i32
    scf.for %scan3A_115 = %scan3A_102 to %scan3A_104 step %scan3A_105  : i32 {
      %mul3A_116 = arith.constant 3 : i32
      %mul3A_117 = arith.muli %scan3A_115, %mul3A_116 : i32
      %add3A_118 = arith.constant 0 : i32
      %add3A_119 = arith.addi %mul3A_117, %add3A_118 : i32
      %dma_wait3A = arith.constant 0 : i32
      %dma_wait3A_120 = tpu.memref_slice %arg6[%scan3A_99, %dma_wait3A] : memref<36x96xi32, #tpu.memory_space<vmem>> -> memref<1x96xi32, #tpu.memory_space<vmem>>
      %dma_wait3A_121 = tpu.memref_squeeze %dma_wait3A_120 : memref<1x96xi32, #tpu.memory_space<vmem>> -> memref<96xi32, #tpu.memory_space<vmem>>
      %dma_wait3A_122 = arith.constant 0 : i32
      %dma_wait3A_123 = arith.constant 0 : i32
      %dma_wait3A_124 = tpu.memref_slice %arg2[%dma_wait3A_122, %dma_wait3A_123] : memref<10240x128xf32, #tpu.memory_space<hbm>> -> memref<10240x128xf32, #tpu.memory_space<hbm>>
      tpu.wait_indirect_dma semaphore(%arg12 : memref<!tpu.dma_semaphore, #tpu.memory_space<semaphore_mem>>) src(%dma_wait3A_124 : memref<10240x128xf32, #tpu.memory_space<hbm>>) dst(%arg8 : memref<96x128xf32, #tpu.memory_space<vmem>>)
      %dma_start3A_125 = arith.constant 0 : i32
      %dma_start3A_126 = tpu.memref_slice %arg7[%add3A_119, %dma_start3A_125] : memref<36x96xi32, #tpu.memory_space<vmem>> -> memref<1x96xi32, #tpu.memory_space<vmem>>
      %dma_start3A_127 = tpu.memref_squeeze %dma_start3A_126 : memref<1x96xi32, #tpu.memory_space<vmem>> -> memref<96xi32, #tpu.memory_space<vmem>>
      %dma_start3A_128 = arith.constant 0 : i32
      %dma_start3A_129 = arith.constant 0 : i32
      %dma_start3A_130 = tpu.memref_slice %arg11[%dma_start3A_128, %dma_start3A_129] : memref<10240x128xf32, #tpu.memory_space<vmem_shared>> -> memref<10240x128xf32, #tpu.memory_space<vmem_shared>>
      tpu.enqueue_indirect_dma source(%arg8 : memref<96x128xf32, #tpu.memory_space<vmem>>) target(%dma_start3A_130 : memref<10240x128xf32, #tpu.memory_space<vmem_shared>>) offsets(%dma_start3A_127 : memref<96xi32, #tpu.memory_space<vmem>>) semaphore(%arg15 : memref<!tpu.dma_semaphore, #tpu.memory_space<semaphore_mem>>) {add = true}
      %dma_wait3A_131 = arith.constant 0 : i32
      %dma_wait3A_132 = tpu.memref_slice %arg7[%add3A_119, %dma_wait3A_131] : memref<36x96xi32, #tpu.memory_space<vmem>> -> memref<1x96xi32, #tpu.memory_space<vmem>>
      %dma_wait3A_133 = tpu.memref_squeeze %dma_wait3A_132 : memref<1x96xi32, #tpu.memory_space<vmem>> -> memref<96xi32, #tpu.memory_space<vmem>>
      %dma_wait3A_134 = arith.constant 0 : i32
      %dma_wait3A_135 = arith.constant 0 : i32
      %dma_wait3A_136 = tpu.memref_slice %arg11[%dma_wait3A_134, %dma_wait3A_135] : memref<10240x128xf32, #tpu.memory_space<vmem_shared>> -> memref<10240x128xf32, #tpu.memory_space<vmem_shared>>
      tpu.wait_indirect_dma semaphore(%arg15 : memref<!tpu.dma_semaphore, #tpu.memory_space<semaphore_mem>>) src(%arg8 : memref<96x128xf32, #tpu.memory_space<vmem>>) dst(%dma_wait3A_136 : memref<10240x128xf32, #tpu.memory_space<vmem_shared>>)
      %add3A_137 = arith.constant 3 : i32
      %add3A_138 = arith.addi %add3A_119, %add3A_137 : i32
      %lt3A = arith.constant 36 : i32
      %lt3A_139 = arith.cmpi slt, %add3A_138, %lt3A : i32
      %convert_element_type3A = arith.extui %lt3A_139 : i1 to i32
      %cond3A = arith.constant 0 : i32
      %cond3A_140 = arith.cmpi ne, %convert_element_type3A, %cond3A : i32
      scf.if %cond3A_140 {
        %add3A_195 = arith.constant 3 : i32
        %add3A_196 = arith.addi %add3A_119, %add3A_195 : i32
        %dma_start3A_197 = arith.constant 0 : i32
        %dma_start3A_198 = tpu.memref_slice %arg6[%add3A_196, %dma_start3A_197] : memref<36x96xi32, #tpu.memory_space<vmem>> -> memref<1x96xi32, #tpu.memory_space<vmem>>
        %dma_start3A_199 = tpu.memref_squeeze %dma_start3A_198 : memref<1x96xi32, #tpu.memory_space<vmem>> -> memref<96xi32, #tpu.memory_space<vmem>>
        %dma_start3A_200 = arith.constant 0 : i32
        %dma_start3A_201 = arith.constant 0 : i32
        %dma_start3A_202 = tpu.memref_slice %arg2[%dma_start3A_200, %dma_start3A_201] : memref<10240x128xf32, #tpu.memory_space<hbm>> -> memref<10240x128xf32, #tpu.memory_space<hbm>>
        tpu.enqueue_indirect_dma source(%dma_start3A_202 : memref<10240x128xf32, #tpu.memory_space<hbm>>) target(%arg8 : memref<96x128xf32, #tpu.memory_space<vmem>>) offsets(%dma_start3A_199 : memref<96xi32, #tpu.memory_space<vmem>>) semaphore(%arg12 : memref<!tpu.dma_semaphore, #tpu.memory_space<semaphore_mem>>)
      } else {
      }
      %add3A_141 = arith.constant 1 : i32
      %add3A_142 = arith.addi %mul3A_117, %add3A_141 : i32
      %dma_wait3A_143 = arith.constant 0 : i32
      %dma_wait3A_144 = tpu.memref_slice %arg6[%scan3A_100, %dma_wait3A_143] : memref<36x96xi32, #tpu.memory_space<vmem>> -> memref<1x96xi32, #tpu.memory_space<vmem>>
      %dma_wait3A_145 = tpu.memref_squeeze %dma_wait3A_144 : memref<1x96xi32, #tpu.memory_space<vmem>> -> memref<96xi32, #tpu.memory_space<vmem>>
      %dma_wait3A_146 = arith.constant 0 : i32
      %dma_wait3A_147 = arith.constant 0 : i32
      %dma_wait3A_148 = tpu.memref_slice %arg2[%dma_wait3A_146, %dma_wait3A_147] : memref<10240x128xf32, #tpu.memory_space<hbm>> -> memref<10240x128xf32, #tpu.memory_space<hbm>>
      tpu.wait_indirect_dma semaphore(%arg13 : memref<!tpu.dma_semaphore, #tpu.memory_space<semaphore_mem>>) src(%dma_wait3A_148 : memref<10240x128xf32, #tpu.memory_space<hbm>>) dst(%arg9 : memref<96x128xf32, #tpu.memory_space<vmem>>)
      %dma_start3A_149 = arith.constant 0 : i32
      %dma_start3A_150 = tpu.memref_slice %arg7[%add3A_142, %dma_start3A_149] : memref<36x96xi32, #tpu.memory_space<vmem>> -> memref<1x96xi32, #tpu.memory_space<vmem>>
      %dma_start3A_151 = tpu.memref_squeeze %dma_start3A_150 : memref<1x96xi32, #tpu.memory_space<vmem>> -> memref<96xi32, #tpu.memory_space<vmem>>
      %dma_start3A_152 = arith.constant 0 : i32
      %dma_start3A_153 = arith.constant 0 : i32
      %dma_start3A_154 = tpu.memref_slice %arg11[%dma_start3A_152, %dma_start3A_153] : memref<10240x128xf32, #tpu.memory_space<vmem_shared>> -> memref<10240x128xf32, #tpu.memory_space<vmem_shared>>
      tpu.enqueue_indirect_dma source(%arg9 : memref<96x128xf32, #tpu.memory_space<vmem>>) target(%dma_start3A_154 : memref<10240x128xf32, #tpu.memory_space<vmem_shared>>) offsets(%dma_start3A_151 : memref<96xi32, #tpu.memory_space<vmem>>) semaphore(%arg16 : memref<!tpu.dma_semaphore, #tpu.memory_space<semaphore_mem>>) {add = true}
      %dma_wait3A_155 = arith.constant 0 : i32
      %dma_wait3A_156 = tpu.memref_slice %arg7[%add3A_142, %dma_wait3A_155] : memref<36x96xi32, #tpu.memory_space<vmem>> -> memref<1x96xi32, #tpu.memory_space<vmem>>
      %dma_wait3A_157 = tpu.memref_squeeze %dma_wait3A_156 : memref<1x96xi32, #tpu.memory_space<vmem>> -> memref<96xi32, #tpu.memory_space<vmem>>
      %dma_wait3A_158 = arith.constant 0 : i32
      %dma_wait3A_159 = arith.constant 0 : i32
      %dma_wait3A_160 = tpu.memref_slice %arg11[%dma_wait3A_158, %dma_wait3A_159] : memref<10240x128xf32, #tpu.memory_space<vmem_shared>> -> memref<10240x128xf32, #tpu.memory_space<vmem_shared>>
      tpu.wait_indirect_dma semaphore(%arg16 : memref<!tpu.dma_semaphore, #tpu.memory_space<semaphore_mem>>) src(%arg9 : memref<96x128xf32, #tpu.memory_space<vmem>>) dst(%dma_wait3A_160 : memref<10240x128xf32, #tpu.memory_space<vmem_shared>>)
      %add3A_161 = arith.constant 3 : i32
      %add3A_162 = arith.addi %add3A_142, %add3A_161 : i32
      %lt3A_163 = arith.constant 36 : i32
      %lt3A_164 = arith.cmpi slt, %add3A_162, %lt3A_163 : i32
      %convert_element_type3A_165 = arith.extui %lt3A_164 : i1 to i32
      %cond3A_166 = arith.constant 0 : i32
      %cond3A_167 = arith.cmpi ne, %convert_element_type3A_165, %cond3A_166 : i32
      scf.if %cond3A_167 {
        %add3A_195 = arith.constant 3 : i32
        %add3A_196 = arith.addi %add3A_142, %add3A_195 : i32
        %dma_start3A_197 = arith.constant 0 : i32
        %dma_start3A_198 = tpu.memref_slice %arg6[%add3A_196, %dma_start3A_197] : memref<36x96xi32, #tpu.memory_space<vmem>> -> memref<1x96xi32, #tpu.memory_space<vmem>>
        %dma_start3A_199 = tpu.memref_squeeze %dma_start3A_198 : memref<1x96xi32, #tpu.memory_space<vmem>> -> memref<96xi32, #tpu.memory_space<vmem>>
        %dma_start3A_200 = arith.constant 0 : i32
        %dma_start3A_201 = arith.constant 0 : i32
        %dma_start3A_202 = tpu.memref_slice %arg2[%dma_start3A_200, %dma_start3A_201] : memref<10240x128xf32, #tpu.memory_space<hbm>> -> memref<10240x128xf32, #tpu.memory_space<hbm>>
        tpu.enqueue_indirect_dma source(%dma_start3A_202 : memref<10240x128xf32, #tpu.memory_space<hbm>>) target(%arg9 : memref<96x128xf32, #tpu.memory_space<vmem>>) offsets(%dma_start3A_199 : memref<96xi32, #tpu.memory_space<vmem>>) semaphore(%arg13 : memref<!tpu.dma_semaphore, #tpu.memory_space<semaphore_mem>>)
      } else {
      }
      %add3A_168 = arith.constant 2 : i32
      %add3A_169 = arith.addi %mul3A_117, %add3A_168 : i32
      %dma_wait3A_170 = arith.constant 0 : i32
      %dma_wait3A_171 = tpu.memref_slice %arg6[%scan3A_101, %dma_wait3A_170] : memref<36x96xi32, #tpu.memory_space<vmem>> -> memref<1x96xi32, #tpu.memory_space<vmem>>
      %dma_wait3A_172 = tpu.memref_squeeze %dma_wait3A_171 : memref<1x96xi32, #tpu.memory_space<vmem>> -> memref<96xi32, #tpu.memory_space<vmem>>
      %dma_wait3A_173 = arith.constant 0 : i32
      %dma_wait3A_174 = arith.constant 0 : i32
      %dma_wait3A_175 = tpu.memref_slice %arg2[%dma_wait3A_173, %dma_wait3A_174] : memref<10240x128xf32, #tpu.memory_space<hbm>> -> memref<10240x128xf32, #tpu.memory_space<hbm>>
      tpu.wait_indirect_dma semaphore(%arg14 : memref<!tpu.dma_semaphore, #tpu.memory_space<semaphore_mem>>) src(%dma_wait3A_175 : memref<10240x128xf32, #tpu.memory_space<hbm>>) dst(%arg10 : memref<96x128xf32, #tpu.memory_space<vmem>>)
      %dma_start3A_176 = arith.constant 0 : i32
      %dma_start3A_177 = tpu.memref_slice %arg7[%add3A_169, %dma_start3A_176] : memref<36x96xi32, #tpu.memory_space<vmem>> -> memref<1x96xi32, #tpu.memory_space<vmem>>
      %dma_start3A_178 = tpu.memref_squeeze %dma_start3A_177 : memref<1x96xi32, #tpu.memory_space<vmem>> -> memref<96xi32, #tpu.memory_space<vmem>>
      %dma_start3A_179 = arith.constant 0 : i32
      %dma_start3A_180 = arith.constant 0 : i32
      %dma_start3A_181 = tpu.memref_slice %arg11[%dma_start3A_179, %dma_start3A_180] : memref<10240x128xf32, #tpu.memory_space<vmem_shared>> -> memref<10240x128xf32, #tpu.memory_space<vmem_shared>>
      tpu.enqueue_indirect_dma source(%arg10 : memref<96x128xf32, #tpu.memory_space<vmem>>) target(%dma_start3A_181 : memref<10240x128xf32, #tpu.memory_space<vmem_shared>>) offsets(%dma_start3A_178 : memref<96xi32, #tpu.memory_space<vmem>>) semaphore(%arg17 : memref<!tpu.dma_semaphore, #tpu.memory_space<semaphore_mem>>) {add = true}
      %dma_wait3A_182 = arith.constant 0 : i32
      %dma_wait3A_183 = tpu.memref_slice %arg7[%add3A_169, %dma_wait3A_182] : memref<36x96xi32, #tpu.memory_space<vmem>> -> memref<1x96xi32, #tpu.memory_space<vmem>>
      %dma_wait3A_184 = tpu.memref_squeeze %dma_wait3A_183 : memref<1x96xi32, #tpu.memory_space<vmem>> -> memref<96xi32, #tpu.memory_space<vmem>>
      %dma_wait3A_185 = arith.constant 0 : i32
      %dma_wait3A_186 = arith.constant 0 : i32
      %dma_wait3A_187 = tpu.memref_slice %arg11[%dma_wait3A_185, %dma_wait3A_186] : memref<10240x128xf32, #tpu.memory_space<vmem_shared>> -> memref<10240x128xf32, #tpu.memory_space<vmem_shared>>
      tpu.wait_indirect_dma semaphore(%arg17 : memref<!tpu.dma_semaphore, #tpu.memory_space<semaphore_mem>>) src(%arg10 : memref<96x128xf32, #tpu.memory_space<vmem>>) dst(%dma_wait3A_187 : memref<10240x128xf32, #tpu.memory_space<vmem_shared>>)
      %add3A_188 = arith.constant 3 : i32
      %add3A_189 = arith.addi %add3A_169, %add3A_188 : i32
      %lt3A_190 = arith.constant 36 : i32
      %lt3A_191 = arith.cmpi slt, %add3A_189, %lt3A_190 : i32
      %convert_element_type3A_192 = arith.extui %lt3A_191 : i1 to i32
      %cond3A_193 = arith.constant 0 : i32
      %cond3A_194 = arith.cmpi ne, %convert_element_type3A_192, %cond3A_193 : i32
      scf.if %cond3A_194 {
        %add3A_195 = arith.constant 3 : i32
        %add3A_196 = arith.addi %add3A_169, %add3A_195 : i32
        %dma_start3A_197 = arith.constant 0 : i32
        %dma_start3A_198 = tpu.memref_slice %arg6[%add3A_196, %dma_start3A_197] : memref<36x96xi32, #tpu.memory_space<vmem>> -> memref<1x96xi32, #tpu.memory_space<vmem>>
        %dma_start3A_199 = tpu.memref_squeeze %dma_start3A_198 : memref<1x96xi32, #tpu.memory_space<vmem>> -> memref<96xi32, #tpu.memory_space<vmem>>
        %dma_start3A_200 = arith.constant 0 : i32
        %dma_start3A_201 = arith.constant 0 : i32
        %dma_start3A_202 = tpu.memref_slice %arg2[%dma_start3A_200, %dma_start3A_201] : memref<10240x128xf32, #tpu.memory_space<hbm>> -> memref<10240x128xf32, #tpu.memory_space<hbm>>
        tpu.enqueue_indirect_dma source(%dma_start3A_202 : memref<10240x128xf32, #tpu.memory_space<hbm>>) target(%arg10 : memref<96x128xf32, #tpu.memory_space<vmem>>) offsets(%dma_start3A_199 : memref<96xi32, #tpu.memory_space<vmem>>) semaphore(%arg14 : memref<!tpu.dma_semaphore, #tpu.memory_space<semaphore_mem>>)
      } else {
      }
    }
    %scan3A_106 = arith.constant 12 : i32
    %barrier3A_107 = arith.constant 0 : index
    tpu.barrier barrier_id(%barrier3A_107)
    %mul3A_108 = arith.constant 640 : i32
    %mul3A_109 = arith.muli %arg1, %mul3A_108 : i32
    %mul3A_110 = arith.constant 10240 : i32
    %mul3A_111 = arith.muli %arg0, %mul3A_110 : i32
    %mul3A_112 = arith.constant 640 : i32
    %mul3A_113 = arith.muli %arg1, %mul3A_112 : i32
    %add3A_114 = arith.addi %mul3A_111, %mul3A_113 : i32
    "tpu.region"() ({
      %run_scoped3A_115 = tpu.sem_alloc : memref<!tpu.dma_semaphore, #tpu.memory_space<semaphore_mem>>
      %dma_start3A_116 = arith.constant 0 : i32
      %dma_start3A_117 = tpu.memref_slice %arg5[%add3A_114, %dma_start3A_116] : memref<20480x128xf32, #tpu.memory_space<hbm>> -> memref<640x128xf32, #tpu.memory_space<hbm>>
      %dma_start3A_118 = arith.constant 0 : i32
      %dma_start3A_119 = tpu.memref_slice %arg11[%mul3A_109, %dma_start3A_118] : memref<10240x128xf32, #tpu.memory_space<vmem_shared>> -> memref<640x128xf32, #tpu.memory_space<vmem_shared>>
      tpu.enqueue_dma source(%dma_start3A_119 : memref<640x128xf32, #tpu.memory_space<vmem_shared>>) target(%dma_start3A_117 : memref<640x128xf32, #tpu.memory_space<hbm>>) target_semaphore(%run_scoped3A_115 : memref<!tpu.dma_semaphore, #tpu.memory_space<semaphore_mem>>)
      %dma_wait3A = arith.constant 0 : i32
      %dma_wait3A_120 = tpu.memref_slice %arg5[%add3A_114, %dma_wait3A] : memref<20480x128xf32, #tpu.memory_space<hbm>> -> memref<640x128xf32, #tpu.memory_space<hbm>>
      %dma_wait3A_121 = arith.constant 0 : i32
      %dma_wait3A_122 = tpu.memref_slice %arg11[%mul3A_109, %dma_wait3A_121] : memref<10240x128xf32, #tpu.memory_space<vmem_shared>> -> memref<640x128xf32, #tpu.memory_space<vmem_shared>>
      tpu.wait_dma2 semaphore(%run_scoped3A_115 : memref<!tpu.dma_semaphore, #tpu.memory_space<semaphore_mem>>) src(%dma_wait3A_122 : memref<640x128xf32, #tpu.memory_space<vmem_shared>>) dst(%dma_wait3A_120 : memref<640x128xf32, #tpu.memory_space<hbm>>)
      tpu.yield
    }) : () -> ()
    return
  }
}

#map = affine_map<(d0, d1) -> (0, 0, 0)>
#map1 = affine_map<(d0, d1) -> (0, 0)>
module attributes {stable_mosaic.version = 14 : i64} {
  func.func @_deg_sc(%arg0: i32, %arg1: i32, %arg2: memref<32x81x128xi32, #tpu.memory_space<hbm>>, %arg3: memref<20480x16xf32, #tpu.memory_space<hbm>>, %arg4: memref<81x128xi32, #tpu.memory_space<vmem>>, %arg5: memref<10240xf32, #tpu.memory_space<vmem>>, %arg6: memref<16x640xf32, #tpu.memory_space<vmem>>, %arg7: memref<640x16xf32, #tpu.memory_space<vmem>>, %arg8: memref<16x10240xf32, #tpu.memory_space<vmem_shared>>, %arg9: memref<!tpu.dma_semaphore, #tpu.memory_space<semaphore_mem>>) attributes {dimension_semantics = [#tpu.dimension_semantics<core_parallel>, #tpu.dimension_semantics<subcore_parallel>], iteration_bounds = array<i64: 2, 16>, scalar_prefetch = 0 : i64, scratch_operands = 6 : i64, tpu.core_type = #tpu.core_type<sc_vector_subcore>, window_params = [{transform_indices = #map}, {transform_indices = #map1}]} {
    %mul3A = arith.constant 16 : i32
    %mul3A_0 = arith.muli %arg0, %mul3A : i32
    %add3A = arith.addi %mul3A_0, %arg1 : i32
    %broadcast_in_dim3A = arith.constant 0.000000e+00 : f32
    %broadcast_in_dim3A_1 = vector.broadcast %broadcast_in_dim3A : f32 to vector<16xf32>
    %broadcast_in_dim3A_2 = arith.constant 1.000000e+00 : f32
    %broadcast_in_dim3A_3 = vector.broadcast %broadcast_in_dim3A_2 : f32 to vector<16xf32>
    %scan3A = arith.constant 0 : i32
    %scan3A_4 = arith.constant 0 : i32
    %scan3A_5 = arith.constant 640 : i32
    %scan3A_6 = arith.addi %scan3A_4, %scan3A_5 : i32
    %scan3A_7 = arith.constant 1 : i32
    scf.for %scan3A_34 = %scan3A_4 to %scan3A_6 step %scan3A_7  : i32 {
      %mul3A_35 = arith.constant 16 : i32
      %mul3A_36 = arith.muli %scan3A_34, %mul3A_35 : i32
      %swap3A = arith.index_cast %mul3A_36 : i32 to index
      %swap3A_37 = tpu.vector_load %arg5[%swap3A] {strides = array<i32>} : memref<10240xf32, #tpu.memory_space<vmem>>, vector<16xf32>,
      tpu.vector_store %arg5[%swap3A], %broadcast_in_dim3A_1 {strides = array<i32>} : memref<10240xf32, #tpu.memory_space<vmem>>, vector<16xf32>,
    }
    %scan3A_8 = arith.constant 640 : i32
    "tpu.region"() ({
      %run_scoped3A = tpu.sem_alloc : memref<!tpu.dma_semaphore, #tpu.memory_space<semaphore_mem>>
      %dma_start3A = arith.constant 0 : i32
      %dma_start3A_34 = arith.constant 0 : i32
      %dma_start3A_35 = tpu.memref_slice %arg2[%add3A, %dma_start3A, %dma_start3A_34] : memref<32x81x128xi32, #tpu.memory_space<hbm>> -> memref<1x81x128xi32, #tpu.memory_space<hbm>>
      %dma_start3A_36 = tpu.memref_squeeze %dma_start3A_35 : memref<1x81x128xi32, #tpu.memory_space<hbm>> -> memref<81x128xi32, #tpu.memory_space<hbm>>
      %dma_start3A_37 = arith.constant 0 : i32
      %dma_start3A_38 = arith.constant 0 : i32
      %dma_start3A_39 = tpu.memref_slice %arg2[%add3A, %dma_start3A_37, %dma_start3A_38] : memref<32x81x128xi32, #tpu.memory_space<hbm>> -> memref<1x81x128xi32, #tpu.memory_space<hbm>>
      %dma_start3A_40 = tpu.memref_squeeze %dma_start3A_39 : memref<1x81x128xi32, #tpu.memory_space<hbm>> -> memref<81x128xi32, #tpu.memory_space<hbm>>
      tpu.enqueue_dma source(%dma_start3A_40 : memref<81x128xi32, #tpu.memory_space<hbm>>) target(%arg4 : memref<81x128xi32, #tpu.memory_space<vmem>>) target_semaphore(%run_scoped3A : memref<!tpu.dma_semaphore, #tpu.memory_space<semaphore_mem>>)
      %dma_wait3A = arith.constant 0 : i32
      %dma_wait3A_41 = arith.constant 0 : i32
      %dma_wait3A_42 = tpu.memref_slice %arg2[%add3A, %dma_wait3A, %dma_wait3A_41] : memref<32x81x128xi32, #tpu.memory_space<hbm>> -> memref<1x81x128xi32, #tpu.memory_space<hbm>>
      %dma_wait3A_43 = tpu.memref_squeeze %dma_wait3A_42 : memref<1x81x128xi32, #tpu.memory_space<hbm>> -> memref<81x128xi32, #tpu.memory_space<hbm>>
      %dma_wait3A_44 = arith.constant 0 : i32
      %dma_wait3A_45 = arith.constant 0 : i32
      %dma_wait3A_46 = tpu.memref_slice %arg2[%add3A, %dma_wait3A_44, %dma_wait3A_45] : memref<32x81x128xi32, #tpu.memory_space<hbm>> -> memref<1x81x128xi32, #tpu.memory_space<hbm>>
      %dma_wait3A_47 = tpu.memref_squeeze %dma_wait3A_46 : memref<1x81x128xi32, #tpu.memory_space<hbm>> -> memref<81x128xi32, #tpu.memory_space<hbm>>
      tpu.wait_dma2 semaphore(%run_scoped3A : memref<!tpu.dma_semaphore, #tpu.memory_space<semaphore_mem>>) src(%dma_wait3A_47 : memref<81x128xi32, #tpu.memory_space<hbm>>) dst(%arg4 : memref<81x128xi32, #tpu.memory_space<vmem>>)
      tpu.yield
    }) : () -> ()
    %scan3A_9 = arith.constant 0 : i32
    %scan3A_10 = arith.constant 0 : i32
    %scan3A_11 = arith.constant 81 : i32
    %scan3A_12 = arith.addi %scan3A_10, %scan3A_11 : i32
    %scan3A_13 = arith.constant 1 : i32
    scf.for %scan3A_34 = %scan3A_10 to %scan3A_12 step %scan3A_13  : i32 {
      %get3A = arith.index_cast %scan3A_34 : i32 to index
      %get3A_35 = arith.constant 0 : index
      %get3A_36 = tpu.vector_load %arg4[%get3A, %get3A_35] {strides = array<i32>} : memref<81x128xi32, #tpu.memory_space<vmem>>, vector<16xi32>,
      tpu.vector_store_idx %arg5[%get3A_36], %broadcast_in_dim3A_3 {add = true} : memref<10240xf32, #tpu.memory_space<vmem>>[vector<16xi32>], vector<16xf32>,
      %get3A_37 = arith.index_cast %scan3A_34 : i32 to index
      %get3A_38 = arith.constant 16 : index
      %get3A_39 = tpu.vector_load %arg4[%get3A_37, %get3A_38] {strides = array<i32>} : memref<81x128xi32, #tpu.memory_space<vmem>>, vector<16xi32>,
      tpu.vector_store_idx %arg5[%get3A_39], %broadcast_in_dim3A_3 {add = true} : memref<10240xf32, #tpu.memory_space<vmem>>[vector<16xi32>], vector<16xf32>,
      %get3A_40 = arith.index_cast %scan3A_34 : i32 to index
      %get3A_41 = arith.constant 32 : index
      %get3A_42 = tpu.vector_load %arg4[%get3A_40, %get3A_41] {strides = array<i32>} : memref<81x128xi32, #tpu.memory_space<vmem>>, vector<16xi32>,
      tpu.vector_store_idx %arg5[%get3A_42], %broadcast_in_dim3A_3 {add = true} : memref<10240xf32, #tpu.memory_space<vmem>>[vector<16xi32>], vector<16xf32>,
      %get3A_43 = arith.index_cast %scan3A_34 : i32 to index
      %get3A_44 = arith.constant 48 : index
      %get3A_45 = tpu.vector_load %arg4[%get3A_43, %get3A_44] {strides = array<i32>} : memref<81x128xi32, #tpu.memory_space<vmem>>, vector<16xi32>,
      tpu.vector_store_idx %arg5[%get3A_45], %broadcast_in_dim3A_3 {add = true} : memref<10240xf32, #tpu.memory_space<vmem>>[vector<16xi32>], vector<16xf32>,
      %get3A_46 = arith.index_cast %scan3A_34 : i32 to index
      %get3A_47 = arith.constant 64 : index
      %get3A_48 = tpu.vector_load %arg4[%get3A_46, %get3A_47] {strides = array<i32>} : memref<81x128xi32, #tpu.memory_space<vmem>>, vector<16xi32>,
      tpu.vector_store_idx %arg5[%get3A_48], %broadcast_in_dim3A_3 {add = true} : memref<10240xf32, #tpu.memory_space<vmem>>[vector<16xi32>], vector<16xf32>,
      %get3A_49 = arith.index_cast %scan3A_34 : i32 to index
      %get3A_50 = arith.constant 80 : index
      %get3A_51 = tpu.vector_load %arg4[%get3A_49, %get3A_50] {strides = array<i32>} : memref<81x128xi32, #tpu.memory_space<vmem>>, vector<16xi32>,
      tpu.vector_store_idx %arg5[%get3A_51], %broadcast_in_dim3A_3 {add = true} : memref<10240xf32, #tpu.memory_space<vmem>>[vector<16xi32>], vector<16xf32>,
      %get3A_52 = arith.index_cast %scan3A_34 : i32 to index
      %get3A_53 = arith.constant 96 : index
      %get3A_54 = tpu.vector_load %arg4[%get3A_52, %get3A_53] {strides = array<i32>} : memref<81x128xi32, #tpu.memory_space<vmem>>, vector<16xi32>,
      tpu.vector_store_idx %arg5[%get3A_54], %broadcast_in_dim3A_3 {add = true} : memref<10240xf32, #tpu.memory_space<vmem>>[vector<16xi32>], vector<16xf32>,
      %get3A_55 = arith.index_cast %scan3A_34 : i32 to index
      %get3A_56 = arith.constant 112 : index
      %get3A_57 = tpu.vector_load %arg4[%get3A_55, %get3A_56] {strides = array<i32>} : memref<81x128xi32, #tpu.memory_space<vmem>>, vector<16xi32>,
      tpu.vector_store_idx %arg5[%get3A_57], %broadcast_in_dim3A_3 {add = true} : memref<10240xf32, #tpu.memory_space<vmem>>[vector<16xi32>], vector<16xf32>,
    }
    %scan3A_14 = arith.constant 81 : i32
    "tpu.region"() ({
      %run_scoped3A = tpu.sem_alloc : memref<!tpu.dma_semaphore, #tpu.memory_space<semaphore_mem>>
      %dma_start3A = arith.constant 0 : i32
      %dma_start3A_34 = tpu.memref_slice %arg8[%arg1, %dma_start3A] : memref<16x10240xf32, #tpu.memory_space<vmem_shared>> -> memref<1x10240xf32, #tpu.memory_space<vmem_shared>>
      %dma_start3A_35 = tpu.memref_squeeze %dma_start3A_34 : memref<1x10240xf32, #tpu.memory_space<vmem_shared>> -> memref<10240xf32, #tpu.memory_space<vmem_shared>>
      %dma_start3A_36 = arith.constant 0 : i32
      %dma_start3A_37 = tpu.memref_slice %arg8[%arg1, %dma_start3A_36] : memref<16x10240xf32, #tpu.memory_space<vmem_shared>> -> memref<1x10240xf32, #tpu.memory_space<vmem_shared>>
      %dma_start3A_38 = tpu.memref_squeeze %dma_start3A_37 : memref<1x10240xf32, #tpu.memory_space<vmem_shared>> -> memref<10240xf32, #tpu.memory_space<vmem_shared>>
      tpu.enqueue_dma source(%arg5 : memref<10240xf32, #tpu.memory_space<vmem>>) target(%dma_start3A_38 : memref<10240xf32, #tpu.memory_space<vmem_shared>>) target_semaphore(%run_scoped3A : memref<!tpu.dma_semaphore, #tpu.memory_space<semaphore_mem>>)
      %dma_wait3A = arith.constant 0 : i32
      %dma_wait3A_39 = tpu.memref_slice %arg8[%arg1, %dma_wait3A] : memref<16x10240xf32, #tpu.memory_space<vmem_shared>> -> memref<1x10240xf32, #tpu.memory_space<vmem_shared>>
      %dma_wait3A_40 = tpu.memref_squeeze %dma_wait3A_39 : memref<1x10240xf32, #tpu.memory_space<vmem_shared>> -> memref<10240xf32, #tpu.memory_space<vmem_shared>>
      %dma_wait3A_41 = arith.constant 0 : i32
      %dma_wait3A_42 = tpu.memref_slice %arg8[%arg1, %dma_wait3A_41] : memref<16x10240xf32, #tpu.memory_space<vmem_shared>> -> memref<1x10240xf32, #tpu.memory_space<vmem_shared>>
      %dma_wait3A_43 = tpu.memref_squeeze %dma_wait3A_42 : memref<1x10240xf32, #tpu.memory_space<vmem_shared>> -> memref<10240xf32, #tpu.memory_space<vmem_shared>>
      tpu.wait_dma2 semaphore(%run_scoped3A : memref<!tpu.dma_semaphore, #tpu.memory_space<semaphore_mem>>) src(%arg5 : memref<10240xf32, #tpu.memory_space<vmem>>) dst(%dma_wait3A_43 : memref<10240xf32, #tpu.memory_space<vmem_shared>>)
      tpu.yield
    }) : () -> ()
    %barrier3A = arith.constant 0 : index
    tpu.barrier barrier_id(%barrier3A)
    %mul3A_15 = arith.constant 640 : i32
    %mul3A_16 = arith.muli %arg1, %mul3A_15 : i32
    "tpu.region"() ({
      %run_scoped3A = tpu.sem_alloc : memref<!tpu.dma_semaphore, #tpu.memory_space<semaphore_mem>>
      %dma_start3A = arith.constant 0 : i32
      %dma_start3A_34 = tpu.memref_slice %arg8[%dma_start3A, %mul3A_16] : memref<16x10240xf32, #tpu.memory_space<vmem_shared>> -> memref<16x640xf32, #tpu.memory_space<vmem_shared>>
      %dma_start3A_35 = arith.constant 0 : i32
      %dma_start3A_36 = tpu.memref_slice %arg8[%dma_start3A_35, %mul3A_16] : memref<16x10240xf32, #tpu.memory_space<vmem_shared>> -> memref<16x640xf32, #tpu.memory_space<vmem_shared>>
      tpu.enqueue_dma source(%dma_start3A_36 : memref<16x640xf32, #tpu.memory_space<vmem_shared>>) target(%arg6 : memref<16x640xf32, #tpu.memory_space<vmem>>) target_semaphore(%run_scoped3A : memref<!tpu.dma_semaphore, #tpu.memory_space<semaphore_mem>>)
      %dma_wait3A = arith.constant 0 : i32
      %dma_wait3A_37 = tpu.memref_slice %arg8[%dma_wait3A, %mul3A_16] : memref<16x10240xf32, #tpu.memory_space<vmem_shared>> -> memref<16x640xf32, #tpu.memory_space<vmem_shared>>
      %dma_wait3A_38 = arith.constant 0 : i32
      %dma_wait3A_39 = tpu.memref_slice %arg8[%dma_wait3A_38, %mul3A_16] : memref<16x10240xf32, #tpu.memory_space<vmem_shared>> -> memref<16x640xf32, #tpu.memory_space<vmem_shared>>
      tpu.wait_dma2 semaphore(%run_scoped3A : memref<!tpu.dma_semaphore, #tpu.memory_space<semaphore_mem>>) src(%dma_wait3A_39 : memref<16x640xf32, #tpu.memory_space<vmem_shared>>) dst(%arg6 : memref<16x640xf32, #tpu.memory_space<vmem>>)
      tpu.yield
    }) : () -> ()
    %scan3A_17 = arith.constant 0 : i32
    %scan3A_18 = arith.constant 0 : i32
    %scan3A_19 = arith.constant 40 : i32
    %scan3A_20 = arith.addi %scan3A_18, %scan3A_19 : i32
    %scan3A_21 = arith.constant 1 : i32
    scf.for %scan3A_34 = %scan3A_18 to %scan3A_20 step %scan3A_21  : i32 {
      %mul3A_35 = arith.constant 16 : i32
      %mul3A_36 = arith.muli %scan3A_34, %mul3A_35 : i32
      %get3A = arith.constant 0 : i32
      %get3A_37 = arith.index_cast %get3A : i32 to index
      %get3A_38 = arith.index_cast %mul3A_36 : i32 to index
      %get3A_39 = tpu.vector_load %arg6[%get3A_37, %get3A_38] {strides = array<i32>} : memref<16x640xf32, #tpu.memory_space<vmem>>, vector<16xf32>,
      %mul3A_40 = arith.constant 16 : i32
      %mul3A_41 = arith.muli %scan3A_34, %mul3A_40 : i32
      %get3A_42 = arith.constant 1 : i32
      %get3A_43 = arith.index_cast %get3A_42 : i32 to index
      %get3A_44 = arith.index_cast %mul3A_41 : i32 to index
      %get3A_45 = tpu.vector_load %arg6[%get3A_43, %get3A_44] {strides = array<i32>} : memref<16x640xf32, #tpu.memory_space<vmem>>, vector<16xf32>,
      %add3A_46 = arith.addf %get3A_39, %get3A_45 : vector<16xf32>
      %mul3A_47 = arith.constant 16 : i32
      %mul3A_48 = arith.muli %scan3A_34, %mul3A_47 : i32
      %get3A_49 = arith.constant 2 : i32
      %get3A_50 = arith.index_cast %get3A_49 : i32 to index
      %get3A_51 = arith.index_cast %mul3A_48 : i32 to index
      %get3A_52 = tpu.vector_load %arg6[%get3A_50, %get3A_51] {strides = array<i32>} : memref<16x640xf32, #tpu.memory_space<vmem>>, vector<16xf32>,
      %add3A_53 = arith.addf %add3A_46, %get3A_52 : vector<16xf32>
      %mul3A_54 = arith.constant 16 : i32
      %mul3A_55 = arith.muli %scan3A_34, %mul3A_54 : i32
      %get3A_56 = arith.constant 3 : i32
      %get3A_57 = arith.index_cast %get3A_56 : i32 to index
      %get3A_58 = arith.index_cast %mul3A_55 : i32 to index
      %get3A_59 = tpu.vector_load %arg6[%get3A_57, %get3A_58] {strides = array<i32>} : memref<16x640xf32, #tpu.memory_space<vmem>>, vector<16xf32>,
      %add3A_60 = arith.addf %add3A_53, %get3A_59 : vector<16xf32>
      %mul3A_61 = arith.constant 16 : i32
      %mul3A_62 = arith.muli %scan3A_34, %mul3A_61 : i32
      %get3A_63 = arith.constant 4 : i32
      %get3A_64 = arith.index_cast %get3A_63 : i32 to index
      %get3A_65 = arith.index_cast %mul3A_62 : i32 to index
      %get3A_66 = tpu.vector_load %arg6[%get3A_64, %get3A_65] {strides = array<i32>} : memref<16x640xf32, #tpu.memory_space<vmem>>, vector<16xf32>,
      %add3A_67 = arith.addf %add3A_60, %get3A_66 : vector<16xf32>
      %mul3A_68 = arith.constant 16 : i32
      %mul3A_69 = arith.muli %scan3A_34, %mul3A_68 : i32
      %get3A_70 = arith.constant 5 : i32
      %get3A_71 = arith.index_cast %get3A_70 : i32 to index
      %get3A_72 = arith.index_cast %mul3A_69 : i32 to index
      %get3A_73 = tpu.vector_load %arg6[%get3A_71, %get3A_72] {strides = array<i32>} : memref<16x640xf32, #tpu.memory_space<vmem>>, vector<16xf32>,
      %add3A_74 = arith.addf %add3A_67, %get3A_73 : vector<16xf32>
      %mul3A_75 = arith.constant 16 : i32
      %mul3A_76 = arith.muli %scan3A_34, %mul3A_75 : i32
      %get3A_77 = arith.constant 6 : i32
      %get3A_78 = arith.index_cast %get3A_77 : i32 to index
      %get3A_79 = arith.index_cast %mul3A_76 : i32 to index
      %get3A_80 = tpu.vector_load %arg6[%get3A_78, %get3A_79] {strides = array<i32>} : memref<16x640xf32, #tpu.memory_space<vmem>>, vector<16xf32>,
      %add3A_81 = arith.addf %add3A_74, %get3A_80 : vector<16xf32>
      %mul3A_82 = arith.constant 16 : i32
      %mul3A_83 = arith.muli %scan3A_34, %mul3A_82 : i32
      %get3A_84 = arith.constant 7 : i32
      %get3A_85 = arith.index_cast %get3A_84 : i32 to index
      %get3A_86 = arith.index_cast %mul3A_83 : i32 to index
      %get3A_87 = tpu.vector_load %arg6[%get3A_85, %get3A_86] {strides = array<i32>} : memref<16x640xf32, #tpu.memory_space<vmem>>, vector<16xf32>,
      %add3A_88 = arith.addf %add3A_81, %get3A_87 : vector<16xf32>
      %mul3A_89 = arith.constant 16 : i32
      %mul3A_90 = arith.muli %scan3A_34, %mul3A_89 : i32
      %get3A_91 = arith.constant 8 : i32
      %get3A_92 = arith.index_cast %get3A_91 : i32 to index
      %get3A_93 = arith.index_cast %mul3A_90 : i32 to index
      %get3A_94 = tpu.vector_load %arg6[%get3A_92, %get3A_93] {strides = array<i32>} : memref<16x640xf32, #tpu.memory_space<vmem>>, vector<16xf32>,
      %add3A_95 = arith.addf %add3A_88, %get3A_94 : vector<16xf32>
      %mul3A_96 = arith.constant 16 : i32
      %mul3A_97 = arith.muli %scan3A_34, %mul3A_96 : i32
      %get3A_98 = arith.constant 9 : i32
      %get3A_99 = arith.index_cast %get3A_98 : i32 to index
      %get3A_100 = arith.index_cast %mul3A_97 : i32 to index
      %get3A_101 = tpu.vector_load %arg6[%get3A_99, %get3A_100] {strides = array<i32>} : memref<16x640xf32, #tpu.memory_space<vmem>>, vector<16xf32>,
      %add3A_102 = arith.addf %add3A_95, %get3A_101 : vector<16xf32>
      %mul3A_103 = arith.constant 16 : i32
      %mul3A_104 = arith.muli %scan3A_34, %mul3A_103 : i32
      %get3A_105 = arith.constant 10 : i32
      %get3A_106 = arith.index_cast %get3A_105 : i32 to index
      %get3A_107 = arith.index_cast %mul3A_104 : i32 to index
      %get3A_108 = tpu.vector_load %arg6[%get3A_106, %get3A_107] {strides = array<i32>} : memref<16x640xf32, #tpu.memory_space<vmem>>, vector<16xf32>,
      %add3A_109 = arith.addf %add3A_102, %get3A_108 : vector<16xf32>
      %mul3A_110 = arith.constant 16 : i32
      %mul3A_111 = arith.muli %scan3A_34, %mul3A_110 : i32
      %get3A_112 = arith.constant 11 : i32
      %get3A_113 = arith.index_cast %get3A_112 : i32 to index
      %get3A_114 = arith.index_cast %mul3A_111 : i32 to index
      %get3A_115 = tpu.vector_load %arg6[%get3A_113, %get3A_114] {strides = array<i32>} : memref<16x640xf32, #tpu.memory_space<vmem>>, vector<16xf32>,
      %add3A_116 = arith.addf %add3A_109, %get3A_115 : vector<16xf32>
      %mul3A_117 = arith.constant 16 : i32
      %mul3A_118 = arith.muli %scan3A_34, %mul3A_117 : i32
      %get3A_119 = arith.constant 12 : i32
      %get3A_120 = arith.index_cast %get3A_119 : i32 to index
      %get3A_121 = arith.index_cast %mul3A_118 : i32 to index
      %get3A_122 = tpu.vector_load %arg6[%get3A_120, %get3A_121] {strides = array<i32>} : memref<16x640xf32, #tpu.memory_space<vmem>>, vector<16xf32>,
      %add3A_123 = arith.addf %add3A_116, %get3A_122 : vector<16xf32>
      %mul3A_124 = arith.constant 16 : i32
      %mul3A_125 = arith.muli %scan3A_34, %mul3A_124 : i32
      %get3A_126 = arith.constant 13 : i32
      %get3A_127 = arith.index_cast %get3A_126 : i32 to index
      %get3A_128 = arith.index_cast %mul3A_125 : i32 to index
      %get3A_129 = tpu.vector_load %arg6[%get3A_127, %get3A_128] {strides = array<i32>} : memref<16x640xf32, #tpu.memory_space<vmem>>, vector<16xf32>,
      %add3A_130 = arith.addf %add3A_123, %get3A_129 : vector<16xf32>
      %mul3A_131 = arith.constant 16 : i32
      %mul3A_132 = arith.muli %scan3A_34, %mul3A_131 : i32
      %get3A_133 = arith.constant 14 : i32
      %get3A_134 = arith.index_cast %get3A_133 : i32 to index
      %get3A_135 = arith.index_cast %mul3A_132 : i32 to index
      %get3A_136 = tpu.vector_load %arg6[%get3A_134, %get3A_135] {strides = array<i32>} : memref<16x640xf32, #tpu.memory_space<vmem>>, vector<16xf32>,
      %add3A_137 = arith.addf %add3A_130, %get3A_136 : vector<16xf32>
      %mul3A_138 = arith.constant 16 : i32
      %mul3A_139 = arith.muli %scan3A_34, %mul3A_138 : i32
      %get3A_140 = arith.constant 15 : i32
      %get3A_141 = arith.index_cast %get3A_140 : i32 to index
      %get3A_142 = arith.index_cast %mul3A_139 : i32 to index
      %get3A_143 = tpu.vector_load %arg6[%get3A_141, %get3A_142] {strides = array<i32>} : memref<16x640xf32, #tpu.memory_space<vmem>>, vector<16xf32>,
      %add3A_144 = arith.addf %add3A_137, %get3A_143 : vector<16xf32>
      %mul3A_145 = arith.constant 16 : i32
      %mul3A_146 = arith.muli %scan3A_34, %mul3A_145 : i32
      %swap3A = arith.index_cast %mul3A_146 : i32 to index
      %swap3A_147 = tpu.vector_load %arg5[%swap3A] {strides = array<i32>} : memref<10240xf32, #tpu.memory_space<vmem>>, vector<16xf32>,
      tpu.vector_store %arg5[%swap3A], %add3A_144 {strides = array<i32>} : memref<10240xf32, #tpu.memory_space<vmem>>, vector<16xf32>,
    }
    %scan3A_22 = arith.constant 40 : i32
    %scan3A_23 = arith.constant 0 : i32
    %scan3A_24 = arith.constant 0 : i32
    %scan3A_25 = arith.constant 40 : i32
    %scan3A_26 = arith.addi %scan3A_24, %scan3A_25 : i32
    %scan3A_27 = arith.constant 1 : i32
    scf.for %scan3A_34 = %scan3A_24 to %scan3A_26 step %scan3A_27  : i32 {
      %mul3A_35 = arith.constant 16 : i32
      %mul3A_36 = arith.muli %scan3A_34, %mul3A_35 : i32
      %get3A = arith.index_cast %mul3A_36 : i32 to index
      %get3A_37 = tpu.vector_load %arg5[%get3A] {strides = array<i32>} : memref<10240xf32, #tpu.memory_space<vmem>>, vector<16xf32>,
      %slice3A = vector.extract_strided_slice %get3A_37 {offsets = [0], sizes = [1], strides = [1]} : vector<16xf32> to vector<1xf32>
      %squeeze3A = vector.extract %slice3A[0] : f32 from vector<1xf32>
      %mul3A_38 = vector.broadcast %squeeze3A : f32 to vector<16xf32>
      %mul3A_39 = arith.mulf %broadcast_in_dim3A_3, %mul3A_38 : vector<16xf32>
      %mul3A_40 = arith.constant 16 : i32
      %mul3A_41 = arith.muli %scan3A_34, %mul3A_40 : i32
      %add3A_42 = arith.constant 0 : i32
      %add3A_43 = arith.addi %mul3A_41, %add3A_42 : i32
      %swap3A = arith.index_cast %add3A_43 : i32 to index
      %swap3A_44 = arith.constant 0 : index
      %swap3A_45 = tpu.vector_load %arg7[%swap3A, %swap3A_44] {strides = array<i32>} : memref<640x16xf32, #tpu.memory_space<vmem>>, vector<16xf32>,
      tpu.vector_store %arg7[%swap3A, %swap3A_44], %mul3A_39 {strides = array<i32>} : memref<640x16xf32, #tpu.memory_space<vmem>>, vector<16xf32>,
      %slice3A_46 = vector.extract_strided_slice %get3A_37 {offsets = [1], sizes = [1], strides = [1]} : vector<16xf32> to vector<1xf32>
      %squeeze3A_47 = vector.extract %slice3A_46[0] : f32 from vector<1xf32>
      %mul3A_48 = vector.broadcast %squeeze3A_47 : f32 to vector<16xf32>
      %mul3A_49 = arith.mulf %broadcast_in_dim3A_3, %mul3A_48 : vector<16xf32>
      %mul3A_50 = arith.constant 16 : i32
      %mul3A_51 = arith.muli %scan3A_34, %mul3A_50 : i32
      %add3A_52 = arith.constant 1 : i32
      %add3A_53 = arith.addi %mul3A_51, %add3A_52 : i32
      %swap3A_54 = arith.index_cast %add3A_53 : i32 to index
      %swap3A_55 = arith.constant 0 : index
      %swap3A_56 = tpu.vector_load %arg7[%swap3A_54, %swap3A_55] {strides = array<i32>} : memref<640x16xf32, #tpu.memory_space<vmem>>, vector<16xf32>,
      tpu.vector_store %arg7[%swap3A_54, %swap3A_55], %mul3A_49 {strides = array<i32>} : memref<640x16xf32, #tpu.memory_space<vmem>>, vector<16xf32>,
      %slice3A_57 = vector.extract_strided_slice %get3A_37 {offsets = [2], sizes = [1], strides = [1]} : vector<16xf32> to vector<1xf32>
      %squeeze3A_58 = vector.extract %slice3A_57[0] : f32 from vector<1xf32>
      %mul3A_59 = vector.broadcast %squeeze3A_58 : f32 to vector<16xf32>
      %mul3A_60 = arith.mulf %broadcast_in_dim3A_3, %mul3A_59 : vector<16xf32>
      %mul3A_61 = arith.constant 16 : i32
      %mul3A_62 = arith.muli %scan3A_34, %mul3A_61 : i32
      %add3A_63 = arith.constant 2 : i32
      %add3A_64 = arith.addi %mul3A_62, %add3A_63 : i32
      %swap3A_65 = arith.index_cast %add3A_64 : i32 to index
      %swap3A_66 = arith.constant 0 : index
      %swap3A_67 = tpu.vector_load %arg7[%swap3A_65, %swap3A_66] {strides = array<i32>} : memref<640x16xf32, #tpu.memory_space<vmem>>, vector<16xf32>,
      tpu.vector_store %arg7[%swap3A_65, %swap3A_66], %mul3A_60 {strides = array<i32>} : memref<640x16xf32, #tpu.memory_space<vmem>>, vector<16xf32>,
      %slice3A_68 = vector.extract_strided_slice %get3A_37 {offsets = [3], sizes = [1], strides = [1]} : vector<16xf32> to vector<1xf32>
      %squeeze3A_69 = vector.extract %slice3A_68[0] : f32 from vector<1xf32>
      %mul3A_70 = vector.broadcast %squeeze3A_69 : f32 to vector<16xf32>
      %mul3A_71 = arith.mulf %broadcast_in_dim3A_3, %mul3A_70 : vector<16xf32>
      %mul3A_72 = arith.constant 16 : i32
      %mul3A_73 = arith.muli %scan3A_34, %mul3A_72 : i32
      %add3A_74 = arith.constant 3 : i32
      %add3A_75 = arith.addi %mul3A_73, %add3A_74 : i32
      %swap3A_76 = arith.index_cast %add3A_75 : i32 to index
      %swap3A_77 = arith.constant 0 : index
      %swap3A_78 = tpu.vector_load %arg7[%swap3A_76, %swap3A_77] {strides = array<i32>} : memref<640x16xf32, #tpu.memory_space<vmem>>, vector<16xf32>,
      tpu.vector_store %arg7[%swap3A_76, %swap3A_77], %mul3A_71 {strides = array<i32>} : memref<640x16xf32, #tpu.memory_space<vmem>>, vector<16xf32>,
      %slice3A_79 = vector.extract_strided_slice %get3A_37 {offsets = [4], sizes = [1], strides = [1]} : vector<16xf32> to vector<1xf32>
      %squeeze3A_80 = vector.extract %slice3A_79[0] : f32 from vector<1xf32>
      %mul3A_81 = vector.broadcast %squeeze3A_80 : f32 to vector<16xf32>
      %mul3A_82 = arith.mulf %broadcast_in_dim3A_3, %mul3A_81 : vector<16xf32>
      %mul3A_83 = arith.constant 16 : i32
      %mul3A_84 = arith.muli %scan3A_34, %mul3A_83 : i32
      %add3A_85 = arith.constant 4 : i32
      %add3A_86 = arith.addi %mul3A_84, %add3A_85 : i32
      %swap3A_87 = arith.index_cast %add3A_86 : i32 to index
      %swap3A_88 = arith.constant 0 : index
      %swap3A_89 = tpu.vector_load %arg7[%swap3A_87, %swap3A_88] {strides = array<i32>} : memref<640x16xf32, #tpu.memory_space<vmem>>, vector<16xf32>,
      tpu.vector_store %arg7[%swap3A_87, %swap3A_88], %mul3A_82 {strides = array<i32>} : memref<640x16xf32, #tpu.memory_space<vmem>>, vector<16xf32>,
      %slice3A_90 = vector.extract_strided_slice %get3A_37 {offsets = [5], sizes = [1], strides = [1]} : vector<16xf32> to vector<1xf32>
      %squeeze3A_91 = vector.extract %slice3A_90[0] : f32 from vector<1xf32>
      %mul3A_92 = vector.broadcast %squeeze3A_91 : f32 to vector<16xf32>
      %mul3A_93 = arith.mulf %broadcast_in_dim3A_3, %mul3A_92 : vector<16xf32>
      %mul3A_94 = arith.constant 16 : i32
      %mul3A_95 = arith.muli %scan3A_34, %mul3A_94 : i32
      %add3A_96 = arith.constant 5 : i32
      %add3A_97 = arith.addi %mul3A_95, %add3A_96 : i32
      %swap3A_98 = arith.index_cast %add3A_97 : i32 to index
      %swap3A_99 = arith.constant 0 : index
      %swap3A_100 = tpu.vector_load %arg7[%swap3A_98, %swap3A_99] {strides = array<i32>} : memref<640x16xf32, #tpu.memory_space<vmem>>, vector<16xf32>,
      tpu.vector_store %arg7[%swap3A_98, %swap3A_99], %mul3A_93 {strides = array<i32>} : memref<640x16xf32, #tpu.memory_space<vmem>>, vector<16xf32>,
      %slice3A_101 = vector.extract_strided_slice %get3A_37 {offsets = [6], sizes = [1], strides = [1]} : vector<16xf32> to vector<1xf32>
      %squeeze3A_102 = vector.extract %slice3A_101[0] : f32 from vector<1xf32>
      %mul3A_103 = vector.broadcast %squeeze3A_102 : f32 to vector<16xf32>
      %mul3A_104 = arith.mulf %broadcast_in_dim3A_3, %mul3A_103 : vector<16xf32>
      %mul3A_105 = arith.constant 16 : i32
      %mul3A_106 = arith.muli %scan3A_34, %mul3A_105 : i32
      %add3A_107 = arith.constant 6 : i32
      %add3A_108 = arith.addi %mul3A_106, %add3A_107 : i32
      %swap3A_109 = arith.index_cast %add3A_108 : i32 to index
      %swap3A_110 = arith.constant 0 : index
      %swap3A_111 = tpu.vector_load %arg7[%swap3A_109, %swap3A_110] {strides = array<i32>} : memref<640x16xf32, #tpu.memory_space<vmem>>, vector<16xf32>,
      tpu.vector_store %arg7[%swap3A_109, %swap3A_110], %mul3A_104 {strides = array<i32>} : memref<640x16xf32, #tpu.memory_space<vmem>>, vector<16xf32>,
      %slice3A_112 = vector.extract_strided_slice %get3A_37 {offsets = [7], sizes = [1], strides = [1]} : vector<16xf32> to vector<1xf32>
      %squeeze3A_113 = vector.extract %slice3A_112[0] : f32 from vector<1xf32>
      %mul3A_114 = vector.broadcast %squeeze3A_113 : f32 to vector<16xf32>
      %mul3A_115 = arith.mulf %broadcast_in_dim3A_3, %mul3A_114 : vector<16xf32>
      %mul3A_116 = arith.constant 16 : i32
      %mul3A_117 = arith.muli %scan3A_34, %mul3A_116 : i32
      %add3A_118 = arith.constant 7 : i32
      %add3A_119 = arith.addi %mul3A_117, %add3A_118 : i32
      %swap3A_120 = arith.index_cast %add3A_119 : i32 to index
      %swap3A_121 = arith.constant 0 : index
      %swap3A_122 = tpu.vector_load %arg7[%swap3A_120, %swap3A_121] {strides = array<i32>} : memref<640x16xf32, #tpu.memory_space<vmem>>, vector<16xf32>,
      tpu.vector_store %arg7[%swap3A_120, %swap3A_121], %mul3A_115 {strides = array<i32>} : memref<640x16xf32, #tpu.memory_space<vmem>>, vector<16xf32>,
      %slice3A_123 = vector.extract_strided_slice %get3A_37 {offsets = [8], sizes = [1], strides = [1]} : vector<16xf32> to vector<1xf32>
      %squeeze3A_124 = vector.extract %slice3A_123[0] : f32 from vector<1xf32>
      %mul3A_125 = vector.broadcast %squeeze3A_124 : f32 to vector<16xf32>
      %mul3A_126 = arith.mulf %broadcast_in_dim3A_3, %mul3A_125 : vector<16xf32>
      %mul3A_127 = arith.constant 16 : i32
      %mul3A_128 = arith.muli %scan3A_34, %mul3A_127 : i32
      %add3A_129 = arith.constant 8 : i32
      %add3A_130 = arith.addi %mul3A_128, %add3A_129 : i32
      %swap3A_131 = arith.index_cast %add3A_130 : i32 to index
      %swap3A_132 = arith.constant 0 : index
      %swap3A_133 = tpu.vector_load %arg7[%swap3A_131, %swap3A_132] {strides = array<i32>} : memref<640x16xf32, #tpu.memory_space<vmem>>, vector<16xf32>,
      tpu.vector_store %arg7[%swap3A_131, %swap3A_132], %mul3A_126 {strides = array<i32>} : memref<640x16xf32, #tpu.memory_space<vmem>>, vector<16xf32>,
      %slice3A_134 = vector.extract_strided_slice %get3A_37 {offsets = [9], sizes = [1], strides = [1]} : vector<16xf32> to vector<1xf32>
      %squeeze3A_135 = vector.extract %slice3A_134[0] : f32 from vector<1xf32>
      %mul3A_136 = vector.broadcast %squeeze3A_135 : f32 to vector<16xf32>
      %mul3A_137 = arith.mulf %broadcast_in_dim3A_3, %mul3A_136 : vector<16xf32>
      %mul3A_138 = arith.constant 16 : i32
      %mul3A_139 = arith.muli %scan3A_34, %mul3A_138 : i32
      %add3A_140 = arith.constant 9 : i32
      %add3A_141 = arith.addi %mul3A_139, %add3A_140 : i32
      %swap3A_142 = arith.index_cast %add3A_141 : i32 to index
      %swap3A_143 = arith.constant 0 : index
      %swap3A_144 = tpu.vector_load %arg7[%swap3A_142, %swap3A_143] {strides = array<i32>} : memref<640x16xf32, #tpu.memory_space<vmem>>, vector<16xf32>,
      tpu.vector_store %arg7[%swap3A_142, %swap3A_143], %mul3A_137 {strides = array<i32>} : memref<640x16xf32, #tpu.memory_space<vmem>>, vector<16xf32>,
      %slice3A_145 = vector.extract_strided_slice %get3A_37 {offsets = [10], sizes = [1], strides = [1]} : vector<16xf32> to vector<1xf32>
      %squeeze3A_146 = vector.extract %slice3A_145[0] : f32 from vector<1xf32>
      %mul3A_147 = vector.broadcast %squeeze3A_146 : f32 to vector<16xf32>
      %mul3A_148 = arith.mulf %broadcast_in_dim3A_3, %mul3A_147 : vector<16xf32>
      %mul3A_149 = arith.constant 16 : i32
      %mul3A_150 = arith.muli %scan3A_34, %mul3A_149 : i32
      %add3A_151 = arith.constant 10 : i32
      %add3A_152 = arith.addi %mul3A_150, %add3A_151 : i32
      %swap3A_153 = arith.index_cast %add3A_152 : i32 to index
      %swap3A_154 = arith.constant 0 : index
      %swap3A_155 = tpu.vector_load %arg7[%swap3A_153, %swap3A_154] {strides = array<i32>} : memref<640x16xf32, #tpu.memory_space<vmem>>, vector<16xf32>,
      tpu.vector_store %arg7[%swap3A_153, %swap3A_154], %mul3A_148 {strides = array<i32>} : memref<640x16xf32, #tpu.memory_space<vmem>>, vector<16xf32>,
      %slice3A_156 = vector.extract_strided_slice %get3A_37 {offsets = [11], sizes = [1], strides = [1]} : vector<16xf32> to vector<1xf32>
      %squeeze3A_157 = vector.extract %slice3A_156[0] : f32 from vector<1xf32>
      %mul3A_158 = vector.broadcast %squeeze3A_157 : f32 to vector<16xf32>
      %mul3A_159 = arith.mulf %broadcast_in_dim3A_3, %mul3A_158 : vector<16xf32>
      %mul3A_160 = arith.constant 16 : i32
      %mul3A_161 = arith.muli %scan3A_34, %mul3A_160 : i32
      %add3A_162 = arith.constant 11 : i32
      %add3A_163 = arith.addi %mul3A_161, %add3A_162 : i32
      %swap3A_164 = arith.index_cast %add3A_163 : i32 to index
      %swap3A_165 = arith.constant 0 : index
      %swap3A_166 = tpu.vector_load %arg7[%swap3A_164, %swap3A_165] {strides = array<i32>} : memref<640x16xf32, #tpu.memory_space<vmem>>, vector<16xf32>,
      tpu.vector_store %arg7[%swap3A_164, %swap3A_165], %mul3A_159 {strides = array<i32>} : memref<640x16xf32, #tpu.memory_space<vmem>>, vector<16xf32>,
      %slice3A_167 = vector.extract_strided_slice %get3A_37 {offsets = [12], sizes = [1], strides = [1]} : vector<16xf32> to vector<1xf32>
      %squeeze3A_168 = vector.extract %slice3A_167[0] : f32 from vector<1xf32>
      %mul3A_169 = vector.broadcast %squeeze3A_168 : f32 to vector<16xf32>
      %mul3A_170 = arith.mulf %broadcast_in_dim3A_3, %mul3A_169 : vector<16xf32>
      %mul3A_171 = arith.constant 16 : i32
      %mul3A_172 = arith.muli %scan3A_34, %mul3A_171 : i32
      %add3A_173 = arith.constant 12 : i32
      %add3A_174 = arith.addi %mul3A_172, %add3A_173 : i32
      %swap3A_175 = arith.index_cast %add3A_174 : i32 to index
      %swap3A_176 = arith.constant 0 : index
      %swap3A_177 = tpu.vector_load %arg7[%swap3A_175, %swap3A_176] {strides = array<i32>} : memref<640x16xf32, #tpu.memory_space<vmem>>, vector<16xf32>,
      tpu.vector_store %arg7[%swap3A_175, %swap3A_176], %mul3A_170 {strides = array<i32>} : memref<640x16xf32, #tpu.memory_space<vmem>>, vector<16xf32>,
      %slice3A_178 = vector.extract_strided_slice %get3A_37 {offsets = [13], sizes = [1], strides = [1]} : vector<16xf32> to vector<1xf32>
      %squeeze3A_179 = vector.extract %slice3A_178[0] : f32 from vector<1xf32>
      %mul3A_180 = vector.broadcast %squeeze3A_179 : f32 to vector<16xf32>
      %mul3A_181 = arith.mulf %broadcast_in_dim3A_3, %mul3A_180 : vector<16xf32>
      %mul3A_182 = arith.constant 16 : i32
      %mul3A_183 = arith.muli %scan3A_34, %mul3A_182 : i32
      %add3A_184 = arith.constant 13 : i32
      %add3A_185 = arith.addi %mul3A_183, %add3A_184 : i32
      %swap3A_186 = arith.index_cast %add3A_185 : i32 to index
      %swap3A_187 = arith.constant 0 : index
      %swap3A_188 = tpu.vector_load %arg7[%swap3A_186, %swap3A_187] {strides = array<i32>} : memref<640x16xf32, #tpu.memory_space<vmem>>, vector<16xf32>,
      tpu.vector_store %arg7[%swap3A_186, %swap3A_187], %mul3A_181 {strides = array<i32>} : memref<640x16xf32, #tpu.memory_space<vmem>>, vector<16xf32>,
      %slice3A_189 = vector.extract_strided_slice %get3A_37 {offsets = [14], sizes = [1], strides = [1]} : vector<16xf32> to vector<1xf32>
      %squeeze3A_190 = vector.extract %slice3A_189[0] : f32 from vector<1xf32>
      %mul3A_191 = vector.broadcast %squeeze3A_190 : f32 to vector<16xf32>
      %mul3A_192 = arith.mulf %broadcast_in_dim3A_3, %mul3A_191 : vector<16xf32>
      %mul3A_193 = arith.constant 16 : i32
      %mul3A_194 = arith.muli %scan3A_34, %mul3A_193 : i32
      %add3A_195 = arith.constant 14 : i32
      %add3A_196 = arith.addi %mul3A_194, %add3A_195 : i32
      %swap3A_197 = arith.index_cast %add3A_196 : i32 to index
      %swap3A_198 = arith.constant 0 : index
      %swap3A_199 = tpu.vector_load %arg7[%swap3A_197, %swap3A_198] {strides = array<i32>} : memref<640x16xf32, #tpu.memory_space<vmem>>, vector<16xf32>,
      tpu.vector_store %arg7[%swap3A_197, %swap3A_198], %mul3A_192 {strides = array<i32>} : memref<640x16xf32, #tpu.memory_space<vmem>>, vector<16xf32>,
      %slice3A_200 = vector.extract_strided_slice %get3A_37 {offsets = [15], sizes = [1], strides = [1]} : vector<16xf32> to vector<1xf32>
      %squeeze3A_201 = vector.extract %slice3A_200[0] : f32 from vector<1xf32>
      %mul3A_202 = vector.broadcast %squeeze3A_201 : f32 to vector<16xf32>
      %mul3A_203 = arith.mulf %broadcast_in_dim3A_3, %mul3A_202 : vector<16xf32>
      %mul3A_204 = arith.constant 16 : i32
      %mul3A_205 = arith.muli %scan3A_34, %mul3A_204 : i32
      %add3A_206 = arith.constant 15 : i32
      %add3A_207 = arith.addi %mul3A_205, %add3A_206 : i32
      %swap3A_208 = arith.index_cast %add3A_207 : i32 to index
      %swap3A_209 = arith.constant 0 : index
      %swap3A_210 = tpu.vector_load %arg7[%swap3A_208, %swap3A_209] {strides = array<i32>} : memref<640x16xf32, #tpu.memory_space<vmem>>, vector<16xf32>,
      tpu.vector_store %arg7[%swap3A_208, %swap3A_209], %mul3A_203 {strides = array<i32>} : memref<640x16xf32, #tpu.memory_space<vmem>>, vector<16xf32>,
    }
    %scan3A_28 = arith.constant 40 : i32
    %mul3A_29 = arith.constant 10240 : i32
    %mul3A_30 = arith.muli %arg0, %mul3A_29 : i32
    %mul3A_31 = arith.constant 640 : i32
    %mul3A_32 = arith.muli %arg1, %mul3A_31 : i32
    %add3A_33 = arith.addi %mul3A_30, %mul3A_32 : i32
    "tpu.region"() ({
      %run_scoped3A = tpu.sem_alloc : memref<!tpu.dma_semaphore, #tpu.memory_space<semaphore_mem>>
      %dma_start3A = arith.constant 0 : i32
      %dma_start3A_34 = tpu.memref_slice %arg3[%add3A_33, %dma_start3A] : memref<20480x16xf32, #tpu.memory_space<hbm>> -> memref<640x16xf32, #tpu.memory_space<hbm>>
      %dma_start3A_35 = arith.constant 0 : i32
      %dma_start3A_36 = tpu.memref_slice %arg3[%add3A_33, %dma_start3A_35] : memref<20480x16xf32, #tpu.memory_space<hbm>> -> memref<640x16xf32, #tpu.memory_space<hbm>>
      tpu.enqueue_dma source(%arg7 : memref<640x16xf32, #tpu.memory_space<vmem>>) target(%dma_start3A_36 : memref<640x16xf32, #tpu.memory_space<hbm>>) target_semaphore(%run_scoped3A : memref<!tpu.dma_semaphore, #tpu.memory_space<semaphore_mem>>)
      %dma_wait3A = arith.constant 0 : i32
      %dma_wait3A_37 = tpu.memref_slice %arg3[%add3A_33, %dma_wait3A] : memref<20480x16xf32, #tpu.memory_space<hbm>> -> memref<640x16xf32, #tpu.memory_space<hbm>>
      %dma_wait3A_38 = arith.constant 0 : i32
      %dma_wait3A_39 = tpu.memref_slice %arg3[%add3A_33, %dma_wait3A_38] : memref<20480x16xf32, #tpu.memory_space<hbm>> -> memref<640x16xf32, #tpu.memory_space<hbm>>
      tpu.wait_dma2 semaphore(%run_scoped3A : memref<!tpu.dma_semaphore, #tpu.memory_space<semaphore_mem>>) src(%arg7 : memref<640x16xf32, #tpu.memory_space<vmem>>) dst(%dma_wait3A_39 : memref<640x16xf32, #tpu.memory_space<hbm>>)
      tpu.yield
    }) : () -> ()
    return
  }
}

#map = affine_map<(d0, d1) -> (0, 0)>
#map1 = affine_map<(d0, d1) -> (0, 0, 0, 0)>
module attributes {stable_mosaic.version = 14 : i64} {
  func.func @_agg(%arg0: i32, %arg1: i32, %arg2: memref<10240x128xf32, #tpu.memory_space<hbm>>, %arg3: memref<32x3x36x96xi32, #tpu.memory_space<hbm>>, %arg4: memref<32x3x36x96xi32, #tpu.memory_space<hbm>>, %arg5: memref<20480x128xf32, #tpu.memory_space<hbm>>, %arg6: memref<36x96xi32, #tpu.memory_space<vmem>>, %arg7: memref<36x96xi32, #tpu.memory_space<vmem>>, %arg8: memref<96x128xf32, #tpu.memory_space<vmem>>, %arg9: memref<96x128xf32, #tpu.memory_space<vmem>>, %arg10: memref<96x128xf32, #tpu.memory_space<vmem>>, %arg11: memref<10240x128xf32, #tpu.memory_space<vmem_shared>>, %arg12: memref<!tpu.dma_semaphore, #tpu.memory_space<semaphore_mem>>, %arg13: memref<!tpu.dma_semaphore, #tpu.memory_space<semaphore_mem>>, %arg14: memref<!tpu.dma_semaphore, #tpu.memory_space<semaphore_mem>>, %arg15: memref<!tpu.dma_semaphore, #tpu.memory_space<semaphore_mem>>, %arg16: memref<!tpu.dma_semaphore, #tpu.memory_space<semaphore_mem>>, %arg17: memref<!tpu.dma_semaphore, #tpu.memory_space<semaphore_mem>>) attributes {dimension_semantics = [#tpu.dimension_semantics<core_parallel>, #tpu.dimension_semantics<subcore_parallel>], iteration_bounds = array<i64: 2, 16>, scalar_prefetch = 0 : i64, scratch_operands = 12 : i64, tpu.core_type = #tpu.core_type<sc_vector_subcore>, window_params = [{transform_indices = #map}, {transform_indices = #map1}, {transform_indices = #map1}, {transform_indices = #map}]} {
    %mul3A = arith.constant 16 : i32
    %mul3A_0 = arith.muli %arg0, %mul3A : i32
    %add3A = arith.addi %mul3A_0, %arg1 : i32
    %broadcast_in_dim3A = arith.constant 0.000000e+00 : f32
    %broadcast_in_dim3A_1 = vector.broadcast %broadcast_in_dim3A : f32 to vector<16xf32>
    %scan3A = arith.constant 0 : i32
    %scan3A_2 = arith.constant 0 : i32
    %scan3A_3 = arith.constant 96 : i32
    %scan3A_4 = arith.addi %scan3A_2, %scan3A_3 : i32
    %scan3A_5 = arith.constant 1 : i32
    scf.for %scan3A_115 = %scan3A_2 to %scan3A_4 step %scan3A_5  : i32 {
      %swap3A = arith.index_cast %scan3A_115 : i32 to index
      %swap3A_116 = arith.constant 0 : index
      %swap3A_117 = tpu.vector_load %arg8[%swap3A, %swap3A_116] {strides = array<i32>} : memref<96x128xf32, #tpu.memory_space<vmem>>, vector<1x16xf32>,
      %swap3A_118 = vector.shape_cast %swap3A_117 : vector<1x16xf32> to vector<16xf32>
      %swap3A_119 = vector.shape_cast %broadcast_in_dim3A_1 : vector<16xf32> to vector<1x16xf32>
      tpu.vector_store %arg8[%swap3A, %swap3A_116], %swap3A_119 {strides = array<i32>} : memref<96x128xf32, #tpu.memory_space<vmem>>, vector<1x16xf32>,
      %swap3A_120 = arith.index_cast %scan3A_115 : i32 to index
      %swap3A_121 = arith.constant 16 : index
      %swap3A_122 = tpu.vector_load %arg8[%swap3A_120, %swap3A_121] {strides = array<i32>} : memref<96x128xf32, #tpu.memory_space<vmem>>, vector<1x16xf32>,
      %swap3A_123 = vector.shape_cast %swap3A_122 : vector<1x16xf32> to vector<16xf32>
      %swap3A_124 = vector.shape_cast %broadcast_in_dim3A_1 : vector<16xf32> to vector<1x16xf32>
      tpu.vector_store %arg8[%swap3A_120, %swap3A_121], %swap3A_124 {strides = array<i32>} : memref<96x128xf32, #tpu.memory_space<vmem>>, vector<1x16xf32>,
      %swap3A_125 = arith.index_cast %scan3A_115 : i32 to index
      %swap3A_126 = arith.constant 32 : index
      %swap3A_127 = tpu.vector_load %arg8[%swap3A_125, %swap3A_126] {strides = array<i32>} : memref<96x128xf32, #tpu.memory_space<vmem>>, vector<1x16xf32>,
      %swap3A_128 = vector.shape_cast %swap3A_127 : vector<1x16xf32> to vector<16xf32>
      %swap3A_129 = vector.shape_cast %broadcast_in_dim3A_1 : vector<16xf32> to vector<1x16xf32>
      tpu.vector_store %arg8[%swap3A_125, %swap3A_126], %swap3A_129 {strides = array<i32>} : memref<96x128xf32, #tpu.memory_space<vmem>>, vector<1x16xf32>,
      %swap3A_130 = arith.index_cast %scan3A_115 : i32 to index
      %swap3A_131 = arith.constant 48 : index
      %swap3A_132 = tpu.vector_load %arg8[%swap3A_130, %swap3A_131] {strides = array<i32>} : memref<96x128xf32, #tpu.memory_space<vmem>>, vector<1x16xf32>,
      %swap3A_133 = vector.shape_cast %swap3A_132 : vector<1x16xf32> to vector<16xf32>
      %swap3A_134 = vector.shape_cast %broadcast_in_dim3A_1 : vector<16xf32> to vector<1x16xf32>
      tpu.vector_store %arg8[%swap3A_130, %swap3A_131], %swap3A_134 {strides = array<i32>} : memref<96x128xf32, #tpu.memory_space<vmem>>, vector<1x16xf32>,
      %swap3A_135 = arith.index_cast %scan3A_115 : i32 to index
      %swap3A_136 = arith.constant 64 : index
      %swap3A_137 = tpu.vector_load %arg8[%swap3A_135, %swap3A_136] {strides = array<i32>} : memref<96x128xf32, #tpu.memory_space<vmem>>, vector<1x16xf32>,
      %swap3A_138 = vector.shape_cast %swap3A_137 : vector<1x16xf32> to vector<16xf32>
      %swap3A_139 = vector.shape_cast %broadcast_in_dim3A_1 : vector<16xf32> to vector<1x16xf32>
      tpu.vector_store %arg8[%swap3A_135, %swap3A_136], %swap3A_139 {strides = array<i32>} : memref<96x128xf32, #tpu.memory_space<vmem>>, vector<1x16xf32>,
      %swap3A_140 = arith.index_cast %scan3A_115 : i32 to index
      %swap3A_141 = arith.constant 80 : index
      %swap3A_142 = tpu.vector_load %arg8[%swap3A_140, %swap3A_141] {strides = array<i32>} : memref<96x128xf32, #tpu.memory_space<vmem>>, vector<1x16xf32>,
      %swap3A_143 = vector.shape_cast %swap3A_142 : vector<1x16xf32> to vector<16xf32>
      %swap3A_144 = vector.shape_cast %broadcast_in_dim3A_1 : vector<16xf32> to vector<1x16xf32>
      tpu.vector_store %arg8[%swap3A_140, %swap3A_141], %swap3A_144 {strides = array<i32>} : memref<96x128xf32, #tpu.memory_space<vmem>>, vector<1x16xf32>,
      %swap3A_145 = arith.index_cast %scan3A_115 : i32 to index
      %swap3A_146 = arith.constant 96 : index
      %swap3A_147 = tpu.vector_load %arg8[%swap3A_145, %swap3A_146] {strides = array<i32>} : memref<96x128xf32, #tpu.memory_space<vmem>>, vector<1x16xf32>,
      %swap3A_148 = vector.shape_cast %swap3A_147 : vector<1x16xf32> to vector<16xf32>
      %swap3A_149 = vector.shape_cast %broadcast_in_dim3A_1 : vector<16xf32> to vector<1x16xf32>
      tpu.vector_store %arg8[%swap3A_145, %swap3A_146], %swap3A_149 {strides = array<i32>} : memref<96x128xf32, #tpu.memory_space<vmem>>, vector<1x16xf32>,
      %swap3A_150 = arith.index_cast %scan3A_115 : i32 to index
      %swap3A_151 = arith.constant 112 : index
      %swap3A_152 = tpu.vector_load %arg8[%swap3A_150, %swap3A_151] {strides = array<i32>} : memref<96x128xf32, #tpu.memory_space<vmem>>, vector<1x16xf32>,
      %swap3A_153 = vector.shape_cast %swap3A_152 : vector<1x16xf32> to vector<16xf32>
      %swap3A_154 = vector.shape_cast %broadcast_in_dim3A_1 : vector<16xf32> to vector<1x16xf32>
      tpu.vector_store %arg8[%swap3A_150, %swap3A_151], %swap3A_154 {strides = array<i32>} : memref<96x128xf32, #tpu.memory_space<vmem>>, vector<1x16xf32>,
    }
    %scan3A_6 = arith.constant 96 : i32
    %scan3A_7 = arith.constant 0 : i32
    %scan3A_8 = arith.constant 0 : i32
    %scan3A_9 = arith.constant 8 : i32
    %scan3A_10 = arith.addi %scan3A_8, %scan3A_9 : i32
    %scan3A_11 = arith.constant 1 : i32
    scf.for %scan3A_115 = %scan3A_8 to %scan3A_10 step %scan3A_11  : i32 {
      %mul3A_116 = arith.constant 640 : i32
      %mul3A_117 = arith.muli %arg1, %mul3A_116 : i32
      %mul3A_118 = arith.constant 80 : i32
      %mul3A_119 = arith.muli %scan3A_115, %mul3A_118 : i32
      %add3A_120 = arith.addi %mul3A_117, %mul3A_119 : i32
      "tpu.region"() ({
        %run_scoped3A_121 = tpu.sem_alloc : memref<!tpu.dma_semaphore, #tpu.memory_space<semaphore_mem>>
        %dma_start3A_122 = arith.constant 0 : i32
        %dma_start3A_123 = arith.constant 0 : i32
        %dma_start3A_124 = tpu.memref_slice %arg8[%dma_start3A_122, %dma_start3A_123] : memref<96x128xf32, #tpu.memory_space<vmem>> -> memref<80x128xf32, #tpu.memory_space<vmem>>
        %dma_start3A_125 = arith.constant 0 : i32
        %dma_start3A_126 = tpu.memref_slice %arg11[%add3A_120, %dma_start3A_125] : memref<10240x128xf32, #tpu.memory_space<vmem_shared>> -> memref<80x128xf32, #tpu.memory_space<vmem_shared>>
        %dma_start3A_127 = arith.constant 0 : i32
        %dma_start3A_128 = tpu.memref_slice %arg11[%add3A_120, %dma_start3A_127] : memref<10240x128xf32, #tpu.memory_space<vmem_shared>> -> memref<80x128xf32, #tpu.memory_space<vmem_shared>>
        %dma_start3A_129 = arith.constant 0 : i32
        %dma_start3A_130 = arith.constant 0 : i32
        %dma_start3A_131 = tpu.memref_slice %arg8[%dma_start3A_129, %dma_start3A_130] : memref<96x128xf32, #tpu.memory_space<vmem>> -> memref<80x128xf32, #tpu.memory_space<vmem>>
        tpu.enqueue_dma source(%dma_start3A_131 : memref<80x128xf32, #tpu.memory_space<vmem>>) target(%dma_start3A_128 : memref<80x128xf32, #tpu.memory_space<vmem_shared>>) target_semaphore(%run_scoped3A_121 : memref<!tpu.dma_semaphore, #tpu.memory_space<semaphore_mem>>)
        %dma_wait3A = arith.constant 0 : i32
        %dma_wait3A_132 = arith.constant 0 : i32
        %dma_wait3A_133 = tpu.memref_slice %arg8[%dma_wait3A, %dma_wait3A_132] : memref<96x128xf32, #tpu.memory_space<vmem>> -> memref<80x128xf32, #tpu.memory_space<vmem>>
        %dma_wait3A_134 = arith.constant 0 : i32
        %dma_wait3A_135 = tpu.memref_slice %arg11[%add3A_120, %dma_wait3A_134] : memref<10240x128xf32, #tpu.memory_space<vmem_shared>> -> memref<80x128xf32, #tpu.memory_space<vmem_shared>>
        %dma_wait3A_136 = arith.constant 0 : i32
        %dma_wait3A_137 = tpu.memref_slice %arg11[%add3A_120, %dma_wait3A_136] : memref<10240x128xf32, #tpu.memory_space<vmem_shared>> -> memref<80x128xf32, #tpu.memory_space<vmem_shared>>
        %dma_wait3A_138 = arith.constant 0 : i32
        %dma_wait3A_139 = arith.constant 0 : i32
        %dma_wait3A_140 = tpu.memref_slice %arg8[%dma_wait3A_138, %dma_wait3A_139] : memref<96x128xf32, #tpu.memory_space<vmem>> -> memref<80x128xf32, #tpu.memory_space<vmem>>
        tpu.wait_dma2 semaphore(%run_scoped3A_121 : memref<!tpu.dma_semaphore, #tpu.memory_space<semaphore_mem>>) src(%dma_wait3A_140 : memref<80x128xf32, #tpu.memory_space<vmem>>) dst(%dma_wait3A_137 : memref<80x128xf32, #tpu.memory_space<vmem_shared>>)
        tpu.yield
      }) : () -> ()
    }
    %scan3A_12 = arith.constant 8 : i32
    %barrier3A = arith.constant 0 : index
    tpu.barrier barrier_id(%barrier3A)
    %run_scoped3A = arith.constant 0 : i32
    "tpu.region"() ({
      %run_scoped3A_115 = tpu.sem_alloc : memref<!tpu.dma_semaphore, #tpu.memory_space<semaphore_mem>>
      %dma_start3A_116 = arith.constant 0 : i32
      %dma_start3A_117 = arith.constant 0 : i32
      %dma_start3A_118 = tpu.memref_slice %arg3[%add3A, %run_scoped3A, %dma_start3A_116, %dma_start3A_117] : memref<32x3x36x96xi32, #tpu.memory_space<hbm>> -> memref<1x1x36x96xi32, #tpu.memory_space<hbm>>
      %dma_start3A_119 = tpu.memref_squeeze %dma_start3A_118 : memref<1x1x36x96xi32, #tpu.memory_space<hbm>> -> memref<36x96xi32, #tpu.memory_space<hbm>>
      %dma_start3A_120 = arith.constant 0 : i32
      %dma_start3A_121 = arith.constant 0 : i32
      %dma_start3A_122 = tpu.memref_slice %arg3[%add3A, %run_scoped3A, %dma_start3A_120, %dma_start3A_121] : memref<32x3x36x96xi32, #tpu.memory_space<hbm>> -> memref<1x1x36x96xi32, #tpu.memory_space<hbm>>
      %dma_start3A_123 = tpu.memref_squeeze %dma_start3A_122 : memref<1x1x36x96xi32, #tpu.memory_space<hbm>> -> memref<36x96xi32, #tpu.memory_space<hbm>>
      tpu.enqueue_dma source(%dma_start3A_123 : memref<36x96xi32, #tpu.memory_space<hbm>>) target(%arg6 : memref<36x96xi32, #tpu.memory_space<vmem>>) target_semaphore(%run_scoped3A_115 : memref<!tpu.dma_semaphore, #tpu.memory_space<semaphore_mem>>)
      %dma_wait3A = arith.constant 0 : i32
      %dma_wait3A_124 = arith.constant 0 : i32
      %dma_wait3A_125 = tpu.memref_slice %arg3[%add3A, %run_scoped3A, %dma_wait3A, %dma_wait3A_124] : memref<32x3x36x96xi32, #tpu.memory_space<hbm>> -> memref<1x1x36x96xi32, #tpu.memory_space<hbm>>
      %dma_wait3A_126 = tpu.memref_squeeze %dma_wait3A_125 : memref<1x1x36x96xi32, #tpu.memory_space<hbm>> -> memref<36x96xi32, #tpu.memory_space<hbm>>
      %dma_wait3A_127 = arith.constant 0 : i32
      %dma_wait3A_128 = arith.constant 0 : i32
      %dma_wait3A_129 = tpu.memref_slice %arg3[%add3A, %run_scoped3A, %dma_wait3A_127, %dma_wait3A_128] : memref<32x3x36x96xi32, #tpu.memory_space<hbm>> -> memref<1x1x36x96xi32, #tpu.memory_space<hbm>>
      %dma_wait3A_130 = tpu.memref_squeeze %dma_wait3A_129 : memref<1x1x36x96xi32, #tpu.memory_space<hbm>> -> memref<36x96xi32, #tpu.memory_space<hbm>>
      tpu.wait_dma2 semaphore(%run_scoped3A_115 : memref<!tpu.dma_semaphore, #tpu.memory_space<semaphore_mem>>) src(%dma_wait3A_130 : memref<36x96xi32, #tpu.memory_space<hbm>>) dst(%arg6 : memref<36x96xi32, #tpu.memory_space<vmem>>)
      tpu.yield
    }) : () -> ()
    %run_scoped3A_13 = arith.constant 0 : i32
    "tpu.region"() ({
      %run_scoped3A_115 = tpu.sem_alloc : memref<!tpu.dma_semaphore, #tpu.memory_space<semaphore_mem>>
      %dma_start3A_116 = arith.constant 0 : i32
      %dma_start3A_117 = arith.constant 0 : i32
      %dma_start3A_118 = tpu.memref_slice %arg4[%add3A, %run_scoped3A_13, %dma_start3A_116, %dma_start3A_117] : memref<32x3x36x96xi32, #tpu.memory_space<hbm>> -> memref<1x1x36x96xi32, #tpu.memory_space<hbm>>
      %dma_start3A_119 = tpu.memref_squeeze %dma_start3A_118 : memref<1x1x36x96xi32, #tpu.memory_space<hbm>> -> memref<36x96xi32, #tpu.memory_space<hbm>>
      %dma_start3A_120 = arith.constant 0 : i32
      %dma_start3A_121 = arith.constant 0 : i32
      %dma_start3A_122 = tpu.memref_slice %arg4[%add3A, %run_scoped3A_13, %dma_start3A_120, %dma_start3A_121] : memref<32x3x36x96xi32, #tpu.memory_space<hbm>> -> memref<1x1x36x96xi32, #tpu.memory_space<hbm>>
      %dma_start3A_123 = tpu.memref_squeeze %dma_start3A_122 : memref<1x1x36x96xi32, #tpu.memory_space<hbm>> -> memref<36x96xi32, #tpu.memory_space<hbm>>
      tpu.enqueue_dma source(%dma_start3A_123 : memref<36x96xi32, #tpu.memory_space<hbm>>) target(%arg7 : memref<36x96xi32, #tpu.memory_space<vmem>>) target_semaphore(%run_scoped3A_115 : memref<!tpu.dma_semaphore, #tpu.memory_space<semaphore_mem>>)
      %dma_wait3A = arith.constant 0 : i32
      %dma_wait3A_124 = arith.constant 0 : i32
      %dma_wait3A_125 = tpu.memref_slice %arg4[%add3A, %run_scoped3A_13, %dma_wait3A, %dma_wait3A_124] : memref<32x3x36x96xi32, #tpu.memory_space<hbm>> -> memref<1x1x36x96xi32, #tpu.memory_space<hbm>>
      %dma_wait3A_126 = tpu.memref_squeeze %dma_wait3A_125 : memref<1x1x36x96xi32, #tpu.memory_space<hbm>> -> memref<36x96xi32, #tpu.memory_space<hbm>>
      %dma_wait3A_127 = arith.constant 0 : i32
      %dma_wait3A_128 = arith.constant 0 : i32
      %dma_wait3A_129 = tpu.memref_slice %arg4[%add3A, %run_scoped3A_13, %dma_wait3A_127, %dma_wait3A_128] : memref<32x3x36x96xi32, #tpu.memory_space<hbm>> -> memref<1x1x36x96xi32, #tpu.memory_space<hbm>>
      %dma_wait3A_130 = tpu.memref_squeeze %dma_wait3A_129 : memref<1x1x36x96xi32, #tpu.memory_space<hbm>> -> memref<36x96xi32, #tpu.memory_space<hbm>>
      tpu.wait_dma2 semaphore(%run_scoped3A_115 : memref<!tpu.dma_semaphore, #tpu.memory_space<semaphore_mem>>) src(%dma_wait3A_130 : memref<36x96xi32, #tpu.memory_space<hbm>>) dst(%arg7 : memref<36x96xi32, #tpu.memory_space<vmem>>)
      tpu.yield
    }) : () -> ()
    %dma_start3A = arith.constant 0 : i32
    %dma_start3A_14 = arith.constant 0 : i32
    %dma_start3A_15 = tpu.memref_slice %arg6[%dma_start3A, %dma_start3A_14] : memref<36x96xi32, #tpu.memory_space<vmem>> -> memref<1x96xi32, #tpu.memory_space<vmem>>
    %dma_start3A_16 = tpu.memref_squeeze %dma_start3A_15 : memref<1x96xi32, #tpu.memory_space<vmem>> -> memref<96xi32, #tpu.memory_space<vmem>>
    %dma_start3A_17 = arith.constant 0 : i32
    %dma_start3A_18 = arith.constant 0 : i32
    %dma_start3A_19 = tpu.memref_slice %arg2[%dma_start3A_17, %dma_start3A_18] : memref<10240x128xf32, #tpu.memory_space<hbm>> -> memref<10240x128xf32, #tpu.memory_space<hbm>>
    tpu.enqueue_indirect_dma source(%dma_start3A_19 : memref<10240x128xf32, #tpu.memory_space<hbm>>) target(%arg8 : memref<96x128xf32, #tpu.memory_space<vmem>>) offsets(%dma_start3A_16 : memref<96xi32, #tpu.memory_space<vmem>>) semaphore(%arg12 : memref<!tpu.dma_semaphore, #tpu.memory_space<semaphore_mem>>)
    %dma_start3A_20 = arith.constant 1 : i32
    %dma_start3A_21 = arith.constant 0 : i32
    %dma_start3A_22 = tpu.memref_slice %arg6[%dma_start3A_20, %dma_start3A_21] : memref<36x96xi32, #tpu.memory_space<vmem>> -> memref<1x96xi32, #tpu.memory_space<vmem>>
    %dma_start3A_23 = tpu.memref_squeeze %dma_start3A_22 : memref<1x96xi32, #tpu.memory_space<vmem>> -> memref<96xi32, #tpu.memory_space<vmem>>
    %dma_start3A_24 = arith.constant 0 : i32
    %dma_start3A_25 = arith.constant 0 : i32
    %dma_start3A_26 = tpu.memref_slice %arg2[%dma_start3A_24, %dma_start3A_25] : memref<10240x128xf32, #tpu.memory_space<hbm>> -> memref<10240x128xf32, #tpu.memory_space<hbm>>
    tpu.enqueue_indirect_dma source(%dma_start3A_26 : memref<10240x128xf32, #tpu.memory_space<hbm>>) target(%arg9 : memref<96x128xf32, #tpu.memory_space<vmem>>) offsets(%dma_start3A_23 : memref<96xi32, #tpu.memory_space<vmem>>) semaphore(%arg13 : memref<!tpu.dma_semaphore, #tpu.memory_space<semaphore_mem>>)
    %dma_start3A_27 = arith.constant 2 : i32
    %dma_start3A_28 = arith.constant 0 : i32
    %dma_start3A_29 = tpu.memref_slice %arg6[%dma_start3A_27, %dma_start3A_28] : memref<36x96xi32, #tpu.memory_space<vmem>> -> memref<1x96xi32, #tpu.memory_space<vmem>>
    %dma_start3A_30 = tpu.memref_squeeze %dma_start3A_29 : memref<1x96xi32, #tpu.memory_space<vmem>> -> memref<96xi32, #tpu.memory_space<vmem>>
    %dma_start3A_31 = arith.constant 0 : i32
    %dma_start3A_32 = arith.constant 0 : i32
    %dma_start3A_33 = tpu.memref_slice %arg2[%dma_start3A_31, %dma_start3A_32] : memref<10240x128xf32, #tpu.memory_space<hbm>> -> memref<10240x128xf32, #tpu.memory_space<hbm>>
    tpu.enqueue_indirect_dma source(%dma_start3A_33 : memref<10240x128xf32, #tpu.memory_space<hbm>>) target(%arg10 : memref<96x128xf32, #tpu.memory_space<vmem>>) offsets(%dma_start3A_30 : memref<96xi32, #tpu.memory_space<vmem>>) semaphore(%arg14 : memref<!tpu.dma_semaphore, #tpu.memory_space<semaphore_mem>>)
    %scan3A_34 = arith.constant 0 : i32
    %scan3A_35 = arith.constant 0 : i32
    %scan3A_36 = arith.constant 1 : i32
    %scan3A_37 = arith.constant 2 : i32
    %scan3A_38 = arith.constant 0 : i32
    %scan3A_39 = arith.constant 12 : i32
    %scan3A_40 = arith.addi %scan3A_38, %scan3A_39 : i32
    %scan3A_41 = arith.constant 1 : i32
    scf.for %scan3A_115 = %scan3A_38 to %scan3A_40 step %scan3A_41  : i32 {
      %mul3A_116 = arith.constant 3 : i32
      %mul3A_117 = arith.muli %scan3A_115, %mul3A_116 : i32
      %add3A_118 = arith.constant 0 : i32
      %add3A_119 = arith.addi %mul3A_117, %add3A_118 : i32
      %dma_wait3A = arith.constant 0 : i32
      %dma_wait3A_120 = tpu.memref_slice %arg6[%scan3A_35, %dma_wait3A] : memref<36x96xi32, #tpu.memory_space<vmem>> -> memref<1x96xi32, #tpu.memory_space<vmem>>
      %dma_wait3A_121 = tpu.memref_squeeze %dma_wait3A_120 : memref<1x96xi32, #tpu.memory_space<vmem>> -> memref<96xi32, #tpu.memory_space<vmem>>
      %dma_wait3A_122 = arith.constant 0 : i32
      %dma_wait3A_123 = arith.constant 0 : i32
      %dma_wait3A_124 = tpu.memref_slice %arg2[%dma_wait3A_122, %dma_wait3A_123] : memref<10240x128xf32, #tpu.memory_space<hbm>> -> memref<10240x128xf32, #tpu.memory_space<hbm>>
      tpu.wait_indirect_dma semaphore(%arg12 : memref<!tpu.dma_semaphore, #tpu.memory_space<semaphore_mem>>) src(%dma_wait3A_124 : memref<10240x128xf32, #tpu.memory_space<hbm>>) dst(%arg8 : memref<96x128xf32, #tpu.memory_space<vmem>>)
      %dma_start3A_125 = arith.constant 0 : i32
      %dma_start3A_126 = tpu.memref_slice %arg7[%add3A_119, %dma_start3A_125] : memref<36x96xi32, #tpu.memory_space<vmem>> -> memref<1x96xi32, #tpu.memory_space<vmem>>
      %dma_start3A_127 = tpu.memref_squeeze %dma_start3A_126 : memref<1x96xi32, #tpu.memory_space<vmem>> -> memref<96xi32, #tpu.memory_space<vmem>>
      %dma_start3A_128 = arith.constant 0 : i32
      %dma_start3A_129 = arith.constant 0 : i32
      %dma_start3A_130 = tpu.memref_slice %arg11[%dma_start3A_128, %dma_start3A_129] : memref<10240x128xf32, #tpu.memory_space<vmem_shared>> -> memref<10240x128xf32, #tpu.memory_space<vmem_shared>>
      tpu.enqueue_indirect_dma source(%arg8 : memref<96x128xf32, #tpu.memory_space<vmem>>) target(%dma_start3A_130 : memref<10240x128xf32, #tpu.memory_space<vmem_shared>>) offsets(%dma_start3A_127 : memref<96xi32, #tpu.memory_space<vmem>>) semaphore(%arg15 : memref<!tpu.dma_semaphore, #tpu.memory_space<semaphore_mem>>) {add = true}
      %dma_wait3A_131 = arith.constant 0 : i32
      %dma_wait3A_132 = tpu.memref_slice %arg7[%add3A_119, %dma_wait3A_131] : memref<36x96xi32, #tpu.memory_space<vmem>> -> memref<1x96xi32, #tpu.memory_space<vmem>>
      %dma_wait3A_133 = tpu.memref_squeeze %dma_wait3A_132 : memref<1x96xi32, #tpu.memory_space<vmem>> -> memref<96xi32, #tpu.memory_space<vmem>>
      %dma_wait3A_134 = arith.constant 0 : i32
      %dma_wait3A_135 = arith.constant 0 : i32
      %dma_wait3A_136 = tpu.memref_slice %arg11[%dma_wait3A_134, %dma_wait3A_135] : memref<10240x128xf32, #tpu.memory_space<vmem_shared>> -> memref<10240x128xf32, #tpu.memory_space<vmem_shared>>
      tpu.wait_indirect_dma semaphore(%arg15 : memref<!tpu.dma_semaphore, #tpu.memory_space<semaphore_mem>>) src(%arg8 : memref<96x128xf32, #tpu.memory_space<vmem>>) dst(%dma_wait3A_136 : memref<10240x128xf32, #tpu.memory_space<vmem_shared>>)
      %add3A_137 = arith.constant 3 : i32
      %add3A_138 = arith.addi %add3A_119, %add3A_137 : i32
      %lt3A = arith.constant 36 : i32
      %lt3A_139 = arith.cmpi slt, %add3A_138, %lt3A : i32
      %convert_element_type3A = arith.extui %lt3A_139 : i1 to i32
      %cond3A = arith.constant 0 : i32
      %cond3A_140 = arith.cmpi ne, %convert_element_type3A, %cond3A : i32
      scf.if %cond3A_140 {
        %add3A_195 = arith.constant 3 : i32
        %add3A_196 = arith.addi %add3A_119, %add3A_195 : i32
        %dma_start3A_197 = arith.constant 0 : i32
        %dma_start3A_198 = tpu.memref_slice %arg6[%add3A_196, %dma_start3A_197] : memref<36x96xi32, #tpu.memory_space<vmem>> -> memref<1x96xi32, #tpu.memory_space<vmem>>
        %dma_start3A_199 = tpu.memref_squeeze %dma_start3A_198 : memref<1x96xi32, #tpu.memory_space<vmem>> -> memref<96xi32, #tpu.memory_space<vmem>>
        %dma_start3A_200 = arith.constant 0 : i32
        %dma_start3A_201 = arith.constant 0 : i32
        %dma_start3A_202 = tpu.memref_slice %arg2[%dma_start3A_200, %dma_start3A_201] : memref<10240x128xf32, #tpu.memory_space<hbm>> -> memref<10240x128xf32, #tpu.memory_space<hbm>>
        tpu.enqueue_indirect_dma source(%dma_start3A_202 : memref<10240x128xf32, #tpu.memory_space<hbm>>) target(%arg8 : memref<96x128xf32, #tpu.memory_space<vmem>>) offsets(%dma_start3A_199 : memref<96xi32, #tpu.memory_space<vmem>>) semaphore(%arg12 : memref<!tpu.dma_semaphore, #tpu.memory_space<semaphore_mem>>)
      } else {
      }
      %add3A_141 = arith.constant 1 : i32
      %add3A_142 = arith.addi %mul3A_117, %add3A_141 : i32
      %dma_wait3A_143 = arith.constant 0 : i32
      %dma_wait3A_144 = tpu.memref_slice %arg6[%scan3A_36, %dma_wait3A_143] : memref<36x96xi32, #tpu.memory_space<vmem>> -> memref<1x96xi32, #tpu.memory_space<vmem>>
      %dma_wait3A_145 = tpu.memref_squeeze %dma_wait3A_144 : memref<1x96xi32, #tpu.memory_space<vmem>> -> memref<96xi32, #tpu.memory_space<vmem>>
      %dma_wait3A_146 = arith.constant 0 : i32
      %dma_wait3A_147 = arith.constant 0 : i32
      %dma_wait3A_148 = tpu.memref_slice %arg2[%dma_wait3A_146, %dma_wait3A_147] : memref<10240x128xf32, #tpu.memory_space<hbm>> -> memref<10240x128xf32, #tpu.memory_space<hbm>>
      tpu.wait_indirect_dma semaphore(%arg13 : memref<!tpu.dma_semaphore, #tpu.memory_space<semaphore_mem>>) src(%dma_wait3A_148 : memref<10240x128xf32, #tpu.memory_space<hbm>>) dst(%arg9 : memref<96x128xf32, #tpu.memory_space<vmem>>)
      %dma_start3A_149 = arith.constant 0 : i32
      %dma_start3A_150 = tpu.memref_slice %arg7[%add3A_142, %dma_start3A_149] : memref<36x96xi32, #tpu.memory_space<vmem>> -> memref<1x96xi32, #tpu.memory_space<vmem>>
      %dma_start3A_151 = tpu.memref_squeeze %dma_start3A_150 : memref<1x96xi32, #tpu.memory_space<vmem>> -> memref<96xi32, #tpu.memory_space<vmem>>
      %dma_start3A_152 = arith.constant 0 : i32
      %dma_start3A_153 = arith.constant 0 : i32
      %dma_start3A_154 = tpu.memref_slice %arg11[%dma_start3A_152, %dma_start3A_153] : memref<10240x128xf32, #tpu.memory_space<vmem_shared>> -> memref<10240x128xf32, #tpu.memory_space<vmem_shared>>
      tpu.enqueue_indirect_dma source(%arg9 : memref<96x128xf32, #tpu.memory_space<vmem>>) target(%dma_start3A_154 : memref<10240x128xf32, #tpu.memory_space<vmem_shared>>) offsets(%dma_start3A_151 : memref<96xi32, #tpu.memory_space<vmem>>) semaphore(%arg16 : memref<!tpu.dma_semaphore, #tpu.memory_space<semaphore_mem>>) {add = true}
      %dma_wait3A_155 = arith.constant 0 : i32
      %dma_wait3A_156 = tpu.memref_slice %arg7[%add3A_142, %dma_wait3A_155] : memref<36x96xi32, #tpu.memory_space<vmem>> -> memref<1x96xi32, #tpu.memory_space<vmem>>
      %dma_wait3A_157 = tpu.memref_squeeze %dma_wait3A_156 : memref<1x96xi32, #tpu.memory_space<vmem>> -> memref<96xi32, #tpu.memory_space<vmem>>
      %dma_wait3A_158 = arith.constant 0 : i32
      %dma_wait3A_159 = arith.constant 0 : i32
      %dma_wait3A_160 = tpu.memref_slice %arg11[%dma_wait3A_158, %dma_wait3A_159] : memref<10240x128xf32, #tpu.memory_space<vmem_shared>> -> memref<10240x128xf32, #tpu.memory_space<vmem_shared>>
      tpu.wait_indirect_dma semaphore(%arg16 : memref<!tpu.dma_semaphore, #tpu.memory_space<semaphore_mem>>) src(%arg9 : memref<96x128xf32, #tpu.memory_space<vmem>>) dst(%dma_wait3A_160 : memref<10240x128xf32, #tpu.memory_space<vmem_shared>>)
      %add3A_161 = arith.constant 3 : i32
      %add3A_162 = arith.addi %add3A_142, %add3A_161 : i32
      %lt3A_163 = arith.constant 36 : i32
      %lt3A_164 = arith.cmpi slt, %add3A_162, %lt3A_163 : i32
      %convert_element_type3A_165 = arith.extui %lt3A_164 : i1 to i32
      %cond3A_166 = arith.constant 0 : i32
      %cond3A_167 = arith.cmpi ne, %convert_element_type3A_165, %cond3A_166 : i32
      scf.if %cond3A_167 {
        %add3A_195 = arith.constant 3 : i32
        %add3A_196 = arith.addi %add3A_142, %add3A_195 : i32
        %dma_start3A_197 = arith.constant 0 : i32
        %dma_start3A_198 = tpu.memref_slice %arg6[%add3A_196, %dma_start3A_197] : memref<36x96xi32, #tpu.memory_space<vmem>> -> memref<1x96xi32, #tpu.memory_space<vmem>>
        %dma_start3A_199 = tpu.memref_squeeze %dma_start3A_198 : memref<1x96xi32, #tpu.memory_space<vmem>> -> memref<96xi32, #tpu.memory_space<vmem>>
        %dma_start3A_200 = arith.constant 0 : i32
        %dma_start3A_201 = arith.constant 0 : i32
        %dma_start3A_202 = tpu.memref_slice %arg2[%dma_start3A_200, %dma_start3A_201] : memref<10240x128xf32, #tpu.memory_space<hbm>> -> memref<10240x128xf32, #tpu.memory_space<hbm>>
        tpu.enqueue_indirect_dma source(%dma_start3A_202 : memref<10240x128xf32, #tpu.memory_space<hbm>>) target(%arg9 : memref<96x128xf32, #tpu.memory_space<vmem>>) offsets(%dma_start3A_199 : memref<96xi32, #tpu.memory_space<vmem>>) semaphore(%arg13 : memref<!tpu.dma_semaphore, #tpu.memory_space<semaphore_mem>>)
      } else {
      }
      %add3A_168 = arith.constant 2 : i32
      %add3A_169 = arith.addi %mul3A_117, %add3A_168 : i32
      %dma_wait3A_170 = arith.constant 0 : i32
      %dma_wait3A_171 = tpu.memref_slice %arg6[%scan3A_37, %dma_wait3A_170] : memref<36x96xi32, #tpu.memory_space<vmem>> -> memref<1x96xi32, #tpu.memory_space<vmem>>
      %dma_wait3A_172 = tpu.memref_squeeze %dma_wait3A_171 : memref<1x96xi32, #tpu.memory_space<vmem>> -> memref<96xi32, #tpu.memory_space<vmem>>
      %dma_wait3A_173 = arith.constant 0 : i32
      %dma_wait3A_174 = arith.constant 0 : i32
      %dma_wait3A_175 = tpu.memref_slice %arg2[%dma_wait3A_173, %dma_wait3A_174] : memref<10240x128xf32, #tpu.memory_space<hbm>> -> memref<10240x128xf32, #tpu.memory_space<hbm>>
      tpu.wait_indirect_dma semaphore(%arg14 : memref<!tpu.dma_semaphore, #tpu.memory_space<semaphore_mem>>) src(%dma_wait3A_175 : memref<10240x128xf32, #tpu.memory_space<hbm>>) dst(%arg10 : memref<96x128xf32, #tpu.memory_space<vmem>>)
      %dma_start3A_176 = arith.constant 0 : i32
      %dma_start3A_177 = tpu.memref_slice %arg7[%add3A_169, %dma_start3A_176] : memref<36x96xi32, #tpu.memory_space<vmem>> -> memref<1x96xi32, #tpu.memory_space<vmem>>
      %dma_start3A_178 = tpu.memref_squeeze %dma_start3A_177 : memref<1x96xi32, #tpu.memory_space<vmem>> -> memref<96xi32, #tpu.memory_space<vmem>>
      %dma_start3A_179 = arith.constant 0 : i32
      %dma_start3A_180 = arith.constant 0 : i32
      %dma_start3A_181 = tpu.memref_slice %arg11[%dma_start3A_179, %dma_start3A_180] : memref<10240x128xf32, #tpu.memory_space<vmem_shared>> -> memref<10240x128xf32, #tpu.memory_space<vmem_shared>>
      tpu.enqueue_indirect_dma source(%arg10 : memref<96x128xf32, #tpu.memory_space<vmem>>) target(%dma_start3A_181 : memref<10240x128xf32, #tpu.memory_space<vmem_shared>>) offsets(%dma_start3A_178 : memref<96xi32, #tpu.memory_space<vmem>>) semaphore(%arg17 : memref<!tpu.dma_semaphore, #tpu.memory_space<semaphore_mem>>) {add = true}
      %dma_wait3A_182 = arith.constant 0 : i32
      %dma_wait3A_183 = tpu.memref_slice %arg7[%add3A_169, %dma_wait3A_182] : memref<36x96xi32, #tpu.memory_space<vmem>> -> memref<1x96xi32, #tpu.memory_space<vmem>>
      %dma_wait3A_184 = tpu.memref_squeeze %dma_wait3A_183 : memref<1x96xi32, #tpu.memory_space<vmem>> -> memref<96xi32, #tpu.memory_space<vmem>>
      %dma_wait3A_185 = arith.constant 0 : i32
      %dma_wait3A_186 = arith.constant 0 : i32
      %dma_wait3A_187 = tpu.memref_slice %arg11[%dma_wait3A_185, %dma_wait3A_186] : memref<10240x128xf32, #tpu.memory_space<vmem_shared>> -> memref<10240x128xf32, #tpu.memory_space<vmem_shared>>
      tpu.wait_indirect_dma semaphore(%arg17 : memref<!tpu.dma_semaphore, #tpu.memory_space<semaphore_mem>>) src(%arg10 : memref<96x128xf32, #tpu.memory_space<vmem>>) dst(%dma_wait3A_187 : memref<10240x128xf32, #tpu.memory_space<vmem_shared>>)
      %add3A_188 = arith.constant 3 : i32
      %add3A_189 = arith.addi %add3A_169, %add3A_188 : i32
      %lt3A_190 = arith.constant 36 : i32
      %lt3A_191 = arith.cmpi slt, %add3A_189, %lt3A_190 : i32
      %convert_element_type3A_192 = arith.extui %lt3A_191 : i1 to i32
      %cond3A_193 = arith.constant 0 : i32
      %cond3A_194 = arith.cmpi ne, %convert_element_type3A_192, %cond3A_193 : i32
      scf.if %cond3A_194 {
        %add3A_195 = arith.constant 3 : i32
        %add3A_196 = arith.addi %add3A_169, %add3A_195 : i32
        %dma_start3A_197 = arith.constant 0 : i32
        %dma_start3A_198 = tpu.memref_slice %arg6[%add3A_196, %dma_start3A_197] : memref<36x96xi32, #tpu.memory_space<vmem>> -> memref<1x96xi32, #tpu.memory_space<vmem>>
        %dma_start3A_199 = tpu.memref_squeeze %dma_start3A_198 : memref<1x96xi32, #tpu.memory_space<vmem>> -> memref<96xi32, #tpu.memory_space<vmem>>
        %dma_start3A_200 = arith.constant 0 : i32
        %dma_start3A_201 = arith.constant 0 : i32
        %dma_start3A_202 = tpu.memref_slice %arg2[%dma_start3A_200, %dma_start3A_201] : memref<10240x128xf32, #tpu.memory_space<hbm>> -> memref<10240x128xf32, #tpu.memory_space<hbm>>
        tpu.enqueue_indirect_dma source(%dma_start3A_202 : memref<10240x128xf32, #tpu.memory_space<hbm>>) target(%arg10 : memref<96x128xf32, #tpu.memory_space<vmem>>) offsets(%dma_start3A_199 : memref<96xi32, #tpu.memory_space<vmem>>) semaphore(%arg14 : memref<!tpu.dma_semaphore, #tpu.memory_space<semaphore_mem>>)
      } else {
      }
    }
    %scan3A_42 = arith.constant 12 : i32
    %run_scoped3A_43 = arith.constant 1 : i32
    "tpu.region"() ({
      %run_scoped3A_115 = tpu.sem_alloc : memref<!tpu.dma_semaphore, #tpu.memory_space<semaphore_mem>>
      %dma_start3A_116 = arith.constant 0 : i32
      %dma_start3A_117 = arith.constant 0 : i32
      %dma_start3A_118 = tpu.memref_slice %arg3[%add3A, %run_scoped3A_43, %dma_start3A_116, %dma_start3A_117] : memref<32x3x36x96xi32, #tpu.memory_space<hbm>> -> memref<1x1x36x96xi32, #tpu.memory_space<hbm>>
      %dma_start3A_119 = tpu.memref_squeeze %dma_start3A_118 : memref<1x1x36x96xi32, #tpu.memory_space<hbm>> -> memref<36x96xi32, #tpu.memory_space<hbm>>
      %dma_start3A_120 = arith.constant 0 : i32
      %dma_start3A_121 = arith.constant 0 : i32
      %dma_start3A_122 = tpu.memref_slice %arg3[%add3A, %run_scoped3A_43, %dma_start3A_120, %dma_start3A_121] : memref<32x3x36x96xi32, #tpu.memory_space<hbm>> -> memref<1x1x36x96xi32, #tpu.memory_space<hbm>>
      %dma_start3A_123 = tpu.memref_squeeze %dma_start3A_122 : memref<1x1x36x96xi32, #tpu.memory_space<hbm>> -> memref<36x96xi32, #tpu.memory_space<hbm>>
      tpu.enqueue_dma source(%dma_start3A_123 : memref<36x96xi32, #tpu.memory_space<hbm>>) target(%arg6 : memref<36x96xi32, #tpu.memory_space<vmem>>) target_semaphore(%run_scoped3A_115 : memref<!tpu.dma_semaphore, #tpu.memory_space<semaphore_mem>>)
      %dma_wait3A = arith.constant 0 : i32
      %dma_wait3A_124 = arith.constant 0 : i32
      %dma_wait3A_125 = tpu.memref_slice %arg3[%add3A, %run_scoped3A_43, %dma_wait3A, %dma_wait3A_124] : memref<32x3x36x96xi32, #tpu.memory_space<hbm>> -> memref<1x1x36x96xi32, #tpu.memory_space<hbm>>
      %dma_wait3A_126 = tpu.memref_squeeze %dma_wait3A_125 : memref<1x1x36x96xi32, #tpu.memory_space<hbm>> -> memref<36x96xi32, #tpu.memory_space<hbm>>
      %dma_wait3A_127 = arith.constant 0 : i32
      %dma_wait3A_128 = arith.constant 0 : i32
      %dma_wait3A_129 = tpu.memref_slice %arg3[%add3A, %run_scoped3A_43, %dma_wait3A_127, %dma_wait3A_128] : memref<32x3x36x96xi32, #tpu.memory_space<hbm>> -> memref<1x1x36x96xi32, #tpu.memory_space<hbm>>
      %dma_wait3A_130 = tpu.memref_squeeze %dma_wait3A_129 : memref<1x1x36x96xi32, #tpu.memory_space<hbm>> -> memref<36x96xi32, #tpu.memory_space<hbm>>
      tpu.wait_dma2 semaphore(%run_scoped3A_115 : memref<!tpu.dma_semaphore, #tpu.memory_space<semaphore_mem>>) src(%dma_wait3A_130 : memref<36x96xi32, #tpu.memory_space<hbm>>) dst(%arg6 : memref<36x96xi32, #tpu.memory_space<vmem>>)
      tpu.yield
    }) : () -> ()
    %run_scoped3A_44 = arith.constant 1 : i32
    "tpu.region"() ({
      %run_scoped3A_115 = tpu.sem_alloc : memref<!tpu.dma_semaphore, #tpu.memory_space<semaphore_mem>>
      %dma_start3A_116 = arith.constant 0 : i32
      %dma_start3A_117 = arith.constant 0 : i32
      %dma_start3A_118 = tpu.memref_slice %arg4[%add3A, %run_scoped3A_44, %dma_start3A_116, %dma_start3A_117] : memref<32x3x36x96xi32, #tpu.memory_space<hbm>> -> memref<1x1x36x96xi32, #tpu.memory_space<hbm>>
      %dma_start3A_119 = tpu.memref_squeeze %dma_start3A_118 : memref<1x1x36x96xi32, #tpu.memory_space<hbm>> -> memref<36x96xi32, #tpu.memory_space<hbm>>
      %dma_start3A_120 = arith.constant 0 : i32
      %dma_start3A_121 = arith.constant 0 : i32
      %dma_start3A_122 = tpu.memref_slice %arg4[%add3A, %run_scoped3A_44, %dma_start3A_120, %dma_start3A_121] : memref<32x3x36x96xi32, #tpu.memory_space<hbm>> -> memref<1x1x36x96xi32, #tpu.memory_space<hbm>>
      %dma_start3A_123 = tpu.memref_squeeze %dma_start3A_122 : memref<1x1x36x96xi32, #tpu.memory_space<hbm>> -> memref<36x96xi32, #tpu.memory_space<hbm>>
      tpu.enqueue_dma source(%dma_start3A_123 : memref<36x96xi32, #tpu.memory_space<hbm>>) target(%arg7 : memref<36x96xi32, #tpu.memory_space<vmem>>) target_semaphore(%run_scoped3A_115 : memref<!tpu.dma_semaphore, #tpu.memory_space<semaphore_mem>>)
      %dma_wait3A = arith.constant 0 : i32
      %dma_wait3A_124 = arith.constant 0 : i32
      %dma_wait3A_125 = tpu.memref_slice %arg4[%add3A, %run_scoped3A_44, %dma_wait3A, %dma_wait3A_124] : memref<32x3x36x96xi32, #tpu.memory_space<hbm>> -> memref<1x1x36x96xi32, #tpu.memory_space<hbm>>
      %dma_wait3A_126 = tpu.memref_squeeze %dma_wait3A_125 : memref<1x1x36x96xi32, #tpu.memory_space<hbm>> -> memref<36x96xi32, #tpu.memory_space<hbm>>
      %dma_wait3A_127 = arith.constant 0 : i32
      %dma_wait3A_128 = arith.constant 0 : i32
      %dma_wait3A_129 = tpu.memref_slice %arg4[%add3A, %run_scoped3A_44, %dma_wait3A_127, %dma_wait3A_128] : memref<32x3x36x96xi32, #tpu.memory_space<hbm>> -> memref<1x1x36x96xi32, #tpu.memory_space<hbm>>
      %dma_wait3A_130 = tpu.memref_squeeze %dma_wait3A_129 : memref<1x1x36x96xi32, #tpu.memory_space<hbm>> -> memref<36x96xi32, #tpu.memory_space<hbm>>
      tpu.wait_dma2 semaphore(%run_scoped3A_115 : memref<!tpu.dma_semaphore, #tpu.memory_space<semaphore_mem>>) src(%dma_wait3A_130 : memref<36x96xi32, #tpu.memory_space<hbm>>) dst(%arg7 : memref<36x96xi32, #tpu.memory_space<vmem>>)
      tpu.yield
    }) : () -> ()
    %dma_start3A_45 = arith.constant 0 : i32
    %dma_start3A_46 = arith.constant 0 : i32
    %dma_start3A_47 = tpu.memref_slice %arg6[%dma_start3A_45, %dma_start3A_46] : memref<36x96xi32, #tpu.memory_space<vmem>> -> memref<1x96xi32, #tpu.memory_space<vmem>>
    %dma_start3A_48 = tpu.memref_squeeze %dma_start3A_47 : memref<1x96xi32, #tpu.memory_space<vmem>> -> memref<96xi32, #tpu.memory_space<vmem>>
    %dma_start3A_49 = arith.constant 0 : i32
    %dma_start3A_50 = arith.constant 0 : i32
    %dma_start3A_51 = tpu.memref_slice %arg2[%dma_start3A_49, %dma_start3A_50] : memref<10240x128xf32, #tpu.memory_space<hbm>> -> memref<10240x128xf32, #tpu.memory_space<hbm>>
    tpu.enqueue_indirect_dma source(%dma_start3A_51 : memref<10240x128xf32, #tpu.memory_space<hbm>>) target(%arg8 : memref<96x128xf32, #tpu.memory_space<vmem>>) offsets(%dma_start3A_48 : memref<96xi32, #tpu.memory_space<vmem>>) semaphore(%arg12 : memref<!tpu.dma_semaphore, #tpu.memory_space<semaphore_mem>>)
    %dma_start3A_52 = arith.constant 1 : i32
    %dma_start3A_53 = arith.constant 0 : i32
    %dma_start3A_54 = tpu.memref_slice %arg6[%dma_start3A_52, %dma_start3A_53] : memref<36x96xi32, #tpu.memory_space<vmem>> -> memref<1x96xi32, #tpu.memory_space<vmem>>
    %dma_start3A_55 = tpu.memref_squeeze %dma_start3A_54 : memref<1x96xi32, #tpu.memory_space<vmem>> -> memref<96xi32, #tpu.memory_space<vmem>>
    %dma_start3A_56 = arith.constant 0 : i32
    %dma_start3A_57 = arith.constant 0 : i32
    %dma_start3A_58 = tpu.memref_slice %arg2[%dma_start3A_56, %dma_start3A_57] : memref<10240x128xf32, #tpu.memory_space<hbm>> -> memref<10240x128xf32, #tpu.memory_space<hbm>>
    tpu.enqueue_indirect_dma source(%dma_start3A_58 : memref<10240x128xf32, #tpu.memory_space<hbm>>) target(%arg9 : memref<96x128xf32, #tpu.memory_space<vmem>>) offsets(%dma_start3A_55 : memref<96xi32, #tpu.memory_space<vmem>>) semaphore(%arg13 : memref<!tpu.dma_semaphore, #tpu.memory_space<semaphore_mem>>)
    %dma_start3A_59 = arith.constant 2 : i32
    %dma_start3A_60 = arith.constant 0 : i32
    %dma_start3A_61 = tpu.memref_slice %arg6[%dma_start3A_59, %dma_start3A_60] : memref<36x96xi32, #tpu.memory_space<vmem>> -> memref<1x96xi32, #tpu.memory_space<vmem>>
    %dma_start3A_62 = tpu.memref_squeeze %dma_start3A_61 : memref<1x96xi32, #tpu.memory_space<vmem>> -> memref<96xi32, #tpu.memory_space<vmem>>
    %dma_start3A_63 = arith.constant 0 : i32
    %dma_start3A_64 = arith.constant 0 : i32
    %dma_start3A_65 = tpu.memref_slice %arg2[%dma_start3A_63, %dma_start3A_64] : memref<10240x128xf32, #tpu.memory_space<hbm>> -> memref<10240x128xf32, #tpu.memory_space<hbm>>
    tpu.enqueue_indirect_dma source(%dma_start3A_65 : memref<10240x128xf32, #tpu.memory_space<hbm>>) target(%arg10 : memref<96x128xf32, #tpu.memory_space<vmem>>) offsets(%dma_start3A_62 : memref<96xi32, #tpu.memory_space<vmem>>) semaphore(%arg14 : memref<!tpu.dma_semaphore, #tpu.memory_space<semaphore_mem>>)
    %scan3A_66 = arith.constant 0 : i32
    %scan3A_67 = arith.constant 0 : i32
    %scan3A_68 = arith.constant 1 : i32
    %scan3A_69 = arith.constant 2 : i32
    %scan3A_70 = arith.constant 0 : i32
    %scan3A_71 = arith.constant 12 : i32
    %scan3A_72 = arith.addi %scan3A_70, %scan3A_71 : i32
    %scan3A_73 = arith.constant 1 : i32
    scf.for %scan3A_115 = %scan3A_70 to %scan3A_72 step %scan3A_73  : i32 {
      %mul3A_116 = arith.constant 3 : i32
      %mul3A_117 = arith.muli %scan3A_115, %mul3A_116 : i32
      %add3A_118 = arith.constant 0 : i32
      %add3A_119 = arith.addi %mul3A_117, %add3A_118 : i32
      %dma_wait3A = arith.constant 0 : i32
      %dma_wait3A_120 = tpu.memref_slice %arg6[%scan3A_67, %dma_wait3A] : memref<36x96xi32, #tpu.memory_space<vmem>> -> memref<1x96xi32, #tpu.memory_space<vmem>>
      %dma_wait3A_121 = tpu.memref_squeeze %dma_wait3A_120 : memref<1x96xi32, #tpu.memory_space<vmem>> -> memref<96xi32, #tpu.memory_space<vmem>>
      %dma_wait3A_122 = arith.constant 0 : i32
      %dma_wait3A_123 = arith.constant 0 : i32
      %dma_wait3A_124 = tpu.memref_slice %arg2[%dma_wait3A_122, %dma_wait3A_123] : memref<10240x128xf32, #tpu.memory_space<hbm>> -> memref<10240x128xf32, #tpu.memory_space<hbm>>
      tpu.wait_indirect_dma semaphore(%arg12 : memref<!tpu.dma_semaphore, #tpu.memory_space<semaphore_mem>>) src(%dma_wait3A_124 : memref<10240x128xf32, #tpu.memory_space<hbm>>) dst(%arg8 : memref<96x128xf32, #tpu.memory_space<vmem>>)
      %dma_start3A_125 = arith.constant 0 : i32
      %dma_start3A_126 = tpu.memref_slice %arg7[%add3A_119, %dma_start3A_125] : memref<36x96xi32, #tpu.memory_space<vmem>> -> memref<1x96xi32, #tpu.memory_space<vmem>>
      %dma_start3A_127 = tpu.memref_squeeze %dma_start3A_126 : memref<1x96xi32, #tpu.memory_space<vmem>> -> memref<96xi32, #tpu.memory_space<vmem>>
      %dma_start3A_128 = arith.constant 0 : i32
      %dma_start3A_129 = arith.constant 0 : i32
      %dma_start3A_130 = tpu.memref_slice %arg11[%dma_start3A_128, %dma_start3A_129] : memref<10240x128xf32, #tpu.memory_space<vmem_shared>> -> memref<10240x128xf32, #tpu.memory_space<vmem_shared>>
      tpu.enqueue_indirect_dma source(%arg8 : memref<96x128xf32, #tpu.memory_space<vmem>>) target(%dma_start3A_130 : memref<10240x128xf32, #tpu.memory_space<vmem_shared>>) offsets(%dma_start3A_127 : memref<96xi32, #tpu.memory_space<vmem>>) semaphore(%arg15 : memref<!tpu.dma_semaphore, #tpu.memory_space<semaphore_mem>>) {add = true}
      %dma_wait3A_131 = arith.constant 0 : i32
      %dma_wait3A_132 = tpu.memref_slice %arg7[%add3A_119, %dma_wait3A_131] : memref<36x96xi32, #tpu.memory_space<vmem>> -> memref<1x96xi32, #tpu.memory_space<vmem>>
      %dma_wait3A_133 = tpu.memref_squeeze %dma_wait3A_132 : memref<1x96xi32, #tpu.memory_space<vmem>> -> memref<96xi32, #tpu.memory_space<vmem>>
      %dma_wait3A_134 = arith.constant 0 : i32
      %dma_wait3A_135 = arith.constant 0 : i32
      %dma_wait3A_136 = tpu.memref_slice %arg11[%dma_wait3A_134, %dma_wait3A_135] : memref<10240x128xf32, #tpu.memory_space<vmem_shared>> -> memref<10240x128xf32, #tpu.memory_space<vmem_shared>>
      tpu.wait_indirect_dma semaphore(%arg15 : memref<!tpu.dma_semaphore, #tpu.memory_space<semaphore_mem>>) src(%arg8 : memref<96x128xf32, #tpu.memory_space<vmem>>) dst(%dma_wait3A_136 : memref<10240x128xf32, #tpu.memory_space<vmem_shared>>)
      %add3A_137 = arith.constant 3 : i32
      %add3A_138 = arith.addi %add3A_119, %add3A_137 : i32
      %lt3A = arith.constant 36 : i32
      %lt3A_139 = arith.cmpi slt, %add3A_138, %lt3A : i32
      %convert_element_type3A = arith.extui %lt3A_139 : i1 to i32
      %cond3A = arith.constant 0 : i32
      %cond3A_140 = arith.cmpi ne, %convert_element_type3A, %cond3A : i32
      scf.if %cond3A_140 {
        %add3A_195 = arith.constant 3 : i32
        %add3A_196 = arith.addi %add3A_119, %add3A_195 : i32
        %dma_start3A_197 = arith.constant 0 : i32
        %dma_start3A_198 = tpu.memref_slice %arg6[%add3A_196, %dma_start3A_197] : memref<36x96xi32, #tpu.memory_space<vmem>> -> memref<1x96xi32, #tpu.memory_space<vmem>>
        %dma_start3A_199 = tpu.memref_squeeze %dma_start3A_198 : memref<1x96xi32, #tpu.memory_space<vmem>> -> memref<96xi32, #tpu.memory_space<vmem>>
        %dma_start3A_200 = arith.constant 0 : i32
        %dma_start3A_201 = arith.constant 0 : i32
        %dma_start3A_202 = tpu.memref_slice %arg2[%dma_start3A_200, %dma_start3A_201] : memref<10240x128xf32, #tpu.memory_space<hbm>> -> memref<10240x128xf32, #tpu.memory_space<hbm>>
        tpu.enqueue_indirect_dma source(%dma_start3A_202 : memref<10240x128xf32, #tpu.memory_space<hbm>>) target(%arg8 : memref<96x128xf32, #tpu.memory_space<vmem>>) offsets(%dma_start3A_199 : memref<96xi32, #tpu.memory_space<vmem>>) semaphore(%arg12 : memref<!tpu.dma_semaphore, #tpu.memory_space<semaphore_mem>>)
      } else {
      }
      %add3A_141 = arith.constant 1 : i32
      %add3A_142 = arith.addi %mul3A_117, %add3A_141 : i32
      %dma_wait3A_143 = arith.constant 0 : i32
      %dma_wait3A_144 = tpu.memref_slice %arg6[%scan3A_68, %dma_wait3A_143] : memref<36x96xi32, #tpu.memory_space<vmem>> -> memref<1x96xi32, #tpu.memory_space<vmem>>
      %dma_wait3A_145 = tpu.memref_squeeze %dma_wait3A_144 : memref<1x96xi32, #tpu.memory_space<vmem>> -> memref<96xi32, #tpu.memory_space<vmem>>
      %dma_wait3A_146 = arith.constant 0 : i32
      %dma_wait3A_147 = arith.constant 0 : i32
      %dma_wait3A_148 = tpu.memref_slice %arg2[%dma_wait3A_146, %dma_wait3A_147] : memref<10240x128xf32, #tpu.memory_space<hbm>> -> memref<10240x128xf32, #tpu.memory_space<hbm>>
      tpu.wait_indirect_dma semaphore(%arg13 : memref<!tpu.dma_semaphore, #tpu.memory_space<semaphore_mem>>) src(%dma_wait3A_148 : memref<10240x128xf32, #tpu.memory_space<hbm>>) dst(%arg9 : memref<96x128xf32, #tpu.memory_space<vmem>>)
      %dma_start3A_149 = arith.constant 0 : i32
      %dma_start3A_150 = tpu.memref_slice %arg7[%add3A_142, %dma_start3A_149] : memref<36x96xi32, #tpu.memory_space<vmem>> -> memref<1x96xi32, #tpu.memory_space<vmem>>
      %dma_start3A_151 = tpu.memref_squeeze %dma_start3A_150 : memref<1x96xi32, #tpu.memory_space<vmem>> -> memref<96xi32, #tpu.memory_space<vmem>>
      %dma_start3A_152 = arith.constant 0 : i32
      %dma_start3A_153 = arith.constant 0 : i32
      %dma_start3A_154 = tpu.memref_slice %arg11[%dma_start3A_152, %dma_start3A_153] : memref<10240x128xf32, #tpu.memory_space<vmem_shared>> -> memref<10240x128xf32, #tpu.memory_space<vmem_shared>>
      tpu.enqueue_indirect_dma source(%arg9 : memref<96x128xf32, #tpu.memory_space<vmem>>) target(%dma_start3A_154 : memref<10240x128xf32, #tpu.memory_space<vmem_shared>>) offsets(%dma_start3A_151 : memref<96xi32, #tpu.memory_space<vmem>>) semaphore(%arg16 : memref<!tpu.dma_semaphore, #tpu.memory_space<semaphore_mem>>) {add = true}
      %dma_wait3A_155 = arith.constant 0 : i32
      %dma_wait3A_156 = tpu.memref_slice %arg7[%add3A_142, %dma_wait3A_155] : memref<36x96xi32, #tpu.memory_space<vmem>> -> memref<1x96xi32, #tpu.memory_space<vmem>>
      %dma_wait3A_157 = tpu.memref_squeeze %dma_wait3A_156 : memref<1x96xi32, #tpu.memory_space<vmem>> -> memref<96xi32, #tpu.memory_space<vmem>>
      %dma_wait3A_158 = arith.constant 0 : i32
      %dma_wait3A_159 = arith.constant 0 : i32
      %dma_wait3A_160 = tpu.memref_slice %arg11[%dma_wait3A_158, %dma_wait3A_159] : memref<10240x128xf32, #tpu.memory_space<vmem_shared>> -> memref<10240x128xf32, #tpu.memory_space<vmem_shared>>
      tpu.wait_indirect_dma semaphore(%arg16 : memref<!tpu.dma_semaphore, #tpu.memory_space<semaphore_mem>>) src(%arg9 : memref<96x128xf32, #tpu.memory_space<vmem>>) dst(%dma_wait3A_160 : memref<10240x128xf32, #tpu.memory_space<vmem_shared>>)
      %add3A_161 = arith.constant 3 : i32
      %add3A_162 = arith.addi %add3A_142, %add3A_161 : i32
      %lt3A_163 = arith.constant 36 : i32
      %lt3A_164 = arith.cmpi slt, %add3A_162, %lt3A_163 : i32
      %convert_element_type3A_165 = arith.extui %lt3A_164 : i1 to i32
      %cond3A_166 = arith.constant 0 : i32
      %cond3A_167 = arith.cmpi ne, %convert_element_type3A_165, %cond3A_166 : i32
      scf.if %cond3A_167 {
        %add3A_195 = arith.constant 3 : i32
        %add3A_196 = arith.addi %add3A_142, %add3A_195 : i32
        %dma_start3A_197 = arith.constant 0 : i32
        %dma_start3A_198 = tpu.memref_slice %arg6[%add3A_196, %dma_start3A_197] : memref<36x96xi32, #tpu.memory_space<vmem>> -> memref<1x96xi32, #tpu.memory_space<vmem>>
        %dma_start3A_199 = tpu.memref_squeeze %dma_start3A_198 : memref<1x96xi32, #tpu.memory_space<vmem>> -> memref<96xi32, #tpu.memory_space<vmem>>
        %dma_start3A_200 = arith.constant 0 : i32
        %dma_start3A_201 = arith.constant 0 : i32
        %dma_start3A_202 = tpu.memref_slice %arg2[%dma_start3A_200, %dma_start3A_201] : memref<10240x128xf32, #tpu.memory_space<hbm>> -> memref<10240x128xf32, #tpu.memory_space<hbm>>
        tpu.enqueue_indirect_dma source(%dma_start3A_202 : memref<10240x128xf32, #tpu.memory_space<hbm>>) target(%arg9 : memref<96x128xf32, #tpu.memory_space<vmem>>) offsets(%dma_start3A_199 : memref<96xi32, #tpu.memory_space<vmem>>) semaphore(%arg13 : memref<!tpu.dma_semaphore, #tpu.memory_space<semaphore_mem>>)
      } else {
      }
      %add3A_168 = arith.constant 2 : i32
      %add3A_169 = arith.addi %mul3A_117, %add3A_168 : i32
      %dma_wait3A_170 = arith.constant 0 : i32
      %dma_wait3A_171 = tpu.memref_slice %arg6[%scan3A_69, %dma_wait3A_170] : memref<36x96xi32, #tpu.memory_space<vmem>> -> memref<1x96xi32, #tpu.memory_space<vmem>>
      %dma_wait3A_172 = tpu.memref_squeeze %dma_wait3A_171 : memref<1x96xi32, #tpu.memory_space<vmem>> -> memref<96xi32, #tpu.memory_space<vmem>>
      %dma_wait3A_173 = arith.constant 0 : i32
      %dma_wait3A_174 = arith.constant 0 : i32
      %dma_wait3A_175 = tpu.memref_slice %arg2[%dma_wait3A_173, %dma_wait3A_174] : memref<10240x128xf32, #tpu.memory_space<hbm>> -> memref<10240x128xf32, #tpu.memory_space<hbm>>
      tpu.wait_indirect_dma semaphore(%arg14 : memref<!tpu.dma_semaphore, #tpu.memory_space<semaphore_mem>>) src(%dma_wait3A_175 : memref<10240x128xf32, #tpu.memory_space<hbm>>) dst(%arg10 : memref<96x128xf32, #tpu.memory_space<vmem>>)
      %dma_start3A_176 = arith.constant 0 : i32
      %dma_start3A_177 = tpu.memref_slice %arg7[%add3A_169, %dma_start3A_176] : memref<36x96xi32, #tpu.memory_space<vmem>> -> memref<1x96xi32, #tpu.memory_space<vmem>>
      %dma_start3A_178 = tpu.memref_squeeze %dma_start3A_177 : memref<1x96xi32, #tpu.memory_space<vmem>> -> memref<96xi32, #tpu.memory_space<vmem>>
      %dma_start3A_179 = arith.constant 0 : i32
      %dma_start3A_180 = arith.constant 0 : i32
      %dma_start3A_181 = tpu.memref_slice %arg11[%dma_start3A_179, %dma_start3A_180] : memref<10240x128xf32, #tpu.memory_space<vmem_shared>> -> memref<10240x128xf32, #tpu.memory_space<vmem_shared>>
      tpu.enqueue_indirect_dma source(%arg10 : memref<96x128xf32, #tpu.memory_space<vmem>>) target(%dma_start3A_181 : memref<10240x128xf32, #tpu.memory_space<vmem_shared>>) offsets(%dma_start3A_178 : memref<96xi32, #tpu.memory_space<vmem>>) semaphore(%arg17 : memref<!tpu.dma_semaphore, #tpu.memory_space<semaphore_mem>>) {add = true}
      %dma_wait3A_182 = arith.constant 0 : i32
      %dma_wait3A_183 = tpu.memref_slice %arg7[%add3A_169, %dma_wait3A_182] : memref<36x96xi32, #tpu.memory_space<vmem>> -> memref<1x96xi32, #tpu.memory_space<vmem>>
      %dma_wait3A_184 = tpu.memref_squeeze %dma_wait3A_183 : memref<1x96xi32, #tpu.memory_space<vmem>> -> memref<96xi32, #tpu.memory_space<vmem>>
      %dma_wait3A_185 = arith.constant 0 : i32
      %dma_wait3A_186 = arith.constant 0 : i32
      %dma_wait3A_187 = tpu.memref_slice %arg11[%dma_wait3A_185, %dma_wait3A_186] : memref<10240x128xf32, #tpu.memory_space<vmem_shared>> -> memref<10240x128xf32, #tpu.memory_space<vmem_shared>>
      tpu.wait_indirect_dma semaphore(%arg17 : memref<!tpu.dma_semaphore, #tpu.memory_space<semaphore_mem>>) src(%arg10 : memref<96x128xf32, #tpu.memory_space<vmem>>) dst(%dma_wait3A_187 : memref<10240x128xf32, #tpu.memory_space<vmem_shared>>)
      %add3A_188 = arith.constant 3 : i32
      %add3A_189 = arith.addi %add3A_169, %add3A_188 : i32
      %lt3A_190 = arith.constant 36 : i32
      %lt3A_191 = arith.cmpi slt, %add3A_189, %lt3A_190 : i32
      %convert_element_type3A_192 = arith.extui %lt3A_191 : i1 to i32
      %cond3A_193 = arith.constant 0 : i32
      %cond3A_194 = arith.cmpi ne, %convert_element_type3A_192, %cond3A_193 : i32
      scf.if %cond3A_194 {
        %add3A_195 = arith.constant 3 : i32
        %add3A_196 = arith.addi %add3A_169, %add3A_195 : i32
        %dma_start3A_197 = arith.constant 0 : i32
        %dma_start3A_198 = tpu.memref_slice %arg6[%add3A_196, %dma_start3A_197] : memref<36x96xi32, #tpu.memory_space<vmem>> -> memref<1x96xi32, #tpu.memory_space<vmem>>
        %dma_start3A_199 = tpu.memref_squeeze %dma_start3A_198 : memref<1x96xi32, #tpu.memory_space<vmem>> -> memref<96xi32, #tpu.memory_space<vmem>>
        %dma_start3A_200 = arith.constant 0 : i32
        %dma_start3A_201 = arith.constant 0 : i32
        %dma_start3A_202 = tpu.memref_slice %arg2[%dma_start3A_200, %dma_start3A_201] : memref<10240x128xf32, #tpu.memory_space<hbm>> -> memref<10240x128xf32, #tpu.memory_space<hbm>>
        tpu.enqueue_indirect_dma source(%dma_start3A_202 : memref<10240x128xf32, #tpu.memory_space<hbm>>) target(%arg10 : memref<96x128xf32, #tpu.memory_space<vmem>>) offsets(%dma_start3A_199 : memref<96xi32, #tpu.memory_space<vmem>>) semaphore(%arg14 : memref<!tpu.dma_semaphore, #tpu.memory_space<semaphore_mem>>)
      } else {
      }
    }
    %scan3A_74 = arith.constant 12 : i32
    %run_scoped3A_75 = arith.constant 2 : i32
    "tpu.region"() ({
      %run_scoped3A_115 = tpu.sem_alloc : memref<!tpu.dma_semaphore, #tpu.memory_space<semaphore_mem>>
      %dma_start3A_116 = arith.constant 0 : i32
      %dma_start3A_117 = arith.constant 0 : i32
      %dma_start3A_118 = tpu.memref_slice %arg3[%add3A, %run_scoped3A_75, %dma_start3A_116, %dma_start3A_117] : memref<32x3x36x96xi32, #tpu.memory_space<hbm>> -> memref<1x1x36x96xi32, #tpu.memory_space<hbm>>
      %dma_start3A_119 = tpu.memref_squeeze %dma_start3A_118 : memref<1x1x36x96xi32, #tpu.memory_space<hbm>> -> memref<36x96xi32, #tpu.memory_space<hbm>>
      %dma_start3A_120 = arith.constant 0 : i32
      %dma_start3A_121 = arith.constant 0 : i32
      %dma_start3A_122 = tpu.memref_slice %arg3[%add3A, %run_scoped3A_75, %dma_start3A_120, %dma_start3A_121] : memref<32x3x36x96xi32, #tpu.memory_space<hbm>> -> memref<1x1x36x96xi32, #tpu.memory_space<hbm>>
      %dma_start3A_123 = tpu.memref_squeeze %dma_start3A_122 : memref<1x1x36x96xi32, #tpu.memory_space<hbm>> -> memref<36x96xi32, #tpu.memory_space<hbm>>
      tpu.enqueue_dma source(%dma_start3A_123 : memref<36x96xi32, #tpu.memory_space<hbm>>) target(%arg6 : memref<36x96xi32, #tpu.memory_space<vmem>>) target_semaphore(%run_scoped3A_115 : memref<!tpu.dma_semaphore, #tpu.memory_space<semaphore_mem>>)
      %dma_wait3A = arith.constant 0 : i32
      %dma_wait3A_124 = arith.constant 0 : i32
      %dma_wait3A_125 = tpu.memref_slice %arg3[%add3A, %run_scoped3A_75, %dma_wait3A, %dma_wait3A_124] : memref<32x3x36x96xi32, #tpu.memory_space<hbm>> -> memref<1x1x36x96xi32, #tpu.memory_space<hbm>>
      %dma_wait3A_126 = tpu.memref_squeeze %dma_wait3A_125 : memref<1x1x36x96xi32, #tpu.memory_space<hbm>> -> memref<36x96xi32, #tpu.memory_space<hbm>>
      %dma_wait3A_127 = arith.constant 0 : i32
      %dma_wait3A_128 = arith.constant 0 : i32
      %dma_wait3A_129 = tpu.memref_slice %arg3[%add3A, %run_scoped3A_75, %dma_wait3A_127, %dma_wait3A_128] : memref<32x3x36x96xi32, #tpu.memory_space<hbm>> -> memref<1x1x36x96xi32, #tpu.memory_space<hbm>>
      %dma_wait3A_130 = tpu.memref_squeeze %dma_wait3A_129 : memref<1x1x36x96xi32, #tpu.memory_space<hbm>> -> memref<36x96xi32, #tpu.memory_space<hbm>>
      tpu.wait_dma2 semaphore(%run_scoped3A_115 : memref<!tpu.dma_semaphore, #tpu.memory_space<semaphore_mem>>) src(%dma_wait3A_130 : memref<36x96xi32, #tpu.memory_space<hbm>>) dst(%arg6 : memref<36x96xi32, #tpu.memory_space<vmem>>)
      tpu.yield
    }) : () -> ()
    %run_scoped3A_76 = arith.constant 2 : i32
    "tpu.region"() ({
      %run_scoped3A_115 = tpu.sem_alloc : memref<!tpu.dma_semaphore, #tpu.memory_space<semaphore_mem>>
      %dma_start3A_116 = arith.constant 0 : i32
      %dma_start3A_117 = arith.constant 0 : i32
      %dma_start3A_118 = tpu.memref_slice %arg4[%add3A, %run_scoped3A_76, %dma_start3A_116, %dma_start3A_117] : memref<32x3x36x96xi32, #tpu.memory_space<hbm>> -> memref<1x1x36x96xi32, #tpu.memory_space<hbm>>
      %dma_start3A_119 = tpu.memref_squeeze %dma_start3A_118 : memref<1x1x36x96xi32, #tpu.memory_space<hbm>> -> memref<36x96xi32, #tpu.memory_space<hbm>>
      %dma_start3A_120 = arith.constant 0 : i32
      %dma_start3A_121 = arith.constant 0 : i32
      %dma_start3A_122 = tpu.memref_slice %arg4[%add3A, %run_scoped3A_76, %dma_start3A_120, %dma_start3A_121] : memref<32x3x36x96xi32, #tpu.memory_space<hbm>> -> memref<1x1x36x96xi32, #tpu.memory_space<hbm>>
      %dma_start3A_123 = tpu.memref_squeeze %dma_start3A_122 : memref<1x1x36x96xi32, #tpu.memory_space<hbm>> -> memref<36x96xi32, #tpu.memory_space<hbm>>
      tpu.enqueue_dma source(%dma_start3A_123 : memref<36x96xi32, #tpu.memory_space<hbm>>) target(%arg7 : memref<36x96xi32, #tpu.memory_space<vmem>>) target_semaphore(%run_scoped3A_115 : memref<!tpu.dma_semaphore, #tpu.memory_space<semaphore_mem>>)
      %dma_wait3A = arith.constant 0 : i32
      %dma_wait3A_124 = arith.constant 0 : i32
      %dma_wait3A_125 = tpu.memref_slice %arg4[%add3A, %run_scoped3A_76, %dma_wait3A, %dma_wait3A_124] : memref<32x3x36x96xi32, #tpu.memory_space<hbm>> -> memref<1x1x36x96xi32, #tpu.memory_space<hbm>>
      %dma_wait3A_126 = tpu.memref_squeeze %dma_wait3A_125 : memref<1x1x36x96xi32, #tpu.memory_space<hbm>> -> memref<36x96xi32, #tpu.memory_space<hbm>>
      %dma_wait3A_127 = arith.constant 0 : i32
      %dma_wait3A_128 = arith.constant 0 : i32
      %dma_wait3A_129 = tpu.memref_slice %arg4[%add3A, %run_scoped3A_76, %dma_wait3A_127, %dma_wait3A_128] : memref<32x3x36x96xi32, #tpu.memory_space<hbm>> -> memref<1x1x36x96xi32, #tpu.memory_space<hbm>>
      %dma_wait3A_130 = tpu.memref_squeeze %dma_wait3A_129 : memref<1x1x36x96xi32, #tpu.memory_space<hbm>> -> memref<36x96xi32, #tpu.memory_space<hbm>>
      tpu.wait_dma2 semaphore(%run_scoped3A_115 : memref<!tpu.dma_semaphore, #tpu.memory_space<semaphore_mem>>) src(%dma_wait3A_130 : memref<36x96xi32, #tpu.memory_space<hbm>>) dst(%arg7 : memref<36x96xi32, #tpu.memory_space<vmem>>)
      tpu.yield
    }) : () -> ()
    %dma_start3A_77 = arith.constant 0 : i32
    %dma_start3A_78 = arith.constant 0 : i32
    %dma_start3A_79 = tpu.memref_slice %arg6[%dma_start3A_77, %dma_start3A_78] : memref<36x96xi32, #tpu.memory_space<vmem>> -> memref<1x96xi32, #tpu.memory_space<vmem>>
    %dma_start3A_80 = tpu.memref_squeeze %dma_start3A_79 : memref<1x96xi32, #tpu.memory_space<vmem>> -> memref<96xi32, #tpu.memory_space<vmem>>
    %dma_start3A_81 = arith.constant 0 : i32
    %dma_start3A_82 = arith.constant 0 : i32
    %dma_start3A_83 = tpu.memref_slice %arg2[%dma_start3A_81, %dma_start3A_82] : memref<10240x128xf32, #tpu.memory_space<hbm>> -> memref<10240x128xf32, #tpu.memory_space<hbm>>
    tpu.enqueue_indirect_dma source(%dma_start3A_83 : memref<10240x128xf32, #tpu.memory_space<hbm>>) target(%arg8 : memref<96x128xf32, #tpu.memory_space<vmem>>) offsets(%dma_start3A_80 : memref<96xi32, #tpu.memory_space<vmem>>) semaphore(%arg12 : memref<!tpu.dma_semaphore, #tpu.memory_space<semaphore_mem>>)
    %dma_start3A_84 = arith.constant 1 : i32
    %dma_start3A_85 = arith.constant 0 : i32
    %dma_start3A_86 = tpu.memref_slice %arg6[%dma_start3A_84, %dma_start3A_85] : memref<36x96xi32, #tpu.memory_space<vmem>> -> memref<1x96xi32, #tpu.memory_space<vmem>>
    %dma_start3A_87 = tpu.memref_squeeze %dma_start3A_86 : memref<1x96xi32, #tpu.memory_space<vmem>> -> memref<96xi32, #tpu.memory_space<vmem>>
    %dma_start3A_88 = arith.constant 0 : i32
    %dma_start3A_89 = arith.constant 0 : i32
    %dma_start3A_90 = tpu.memref_slice %arg2[%dma_start3A_88, %dma_start3A_89] : memref<10240x128xf32, #tpu.memory_space<hbm>> -> memref<10240x128xf32, #tpu.memory_space<hbm>>
    tpu.enqueue_indirect_dma source(%dma_start3A_90 : memref<10240x128xf32, #tpu.memory_space<hbm>>) target(%arg9 : memref<96x128xf32, #tpu.memory_space<vmem>>) offsets(%dma_start3A_87 : memref<96xi32, #tpu.memory_space<vmem>>) semaphore(%arg13 : memref<!tpu.dma_semaphore, #tpu.memory_space<semaphore_mem>>)
    %dma_start3A_91 = arith.constant 2 : i32
    %dma_start3A_92 = arith.constant 0 : i32
    %dma_start3A_93 = tpu.memref_slice %arg6[%dma_start3A_91, %dma_start3A_92] : memref<36x96xi32, #tpu.memory_space<vmem>> -> memref<1x96xi32, #tpu.memory_space<vmem>>
    %dma_start3A_94 = tpu.memref_squeeze %dma_start3A_93 : memref<1x96xi32, #tpu.memory_space<vmem>> -> memref<96xi32, #tpu.memory_space<vmem>>
    %dma_start3A_95 = arith.constant 0 : i32
    %dma_start3A_96 = arith.constant 0 : i32
    %dma_start3A_97 = tpu.memref_slice %arg2[%dma_start3A_95, %dma_start3A_96] : memref<10240x128xf32, #tpu.memory_space<hbm>> -> memref<10240x128xf32, #tpu.memory_space<hbm>>
    tpu.enqueue_indirect_dma source(%dma_start3A_97 : memref<10240x128xf32, #tpu.memory_space<hbm>>) target(%arg10 : memref<96x128xf32, #tpu.memory_space<vmem>>) offsets(%dma_start3A_94 : memref<96xi32, #tpu.memory_space<vmem>>) semaphore(%arg14 : memref<!tpu.dma_semaphore, #tpu.memory_space<semaphore_mem>>)
    %scan3A_98 = arith.constant 0 : i32
    %scan3A_99 = arith.constant 0 : i32
    %scan3A_100 = arith.constant 1 : i32
    %scan3A_101 = arith.constant 2 : i32
    %scan3A_102 = arith.constant 0 : i32
    %scan3A_103 = arith.constant 12 : i32
    %scan3A_104 = arith.addi %scan3A_102, %scan3A_103 : i32
    %scan3A_105 = arith.constant 1 : i32
    scf.for %scan3A_115 = %scan3A_102 to %scan3A_104 step %scan3A_105  : i32 {
      %mul3A_116 = arith.constant 3 : i32
      %mul3A_117 = arith.muli %scan3A_115, %mul3A_116 : i32
      %add3A_118 = arith.constant 0 : i32
      %add3A_119 = arith.addi %mul3A_117, %add3A_118 : i32
      %dma_wait3A = arith.constant 0 : i32
      %dma_wait3A_120 = tpu.memref_slice %arg6[%scan3A_99, %dma_wait3A] : memref<36x96xi32, #tpu.memory_space<vmem>> -> memref<1x96xi32, #tpu.memory_space<vmem>>
      %dma_wait3A_121 = tpu.memref_squeeze %dma_wait3A_120 : memref<1x96xi32, #tpu.memory_space<vmem>> -> memref<96xi32, #tpu.memory_space<vmem>>
      %dma_wait3A_122 = arith.constant 0 : i32
      %dma_wait3A_123 = arith.constant 0 : i32
      %dma_wait3A_124 = tpu.memref_slice %arg2[%dma_wait3A_122, %dma_wait3A_123] : memref<10240x128xf32, #tpu.memory_space<hbm>> -> memref<10240x128xf32, #tpu.memory_space<hbm>>
      tpu.wait_indirect_dma semaphore(%arg12 : memref<!tpu.dma_semaphore, #tpu.memory_space<semaphore_mem>>) src(%dma_wait3A_124 : memref<10240x128xf32, #tpu.memory_space<hbm>>) dst(%arg8 : memref<96x128xf32, #tpu.memory_space<vmem>>)
      %dma_start3A_125 = arith.constant 0 : i32
      %dma_start3A_126 = tpu.memref_slice %arg7[%add3A_119, %dma_start3A_125] : memref<36x96xi32, #tpu.memory_space<vmem>> -> memref<1x96xi32, #tpu.memory_space<vmem>>
      %dma_start3A_127 = tpu.memref_squeeze %dma_start3A_126 : memref<1x96xi32, #tpu.memory_space<vmem>> -> memref<96xi32, #tpu.memory_space<vmem>>
      %dma_start3A_128 = arith.constant 0 : i32
      %dma_start3A_129 = arith.constant 0 : i32
      %dma_start3A_130 = tpu.memref_slice %arg11[%dma_start3A_128, %dma_start3A_129] : memref<10240x128xf32, #tpu.memory_space<vmem_shared>> -> memref<10240x128xf32, #tpu.memory_space<vmem_shared>>
      tpu.enqueue_indirect_dma source(%arg8 : memref<96x128xf32, #tpu.memory_space<vmem>>) target(%dma_start3A_130 : memref<10240x128xf32, #tpu.memory_space<vmem_shared>>) offsets(%dma_start3A_127 : memref<96xi32, #tpu.memory_space<vmem>>) semaphore(%arg15 : memref<!tpu.dma_semaphore, #tpu.memory_space<semaphore_mem>>) {add = true}
      %dma_wait3A_131 = arith.constant 0 : i32
      %dma_wait3A_132 = tpu.memref_slice %arg7[%add3A_119, %dma_wait3A_131] : memref<36x96xi32, #tpu.memory_space<vmem>> -> memref<1x96xi32, #tpu.memory_space<vmem>>
      %dma_wait3A_133 = tpu.memref_squeeze %dma_wait3A_132 : memref<1x96xi32, #tpu.memory_space<vmem>> -> memref<96xi32, #tpu.memory_space<vmem>>
      %dma_wait3A_134 = arith.constant 0 : i32
      %dma_wait3A_135 = arith.constant 0 : i32
      %dma_wait3A_136 = tpu.memref_slice %arg11[%dma_wait3A_134, %dma_wait3A_135] : memref<10240x128xf32, #tpu.memory_space<vmem_shared>> -> memref<10240x128xf32, #tpu.memory_space<vmem_shared>>
      tpu.wait_indirect_dma semaphore(%arg15 : memref<!tpu.dma_semaphore, #tpu.memory_space<semaphore_mem>>) src(%arg8 : memref<96x128xf32, #tpu.memory_space<vmem>>) dst(%dma_wait3A_136 : memref<10240x128xf32, #tpu.memory_space<vmem_shared>>)
      %add3A_137 = arith.constant 3 : i32
      %add3A_138 = arith.addi %add3A_119, %add3A_137 : i32
      %lt3A = arith.constant 36 : i32
      %lt3A_139 = arith.cmpi slt, %add3A_138, %lt3A : i32
      %convert_element_type3A = arith.extui %lt3A_139 : i1 to i32
      %cond3A = arith.constant 0 : i32
      %cond3A_140 = arith.cmpi ne, %convert_element_type3A, %cond3A : i32
      scf.if %cond3A_140 {
        %add3A_195 = arith.constant 3 : i32
        %add3A_196 = arith.addi %add3A_119, %add3A_195 : i32
        %dma_start3A_197 = arith.constant 0 : i32
        %dma_start3A_198 = tpu.memref_slice %arg6[%add3A_196, %dma_start3A_197] : memref<36x96xi32, #tpu.memory_space<vmem>> -> memref<1x96xi32, #tpu.memory_space<vmem>>
        %dma_start3A_199 = tpu.memref_squeeze %dma_start3A_198 : memref<1x96xi32, #tpu.memory_space<vmem>> -> memref<96xi32, #tpu.memory_space<vmem>>
        %dma_start3A_200 = arith.constant 0 : i32
        %dma_start3A_201 = arith.constant 0 : i32
        %dma_start3A_202 = tpu.memref_slice %arg2[%dma_start3A_200, %dma_start3A_201] : memref<10240x128xf32, #tpu.memory_space<hbm>> -> memref<10240x128xf32, #tpu.memory_space<hbm>>
        tpu.enqueue_indirect_dma source(%dma_start3A_202 : memref<10240x128xf32, #tpu.memory_space<hbm>>) target(%arg8 : memref<96x128xf32, #tpu.memory_space<vmem>>) offsets(%dma_start3A_199 : memref<96xi32, #tpu.memory_space<vmem>>) semaphore(%arg12 : memref<!tpu.dma_semaphore, #tpu.memory_space<semaphore_mem>>)
      } else {
      }
      %add3A_141 = arith.constant 1 : i32
      %add3A_142 = arith.addi %mul3A_117, %add3A_141 : i32
      %dma_wait3A_143 = arith.constant 0 : i32
      %dma_wait3A_144 = tpu.memref_slice %arg6[%scan3A_100, %dma_wait3A_143] : memref<36x96xi32, #tpu.memory_space<vmem>> -> memref<1x96xi32, #tpu.memory_space<vmem>>
      %dma_wait3A_145 = tpu.memref_squeeze %dma_wait3A_144 : memref<1x96xi32, #tpu.memory_space<vmem>> -> memref<96xi32, #tpu.memory_space<vmem>>
      %dma_wait3A_146 = arith.constant 0 : i32
      %dma_wait3A_147 = arith.constant 0 : i32
      %dma_wait3A_148 = tpu.memref_slice %arg2[%dma_wait3A_146, %dma_wait3A_147] : memref<10240x128xf32, #tpu.memory_space<hbm>> -> memref<10240x128xf32, #tpu.memory_space<hbm>>
      tpu.wait_indirect_dma semaphore(%arg13 : memref<!tpu.dma_semaphore, #tpu.memory_space<semaphore_mem>>) src(%dma_wait3A_148 : memref<10240x128xf32, #tpu.memory_space<hbm>>) dst(%arg9 : memref<96x128xf32, #tpu.memory_space<vmem>>)
      %dma_start3A_149 = arith.constant 0 : i32
      %dma_start3A_150 = tpu.memref_slice %arg7[%add3A_142, %dma_start3A_149] : memref<36x96xi32, #tpu.memory_space<vmem>> -> memref<1x96xi32, #tpu.memory_space<vmem>>
      %dma_start3A_151 = tpu.memref_squeeze %dma_start3A_150 : memref<1x96xi32, #tpu.memory_space<vmem>> -> memref<96xi32, #tpu.memory_space<vmem>>
      %dma_start3A_152 = arith.constant 0 : i32
      %dma_start3A_153 = arith.constant 0 : i32
      %dma_start3A_154 = tpu.memref_slice %arg11[%dma_start3A_152, %dma_start3A_153] : memref<10240x128xf32, #tpu.memory_space<vmem_shared>> -> memref<10240x128xf32, #tpu.memory_space<vmem_shared>>
      tpu.enqueue_indirect_dma source(%arg9 : memref<96x128xf32, #tpu.memory_space<vmem>>) target(%dma_start3A_154 : memref<10240x128xf32, #tpu.memory_space<vmem_shared>>) offsets(%dma_start3A_151 : memref<96xi32, #tpu.memory_space<vmem>>) semaphore(%arg16 : memref<!tpu.dma_semaphore, #tpu.memory_space<semaphore_mem>>) {add = true}
      %dma_wait3A_155 = arith.constant 0 : i32
      %dma_wait3A_156 = tpu.memref_slice %arg7[%add3A_142, %dma_wait3A_155] : memref<36x96xi32, #tpu.memory_space<vmem>> -> memref<1x96xi32, #tpu.memory_space<vmem>>
      %dma_wait3A_157 = tpu.memref_squeeze %dma_wait3A_156 : memref<1x96xi32, #tpu.memory_space<vmem>> -> memref<96xi32, #tpu.memory_space<vmem>>
      %dma_wait3A_158 = arith.constant 0 : i32
      %dma_wait3A_159 = arith.constant 0 : i32
      %dma_wait3A_160 = tpu.memref_slice %arg11[%dma_wait3A_158, %dma_wait3A_159] : memref<10240x128xf32, #tpu.memory_space<vmem_shared>> -> memref<10240x128xf32, #tpu.memory_space<vmem_shared>>
      tpu.wait_indirect_dma semaphore(%arg16 : memref<!tpu.dma_semaphore, #tpu.memory_space<semaphore_mem>>) src(%arg9 : memref<96x128xf32, #tpu.memory_space<vmem>>) dst(%dma_wait3A_160 : memref<10240x128xf32, #tpu.memory_space<vmem_shared>>)
      %add3A_161 = arith.constant 3 : i32
      %add3A_162 = arith.addi %add3A_142, %add3A_161 : i32
      %lt3A_163 = arith.constant 36 : i32
      %lt3A_164 = arith.cmpi slt, %add3A_162, %lt3A_163 : i32
      %convert_element_type3A_165 = arith.extui %lt3A_164 : i1 to i32
      %cond3A_166 = arith.constant 0 : i32
      %cond3A_167 = arith.cmpi ne, %convert_element_type3A_165, %cond3A_166 : i32
      scf.if %cond3A_167 {
        %add3A_195 = arith.constant 3 : i32
        %add3A_196 = arith.addi %add3A_142, %add3A_195 : i32
        %dma_start3A_197 = arith.constant 0 : i32
        %dma_start3A_198 = tpu.memref_slice %arg6[%add3A_196, %dma_start3A_197] : memref<36x96xi32, #tpu.memory_space<vmem>> -> memref<1x96xi32, #tpu.memory_space<vmem>>
        %dma_start3A_199 = tpu.memref_squeeze %dma_start3A_198 : memref<1x96xi32, #tpu.memory_space<vmem>> -> memref<96xi32, #tpu.memory_space<vmem>>
        %dma_start3A_200 = arith.constant 0 : i32
        %dma_start3A_201 = arith.constant 0 : i32
        %dma_start3A_202 = tpu.memref_slice %arg2[%dma_start3A_200, %dma_start3A_201] : memref<10240x128xf32, #tpu.memory_space<hbm>> -> memref<10240x128xf32, #tpu.memory_space<hbm>>
        tpu.enqueue_indirect_dma source(%dma_start3A_202 : memref<10240x128xf32, #tpu.memory_space<hbm>>) target(%arg9 : memref<96x128xf32, #tpu.memory_space<vmem>>) offsets(%dma_start3A_199 : memref<96xi32, #tpu.memory_space<vmem>>) semaphore(%arg13 : memref<!tpu.dma_semaphore, #tpu.memory_space<semaphore_mem>>)
      } else {
      }
      %add3A_168 = arith.constant 2 : i32
      %add3A_169 = arith.addi %mul3A_117, %add3A_168 : i32
      %dma_wait3A_170 = arith.constant 0 : i32
      %dma_wait3A_171 = tpu.memref_slice %arg6[%scan3A_101, %dma_wait3A_170] : memref<36x96xi32, #tpu.memory_space<vmem>> -> memref<1x96xi32, #tpu.memory_space<vmem>>
      %dma_wait3A_172 = tpu.memref_squeeze %dma_wait3A_171 : memref<1x96xi32, #tpu.memory_space<vmem>> -> memref<96xi32, #tpu.memory_space<vmem>>
      %dma_wait3A_173 = arith.constant 0 : i32
      %dma_wait3A_174 = arith.constant 0 : i32
      %dma_wait3A_175 = tpu.memref_slice %arg2[%dma_wait3A_173, %dma_wait3A_174] : memref<10240x128xf32, #tpu.memory_space<hbm>> -> memref<10240x128xf32, #tpu.memory_space<hbm>>
      tpu.wait_indirect_dma semaphore(%arg14 : memref<!tpu.dma_semaphore, #tpu.memory_space<semaphore_mem>>) src(%dma_wait3A_175 : memref<10240x128xf32, #tpu.memory_space<hbm>>) dst(%arg10 : memref<96x128xf32, #tpu.memory_space<vmem>>)
      %dma_start3A_176 = arith.constant 0 : i32
      %dma_start3A_177 = tpu.memref_slice %arg7[%add3A_169, %dma_start3A_176] : memref<36x96xi32, #tpu.memory_space<vmem>> -> memref<1x96xi32, #tpu.memory_space<vmem>>
      %dma_start3A_178 = tpu.memref_squeeze %dma_start3A_177 : memref<1x96xi32, #tpu.memory_space<vmem>> -> memref<96xi32, #tpu.memory_space<vmem>>
      %dma_start3A_179 = arith.constant 0 : i32
      %dma_start3A_180 = arith.constant 0 : i32
      %dma_start3A_181 = tpu.memref_slice %arg11[%dma_start3A_179, %dma_start3A_180] : memref<10240x128xf32, #tpu.memory_space<vmem_shared>> -> memref<10240x128xf32, #tpu.memory_space<vmem_shared>>
      tpu.enqueue_indirect_dma source(%arg10 : memref<96x128xf32, #tpu.memory_space<vmem>>) target(%dma_start3A_181 : memref<10240x128xf32, #tpu.memory_space<vmem_shared>>) offsets(%dma_start3A_178 : memref<96xi32, #tpu.memory_space<vmem>>) semaphore(%arg17 : memref<!tpu.dma_semaphore, #tpu.memory_space<semaphore_mem>>) {add = true}
      %dma_wait3A_182 = arith.constant 0 : i32
      %dma_wait3A_183 = tpu.memref_slice %arg7[%add3A_169, %dma_wait3A_182] : memref<36x96xi32, #tpu.memory_space<vmem>> -> memref<1x96xi32, #tpu.memory_space<vmem>>
      %dma_wait3A_184 = tpu.memref_squeeze %dma_wait3A_183 : memref<1x96xi32, #tpu.memory_space<vmem>> -> memref<96xi32, #tpu.memory_space<vmem>>
      %dma_wait3A_185 = arith.constant 0 : i32
      %dma_wait3A_186 = arith.constant 0 : i32
      %dma_wait3A_187 = tpu.memref_slice %arg11[%dma_wait3A_185, %dma_wait3A_186] : memref<10240x128xf32, #tpu.memory_space<vmem_shared>> -> memref<10240x128xf32, #tpu.memory_space<vmem_shared>>
      tpu.wait_indirect_dma semaphore(%arg17 : memref<!tpu.dma_semaphore, #tpu.memory_space<semaphore_mem>>) src(%arg10 : memref<96x128xf32, #tpu.memory_space<vmem>>) dst(%dma_wait3A_187 : memref<10240x128xf32, #tpu.memory_space<vmem_shared>>)
      %add3A_188 = arith.constant 3 : i32
      %add3A_189 = arith.addi %add3A_169, %add3A_188 : i32
      %lt3A_190 = arith.constant 36 : i32
      %lt3A_191 = arith.cmpi slt, %add3A_189, %lt3A_190 : i32
      %convert_element_type3A_192 = arith.extui %lt3A_191 : i1 to i32
      %cond3A_193 = arith.constant 0 : i32
      %cond3A_194 = arith.cmpi ne, %convert_element_type3A_192, %cond3A_193 : i32
      scf.if %cond3A_194 {
        %add3A_195 = arith.constant 3 : i32
        %add3A_196 = arith.addi %add3A_169, %add3A_195 : i32
        %dma_start3A_197 = arith.constant 0 : i32
        %dma_start3A_198 = tpu.memref_slice %arg6[%add3A_196, %dma_start3A_197] : memref<36x96xi32, #tpu.memory_space<vmem>> -> memref<1x96xi32, #tpu.memory_space<vmem>>
        %dma_start3A_199 = tpu.memref_squeeze %dma_start3A_198 : memref<1x96xi32, #tpu.memory_space<vmem>> -> memref<96xi32, #tpu.memory_space<vmem>>
        %dma_start3A_200 = arith.constant 0 : i32
        %dma_start3A_201 = arith.constant 0 : i32
        %dma_start3A_202 = tpu.memref_slice %arg2[%dma_start3A_200, %dma_start3A_201] : memref<10240x128xf32, #tpu.memory_space<hbm>> -> memref<10240x128xf32, #tpu.memory_space<hbm>>
        tpu.enqueue_indirect_dma source(%dma_start3A_202 : memref<10240x128xf32, #tpu.memory_space<hbm>>) target(%arg10 : memref<96x128xf32, #tpu.memory_space<vmem>>) offsets(%dma_start3A_199 : memref<96xi32, #tpu.memory_space<vmem>>) semaphore(%arg14 : memref<!tpu.dma_semaphore, #tpu.memory_space<semaphore_mem>>)
      } else {
      }
    }
    %scan3A_106 = arith.constant 12 : i32
    %barrier3A_107 = arith.constant 0 : index
    tpu.barrier barrier_id(%barrier3A_107)
    %mul3A_108 = arith.constant 640 : i32
    %mul3A_109 = arith.muli %arg1, %mul3A_108 : i32
    %mul3A_110 = arith.constant 10240 : i32
    %mul3A_111 = arith.muli %arg0, %mul3A_110 : i32
    %mul3A_112 = arith.constant 640 : i32
    %mul3A_113 = arith.muli %arg1, %mul3A_112 : i32
    %add3A_114 = arith.addi %mul3A_111, %mul3A_113 : i32
    "tpu.region"() ({
      %run_scoped3A_115 = tpu.sem_alloc : memref<!tpu.dma_semaphore, #tpu.memory_space<semaphore_mem>>
      %dma_start3A_116 = arith.constant 0 : i32
      %dma_start3A_117 = tpu.memref_slice %arg5[%add3A_114, %dma_start3A_116] : memref<20480x128xf32, #tpu.memory_space<hbm>> -> memref<640x128xf32, #tpu.memory_space<hbm>>
      %dma_start3A_118 = arith.constant 0 : i32
      %dma_start3A_119 = tpu.memref_slice %arg11[%mul3A_109, %dma_start3A_118] : memref<10240x128xf32, #tpu.memory_space<vmem_shared>> -> memref<640x128xf32, #tpu.memory_space<vmem_shared>>
      tpu.enqueue_dma source(%dma_start3A_119 : memref<640x128xf32, #tpu.memory_space<vmem_shared>>) target(%dma_start3A_117 : memref<640x128xf32, #tpu.memory_space<hbm>>) target_semaphore(%run_scoped3A_115 : memref<!tpu.dma_semaphore, #tpu.memory_space<semaphore_mem>>)
      %dma_wait3A = arith.constant 0 : i32
      %dma_wait3A_120 = tpu.memref_slice %arg5[%add3A_114, %dma_wait3A] : memref<20480x128xf32, #tpu.memory_space<hbm>> -> memref<640x128xf32, #tpu.memory_space<hbm>>
      %dma_wait3A_121 = arith.constant 0 : i32
      %dma_wait3A_122 = tpu.memref_slice %arg11[%mul3A_109, %dma_wait3A_121] : memref<10240x128xf32, #tpu.memory_space<vmem_shared>> -> memref<640x128xf32, #tpu.memory_space<vmem_shared>>
      tpu.wait_dma2 semaphore(%run_scoped3A_115 : memref<!tpu.dma_semaphore, #tpu.memory_space<semaphore_mem>>) src(%dma_wait3A_122 : memref<640x128xf32, #tpu.memory_space<vmem_shared>>) dst(%dma_wait3A_120 : memref<640x128xf32, #tpu.memory_space<hbm>>)
      tpu.yield
    }) : () -> ()
    return
  }
}

module attributes {stable_mosaic.version = 14 : i64} {
  func.func @_prep_body(%arg0: memref<20480x16xf32, #tpu.memory_space<vmem>>, %arg1: memref<10240x128xf32, #tpu.memory_space<vmem>>, %arg2: memref<1024x1024xf32, #tpu.memory_space<vmem>>, %arg3: memref<1024x64xf32, #tpu.memory_space<vmem>>, %arg4: memref<1x1024xf32, #tpu.memory_space<vmem>>, %arg5: memref<1x64xf32, #tpu.memory_space<vmem>>, %arg6: memref<10240x1xf32, #tpu.memory_space<vmem>>, %arg7: memref<10240x128xf32, #tpu.memory_space<vmem>>, %arg8: memref<1024x128xf32, #tpu.memory_space<vmem>>, %arg9: memref<1x64xf32, #tpu.memory_space<vmem>>) attributes {dimension_semantics = [], scalar_prefetch = 0 : i64, scratch_operands = 0 : i64, tpu.core_type = #tpu.core_type<tc>} {
    %get3A = arith.constant 0 : index
    %get3A_0 = arith.constant 0 : index
    %get3A_1 = vector.load %arg0[%get3A, %get3A_0] : memref<20480x16xf32, #tpu.memory_space<vmem>>, vector<20480x16xf32>
    %slice3A = vector.extract_strided_slice %get3A_1 {offsets = [0, 0], sizes = [10240, 1], strides = [1, 1]} : vector<20480x16xf32> to vector<10240x1xf32>
    %slice3A_2 = vector.extract_strided_slice %get3A_1 {offsets = [10240, 0], sizes = [10240, 1], strides = [1, 1]} : vector<20480x16xf32> to vector<10240x1xf32>
    %add3A = arith.addf %slice3A, %slice3A_2 : vector<10240x1xf32>
    %add3A_3 = arith.constant 1.000000e+00 : f32
    %add3A_4 = vector.broadcast %add3A_3 : f32 to vector<10240x1xf32>
    %add3A_5 = arith.addf %add3A, %add3A_4 : vector<10240x1xf32>
    %rsqrt3A = math.rsqrt %add3A_5 : vector<10240x1xf32>
    %swap3A = arith.constant 0 : index
    %swap3A_6 = arith.constant 0 : index
    %swap3A_7 = vector.load %arg6[%swap3A, %swap3A_6] : memref<10240x1xf32, #tpu.memory_space<vmem>>, vector<10240x1xf32>
    tpu.vector_store %arg6[%swap3A, %swap3A_6], %rsqrt3A {strides = array<i32>} : memref<10240x1xf32, #tpu.memory_space<vmem>>, vector<10240x1xf32>,
    %get3A_8 = arith.constant 0 : index
    %get3A_9 = arith.constant 0 : index
    %get3A_10 = vector.load %arg1[%get3A_8, %get3A_9] : memref<10240x128xf32, #tpu.memory_space<vmem>>, vector<10240x128xf32>
    %mul3A = vector.broadcast %rsqrt3A : vector<10240x1xf32> to vector<10240x128xf32>
    %mul3A_11 = arith.mulf %get3A_10, %mul3A : vector<10240x128xf32>
    %swap3A_12 = arith.constant 0 : index
    %swap3A_13 = arith.constant 0 : index
    %swap3A_14 = vector.load %arg7[%swap3A_12, %swap3A_13] : memref<10240x128xf32, #tpu.memory_space<vmem>>, vector<10240x128xf32>
    tpu.vector_store %arg7[%swap3A_12, %swap3A_13], %mul3A_11 {strides = array<i32>} : memref<10240x128xf32, #tpu.memory_space<vmem>>, vector<10240x128xf32>,
    %get3A_15 = arith.constant 0 : index
    %get3A_16 = arith.constant 0 : index
    %get3A_17 = vector.load %arg2[%get3A_15, %get3A_16] : memref<1024x1024xf32, #tpu.memory_space<vmem>>, vector<1024x1024xf32>
    %get3A_18 = arith.constant 0 : index
    %get3A_19 = arith.constant 0 : index
    %get3A_20 = vector.load %arg3[%get3A_18, %get3A_19] : memref<1024x64xf32, #tpu.memory_space<vmem>>, vector<1024x64xf32>
    %dot_general3A = arith.constant dense<0.000000e+00> : vector<1024x64xf32>
    %dot_general3A_21 = tpu.matmul %get3A_17, %get3A_20, %dot_general3A {dimension_numbers = #tpu.dot_dimension_numbers<[1], [0], [0], [1], [0, 0, 1, 1], [], []>, transpose_lhs_hint = false} : vector<1024x1024xf32>, vector<1024x64xf32>, vector<1024x64xf32> -> vector<1024x64xf32>
    %jit3A = arith.constant 0 : i32
    %convert_element_type3A = arith.sitofp %jit3A : i32 to f32
    %pad3A = vector.broadcast %convert_element_type3A : f32 to vector<1024x64xf32>
    %pad3A_22 = tpu.concatenate %dot_general3A_21, %pad3A in 1 : vector<1024x64xf32>, vector<1024x64xf32> -> vector<1024x128xf32>
    %swap3A_23 = arith.constant 0 : index
    %swap3A_24 = arith.constant 0 : index
    %swap3A_25 = vector.load %arg8[%swap3A_23, %swap3A_24] : memref<1024x128xf32, #tpu.memory_space<vmem>>, vector<1024x128xf32>
    tpu.vector_store %arg8[%swap3A_23, %swap3A_24], %pad3A_22 {strides = array<i32>} : memref<1024x128xf32, #tpu.memory_space<vmem>>, vector<1024x128xf32>,
    %get3A_26 = arith.constant 0 : index
    %get3A_27 = arith.constant 0 : index
    %get3A_28 = vector.load %arg4[%get3A_26, %get3A_27] : memref<1x1024xf32, #tpu.memory_space<vmem>>, vector<1x1024xf32>
    %get3A_29 = arith.constant 0 : index
    %get3A_30 = arith.constant 0 : index
    %get3A_31 = vector.load %arg3[%get3A_29, %get3A_30] : memref<1024x64xf32, #tpu.memory_space<vmem>>, vector<1024x64xf32>
    %dot_general3A_32 = arith.constant dense<0.000000e+00> : vector<1x64xf32>
    %dot_general3A_33 = tpu.matmul %get3A_28, %get3A_31, %dot_general3A_32 {dimension_numbers = #tpu.dot_dimension_numbers<[1], [0], [0], [1], [0, 0, 1, 1], [], []>, transpose_lhs_hint = false} : vector<1x1024xf32>, vector<1024x64xf32>, vector<1x64xf32> -> vector<1x64xf32>
    %get3A_34 = arith.constant 0 : index
    %get3A_35 = arith.constant 0 : index
    %get3A_36 = vector.load %arg5[%get3A_34, %get3A_35] : memref<1x64xf32, #tpu.memory_space<vmem>>, vector<1x64xf32>
    %add3A_37 = arith.addf %dot_general3A_33, %get3A_36 : vector<1x64xf32>
    %swap3A_38 = arith.constant 0 : index
    %swap3A_39 = arith.constant 0 : index
    %swap3A_40 = vector.load %arg9[%swap3A_38, %swap3A_39] : memref<1x64xf32, #tpu.memory_space<vmem>>, vector<1x64xf32>
    tpu.vector_store %arg9[%swap3A_38, %swap3A_39], %add3A_37 {strides = array<i32>} : memref<1x64xf32, #tpu.memory_space<vmem>>, vector<1x64xf32>,
    return
  }
}

module attributes {stable_mosaic.version = 14 : i64} {
  func.func @_mid_body(%arg0: i32, %arg1: memref<1024x128xf32, #tpu.memory_space<vmem>>, %arg2: memref<1024x128xf32, #tpu.memory_space<vmem>>, %arg3: memref<1024x128xf32, #tpu.memory_space<vmem>>, %arg4: memref<1024x1xf32, #tpu.memory_space<vmem>>, %arg5: memref<128x1024xf32, #tpu.memory_space<vmem>>, %arg6: memref<1x1024xf32, #tpu.memory_space<vmem>>, %arg7: memref<1024x128xf32, #tpu.memory_space<vmem>>, %arg8: memref<1024x128xf32, #tpu.memory_space<vmem>>) attributes {dimension_semantics = [#tpu.dimension_semantics<arbitrary>], iteration_bounds = array<i64: 10>, scalar_prefetch = 0 : i64, scratch_operands = 0 : i64, tpu.core_type = #tpu.core_type<tc>, window_params = [{transform_indices = @transform_0, window_bounds = array<i64: 1024, 128>}, {transform_indices = @transform_1, window_bounds = array<i64: 1024, 128>}, {transform_indices = @transform_2, window_bounds = array<i64: 1024, 128>}, {transform_indices = @transform_3, window_bounds = array<i64: 1024, 1>}, {pipeline_mode = #tpu.pipeline_mode<synchronous>, transform_indices = @transform_4, window_bounds = array<i64: 128, 1024>}, {pipeline_mode = #tpu.pipeline_mode<synchronous>, transform_indices = @transform_5, window_bounds = array<i64: 1, 1024>}, {pipeline_mode = #tpu.pipeline_mode<synchronous>, transform_indices = @transform_6, window_bounds = array<i64: 1024, 128>}, {transform_indices = @transform_7, window_bounds = array<i64: 1024, 128>}]} {
    %get3A = arith.constant 0 : index
    %get3A_0 = arith.constant 0 : index
    %get3A_1 = vector.load %arg4[%get3A, %get3A_0] : memref<1024x1xf32, #tpu.memory_space<vmem>>, vector<1024x1xf32>
    %get3A_2 = arith.constant 0 : index
    %get3A_3 = arith.constant 0 : index
    %get3A_4 = vector.load %arg1[%get3A_2, %get3A_3] : memref<1024x128xf32, #tpu.memory_space<vmem>>, vector<1024x128xf32>
    %get3A_5 = arith.constant 0 : index
    %get3A_6 = arith.constant 0 : index
    %get3A_7 = vector.load %arg2[%get3A_5, %get3A_6] : memref<1024x128xf32, #tpu.memory_space<vmem>>, vector<1024x128xf32>
    %add3A = arith.addf %get3A_4, %get3A_7 : vector<1024x128xf32>
    %get3A_8 = arith.constant 0 : index
    %get3A_9 = arith.constant 0 : index
    %get3A_10 = vector.load %arg3[%get3A_8, %get3A_9] : memref<1024x128xf32, #tpu.memory_space<vmem>>, vector<1024x128xf32>
    %add3A_11 = arith.addf %add3A, %get3A_10 : vector<1024x128xf32>
    %mul3A = vector.broadcast %get3A_1 : vector<1024x1xf32> to vector<1024x128xf32>
    %mul3A_12 = arith.mulf %mul3A, %add3A_11 : vector<1024x128xf32>
    %get3A_13 = arith.constant 0 : index
    %get3A_14 = arith.constant 0 : index
    %get3A_15 = vector.load %arg5[%get3A_13, %get3A_14] : memref<128x1024xf32, #tpu.memory_space<vmem>>, vector<128x1024xf32>
    %dot_general3A = arith.constant dense<0.000000e+00> : vector<1024x1024xf32>
    %dot_general3A_16 = tpu.matmul %mul3A_12, %get3A_15, %dot_general3A {dimension_numbers = #tpu.dot_dimension_numbers<[1], [0], [0], [1], [0, 0, 1, 1], [], []>, transpose_lhs_hint = false} : vector<1024x128xf32>, vector<128x1024xf32>, vector<1024x1024xf32> -> vector<1024x1024xf32>
    %get3A_17 = arith.constant 0 : index
    %get3A_18 = arith.constant 0 : index
    %get3A_19 = vector.load %arg6[%get3A_17, %get3A_18] : memref<1x1024xf32, #tpu.memory_space<vmem>>, vector<1x1024xf32>
    %add3A_20 = vector.broadcast %get3A_19 : vector<1x1024xf32> to vector<1024x1024xf32>
    %add3A_21 = arith.addf %dot_general3A_16, %add3A_20 : vector<1024x1024xf32>
    %max3A = arith.constant 0.000000e+00 : f32
    %max3A_22 = vector.broadcast %max3A : f32 to vector<1024x1024xf32>
    %max3A_23 = arith.maximumf %add3A_21, %max3A_22 : vector<1024x1024xf32>
    %get3A_24 = arith.constant 0 : index
    %get3A_25 = arith.constant 0 : index
    %get3A_26 = vector.load %arg4[%get3A_24, %get3A_25] : memref<1024x1xf32, #tpu.memory_space<vmem>>, vector<1024x1xf32>
    %get3A_27 = arith.constant 0 : index
    %get3A_28 = arith.constant 0 : index
    %get3A_29 = vector.load %arg7[%get3A_27, %get3A_28] : memref<1024x128xf32, #tpu.memory_space<vmem>>, vector<1024x128xf32>
    %dot_general3A_30 = arith.constant dense<0.000000e+00> : vector<1024x128xf32>
    %dot_general3A_31 = tpu.matmul %max3A_23, %get3A_29, %dot_general3A_30 {dimension_numbers = #tpu.dot_dimension_numbers<[1], [0], [0], [1], [0, 0, 1, 1], [], []>, transpose_lhs_hint = false} : vector<1024x1024xf32>, vector<1024x128xf32>, vector<1024x128xf32> -> vector<1024x128xf32>
    %mul3A_32 = vector.broadcast %get3A_26 : vector<1024x1xf32> to vector<1024x128xf32>
    %mul3A_33 = arith.mulf %mul3A_32, %dot_general3A_31 : vector<1024x128xf32>
    %swap3A = arith.constant 0 : index
    %swap3A_34 = arith.constant 0 : index
    %swap3A_35 = vector.load %arg8[%swap3A, %swap3A_34] : memref<1024x128xf32, #tpu.memory_space<vmem>>, vector<1024x128xf32>
    tpu.vector_store %arg8[%swap3A, %swap3A_34], %mul3A_33 {strides = array<i32>} : memref<1024x128xf32, #tpu.memory_space<vmem>>, vector<1024x128xf32>,
    return
  }
  func.func @transform_0(%arg0: i32) -> (i32, i32) {
    %c0_i32 = arith.constant 0 : i32
    %c0_i32_0 = arith.constant 0 : i32
    return %arg0, %c0_i32 : i32, i32
  }
  func.func @transform_1(%arg0: i32) -> (i32, i32) {
    %add3A = arith.constant 10 : i32
    %add3A_0 = arith.addi %arg0, %add3A : i32
    %c0_i32 = arith.constant 0 : i32
    %c0_i32_1 = arith.constant 0 : i32
    return %add3A_0, %c0_i32 : i32, i32
  }
  func.func @transform_2(%arg0: i32) -> (i32, i32) {
    %c0_i32 = arith.constant 0 : i32
    %c0_i32_0 = arith.constant 0 : i32
    return %arg0, %c0_i32 : i32, i32
  }
  func.func @transform_3(%arg0: i32) -> (i32, i32) {
    %c0_i32 = arith.constant 0 : i32
    %c0_i32_0 = arith.constant 0 : i32
    return %arg0, %c0_i32 : i32, i32
  }
  func.func @transform_4(%arg0: i32) -> (i32, i32) {
    %c0_i32 = arith.constant 0 : i32
    %c0_i32_0 = arith.constant 0 : i32
    %c0_i32_1 = arith.constant 0 : i32
    return %c0_i32, %c0_i32_0 : i32, i32
  }
  func.func @transform_5(%arg0: i32) -> (i32, i32) {
    %c0_i32 = arith.constant 0 : i32
    %c0_i32_0 = arith.constant 0 : i32
    %c0_i32_1 = arith.constant 0 : i32
    return %c0_i32, %c0_i32_0 : i32, i32
  }
  func.func @transform_6(%arg0: i32) -> (i32, i32) {
    %c0_i32 = arith.constant 0 : i32
    %c0_i32_0 = arith.constant 0 : i32
    %c0_i32_1 = arith.constant 0 : i32
    return %c0_i32, %c0_i32_0 : i32, i32
  }
  func.func @transform_7(%arg0: i32) -> (i32, i32) {
    %c0_i32 = arith.constant 0 : i32
    %c0_i32_0 = arith.constant 0 : i32
    return %arg0, %c0_i32 : i32, i32
  }
}

module attributes {stable_mosaic.version = 14 : i64} {
  func.func @_final_body(%arg0: memref<20480x128xf32, #tpu.memory_space<vmem>>, %arg1: memref<10240x128xf32, #tpu.memory_space<vmem>>, %arg2: memref<10240x1xf32, #tpu.memory_space<vmem>>, %arg3: memref<1x64xf32, #tpu.memory_space<vmem>>, %arg4: memref<1x10240xi32, #tpu.memory_space<vmem>>, %arg5: memref<16x64xf32, #tpu.memory_space<vmem>>) attributes {dimension_semantics = [], scalar_prefetch = 0 : i64, scratch_operands = 0 : i64, tpu.core_type = #tpu.core_type<tc>} {
    %get3A = arith.constant 0 : index
    %get3A_0 = arith.constant 0 : index
    %get3A_1 = vector.load %arg0[%get3A, %get3A_0] : memref<20480x128xf32, #tpu.memory_space<vmem>>, vector<20480x128xf32>
    %get3A_2 = arith.constant 0 : index
    %get3A_3 = arith.constant 0 : index
    %get3A_4 = vector.load %arg2[%get3A_2, %get3A_3] : memref<10240x1xf32, #tpu.memory_space<vmem>>, vector<10240x1xf32>
    %slice3A = vector.extract_strided_slice %get3A_1 {offsets = [0, 0], sizes = [10240, 64], strides = [1, 1]} : vector<20480x128xf32> to vector<10240x64xf32>
    %slice3A_5 = vector.extract_strided_slice %get3A_1 {offsets = [10240, 0], sizes = [10240, 64], strides = [1, 1]} : vector<20480x128xf32> to vector<10240x64xf32>
    %add3A = arith.addf %slice3A, %slice3A_5 : vector<10240x64xf32>
    %get3A_6 = arith.constant 0 : index
    %get3A_7 = arith.constant 0 : index
    %get3A_8 = vector.load %arg1[%get3A_6, %get3A_7] : memref<10240x128xf32, #tpu.memory_space<vmem>>, vector<10240x128xf32>
    %slice3A_9 = vector.extract_strided_slice %get3A_8 {offsets = [0, 0], sizes = [10240, 64], strides = [1, 1]} : vector<10240x128xf32> to vector<10240x64xf32>
    %add3A_10 = arith.addf %add3A, %slice3A_9 : vector<10240x64xf32>
    %mul3A = vector.broadcast %get3A_4 : vector<10240x1xf32> to vector<10240x64xf32>
    %mul3A_11 = arith.mulf %mul3A, %add3A_10 : vector<10240x64xf32>
    %get3A_12 = arith.constant 0 : index
    %get3A_13 = arith.constant 0 : index
    %get3A_14 = vector.load %arg3[%get3A_12, %get3A_13] : memref<1x64xf32, #tpu.memory_space<vmem>>, vector<1x64xf32>
    %add3A_15 = vector.broadcast %get3A_14 : vector<1x64xf32> to vector<10240x64xf32>
    %add3A_16 = arith.addf %mul3A_11, %add3A_15 : vector<10240x64xf32>
    %tanh3A = math.tanh %add3A_16 : vector<10240x64xf32>
    %iota3A = tpu.iota {dimensions = array<i32: 0>} : vector<16x10240xi32>
    %get3A_17 = arith.constant 0 : index
    %get3A_18 = arith.constant 0 : index
    %get3A_19 = vector.load %arg4[%get3A_17, %get3A_18] : memref<1x10240xi32, #tpu.memory_space<vmem>>, vector<1x10240xi32>
    %eq3A = vector.broadcast %get3A_19 : vector<1x10240xi32> to vector<16x10240xi32>
    %eq3A_20 = arith.cmpi eq, %eq3A, %iota3A : vector<16x10240xi32>
    %convert_element_type3A = arith.extui %eq3A_20 : vector<16x10240xi1> to vector<16x10240xi32>
    %convert_element_type3A_21 = arith.sitofp %convert_element_type3A : vector<16x10240xi32> to vector<16x10240xf32>
    %dot_general3A = arith.constant dense<0.000000e+00> : vector<16x64xf32>
    %dot_general3A_22 = tpu.matmul %convert_element_type3A_21, %tanh3A, %dot_general3A {dimension_numbers = #tpu.dot_dimension_numbers<[1], [0], [0], [1], [0, 0, 1, 1], [], []>, transpose_lhs_hint = false} : vector<16x10240xf32>, vector<10240x64xf32>, vector<16x64xf32> -> vector<16x64xf32>
    %reduce_sum3A = arith.constant dense<0.000000e+00> : vector<16xf32>
    %reduce_sum3A_23 = vector.multi_reduction <add>, %convert_element_type3A_21, %reduce_sum3A [1] : vector<16x10240xf32> to vector<16xf32>
    %broadcast_in_dim3A = vector.shape_cast %reduce_sum3A_23 : vector<16xf32> to vector<16x1xf32>
    %max3A = arith.constant 1.000000e+00 : f32
    %max3A_24 = vector.broadcast %max3A : f32 to vector<16x1xf32>
    %max3A_25 = arith.maximumf %broadcast_in_dim3A, %max3A_24 : vector<16x1xf32>
    %div3A = vector.broadcast %max3A_25 : vector<16x1xf32> to vector<16x64xf32>
    %div3A_26 = arith.divf %dot_general3A_22, %div3A : vector<16x64xf32>
    %swap3A = arith.constant 0 : index
    %swap3A_27 = arith.constant 0 : index
    %swap3A_28 = vector.load %arg5[%swap3A, %swap3A_27] : memref<16x64xf32, #tpu.memory_space<vmem>>, vector<16x64xf32>
    tpu.vector_store %arg5[%swap3A, %swap3A_27], %div3A_26 {strides = array<i32>} : memref<16x64xf32, #tpu.memory_space<vmem>>, vector<16x64xf32>,
    return
  }
}

</mosaic_0001>

<sc_bundles>
// kernel: kernel.11.cloned.1.call-start
scs
__scs_entry_jumppad:
0x0: {  	(pc) =	sbr.rel $0x88, $3  }
0x1: {  	(tag) =	ssettag $0x0;
	lr =	simm.s32 $0x1  }
0x2: {  	[smem:$0x3F98] =	sst lr;
	_ =	strace $0xD0000000  }
0x3: {  	_ = 	snop  }
0x4: {  	_ = 	snop  }
0x5: {  	_ = 	snop  }
0x6: {  	_ = 	snop  }
0x7: {  	_ = 	snop  }
__scs_overlays_trampoline_lowered:
0x8: {  	[smem:$0x3FA7] =	sst s0  }
0x9: {  	[smem:$0x3FA8] =	sst s1  }
0xa: {  	[smem:$0x3FA9] =	sst s2  }
0xb: {  	[smem:$0x3FAA] =	sst s3  }
0xc: {  	[smem:$0x3FAB] =	sst s4  }
0xd: {  	[smem:$0x3FAC] =	sst s5  }
0xe: {  	[smem:$0x3FAD] =	sst s6  }
0xf: {  	[smem:$0x3FAE] =	sst s7  }
0x10: {  	[smem:$0x3FAF] =	sst s8  }
0x11: {  	[smem:$0x3FB0] =	sst s9;
	s0 =	simm.s32 @!p0 $0x0  }
0x12: {  	s1 =	sld [smem:$0x3F96];
	s0 =	simm.s32 @p0 $0x1  }
0x13: {  	[smem:$0x3FB1] =	sst s0;
	s0 =	simm.s32 @!p1 $0x0  }
0x14: {  	s2 =	sld [smem:$0x3F95];
	s0 =	simm.s32 @p1 $0x1  }
0x15: {  	[smem:$0x3FB2] =	sst s0;
	s0 =	simm.s32 @!p2 $0x0  }
0x16: {  	s3 =	sld [smem:$0x3FDB];
	s0 =	simm.s32 @p2 $0x1  }
0x17: {  	s4 =	simm.s32 $0x1BF5;
	[smem:$0x3FB4] =	sst s0  }
0x18: {  	s0 =	sld [smem:$0x3F97];
	_ =	swait.ge [sflag:s4], $0x0  }
0x19: {  	s7 =	sld [smem:$0x3F98]  }
0x1a: {  	s8 =	sadd.s32 $0xFFFFE003, lr  }
0x1b: {  	s9 =	sadd.s32 $0xFFFFFEF7, lr;
	s5 =	simm.s32 $0xFFFFFFFF;
	p2 =	slt.u32 s8, $0xFFFFF086  }
0x1c: {  	p1 =	slt.u32 s9, $0xF7A;
	s5 =	simm.s32 @!p2 $0x0  }
0x1d: {  	s5 =	simm.s32 @p1 $0x1;
	p0 =	seq.s32 s7, s2  }
0x1e: {  	s7 =	smul.u32 @!p0 $0xF7A, s2;
	p2 =	seq.s32 @!p0 s5, $0x0  }
0x1f: {  	s9 =	smul.u32 $0xF7A, s1;
	s8 =	simm.s32 @!p0 $0x1BF5;
	p2 =	por !p2, p0  }
0x20: {  	[sflag:s8] =	ssyncset.s32 @!p0 $0xFFFFF086;
	s6 =	sadd.s32 @!p0 s3, s7;
	s7 =	simm.s32 @!p0 $0x108  }
0x21: {  	s3 =	sadd.s32 s3, s9;
	s6 =	sadd.s32 @!p0 $0x88, s6;
	s7 =	simm.s32 @p2 $0x1082  }
0x22: {  	[simem:s7], [sflag:s8] =	dma.local @!p0 [hbm:s6], $0xF7A  }
0x23: {  	s9 =	sor.u32 $0xD0000000, s2;
	s6 =	simm.s32 $0x108;
	_ =	swait.ge @!p0 [sflag:s8], $0x0  }
0x24: {  	s3 =	sadd.s32 $0x88, s3;
	s6 =	simm.s32 @!p1 $0x1082;
	[sflag:s4] =	ssyncset.s32 $0xFFFFF086  }
0x25: {  	[simem:s6], [sflag:s4] =	dma.local [hbm:s3], $0xF7A  }
0x26: {  	[smem:$0x3F98] =	sst s1;
	(tag) =	ssettag s2;
	_ =	strace s9  }
0x27: {  	s1 =	sld [smem:$0x3FA8]  }
0x28: {  	s2 =	sld [smem:$0x3FA9]  }
0x29: {  	s4 =	sld [smem:$0x3FAB]  }
0x2a: {  	p0 =	seq.s32 s5, $0x0;
	s5 =	sld [smem:$0x3FAC]  }
0x2b: {  	s6 =	sld [smem:$0x3FAD]  }
0x2c: {  	s7 =	sld [smem:$0x3FAE]  }
0x2d: {  	s3 =	simm.s32 $0x108;
	s8 =	sld [smem:$0x3FAF]  }
0x2e: {  	s3 =	simm.s32 @!p0 $0x1082;
	s9 =	sld [smem:$0x3FB0]  }
0x2f: {  	lr =	sadd.s32 s0, s3;
	s0 =	sld [smem:$0x3FA7]  }
0x30: {  	s3 =	sld [smem:$0x3FAA]  }
0x31: {  	[smem:$0x3FB3] =	sst s10  }
0x32: {  	s10 =	sld [smem:$0x3FB1];
	_ =	sdelay $0x3  }
0x33: {  	p0 =	seq.s32 s10, $0x1;
	s10 =	sld [smem:$0x3FB3];
	_ =	sdelay $0x3  }
0x34: {  	[smem:$0x3FB3] =	sst s10  }
0x35: {  	s10 =	sld [smem:$0x3FB2];
	_ =	sdelay $0x3  }
0x36: {  	p1 =	seq.s32 s10, $0x1;
	s10 =	sld [smem:$0x3FB3];
	_ =	sdelay $0x3  }
0x37: {  	[smem:$0x3FB3] =	sst s10  }
0x38: {  	s10 =	sld [smem:$0x3FB4]  }
0x39: {  	_ = 	snop;
	(pc) =	sbr.ind lr, $3  }
0x3a: {  	_ = 	snop  }
0x3b: {  	_ = 	snop  }
0x3c: {  	p2 =	seq.s32 s10, $0x1;
	s10 =	sld [smem:$0x3FB3]  }
0x3d: {  	_ =	shalt  }
0x3e: {  	_ =	shalt  }
0x3f: {  	_ =	shalt  }
0x40: {  	_ =	shalt  }
0x41: {  	_ =	shalt  }
0x42: {  	_ =	shalt  }
0x43: {  	_ =	shalt  }
0x44: {  	_ =	shalt  }
0x45: {  	_ =	shalt  }
0x46: {  	_ =	shalt  }
0x47: {  	_ =	shalt  }
0x48: {  	_ =	shalt  }
0x49: {  	_ =	shalt  }
0x4a: {  	_ =	shalt  }
0x4b: {  	_ =	shalt  }
0x4c: {  	_ =	shalt  }
0x4d: {  	_ =	shalt  }
0x4e: {  	_ =	shalt  }
0x4f: {  	_ =	shalt  }
0x50: {  	_ =	shalt  }
0x51: {  	_ =	shalt  }
0x52: {  	_ =	shalt  }
0x53: {  	_ =	shalt  }
0x54: {  	_ =	shalt  }
0x55: {  	_ =	shalt  }
0x56: {  	_ =	shalt  }
0x57: {  	_ =	shalt  }
0x58: {  	_ =	shalt  }
0x59: {  	_ =	shalt  }
0x5a: {  	_ =	shalt  }
0x5b: {  	_ =	shalt  }
0x5c: {  	_ =	shalt  }
0x5d: {  	_ =	shalt  }
0x5e: {  	_ =	shalt  }
0x5f: {  	_ =	shalt  }
0x60: {  	_ =	shalt  }
0x61: {  	_ =	shalt  }
0x62: {  	_ =	shalt  }
0x63: {  	_ =	shalt  }
0x64: {  	_ =	shalt  }
0x65: {  	_ =	shalt  }
0x66: {  	_ =	shalt  }
0x67: {  	_ =	shalt  }
0x68: {  	_ =	shalt  }
0x69: {  	_ =	shalt  }
0x6a: {  	_ =	shalt  }
0x6b: {  	_ =	shalt  }
0x6c: {  	_ =	shalt  }
0x6d: {  	_ =	shalt  }
0x6e: {  	_ =	shalt  }
0x6f: {  	_ =	shalt  }
0x70: {  	_ =	shalt  }
0x71: {  	_ =	shalt  }
0x72: {  	_ =	shalt  }
0x73: {  	_ =	shalt  }
0x74: {  	_ =	shalt  }
0x75: {  	_ =	shalt  }
0x76: {  	_ =	shalt  }
0x77: {  	_ =	shalt  }
0x78: {  	_ =	shalt  }
0x79: {  	_ =	shalt  }
0x7a: {  	_ =	shalt  }
0x7b: {  	_ =	shalt  }
0x7c: {  	_ =	shalt  }
0x7d: {  	_ =	shalt  }
0x7e: {  	_ =	shalt  }
0x7f: {  	_ =	shalt  }
0x80: {  	_ =	shalt  }
0x81: {  	_ =	shalt  }
0x82: {  	_ =	shalt  }
0x83: {  	_ =	shalt  }
0x84: {  	_ =	shalt  }
0x85: {  	_ =	shalt  }
0x86: {  	_ =	shalt  }
0x87: {  	_ =	shalt  }
.Lfunc_end0:
.L_simem_size_0:
called_computation.1_lowered:
.L_overlay_start_0:
0x88: {  	s2 =	sld [smem:$0x3FD9]  }
0x89: {  	s3 =	sld [smem:$0x3FFE];
	_ =	sdelay $0x1  }
0x8a: {  	s1 =	srdreg.scid  }
0x8b: {  	s0 =	sand.u32 $0x1, s1  }
0x8c: {  	s16 =	sshll.u32 s0, $0xA;
	s2 =	sadd.s32 s3, s2  }
0x8d: {  	s2 =	sadd.s32 s2, s16  }
0x8e: {  	[smem:$0x3FBF] =	sst s2  }
0x8f: {  	_ = 	snop  }
0x90: {  	(tm) =	ssettm $0x1  }
0x91: {  	s17 =	sld [smem:$0x3FFB];
	_ =	sdelay $0x3  }
0x92: {  	_ =	strace s17  }
0x93: {  	s2 =	sld [smem:$0x3FFC];
	_ =	sdelay $0x3  }
0x94: {  	_ =	strace s2  }
0x95: {  	s2 =	sld [smem:$0x3FFD];
	_ =	sdelay $0x3  }
0x96: {  	_ =	strace s2  }
0x97: {  	_ =	strace $0x8FFFFFFF  }
0x98: {  	s18 =	sld [smem:$0x3FDB];
	_ =	sdelay $0x1  }
0x99: {  	s19 =	simm.s32 $_scs_section_size  }
0x9a: {  	s4 =	simm.s32 $_size__tile_overlayer_lowered;
	s5 =	simm.s32 $_tile_overlayer_lowered  }
0x9b: {  	s22 =	simm.s32 $0x1BFF;
	s21 =	sshll.u32 s5, $0x1;
	s2 =	sadd.s32 s19, s18  }
0x9c: {  	s6 =	simm.s32 $0x0;
	s20 =	sshll.u32 s4, $0x1;
	s4 =	sadd.s32 s21, s2  }
0x9d: {  	[timem:s6], [sflag:s22] =	dma.local [hbm:s4], s20  }
0x9e: {  	_ =	swait.ge [sflag:s22], s20  }
0x9f: {  	s3 =	ssub.s32 $0x0, s20;
	[sflag:s22] =	ssyncset.done $0x0  }
0xa0: {  	[sflag:s22] =	ssyncadd.s32 s3;
	_ =	sdelay $0x1  }
0xa1: {  	s23 =	simm.s32 $0x1B8B  }
0xa2: {  	_ =	swait.ge [sflag:s23], $0x1  }
0xa3: {  	[sflag:s23] =	ssyncset.done $0x0  }
0xa4: {  	s25 =	simm.s32 $0x1B8E;
	s24 =	sld [smem:$0x3FFE];
	[sflag:s23] =	ssyncadd.s32 $0xFFFFFFFF  }
0xa5: {  	s26 =	simm.s32 $execute0_lowered;
	[smem:$0x3FD2] =	sst s25  }
0xa6: {  	s4 =	sshll.u32 s26, $0x1;
	_ =	strace $0x80000049;
	[dreg:$0x1] =	wrdreg $0xFFFFFFFF  }
0xa7: {  	s28 =	simm.s32 $_size_execute0_lowered;
	s2 =	sadd.s32 s2, s4;
	[dreg:$0x0] =	wrdreg $0x0  }
0xa8: {  	s4 =	sshll.u32 s28, $0x1;
	[dreg:$0x2] =	wrdreg s2  }
0xa9: {  	[dreg:$0x3] =	wrdreg s4  }
0xaa: {  	[dreg:$0x4] =	wrdreg $0xC0  }
0xab: {  	_ =	task [dreg:s6], $0x5FFFF  }
0xac: {  	[dreg:$0x1] =	wrdreg $0xFFFFFFFF  }
0xad: {  	[dreg:$0x0] =	wrdreg $0x60  }
0xae: {  	[dreg:$0x2] =	wrdreg s24  }
0xaf: {  	[dreg:$0x3] =	wrdreg $0xB8000  }
0xb0: {  	[dreg:$0x4] =	wrdreg $0x9  }
0xb1: {  	_ =	task.clear_ibuf [dreg:s6], $0x5FFFF;
	_ =	strace $0x90000049  }
0xb2: {  	s29 =	simm.s32 $0x9;
	_ =	strace $0x8000004B  }
0xb3: {  	_ =	swait.ge [sflag:s29], $0x1  }
0xb4: {  	[sflag:s29] =	ssyncadd.s32 $0xFFFFFFFF  }
0xb5: {  	_ =	strace $0x9000004B  }
0xb6: {  	_ =	sfence  }
0xb7: {  	s30 =	sld [smem:$0x0];
	_ =	sdelay $0x2  }
0xb8: {  	s31 =	sshll.u32 s1, $0xD;
	s1 =	sshrl.u32 s1, $0x2  }
0xb9: {  	s3 =	sand.u32 $0x4000, s31;
	s1 =	sadd.s32 s1, s30  }
0xba: {  	s0 =	sor.u32 s3, s0;
	s1 =	sshll.u32 s1, $0x11  }
0xbb: {  	s0 =	sor.u32 s1, s0  }
0xbc: {  	s0 =	sadd.s32 $0x8F2B, s0  }
0xbd: {  	[sflag:s0] =	ssyncadd.remote.s32 $0x1  }
0xbe: {  	_ =	sfence.sel $0xFFFF  }
0xbf: {  	[dreg:$0x0] =	wrdreg $0xFFFFFFFF;
	(pc) =	sbr.abs _section_cstart, $3  }
0xc0: {  	[dreg:$0x1] =	wrdreg $0xFFFFFFFF  }
0xc1: {  	_ =	task.clear_ibuf [dreg:s6], $0x2FFFF;
	_ =	strace $0x9FFFFFFF  }
0xc2: {  	(tm) =	ssettm $0x7FFFFFFF  }
0xc3: {  	_ =	shalt  }
tec
execute0_lowered:
.L_overlay_start_1:
0x0: {  	(tag) =	ssettag $0x1  }
0x1: {  	s0 =	rddreg [dreg:$0x0]  }
0x2: {  	s1 =	rddreg [dreg:$0x1];
	s2 =	srdreg.scid;
	s3 =	simm.s32 $0x0  }
0x3: {  	s10 =	stileid.u32;
	s28 =	simm.s32 $0x100;
	s29 =	simm.s32 $0x8800  }
0x4: {  	s30 =	simm.s32 $0x1;
	s31 =	simm.s32 $0x4;
	s6 =	smul.u32 $0x2800, s10  }
0x5: {  	s2 =	sand.u32 $0x1, s2;
	[smem:$0x7FF] =	sst s3;
	s22 =	smul.u32 $0x50000, s10  }
0x6: {  	s8 =	sadd.s32 $0x6CE00, s0;
	s9 =	sadd.s32 $0x5DE00, s0;
	s5 =	smul.u32 $0x28000, s2  }
0x7: {  	s4 =	sshll.u32 s2, $0x4;
	_ =	strace $0x8000004A;
	s2 =	ssub.s32 $0x2, s2  }
0x8: {  	s7 =	sor.u32 s10, s4;
	s4 =	sadd.s32 $0x2E00, s0;
	s18 =	sshrl.u32 s2, $0x1  }
0x9: {  	s25 =	sshrl.u32 s22, $0x2;
	s22 =	simm.s32 $0x7;
	s7 =	smul.u32 $0x3C00, s7  }
0xa: {  	s5 =	sadd.s32 s6, s5;
	s2 =	ssub.s32 s2, s18;
	s11 =	sadd.s32 s25, s1  }
0xb: {  	s25 =	simm.s32 $0x80;
	s6 =	simm.s32 $0x6;
	s0 =	sadd.s32 s5, s0  }
0xc: {  	s26 =	smax.u32 s2, $0x1;
	s14 =	sadd.s32 $0x2800, s11;
	s15 =	sadd.s32 $0x5000, s11  }
0xd: {  	s16 =	sadd.s32 $0x7800, s11;
	s17 =	sadd.s32 $0xA000, s11;
	s18 =	sadd.s32 $0xC800, s11  }
0xe: {  	s2 =	simm.s32 $0x5;
	s7 =	sshrl.u32 s7, $0x3;
	s0 =	sadd.s32 $0x7BE00, s0  }
0xf: {  	[dreg:$0xa] =	wrdreg s26;
	s26 =	simm.s32 $0x5800;
	s19 =	sadd.s32 s8, s7  }
0x10: {  	s20 =	sadd.s32 s9, s7;
	s21 =	sadd.s32 $0x280, s7;
	[dreg:$0x9] =	wrdreg s0  }
0x11: {  	s24 =	sadd.s32 $0x500, s7;
	s0 =	simm.s32 $0x2;
	[dreg:$0x3] =	wrdreg s19  }
0x12: {  	[dreg:$0x4] =	wrdreg s20;
	s23 =	sadd.s32 s8, s21;
	s5 =	sadd.s32 s9, s21  }
0x13: {  	s7 =	sadd.s32 s8, s24;
	s19 =	sadd.s32 $0xF000, s11;
	[dreg:$0x5] =	wrdreg s23  }
0x14: {  	s20 =	sadd.s32 $0x11800, s11;
	s21 =	simm.s32 $0x2800;
	[dreg:$0x6] =	wrdreg s5  }
0x15: {  	s8 =	simm.s32 $0x2500;
	[dreg:$0x7] =	wrdreg s7;
	s5 =	sadd.s32 s9, s24  }
0x16: {  	s23 =	simm.s32 $0x1400;
	s24 =	simm.s32 $0x60;
	s7 =	simm.s32 $0x2480  }
0x17: {  	v0 =	vimm.f32 $0.0e+00;
	s9 =	simm.s32 $0x2580;
	[dreg:$0x8] =	wrdreg s5;
	s5 =	simm.s32 $0x3  }
.LBB2_1:
0x18: {  	s10 =	simm.s32 $0x0;
	s12 =	simm.s32 $0x200  }
.LBB2_2:
0x19: {  	p0 =	sne.s32 s12, $0xBE00;
	[tilespmem:s10+$0x2870] =	vst v0  }
0x1a: {  	[tilespmem:s10+$0x2800] =	vst v0  }
0x1b: {  	[tilespmem:s10+$0x2810] =	vst v0  }
.Ltmp0:
0x1c: {  	[tilespmem:s10+$0x2820] =	vst v0;
	(pc) =	sbr.rel @p0 .LBB2_2-.Ltmp0, $4  }
0x1d: {  	[tilespmem:s10+$0x2830] =	vst v0  }
0x1e: {  	[tilespmem:s10+$0x2840] =	vst v0  }
0x1f: {  	[tilespmem:s10+$0x2850] =	vst v0  }
0x20: {  	[tilespmem:s10+$0x2860] =	vst v0;
	s10 =	sshra.s32 s12, $0x2;
	s12 =	sadd.s32 $0x200, s12  }
0x21: {  	[tilespmem:s10+$0x2870] =	vst v0  }
0x22: {  	[tilespmem:s10+$0x2800] =	vst v0  }
0x23: {  	[tilespmem:s10+$0x2810] =	vst v0  }
0x24: {  	[tilespmem:s10+$0x2820] =	vst v0  }
0x25: {  	[tilespmem:s10+$0x2830] =	vst v0  }
0x26: {  	[tilespmem:s10+$0x2840] =	vst v0  }
0x27: {  	[tilespmem:s10+$0x2850] =	vst v0  }
0x28: {  	[tilespmem:s10+$0x2860] =	vst v0  }
0x29: {  	[spmem:s11] =	stream.linear.scatter [tilespmem:s21], [sflag:$0x7], $0x2800, $0x38;
	[tilespmem:$0x1F800] =	vst v63  }
0x2a: {  	_ =	swait.ge [sflag:s22], $0x2800  }
0x2b: {  	[sflag:s22] =	ssyncset.done $0x0  }
0x2c: {  	[sflag:s22] =	ssyncadd.s32 $0xFFFFD800  }
0x2d: {  	[spmem:s14] =	stream.linear.scatter [tilespmem:s21], [sflag:$0x7], $0x2800, $0x38;
	[tilespmem:$0x1F800] =	vst v63  }
0x2e: {  	_ =	swait.ge [sflag:s22], $0x2800  }
0x2f: {  	[sflag:s22] =	ssyncset.done $0x0  }
0x30: {  	[sflag:s22] =	ssyncadd.s32 $0xFFFFD800  }
0x31: {  	[spmem:s15] =	stream.linear.scatter [tilespmem:s21], [sflag:$0x7], $0x2800, $0x38;
	[tilespmem:$0x1F800] =	vst v63  }
0x32: {  	_ =	swait.ge [sflag:s22], $0x2800  }
0x33: {  	[sflag:s22] =	ssyncset.done $0x0  }
0x34: {  	[sflag:s22] =	ssyncadd.s32 $0xFFFFD800  }
0x35: {  	[spmem:s16] =	stream.linear.scatter [tilespmem:s21], [sflag:$0x7], $0x2800, $0x38;
	[tilespmem:$0x1F800] =	vst v63  }
0x36: {  	_ =	swait.ge [sflag:s22], $0x2800  }
0x37: {  	[sflag:s22] =	ssyncset.done $0x0  }
0x38: {  	[sflag:s22] =	ssyncadd.s32 $0xFFFFD800  }
0x39: {  	[spmem:s17] =	stream.linear.scatter [tilespmem:s21], [sflag:$0x7], $0x2800, $0x38;
	[tilespmem:$0x1F800] =	vst v63  }
0x3a: {  	_ =	swait.ge [sflag:s22], $0x2800  }
0x3b: {  	[sflag:s22] =	ssyncset.done $0x0  }
0x3c: {  	[sflag:s22] =	ssyncadd.s32 $0xFFFFD800  }
0x3d: {  	[spmem:s18] =	stream.linear.scatter [tilespmem:s21], [sflag:$0x7], $0x2800, $0x38;
	[tilespmem:$0x1F800] =	vst v63  }
0x3e: {  	_ =	swait.ge [sflag:s22], $0x2800  }
0x3f: {  	[sflag:s22] =	ssyncset.done $0x0  }
0x40: {  	[sflag:s22] =	ssyncadd.s32 $0xFFFFD800  }
0x41: {  	[spmem:s19] =	stream.linear.scatter [tilespmem:s21], [sflag:$0x7], $0x2800, $0x38;
	[tilespmem:$0x1F800] =	vst v63  }
0x42: {  	_ =	swait.ge [sflag:s22], $0x2800  }
0x43: {  	[sflag:s22] =	ssyncset.done $0x0  }
0x44: {  	[sflag:s22] =	ssyncadd.s32 $0xFFFFD800  }
0x45: {  	[spmem:s20] =	stream.linear.scatter [tilespmem:s21], [sflag:$0x7], $0x2800, $0x38;
	[tilespmem:$0x1F800] =	vst v63  }
0x46: {  	_ =	swait.ge [sflag:s22], $0x2800  }
0x47: {  	[sflag:s22] =	ssyncset.done $0x0  }
0x48: {  	[sflag:s22] =	ssyncadd.s32 $0xFFFFD800  }
0x49: {  	[bflag:$0x0] =	sbarrier.arrive $0xFFFF  }
0x4a: {  	s10 =	simm.s32 $0x0;
	s12 =	rddreg [dreg:$0x3]  }
0x4b: {  	[tilespmem:s10], [sflag:$0x7] =	stream.linear.gather [hbm4b:s12+s10], $0x1200, $0x38;
	[tilespmem:$0x1F800] =	vst v63  }
0x4c: {  	_ =	swait.ge [sflag:s22], $0x1200  }
0x4d: {  	[sflag:s22] =	ssyncset.done $0x0  }
0x4e: {  	s13 =	rddreg [dreg:$0x4];
	[sflag:s22] =	ssyncadd.s32 $0xFFFFEE00  }
0x4f: {  	[tilespmem:s23], [sflag:$0x7] =	stream.linear.gather [hbm4b:s13+s10], $0x1200, $0x38;
	[tilespmem:$0x1F800] =	vst v63  }
0x50: {  	_ =	swait.ge [sflag:s22], $0x1200  }
0x51: {  	[sflag:s22] =	ssyncset.done $0x0  }
0x52: {  	[sflag:s22] =	ssyncadd.s32 $0xFFFFEE00  }
0x53: {  	[tilespmem:s21], [sflag:$0x1] =	stream.indirect.gather [hbm4b:s4+s24], $0x80, s10, s24, $0xb8;
	[tilespmem:$0x1F800] =	vst v63  }
0x54: {  	_ = 	snop  }
0x55: {  	[tilespmem:s26], [sflag:$0x2] =	stream.indirect.gather [hbm4b:s4+s24], $0x80, s25, s24, $0xb8;
	[tilespmem:$0x1F800] =	vst v63  }
0x56: {  	_ = 	snop  }
0x57: {  	[tilespmem:s29], [sflag:$0x3] =	stream.indirect.gather [hbm4b:s4+s24], $0x80, s28, s24, $0xb8;
	[tilespmem:$0x1F800] =	vst v63  }
0x58: {  	_ =	swait.ge [sflag:s30], $0x3000  }
0x59: {  	[sflag:s30] =	ssyncset.done $0x0  }
0x5a: {  	s13 =	simm.s32 $0x1400;
	[sflag:s30] =	ssyncadd.s32 $0xFFFFD000  }
0x5b: {  	[spmem:s1] =	stream.indirect.scatter.add.f32 [tilespmem:s21], [sflag:$0x4], $0x80, s13, s24, $0xb8;
	[tilespmem:$0x1F800] =	vst v63  }
0x5c: {  	_ =	swait.ge [sflag:s31], $0x3000  }
0x5d: {  	[sflag:s31] =	ssyncset.done $0x0  }
0x5e: {  	s12 =	simm.s32 $0x180;
	[sflag:s31] =	ssyncadd.s32 $0xFFFFD000  }
0x5f: {  	[tilespmem:s21], [sflag:$0x1] =	stream.indirect.gather [hbm4b:s4+s24], $0x80, s12, s24, $0xb8;
	[tilespmem:$0x1F800] =	vst v63  }
0x60: {  	_ =	swait.ge [sflag:s0], $0x3000  }
0x61: {  	[sflag:s0] =	ssyncset.done $0x0  }
0x62: {  	s13 =	simm.s32 $0x1480;
	[sflag:s0] =	ssyncadd.s32 $0xFFFFD000  }
0x63: {  	[spmem:s1] =	stream.indirect.scatter.add.f32 [tilespmem:s26], [sflag:$0x5], $0x80, s13, s24, $0xb8;
	[tilespmem:$0x1F800] =	vst v63  }
0x64: {  	_ =	swait.ge [sflag:s2], $0x3000  }
0x65: {  	[sflag:s2] =	ssyncset.done $0x0  }
0x66: {  	s12 =	simm.s32 $0x200;
	[sflag:s2] =	ssyncadd.s32 $0xFFFFD000  }
0x67: {  	[tilespmem:s26], [sflag:$0x2] =	stream.indirect.gather [hbm4b:s4+s24], $0x80, s12, s24, $0xb8;
	[tilespmem:$0x1F800] =	vst v63  }
0x68: {  	_ =	swait.ge [sflag:s5], $0x3000  }
0x69: {  	[sflag:s5] =	ssyncset.done $0x0  }
0x6a: {  	s13 =	simm.s32 $0x1500;
	[sflag:s5] =	ssyncadd.s32 $0xFFFFD000  }
0x6b: {  	[spmem:s1] =	stream.indirect.scatter.add.f32 [tilespmem:s29], [sflag:$0x6], $0x80, s13, s24, $0xb8;
	[tilespmem:$0x1F800] =	vst v63  }
0x6c: {  	_ =	swait.ge [sflag:s6], $0x3000  }
0x6d: {  	[sflag:s6] =	ssyncset.done $0x0  }
0x6e: {  	s10 =	simm.s32 $0x600;
	s12 =	simm.s32 $0x280;
	[sflag:s6] =	ssyncadd.s32 $0xFFFFD000  }
.LBB2_4:
0x6f: {  	[tilespmem:s29], [sflag:$0x3] =	stream.indirect.gather [hbm4b:s4+s24], $0x80, s12, s24, $0xb8;
	[tilespmem:$0x1F800] =	vst v63  }
0x70: {  	s12 =	smov.u32 s10  }
0x71: {  	p0 =	sne.s32 s10, $0x3C00;
	s10 =	sadd.s32 $0x600, s10;
	_ =	swait.ge [sflag:s30], $0x3000  }
0x72: {  	s12 =	sshra.s32 s12, $0x2;
	[sflag:s30] =	ssyncset.done $0x0  }
0x73: {  	s13 =	sadd.s32 $0x1400, s12;
	[sflag:s30] =	ssyncadd.s32 $0xFFFFD000  }
0x74: {  	[spmem:s1] =	stream.indirect.scatter.add.f32 [tilespmem:s21], [sflag:$0x4], $0x80, s13, s24, $0xb8;
	[tilespmem:$0x1F800] =	vst v63  }
0x75: {  	_ =	swait.ge [sflag:s31], $0x3000  }
0x76: {  	[sflag:s31] =	ssyncset.done $0x0  }
0x77: {  	s13 =	sadd.s32 $0x180, s12;
	[sflag:s31] =	ssyncadd.s32 $0xFFFFD000  }
0x78: {  	[tilespmem:s21], [sflag:$0x1] =	stream.indirect.gather [hbm4b:s4+s24], $0x80, s13, s24, $0xb8;
	[tilespmem:$0x1F800] =	vst v63  }
0x79: {  	_ =	swait.ge [sflag:s0], $0x3000  }
0x7a: {  	[sflag:s0] =	ssyncset.done $0x0  }
0x7b: {  	s13 =	sadd.s32 $0x1480, s12;
	[sflag:s0] =	ssyncadd.s32 $0xFFFFD000  }
0x7c: {  	[spmem:s1] =	stream.indirect.scatter.add.f32 [tilespmem:s26], [sflag:$0x5], $0x80, s13, s24, $0xb8;
	[tilespmem:$0x1F800] =	vst v63  }
0x7d: {  	_ =	swait.ge [sflag:s2], $0x3000  }
0x7e: {  	[sflag:s2] =	ssyncset.done $0x0  }
0x7f: {  	s13 =	sadd.s32 $0x200, s12;
	[sflag:s2] =	ssyncadd.s32 $0xFFFFD000  }
0x80: {  	[tilespmem:s26], [sflag:$0x2] =	stream.indirect.gather [hbm4b:s4+s24], $0x80, s13, s24, $0xb8;
	[tilespmem:$0x1F800] =	vst v63  }
0x81: {  	_ =	swait.ge [sflag:s5], $0x3000  }
0x82: {  	[sflag:s5] =	ssyncset.done $0x0  }
.Ltmp1:
0x83: {  	s13 =	sadd.s32 $0x1500, s12;
	[sflag:s5] =	ssyncadd.s32 $0xFFFFD000;
	(pc) =	sbr.rel @p0 .LBB2_4-.Ltmp1, $4  }
0x84: {  	[spmem:s1] =	stream.indirect.scatter.add.f32 [tilespmem:s29], [sflag:$0x6], $0x80, s13, s24, $0xb8;
	[tilespmem:$0x1F800] =	vst v63  }
0x85: {  	_ =	swait.ge [sflag:s6], $0x3000  }
0x86: {  	[sflag:s6] =	ssyncset.done $0x0  }
0x87: {  	s12 =	sadd.s32 $0x280, s12;
	[sflag:s6] =	ssyncadd.s32 $0xFFFFD000  }
0x88: {  	[tilespmem:s29], [sflag:$0x3] =	stream.indirect.gather [hbm4b:s4+s24], $0x80, s12, s24, $0xb8;
	[tilespmem:$0x1F800] =	vst v63  }
0x89: {  	_ =	swait.ge [sflag:s30], $0x3000  }
0x8a: {  	[sflag:s30] =	ssyncset.done $0x0  }
0x8b: {  	[sflag:s30] =	ssyncadd.s32 $0xFFFFD000  }
0x8c: {  	[spmem:s1] =	stream.indirect.scatter.add.f32 [tilespmem:s21], [sflag:$0x4], $0x80, s7, s24, $0xb8;
	[tilespmem:$0x1F800] =	vst v63  }
0x8d: {  	_ =	swait.ge [sflag:s31], $0x3000  }
0x8e: {  	[sflag:s31] =	ssyncset.done $0x0  }
0x8f: {  	[sflag:s31] =	ssyncadd.s32 $0xFFFFD000  }
0x90: {  	_ =	swait.ge [sflag:s0], $0x3000  }
0x91: {  	[sflag:s0] =	ssyncset.done $0x0  }
0x92: {  	[sflag:s0] =	ssyncadd.s32 $0xFFFFD000  }
0x93: {  	[spmem:s1] =	stream.indirect.scatter.add.f32 [tilespmem:s26], [sflag:$0x5], $0x80, s8, s24, $0xb8;
	[tilespmem:$0x1F800] =	vst v63  }
0x94: {  	_ =	swait.ge [sflag:s2], $0x3000  }
0x95: {  	[sflag:s2] =	ssyncset.done $0x0  }
0x96: {  	[sflag:s2] =	ssyncadd.s32 $0xFFFFD000  }
0x97: {  	_ =	swait.ge [sflag:s5], $0x3000  }
0x98: {  	[sflag:s5] =	ssyncset.done $0x0  }
0x99: {  	[sflag:s5] =	ssyncadd.s32 $0xFFFFD000  }
0x9a: {  	[spmem:s1] =	stream.indirect.scatter.add.f32 [tilespmem:s29], [sflag:$0x6], $0x80, s9, s24, $0xb8;
	[tilespmem:$0x1F800] =	vst v63  }
0x9b: {  	_ =	swait.ge [sflag:s6], $0x3000  }
0x9c: {  	[sflag:s6] =	ssyncset.done $0x0  }
0x9d: {  	s10 =	simm.s32 $0x0;
	s13 =	rddreg [dreg:$0x5];
	[sflag:s6] =	ssyncadd.s32 $0xFFFFD000  }
0x9e: {  	[tilespmem:s10], [sflag:$0x7] =	stream.linear.gather [hbm4b:s13+s10], $0x1200, $0x38;
	[tilespmem:$0x1F800] =	vst v63  }
0x9f: {  	_ =	swait.ge [sflag:s22], $0x1200  }
0xa0: {  	[sflag:s22] =	ssyncset.done $0x0  }
0xa1: {  	s13 =	rddreg [dreg:$0x6];
	[sflag:s22] =	ssyncadd.s32 $0xFFFFEE00  }
0xa2: {  	[tilespmem:s23], [sflag:$0x7] =	stream.linear.gather [hbm4b:s13+s10], $0x1200, $0x38;
	[tilespmem:$0x1F800] =	vst v63  }
0xa3: {  	_ =	swait.ge [sflag:s22], $0x1200  }
0xa4: {  	[sflag:s22] =	ssyncset.done $0x0  }
0xa5: {  	[sflag:s22] =	ssyncadd.s32 $0xFFFFEE00  }
0xa6: {  	[tilespmem:s21], [sflag:$0x1] =	stream.indirect.gather [hbm4b:s4+s24], $0x80, s10, s24, $0xb8;
	[tilespmem:$0x1F800] =	vst v63  }
0xa7: {  	_ = 	snop  }
0xa8: {  	[tilespmem:s26], [sflag:$0x2] =	stream.indirect.gather [hbm4b:s4+s24], $0x80, s25, s24, $0xb8;
	[tilespmem:$0x1F800] =	vst v63  }
0xa9: {  	_ = 	snop  }
0xaa: {  	[tilespmem:s29], [sflag:$0x3] =	stream.indirect.gather [hbm4b:s4+s24], $0x80, s28, s24, $0xb8;
	[tilespmem:$0x1F800] =	vst v63  }
0xab: {  	_ =	swait.ge [sflag:s30], $0x3000  }
0xac: {  	[sflag:s30] =	ssyncset.done $0x0  }
0xad: {  	s13 =	simm.s32 $0x1400;
	[sflag:s30] =	ssyncadd.s32 $0xFFFFD000  }
0xae: {  	[spmem:s1] =	stream.indirect.scatter.add.f32 [tilespmem:s21], [sflag:$0x4], $0x80, s13, s24, $0xb8;
	[tilespmem:$0x1F800] =	vst v63  }
0xaf: {  	_ =	swait.ge [sflag:s31], $0x3000  }
0xb0: {  	[sflag:s31] =	ssyncset.done $0x0  }
0xb1: {  	s12 =	simm.s32 $0x180;
	[sflag:s31] =	ssyncadd.s32 $0xFFFFD000  }
0xb2: {  	[tilespmem:s21], [sflag:$0x1] =	stream.indirect.gather [hbm4b:s4+s24], $0x80, s12, s24, $0xb8;
	[tilespmem:$0x1F800] =	vst v63  }
0xb3: {  	_ =	swait.ge [sflag:s0], $0x3000  }
0xb4: {  	[sflag:s0] =	ssyncset.done $0x0  }
0xb5: {  	s13 =	simm.s32 $0x1480;
	[sflag:s0] =	ssyncadd.s32 $0xFFFFD000  }
0xb6: {  	[spmem:s1] =	stream.indirect.scatter.add.f32 [tilespmem:s26], [sflag:$0x5], $0x80, s13, s24, $0xb8;
	[tilespmem:$0x1F800] =	vst v63  }
0xb7: {  	_ =	swait.ge [sflag:s2], $0x3000  }
0xb8: {  	[sflag:s2] =	ssyncset.done $0x0  }
0xb9: {  	s12 =	simm.s32 $0x200;
	[sflag:s2] =	ssyncadd.s32 $0xFFFFD000  }
0xba: {  	[tilespmem:s26], [sflag:$0x2] =	stream.indirect.gather [hbm4b:s4+s24], $0x80, s12, s24, $0xb8;
	[tilespmem:$0x1F800] =	vst v63  }
0xbb: {  	_ =	swait.ge [sflag:s5], $0x3000  }
0xbc: {  	[sflag:s5] =	ssyncset.done $0x0  }
0xbd: {  	s13 =	simm.s32 $0x1500;
	[sflag:s5] =	ssyncadd.s32 $0xFFFFD000  }
0xbe: {  	[spmem:s1] =	stream.indirect.scatter.add.f32 [tilespmem:s29], [sflag:$0x6], $0x80, s13, s24, $0xb8;
	[tilespmem:$0x1F800] =	vst v63  }
0xbf: {  	_ =	swait.ge [sflag:s6], $0x3000  }
0xc0: {  	[sflag:s6] =	ssyncset.done $0x0  }
0xc1: {  	s10 =	simm.s32 $0x600;
	s12 =	simm.s32 $0x280;
	[sflag:s6] =	ssyncadd.s32 $0xFFFFD000  }
.LBB2_6:
0xc2: {  	[tilespmem:s29], [sflag:$0x3] =	stream.indirect.gather [hbm4b:s4+s24], $0x80, s12, s24, $0xb8;
	[tilespmem:$0x1F800] =	vst v63  }
0xc3: {  	s12 =	smov.u32 s10  }
0xc4: {  	p0 =	sne.s32 s10, $0x3C00;
	s10 =	sadd.s32 $0x600, s10;
	_ =	swait.ge [sflag:s30], $0x3000  }
0xc5: {  	s12 =	sshra.s32 s12, $0x2;
	[sflag:s30] =	ssyncset.done $0x0  }
0xc6: {  	s13 =	sadd.s32 $0x1400, s12;
	[sflag:s30] =	ssyncadd.s32 $0xFFFFD000  }
0xc7: {  	[spmem:s1] =	stream.indirect.scatter.add.f32 [tilespmem:s21], [sflag:$0x4], $0x80, s13, s24, $0xb8;
	[tilespmem:$0x1F800] =	vst v63  }
0xc8: {  	_ =	swait.ge [sflag:s31], $0x3000  }
0xc9: {  	[sflag:s31] =	ssyncset.done $0x0  }
0xca: {  	s13 =	sadd.s32 $0x180, s12;
	[sflag:s31] =	ssyncadd.s32 $0xFFFFD000  }
0xcb: {  	[tilespmem:s21], [sflag:$0x1] =	stream.indirect.gather [hbm4b:s4+s24], $0x80, s13, s24, $0xb8;
	[tilespmem:$0x1F800] =	vst v63  }
0xcc: {  	_ =	swait.ge [sflag:s0], $0x3000  }
0xcd: {  	[sflag:s0] =	ssyncset.done $0x0  }
0xce: {  	s13 =	sadd.s32 $0x1480, s12;
	[sflag:s0] =	ssyncadd.s32 $0xFFFFD000  }
0xcf: {  	[spmem:s1] =	stream.indirect.scatter.add.f32 [tilespmem:s26], [sflag:$0x5], $0x80, s13, s24, $0xb8;
	[tilespmem:$0x1F800] =	vst v63  }
0xd0: {  	_ =	swait.ge [sflag:s2], $0x3000  }
0xd1: {  	[sflag:s2] =	ssyncset.done $0x0  }
0xd2: {  	s13 =	sadd.s32 $0x200, s12;
	[sflag:s2] =	ssyncadd.s32 $0xFFFFD000  }
0xd3: {  	[tilespmem:s26], [sflag:$0x2] =	stream.indirect.gather [hbm4b:s4+s24], $0x80, s13, s24, $0xb8;
	[tilespmem:$0x1F800] =	vst v63  }
0xd4: {  	_ =	swait.ge [sflag:s5], $0x3000  }
0xd5: {  	[sflag:s5] =	ssyncset.done $0x0  }
.Ltmp2:
0xd6: {  	s13 =	sadd.s32 $0x1500, s12;
	[sflag:s5] =	ssyncadd.s32 $0xFFFFD000;
	(pc) =	sbr.rel @p0 .LBB2_6-.Ltmp2, $4  }
0xd7: {  	[spmem:s1] =	stream.indirect.scatter.add.f32 [tilespmem:s29], [sflag:$0x6], $0x80, s13, s24, $0xb8;
	[tilespmem:$0x1F800] =	vst v63  }
0xd8: {  	_ =	swait.ge [sflag:s6], $0x3000  }
0xd9: {  	[sflag:s6] =	ssyncset.done $0x0  }
0xda: {  	s12 =	sadd.s32 $0x280, s12;
	[sflag:s6] =	ssyncadd.s32 $0xFFFFD000  }
0xdb: {  	[tilespmem:s29], [sflag:$0x3] =	stream.indirect.gather [hbm4b:s4+s24], $0x80, s12, s24, $0xb8;
	[tilespmem:$0x1F800] =	vst v63  }
0xdc: {  	_ =	swait.ge [sflag:s30], $0x3000  }
0xdd: {  	[sflag:s30] =	ssyncset.done $0x0  }
0xde: {  	[sflag:s30] =	ssyncadd.s32 $0xFFFFD000  }
0xdf: {  	[spmem:s1] =	stream.indirect.scatter.add.f32 [tilespmem:s21], [sflag:$0x4], $0x80, s7, s24, $0xb8;
	[tilespmem:$0x1F800] =	vst v63  }
0xe0: {  	_ =	swait.ge [sflag:s31], $0x3000  }
0xe1: {  	[sflag:s31] =	ssyncset.done $0x0  }
0xe2: {  	[sflag:s31] =	ssyncadd.s32 $0xFFFFD000  }
0xe3: {  	_ =	swait.ge [sflag:s0], $0x3000  }
0xe4: {  	[sflag:s0] =	ssyncset.done $0x0  }
0xe5: {  	[sflag:s0] =	ssyncadd.s32 $0xFFFFD000  }
0xe6: {  	[spmem:s1] =	stream.indirect.scatter.add.f32 [tilespmem:s26], [sflag:$0x5], $0x80, s8, s24, $0xb8;
	[tilespmem:$0x1F800] =	vst v63  }
0xe7: {  	_ =	swait.ge [sflag:s2], $0x3000  }
0xe8: {  	[sflag:s2] =	ssyncset.done $0x0  }
0xe9: {  	[sflag:s2] =	ssyncadd.s32 $0xFFFFD000  }
0xea: {  	_ =	swait.ge [sflag:s5], $0x3000  }
0xeb: {  	[sflag:s5] =	ssyncset.done $0x0  }
0xec: {  	[sflag:s5] =	ssyncadd.s32 $0xFFFFD000  }
0xed: {  	[spmem:s1] =	stream.indirect.scatter.add.f32 [tilespmem:s29], [sflag:$0x6], $0x80, s9, s24, $0xb8;
	[tilespmem:$0x1F800] =	vst v63  }
0xee: {  	_ =	swait.ge [sflag:s6], $0x3000  }
0xef: {  	[sflag:s6] =	ssyncset.done $0x0  }
0xf0: {  	s10 =	simm.s32 $0x0;
	s13 =	rddreg [dreg:$0x7];
	[sflag:s6] =	ssyncadd.s32 $0xFFFFD000  }
0xf1: {  	[tilespmem:s10], [sflag:$0x7] =	stream.linear.gather [hbm4b:s13+s10], $0x1200, $0x38;
	[tilespmem:$0x1F800] =	vst v63  }
0xf2: {  	_ =	swait.ge [sflag:s22], $0x1200  }
0xf3: {  	[sflag:s22] =	ssyncset.done $0x0  }
0xf4: {  	s13 =	rddreg [dreg:$0x8];
	[sflag:s22] =	ssyncadd.s32 $0xFFFFEE00  }
0xf5: {  	[tilespmem:s23], [sflag:$0x7] =	stream.linear.gather [hbm4b:s13+s10], $0x1200, $0x38;
	[tilespmem:$0x1F800] =	vst v63  }
0xf6: {  	_ =	swait.ge [sflag:s22], $0x1200  }
0xf7: {  	[sflag:s22] =	ssyncset.done $0x0  }
0xf8: {  	[sflag:s22] =	ssyncadd.s32 $0xFFFFEE00  }
0xf9: {  	[tilespmem:s21], [sflag:$0x1] =	stream.indirect.gather [hbm4b:s4+s24], $0x80, s10, s24, $0xb8;
	[tilespmem:$0x1F800] =	vst v63  }
0xfa: {  	_ = 	snop  }
0xfb: {  	[tilespmem:s26], [sflag:$0x2] =	stream.indirect.gather [hbm4b:s4+s24], $0x80, s25, s24, $0xb8;
	[tilespmem:$0x1F800] =	vst v63  }
0xfc: {  	_ = 	snop  }
0xfd: {  	[tilespmem:s29], [sflag:$0x3] =	stream.indirect.gather [hbm4b:s4+s24], $0x80, s28, s24, $0xb8;
	[tilespmem:$0x1F800] =	vst v63  }
0xfe: {  	_ =	swait.ge [sflag:s30], $0x3000  }
0xff: {  	[sflag:s30] =	ssyncset.done $0x0  }
0x100: {  	s13 =	simm.s32 $0x1400;
	[sflag:s30] =	ssyncadd.s32 $0xFFFFD000  }
0x101: {  	[spmem:s1] =	stream.indirect.scatter.add.f32 [tilespmem:s21], [sflag:$0x4], $0x80, s13, s24, $0xb8;
	[tilespmem:$0x1F800] =	vst v63  }
0x102: {  	_ =	swait.ge [sflag:s31], $0x3000  }
0x103: {  	[sflag:s31] =	ssyncset.done $0x0  }
0x104: {  	s12 =	simm.s32 $0x180;
	[sflag:s31] =	ssyncadd.s32 $0xFFFFD000  }
0x105: {  	[tilespmem:s21], [sflag:$0x1] =	stream.indirect.gather [hbm4b:s4+s24], $0x80, s12, s24, $0xb8;
	[tilespmem:$0x1F800] =	vst v63  }
0x106: {  	_ =	swait.ge [sflag:s0], $0x3000  }
0x107: {  	[sflag:s0] =	ssyncset.done $0x0  }
0x108: {  	s13 =	simm.s32 $0x1480;
	[sflag:s0] =	ssyncadd.s32 $0xFFFFD000  }
0x109: {  	[spmem:s1] =	stream.indirect.scatter.add.f32 [tilespmem:s26], [sflag:$0x5], $0x80, s13, s24, $0xb8;
	[tilespmem:$0x1F800] =	vst v63  }
0x10a: {  	_ =	swait.ge [sflag:s2], $0x3000  }
0x10b: {  	[sflag:s2] =	ssyncset.done $0x0  }
0x10c: {  	s12 =	simm.s32 $0x200;
	[sflag:s2] =	ssyncadd.s32 $0xFFFFD000  }
0x10d: {  	[tilespmem:s26], [sflag:$0x2] =	stream.indirect.gather [hbm4b:s4+s24], $0x80, s12, s24, $0xb8;
	[tilespmem:$0x1F800] =	vst v63  }
0x10e: {  	_ =	swait.ge [sflag:s5], $0x3000  }
0x10f: {  	[sflag:s5] =	ssyncset.done $0x0  }
0x110: {  	s13 =	simm.s32 $0x1500;
	[sflag:s5] =	ssyncadd.s32 $0xFFFFD000  }
0x111: {  	[spmem:s1] =	stream.indirect.scatter.add.f32 [tilespmem:s29], [sflag:$0x6], $0x80, s13, s24, $0xb8;
	[tilespmem:$0x1F800] =	vst v63  }
0x112: {  	_ =	swait.ge [sflag:s6], $0x3000  }
0x113: {  	[sflag:s6] =	ssyncset.done $0x0  }
0x114: {  	s10 =	simm.s32 $0x600;
	s12 =	simm.s32 $0x280;
	[sflag:s6] =	ssyncadd.s32 $0xFFFFD000  }
.LBB2_8:
0x115: {  	[tilespmem:s29], [sflag:$0x3] =	stream.indirect.gather [hbm4b:s4+s24], $0x80, s12, s24, $0xb8;
	[tilespmem:$0x1F800] =	vst v63  }
0x116: {  	s12 =	smov.u32 s10  }
0x117: {  	p0 =	sne.s32 s10, $0x3C00;
	s10 =	sadd.s32 $0x600, s10;
	_ =	swait.ge [sflag:s30], $0x3000  }
0x118: {  	s12 =	sshra.s32 s12, $0x2;
	[sflag:s30] =	ssyncset.done $0x0  }
0x119: {  	s13 =	sadd.s32 $0x1400, s12;
	[sflag:s30] =	ssyncadd.s32 $0xFFFFD000  }
0x11a: {  	[spmem:s1] =	stream.indirect.scatter.add.f32 [tilespmem:s21], [sflag:$0x4], $0x80, s13, s24, $0xb8;
	[tilespmem:$0x1F800] =	vst v63  }
0x11b: {  	_ =	swait.ge [sflag:s31], $0x3000  }
0x11c: {  	[sflag:s31] =	ssyncset.done $0x0  }
0x11d: {  	s13 =	sadd.s32 $0x180, s12;
	[sflag:s31] =	ssyncadd.s32 $0xFFFFD000  }
0x11e: {  	[tilespmem:s21], [sflag:$0x1] =	stream.indirect.gather [hbm4b:s4+s24], $0x80, s13, s24, $0xb8;
	[tilespmem:$0x1F800] =	vst v63  }
0x11f: {  	_ =	swait.ge [sflag:s0], $0x3000  }
0x120: {  	[sflag:s0] =	ssyncset.done $0x0  }
0x121: {  	s13 =	sadd.s32 $0x1480, s12;
	[sflag:s0] =	ssyncadd.s32 $0xFFFFD000  }
0x122: {  	[spmem:s1] =	stream.indirect.scatter.add.f32 [tilespmem:s26], [sflag:$0x5], $0x80, s13, s24, $0xb8;
	[tilespmem:$0x1F800] =	vst v63  }
0x123: {  	_ =	swait.ge [sflag:s2], $0x3000  }
0x124: {  	[sflag:s2] =	ssyncset.done $0x0  }
0x125: {  	s13 =	sadd.s32 $0x200, s12;
	[sflag:s2] =	ssyncadd.s32 $0xFFFFD000  }
0x126: {  	[tilespmem:s26], [sflag:$0x2] =	stream.indirect.gather [hbm4b:s4+s24], $0x80, s13, s24, $0xb8;
	[tilespmem:$0x1F800] =	vst v63  }
0x127: {  	_ =	swait.ge [sflag:s5], $0x3000  }
0x128: {  	[sflag:s5] =	ssyncset.done $0x0  }
.Ltmp3:
0x129: {  	s13 =	sadd.s32 $0x1500, s12;
	[sflag:s5] =	ssyncadd.s32 $0xFFFFD000;
	(pc) =	sbr.rel @p0 .LBB2_8-.Ltmp3, $4  }
0x12a: {  	[spmem:s1] =	stream.indirect.scatter.add.f32 [tilespmem:s29], [sflag:$0x6], $0x80, s13, s24, $0xb8;
	[tilespmem:$0x1F800] =	vst v63  }
0x12b: {  	_ =	swait.ge [sflag:s6], $0x3000  }
0x12c: {  	[sflag:s6] =	ssyncset.done $0x0  }
0x12d: {  	s12 =	sadd.s32 $0x280, s12;
	[sflag:s6] =	ssyncadd.s32 $0xFFFFD000  }
0x12e: {  	[tilespmem:s29], [sflag:$0x3] =	stream.indirect.gather [hbm4b:s4+s24], $0x80, s12, s24, $0xb8;
	[tilespmem:$0x1F800] =	vst v63  }
0x12f: {  	_ =	swait.ge [sflag:s30], $0x3000  }
0x130: {  	[sflag:s30] =	ssyncset.done $0x0  }
0x131: {  	[sflag:s30] =	ssyncadd.s32 $0xFFFFD000  }
0x132: {  	[spmem:s1] =	stream.indirect.scatter.add.f32 [tilespmem:s21], [sflag:$0x4], $0x80, s7, s24, $0xb8;
	[tilespmem:$0x1F800] =	vst v63  }
0x133: {  	_ =	swait.ge [sflag:s31], $0x3000  }
0x134: {  	[sflag:s31] =	ssyncset.done $0x0  }
0x135: {  	[sflag:s31] =	ssyncadd.s32 $0xFFFFD000  }
0x136: {  	_ =	swait.ge [sflag:s0], $0x3000  }
0x137: {  	[sflag:s0] =	ssyncset.done $0x0  }
0x138: {  	[sflag:s0] =	ssyncadd.s32 $0xFFFFD000  }
0x139: {  	[spmem:s1] =	stream.indirect.scatter.add.f32 [tilespmem:s26], [sflag:$0x5], $0x80, s8, s24, $0xb8;
	[tilespmem:$0x1F800] =	vst v63  }
0x13a: {  	_ =	swait.ge [sflag:s2], $0x3000  }
0x13b: {  	[sflag:s2] =	ssyncset.done $0x0  }
0x13c: {  	[sflag:s2] =	ssyncadd.s32 $0xFFFFD000  }
0x13d: {  	_ =	swait.ge [sflag:s5], $0x3000  }
0x13e: {  	[sflag:s5] =	ssyncset.done $0x0  }
0x13f: {  	[sflag:s5] =	ssyncadd.s32 $0xFFFFD000  }
0x140: {  	[spmem:s1] =	stream.indirect.scatter.add.f32 [tilespmem:s29], [sflag:$0x6], $0x80, s9, s24, $0xb8;
	[tilespmem:$0x1F800] =	vst v63  }
0x141: {  	_ =	swait.ge [sflag:s6], $0x3000  }
0x142: {  	[sflag:s6] =	ssyncset.done $0x0  }
0x143: {  	s10 =	stileid.u32;
	[sflag:s6] =	ssyncadd.s32 $0xFFFFD000  }
0x144: {  	s10 =	sshll.u32 s10, $0x6;
	[bflag:$0x0] =	sbarrier.arrive $0xFFFF  }
0x145: {  	s12 =	sshrl.u32 s11, $0x3;
	s10 =	sor.u32 $0x1C07, s10;
	s13 =	rddreg [dreg:$0x9]  }
0x146: {  	[hbm:s13], [sflag:s10] =	dma.local [spmem:s12], $0x2800  }
0x147: {  	_ =	swait.ge [sflag:s22], $0x2800  }
0x148: {  	s3 =	sadd.s32 $0x1, s3;
	s13 =	rddreg [dreg:$0xa]  }
0x149: {  	p0 =	sne.s32 s3, s13  }
.Ltmp4:
0x14a: {  	_ = 	snop;
	(pc) =	sbr.rel @p0 .LBB2_1-.Ltmp4, $3  }
0x14b: {  	_ =	sdelay $0x1  }
0x14c: {  	[sflag:s22] =	ssyncset.done $0x0  }
0x14d: {  	[sflag:s22] =	ssyncadd.s32 $0xFFFFD800  }
0x14e: {  	_ =	sfence.sel $0x180000  }
0x14f: {  	[bflag:$0x0] =	sbarrier.arrive $0xFFFF  }
0x150: {  	_ =	strace $0x9000004A  }
0x151: {  	s0 =	stileid.u32;
	[bflag:$0x2] =	sbarrier.arrive $0xFFFF  }
0x152: {  	p0 =	sne.s32 s0, $0x0;
	s0 =	rddreg [dreg:$0x2]  }
0x153: {  	s0 =	sadd.s32 @!p0 $0x100000, s0  }
0x154: {  	[sflag:s0] =	ssyncadd.tile.s32 @!p0 $0x1;
	_ =	shalt  }
.Lfunc_end2:
_tile_overlayer_lowered:
.L_overlay_start_2:
0x155: {  	(tag) =	ssettag $0x2  }
0x156: {  	s0 =	rddreg [dreg:$0x0];
	s2 =	stileid.u32  }
0x157: {  	s1 =	rddreg [dreg:$0x1];
	p0 =	sne.s32 s2, $0x0  }
0x158: {  	s3 =	rddreg [dreg:$0x2];
	[bflag:$0x3] =	sbarrier.arrive $0xFFFF;
	s2 =	simm.s32 @!p0 $0x1C07  }
0x159: {  	[timem:s3], [sflag:s2] =	dma.local @!p0 [hbm:s0], s1  }
0x15a: {  	s0 =	simm.s32 @!p0 $0x7  }
0x15b: {  	_ =	swait.ge @!p0 [sflag:s0], s1  }
0x15c: {  	s1 =	ssub.s32 @!p0 $0x0, s1;
	[sflag:s0] =	ssyncset.done @!p0 $0x0  }
0x15d: {  	[sflag:s0] =	ssyncadd.s32 @!p0 s1  }
0x15e: {  	[bflag:$0x3] =	sbarrier.arrive $0xFFFF  }
0x15f: {  	_ =	shalt  }

// kernel: kernel.14.cloned.1.call-start
scs
__scs_entry_jumppad:
0x0: {  	(pc) =	sbr.rel $0x88, $3  }
0x1: {  	(tag) =	ssettag $0x0;
	lr =	simm.s32 $0x1  }
0x2: {  	[smem:$0x3F98] =	sst lr;
	_ =	strace $0xD0000000  }
0x3: {  	_ = 	snop  }
0x4: {  	_ = 	snop  }
0x5: {  	_ = 	snop  }
0x6: {  	_ = 	snop  }
0x7: {  	_ = 	snop  }
__scs_overlays_trampoline_lowered:
0x8: {  	[smem:$0x3FA7] =	sst s0  }
0x9: {  	[smem:$0x3FA8] =	sst s1  }
0xa: {  	[smem:$0x3FA9] =	sst s2  }
0xb: {  	[smem:$0x3FAA] =	sst s3  }
0xc: {  	[smem:$0x3FAB] =	sst s4  }
0xd: {  	[smem:$0x3FAC] =	sst s5  }
0xe: {  	[smem:$0x3FAD] =	sst s6  }
0xf: {  	[smem:$0x3FAE] =	sst s7  }
0x10: {  	[smem:$0x3FAF] =	sst s8  }
0x11: {  	[smem:$0x3FB0] =	sst s9;
	s0 =	simm.s32 @!p0 $0x0  }
0x12: {  	s1 =	sld [smem:$0x3F96];
	s0 =	simm.s32 @p0 $0x1  }
0x13: {  	[smem:$0x3FB1] =	sst s0;
	s0 =	simm.s32 @!p1 $0x0  }
0x14: {  	s2 =	sld [smem:$0x3F95];
	s0 =	simm.s32 @p1 $0x1  }
0x15: {  	[smem:$0x3FB2] =	sst s0;
	s0 =	simm.s32 @!p2 $0x0  }
0x16: {  	s3 =	sld [smem:$0x3FDB];
	s0 =	simm.s32 @p2 $0x1  }
0x17: {  	s4 =	simm.s32 $0x1BF5;
	[smem:$0x3FB4] =	sst s0  }
0x18: {  	s0 =	sld [smem:$0x3F97];
	_ =	swait.ge [sflag:s4], $0x0  }
0x19: {  	s7 =	sld [smem:$0x3F98]  }
0x1a: {  	s8 =	sadd.s32 $0xFFFFE003, lr  }
0x1b: {  	s9 =	sadd.s32 $0xFFFFFEF7, lr;
	s5 =	simm.s32 $0xFFFFFFFF;
	p2 =	slt.u32 s8, $0xFFFFF086  }
0x1c: {  	p1 =	slt.u32 s9, $0xF7A;
	s5 =	simm.s32 @!p2 $0x0  }
0x1d: {  	s5 =	simm.s32 @p1 $0x1;
	p0 =	seq.s32 s7, s2  }
0x1e: {  	s7 =	smul.u32 @!p0 $0xF7A, s2;
	p2 =	seq.s32 @!p0 s5, $0x0  }
0x1f: {  	s9 =	smul.u32 $0xF7A, s1;
	s8 =	simm.s32 @!p0 $0x1BF5;
	p2 =	por !p2, p0  }
0x20: {  	[sflag:s8] =	ssyncset.s32 @!p0 $0xFFFFF086;
	s6 =	sadd.s32 @!p0 s3, s7;
	s7 =	simm.s32 @!p0 $0x108  }
0x21: {  	s3 =	sadd.s32 s3, s9;
	s6 =	sadd.s32 @!p0 $0x88, s6;
	s7 =	simm.s32 @p2 $0x1082  }
0x22: {  	[simem:s7], [sflag:s8] =	dma.local @!p0 [hbm:s6], $0xF7A  }
0x23: {  	s9 =	sor.u32 $0xD0000000, s2;
	s6 =	simm.s32 $0x108;
	_ =	swait.ge @!p0 [sflag:s8], $0x0  }
0x24: {  	s3 =	sadd.s32 $0x88, s3;
	s6 =	simm.s32 @!p1 $0x1082;
	[sflag:s4] =	ssyncset.s32 $0xFFFFF086  }
0x25: {  	[simem:s6], [sflag:s4] =	dma.local [hbm:s3], $0xF7A  }
0x26: {  	[smem:$0x3F98] =	sst s1;
	(tag) =	ssettag s2;
	_ =	strace s9  }
0x27: {  	s1 =	sld [smem:$0x3FA8]  }
0x28: {  	s2 =	sld [smem:$0x3FA9]  }
0x29: {  	s4 =	sld [smem:$0x3FAB]  }
0x2a: {  	p0 =	seq.s32 s5, $0x0;
	s5 =	sld [smem:$0x3FAC]  }
0x2b: {  	s6 =	sld [smem:$0x3FAD]  }
0x2c: {  	s7 =	sld [smem:$0x3FAE]  }
0x2d: {  	s3 =	simm.s32 $0x108;
	s8 =	sld [smem:$0x3FAF]  }
0x2e: {  	s3 =	simm.s32 @!p0 $0x1082;
	s9 =	sld [smem:$0x3FB0]  }
0x2f: {  	lr =	sadd.s32 s0, s3;
	s0 =	sld [smem:$0x3FA7]  }
0x30: {  	s3 =	sld [smem:$0x3FAA]  }
0x31: {  	[smem:$0x3FB3] =	sst s10  }
0x32: {  	s10 =	sld [smem:$0x3FB1];
	_ =	sdelay $0x3  }
0x33: {  	p0 =	seq.s32 s10, $0x1;
	s10 =	sld [smem:$0x3FB3];
	_ =	sdelay $0x3  }
0x34: {  	[smem:$0x3FB3] =	sst s10  }
0x35: {  	s10 =	sld [smem:$0x3FB2];
	_ =	sdelay $0x3  }
0x36: {  	p1 =	seq.s32 s10, $0x1;
	s10 =	sld [smem:$0x3FB3];
	_ =	sdelay $0x3  }
0x37: {  	[smem:$0x3FB3] =	sst s10  }
0x38: {  	s10 =	sld [smem:$0x3FB4]  }
0x39: {  	_ = 	snop;
	(pc) =	sbr.ind lr, $3  }
0x3a: {  	_ = 	snop  }
0x3b: {  	_ = 	snop  }
0x3c: {  	p2 =	seq.s32 s10, $0x1;
	s10 =	sld [smem:$0x3FB3]  }
0x3d: {  	_ =	shalt  }
0x3e: {  	_ =	shalt  }
0x3f: {  	_ =	shalt  }
0x40: {  	_ =	shalt  }
0x41: {  	_ =	shalt  }
0x42: {  	_ =	shalt  }
0x43: {  	_ =	shalt  }
0x44: {  	_ =	shalt  }
0x45: {  	_ =	shalt  }
0x46: {  	_ =	shalt  }
0x47: {  	_ =	shalt  }
0x48: {  	_ =	shalt  }
0x49: {  	_ =	shalt  }
0x4a: {  	_ =	shalt  }
0x4b: {  	_ =	shalt  }
0x4c: {  	_ =	shalt  }
0x4d: {  	_ =	shalt  }
0x4e: {  	_ =	shalt  }
0x4f: {  	_ =	shalt  }
0x50: {  	_ =	shalt  }
0x51: {  	_ =	shalt  }
0x52: {  	_ =	shalt  }
0x53: {  	_ =	shalt  }
0x54: {  	_ =	shalt  }
0x55: {  	_ =	shalt  }
0x56: {  	_ =	shalt  }
0x57: {  	_ =	shalt  }
0x58: {  	_ =	shalt  }
0x59: {  	_ =	shalt  }
0x5a: {  	_ =	shalt  }
0x5b: {  	_ =	shalt  }
0x5c: {  	_ =	shalt  }
0x5d: {  	_ =	shalt  }
0x5e: {  	_ =	shalt  }
0x5f: {  	_ =	shalt  }
0x60: {  	_ =	shalt  }
0x61: {  	_ =	shalt  }
0x62: {  	_ =	shalt  }
0x63: {  	_ =	shalt  }
0x64: {  	_ =	shalt  }
0x65: {  	_ =	shalt  }
0x66: {  	_ =	shalt  }
0x67: {  	_ =	shalt  }
0x68: {  	_ =	shalt  }
0x69: {  	_ =	shalt  }
0x6a: {  	_ =	shalt  }
0x6b: {  	_ =	shalt  }
0x6c: {  	_ =	shalt  }
0x6d: {  	_ =	shalt  }
0x6e: {  	_ =	shalt  }
0x6f: {  	_ =	shalt  }
0x70: {  	_ =	shalt  }
0x71: {  	_ =	shalt  }
0x72: {  	_ =	shalt  }
0x73: {  	_ =	shalt  }
0x74: {  	_ =	shalt  }
0x75: {  	_ =	shalt  }
0x76: {  	_ =	shalt  }
0x77: {  	_ =	shalt  }
0x78: {  	_ =	shalt  }
0x79: {  	_ =	shalt  }
0x7a: {  	_ =	shalt  }
0x7b: {  	_ =	shalt  }
0x7c: {  	_ =	shalt  }
0x7d: {  	_ =	shalt  }
0x7e: {  	_ =	shalt  }
0x7f: {  	_ =	shalt  }
0x80: {  	_ =	shalt  }
0x81: {  	_ =	shalt  }
0x82: {  	_ =	shalt  }
0x83: {  	_ =	shalt  }
0x84: {  	_ =	shalt  }
0x85: {  	_ =	shalt  }
0x86: {  	_ =	shalt  }
0x87: {  	_ =	shalt  }
.Lfunc_end0:
.L_simem_size_0:
called_computation.2_lowered:
.L_overlay_start_0:
0x88: {  	s2 =	sld [smem:$0x3FD9]  }
0x89: {  	s3 =	sld [smem:$0x3FFE];
	_ =	sdelay $0x1  }
0x8a: {  	s1 =	srdreg.scid  }
0x8b: {  	s0 =	sand.u32 $0x1, s1  }
0x8c: {  	s16 =	sshll.u32 s0, $0xA;
	s2 =	sadd.s32 s3, s2  }
0x8d: {  	s2 =	sadd.s32 s2, s16  }
0x8e: {  	[smem:$0x3FBF] =	sst s2  }
0x8f: {  	_ = 	snop  }
0x90: {  	(tm) =	ssettm $0x1  }
0x91: {  	s17 =	sld [smem:$0x3FFB];
	_ =	sdelay $0x3  }
0x92: {  	_ =	strace s17  }
0x93: {  	s2 =	sld [smem:$0x3FFC];
	_ =	sdelay $0x3  }
0x94: {  	_ =	strace s2  }
0x95: {  	s2 =	sld [smem:$0x3FFD];
	_ =	sdelay $0x3  }
0x96: {  	_ =	strace s2  }
0x97: {  	_ =	strace $0x8FFFFFFF  }
0x98: {  	s18 =	sld [smem:$0x3FDB];
	_ =	sdelay $0x1  }
0x99: {  	s19 =	simm.s32 $_scs_section_size  }
0x9a: {  	s4 =	simm.s32 $_size__tile_overlayer_lowered;
	s5 =	simm.s32 $_tile_overlayer_lowered  }
0x9b: {  	s22 =	simm.s32 $0x1BFF;
	s21 =	sshll.u32 s5, $0x1;
	s2 =	sadd.s32 s19, s18  }
0x9c: {  	s6 =	simm.s32 $0x0;
	s20 =	sshll.u32 s4, $0x1;
	s4 =	sadd.s32 s21, s2  }
0x9d: {  	[timem:s6], [sflag:s22] =	dma.local [hbm:s4], s20  }
0x9e: {  	_ =	swait.ge [sflag:s22], s20  }
0x9f: {  	s3 =	ssub.s32 $0x0, s20;
	[sflag:s22] =	ssyncset.done $0x0  }
0xa0: {  	[sflag:s22] =	ssyncadd.s32 s3;
	_ =	sdelay $0x1  }
0xa1: {  	s23 =	simm.s32 $0x1B8B  }
0xa2: {  	_ =	swait.ge [sflag:s23], $0x1  }
0xa3: {  	[sflag:s23] =	ssyncset.done $0x0  }
0xa4: {  	s25 =	simm.s32 $0x1B8E;
	s24 =	sld [smem:$0x3FFE];
	[sflag:s23] =	ssyncadd.s32 $0xFFFFFFFF  }
0xa5: {  	s26 =	simm.s32 $execute0_lowered;
	[smem:$0x3FD2] =	sst s25  }
0xa6: {  	s4 =	sshll.u32 s26, $0x1;
	_ =	strace $0x8000004C;
	[dreg:$0x1] =	wrdreg $0xFFFFFFFF  }
0xa7: {  	s28 =	simm.s32 $_size_execute0_lowered;
	s2 =	sadd.s32 s2, s4;
	[dreg:$0x0] =	wrdreg $0x0  }
0xa8: {  	s4 =	sshll.u32 s28, $0x1;
	[dreg:$0x2] =	wrdreg s2  }
0xa9: {  	[dreg:$0x3] =	wrdreg s4  }
0xaa: {  	[dreg:$0x4] =	wrdreg $0xC0  }
0xab: {  	_ =	task [dreg:s6], $0x5FFFF  }
0xac: {  	[dreg:$0x1] =	wrdreg $0xFFFFFFFF  }
0xad: {  	[dreg:$0x0] =	wrdreg $0x60  }
0xae: {  	[dreg:$0x2] =	wrdreg s24  }
0xaf: {  	[dreg:$0x3] =	wrdreg $0xB8000  }
0xb0: {  	[dreg:$0x4] =	wrdreg $0x9  }
0xb1: {  	_ =	task.clear_ibuf [dreg:s6], $0x5FFFF;
	_ =	strace $0x9000004C  }
0xb2: {  	s29 =	simm.s32 $0x9;
	_ =	strace $0x8000004E  }
0xb3: {  	_ =	swait.ge [sflag:s29], $0x1  }
0xb4: {  	[sflag:s29] =	ssyncadd.s32 $0xFFFFFFFF  }
0xb5: {  	_ =	strace $0x9000004E  }
0xb6: {  	_ =	sfence  }
0xb7: {  	s30 =	sld [smem:$0x0];
	_ =	sdelay $0x2  }
0xb8: {  	s31 =	sshll.u32 s1, $0xD;
	s1 =	sshrl.u32 s1, $0x2  }
0xb9: {  	s3 =	sand.u32 $0x4000, s31;
	s1 =	sadd.s32 s1, s30  }
0xba: {  	s0 =	sor.u32 s3, s0;
	s1 =	sshll.u32 s1, $0x11  }
0xbb: {  	s0 =	sor.u32 s1, s0  }
0xbc: {  	s0 =	sadd.s32 $0x8F2B, s0  }
0xbd: {  	[sflag:s0] =	ssyncadd.remote.s32 $0x1  }
0xbe: {  	_ =	sfence.sel $0xFFFF  }
0xbf: {  	[dreg:$0x0] =	wrdreg $0xFFFFFFFF;
	(pc) =	sbr.abs _section_cstart, $3  }
0xc0: {  	[dreg:$0x1] =	wrdreg $0xFFFFFFFF  }
0xc1: {  	_ =	task.clear_ibuf [dreg:s6], $0x2FFFF;
	_ =	strace $0x9FFFFFFF  }
0xc2: {  	(tm) =	ssettm $0x7FFFFFFF  }
0xc3: {  	_ =	shalt  }
tec
execute0_lowered:
.L_overlay_start_1:
0x0: {  	(tag) =	ssettag $0x1  }
0x1: {  	s0 =	rddreg [dreg:$0x0]  }
0x2: {  	s1 =	rddreg [dreg:$0x1];
	s2 =	srdreg.scid;
	s3 =	simm.s32 $0x0  }
0x3: {  	s10 =	stileid.u32;
	s28 =	simm.s32 $0x100;
	s29 =	simm.s32 $0x8800  }
0x4: {  	s30 =	simm.s32 $0x1;
	s31 =	simm.s32 $0x4;
	s6 =	smul.u32 $0x2800, s10  }
0x5: {  	s2 =	sand.u32 $0x1, s2;
	[smem:$0x7FF] =	sst s3;
	s22 =	smul.u32 $0x50000, s10  }
0x6: {  	s8 =	sadd.s32 $0x6CE00, s0;
	s9 =	sadd.s32 $0x5DE00, s0;
	s5 =	smul.u32 $0x28000, s2  }
0x7: {  	s4 =	sshll.u32 s2, $0x4;
	_ =	strace $0x8000004D;
	s2 =	ssub.s32 $0x2, s2  }
0x8: {  	s7 =	sor.u32 s10, s4;
	s4 =	sadd.s32 $0x2E00, s0;
	s18 =	sshrl.u32 s2, $0x1  }
0x9: {  	s25 =	sshrl.u32 s22, $0x2;
	s22 =	simm.s32 $0x7;
	s7 =	smul.u32 $0x3C00, s7  }
0xa: {  	s5 =	sadd.s32 s6, s5;
	s2 =	ssub.s32 s2, s18;
	s11 =	sadd.s32 s25, s1  }
0xb: {  	s25 =	simm.s32 $0x80;
	s6 =	simm.s32 $0x6;
	s0 =	sadd.s32 s5, s0  }
0xc: {  	s26 =	smax.u32 s2, $0x1;
	s14 =	sadd.s32 $0x2800, s11;
	s15 =	sadd.s32 $0x5000, s11  }
0xd: {  	s16 =	sadd.s32 $0x7800, s11;
	s17 =	sadd.s32 $0xA000, s11;
	s18 =	sadd.s32 $0xC800, s11  }
0xe: {  	s2 =	simm.s32 $0x5;
	s7 =	sshrl.u32 s7, $0x3;
	s0 =	sadd.s32 $0x7BE00, s0  }
0xf: {  	[dreg:$0xa] =	wrdreg s26;
	s26 =	simm.s32 $0x5800;
	s19 =	sadd.s32 s8, s7  }
0x10: {  	s20 =	sadd.s32 s9, s7;
	s21 =	sadd.s32 $0x280, s7;
	[dreg:$0x9] =	wrdreg s0  }
0x11: {  	s24 =	sadd.s32 $0x500, s7;
	s0 =	simm.s32 $0x2;
	[dreg:$0x3] =	wrdreg s19  }
0x12: {  	[dreg:$0x4] =	wrdreg s20;
	s23 =	sadd.s32 s8, s21;
	s5 =	sadd.s32 s9, s21  }
0x13: {  	s7 =	sadd.s32 s8, s24;
	s19 =	sadd.s32 $0xF000, s11;
	[dreg:$0x5] =	wrdreg s23  }
0x14: {  	s20 =	sadd.s32 $0x11800, s11;
	s21 =	simm.s32 $0x2800;
	[dreg:$0x6] =	wrdreg s5  }
0x15: {  	s8 =	simm.s32 $0x2500;
	[dreg:$0x7] =	wrdreg s7;
	s5 =	sadd.s32 s9, s24  }
0x16: {  	s23 =	simm.s32 $0x1400;
	s24 =	simm.s32 $0x60;
	s7 =	simm.s32 $0x2480  }
0x17: {  	v0 =	vimm.f32 $0.0e+00;
	s9 =	simm.s32 $0x2580;
	[dreg:$0x8] =	wrdreg s5;
	s5 =	simm.s32 $0x3  }
.LBB2_1:
0x18: {  	s10 =	simm.s32 $0x0;
	s12 =	simm.s32 $0x200  }
.LBB2_2:
0x19: {  	p0 =	sne.s32 s12, $0xBE00;
	[tilespmem:s10+$0x2870] =	vst v0  }
0x1a: {  	[tilespmem:s10+$0x2800] =	vst v0  }
0x1b: {  	[tilespmem:s10+$0x2810] =	vst v0  }
.Ltmp0:
0x1c: {  	[tilespmem:s10+$0x2820] =	vst v0;
	(pc) =	sbr.rel @p0 .LBB2_2-.Ltmp0, $4  }
0x1d: {  	[tilespmem:s10+$0x2830] =	vst v0  }
0x1e: {  	[tilespmem:s10+$0x2840] =	vst v0  }
0x1f: {  	[tilespmem:s10+$0x2850] =	vst v0  }
0x20: {  	[tilespmem:s10+$0x2860] =	vst v0;
	s10 =	sshra.s32 s12, $0x2;
	s12 =	sadd.s32 $0x200, s12  }
0x21: {  	[tilespmem:s10+$0x2870] =	vst v0  }
0x22: {  	[tilespmem:s10+$0x2800] =	vst v0  }
0x23: {  	[tilespmem:s10+$0x2810] =	vst v0  }
0x24: {  	[tilespmem:s10+$0x2820] =	vst v0  }
0x25: {  	[tilespmem:s10+$0x2830] =	vst v0  }
0x26: {  	[tilespmem:s10+$0x2840] =	vst v0  }
0x27: {  	[tilespmem:s10+$0x2850] =	vst v0  }
0x28: {  	[tilespmem:s10+$0x2860] =	vst v0  }
0x29: {  	[spmem:s11] =	stream.linear.scatter [tilespmem:s21], [sflag:$0x7], $0x2800, $0x38;
	[tilespmem:$0x1F800] =	vst v63  }
0x2a: {  	_ =	swait.ge [sflag:s22], $0x2800  }
0x2b: {  	[sflag:s22] =	ssyncset.done $0x0  }
0x2c: {  	[sflag:s22] =	ssyncadd.s32 $0xFFFFD800  }
0x2d: {  	[spmem:s14] =	stream.linear.scatter [tilespmem:s21], [sflag:$0x7], $0x2800, $0x38;
	[tilespmem:$0x1F800] =	vst v63  }
0x2e: {  	_ =	swait.ge [sflag:s22], $0x2800  }
0x2f: {  	[sflag:s22] =	ssyncset.done $0x0  }
0x30: {  	[sflag:s22] =	ssyncadd.s32 $0xFFFFD800  }
0x31: {  	[spmem:s15] =	stream.linear.scatter [tilespmem:s21], [sflag:$0x7], $0x2800, $0x38;
	[tilespmem:$0x1F800] =	vst v63  }
0x32: {  	_ =	swait.ge [sflag:s22], $0x2800  }
0x33: {  	[sflag:s22] =	ssyncset.done $0x0  }
0x34: {  	[sflag:s22] =	ssyncadd.s32 $0xFFFFD800  }
0x35: {  	[spmem:s16] =	stream.linear.scatter [tilespmem:s21], [sflag:$0x7], $0x2800, $0x38;
	[tilespmem:$0x1F800] =	vst v63  }
0x36: {  	_ =	swait.ge [sflag:s22], $0x2800  }
0x37: {  	[sflag:s22] =	ssyncset.done $0x0  }
0x38: {  	[sflag:s22] =	ssyncadd.s32 $0xFFFFD800  }
0x39: {  	[spmem:s17] =	stream.linear.scatter [tilespmem:s21], [sflag:$0x7], $0x2800, $0x38;
	[tilespmem:$0x1F800] =	vst v63  }
0x3a: {  	_ =	swait.ge [sflag:s22], $0x2800  }
0x3b: {  	[sflag:s22] =	ssyncset.done $0x0  }
0x3c: {  	[sflag:s22] =	ssyncadd.s32 $0xFFFFD800  }
0x3d: {  	[spmem:s18] =	stream.linear.scatter [tilespmem:s21], [sflag:$0x7], $0x2800, $0x38;
	[tilespmem:$0x1F800] =	vst v63  }
0x3e: {  	_ =	swait.ge [sflag:s22], $0x2800  }
0x3f: {  	[sflag:s22] =	ssyncset.done $0x0  }
0x40: {  	[sflag:s22] =	ssyncadd.s32 $0xFFFFD800  }
0x41: {  	[spmem:s19] =	stream.linear.scatter [tilespmem:s21], [sflag:$0x7], $0x2800, $0x38;
	[tilespmem:$0x1F800] =	vst v63  }
0x42: {  	_ =	swait.ge [sflag:s22], $0x2800  }
0x43: {  	[sflag:s22] =	ssyncset.done $0x0  }
0x44: {  	[sflag:s22] =	ssyncadd.s32 $0xFFFFD800  }
0x45: {  	[spmem:s20] =	stream.linear.scatter [tilespmem:s21], [sflag:$0x7], $0x2800, $0x38;
	[tilespmem:$0x1F800] =	vst v63  }
0x46: {  	_ =	swait.ge [sflag:s22], $0x2800  }
0x47: {  	[sflag:s22] =	ssyncset.done $0x0  }
0x48: {  	[sflag:s22] =	ssyncadd.s32 $0xFFFFD800  }
0x49: {  	[bflag:$0x0] =	sbarrier.arrive $0xFFFF  }
0x4a: {  	s10 =	simm.s32 $0x0;
	s12 =	rddreg [dreg:$0x3]  }
0x4b: {  	[tilespmem:s10], [sflag:$0x7] =	stream.linear.gather [hbm4b:s12+s10], $0x1200, $0x38;
	[tilespmem:$0x1F800] =	vst v63  }
0x4c: {  	_ =	swait.ge [sflag:s22], $0x1200  }
0x4d: {  	[sflag:s22] =	ssyncset.done $0x0  }
0x4e: {  	s13 =	rddreg [dreg:$0x4];
	[sflag:s22] =	ssyncadd.s32 $0xFFFFEE00  }
0x4f: {  	[tilespmem:s23], [sflag:$0x7] =	stream.linear.gather [hbm4b:s13+s10], $0x1200, $0x38;
	[tilespmem:$0x1F800] =	vst v63  }
0x50: {  	_ =	swait.ge [sflag:s22], $0x1200  }
0x51: {  	[sflag:s22] =	ssyncset.done $0x0  }
0x52: {  	[sflag:s22] =	ssyncadd.s32 $0xFFFFEE00  }
0x53: {  	[tilespmem:s21], [sflag:$0x1] =	stream.indirect.gather [hbm4b:s4+s24], $0x80, s10, s24, $0xb8;
	[tilespmem:$0x1F800] =	vst v63  }
0x54: {  	_ = 	snop  }
0x55: {  	[tilespmem:s26], [sflag:$0x2] =	stream.indirect.gather [hbm4b:s4+s24], $0x80, s25, s24, $0xb8;
	[tilespmem:$0x1F800] =	vst v63  }
0x56: {  	_ = 	snop  }
0x57: {  	[tilespmem:s29], [sflag:$0x3] =	stream.indirect.gather [hbm4b:s4+s24], $0x80, s28, s24, $0xb8;
	[tilespmem:$0x1F800] =	vst v63  }
0x58: {  	_ =	swait.ge [sflag:s30], $0x3000  }
0x59: {  	[sflag:s30] =	ssyncset.done $0x0  }
0x5a: {  	s13 =	simm.s32 $0x1400;
	[sflag:s30] =	ssyncadd.s32 $0xFFFFD000  }
0x5b: {  	[spmem:s1] =	stream.indirect.scatter.add.f32 [tilespmem:s21], [sflag:$0x4], $0x80, s13, s24, $0xb8;
	[tilespmem:$0x1F800] =	vst v63  }
0x5c: {  	_ =	swait.ge [sflag:s31], $0x3000  }
0x5d: {  	[sflag:s31] =	ssyncset.done $0x0  }
0x5e: {  	s12 =	simm.s32 $0x180;
	[sflag:s31] =	ssyncadd.s32 $0xFFFFD000  }
0x5f: {  	[tilespmem:s21], [sflag:$0x1] =	stream.indirect.gather [hbm4b:s4+s24], $0x80, s12, s24, $0xb8;
	[tilespmem:$0x1F800] =	vst v63  }
0x60: {  	_ =	swait.ge [sflag:s0], $0x3000  }
0x61: {  	[sflag:s0] =	ssyncset.done $0x0  }
0x62: {  	s13 =	simm.s32 $0x1480;
	[sflag:s0] =	ssyncadd.s32 $0xFFFFD000  }
0x63: {  	[spmem:s1] =	stream.indirect.scatter.add.f32 [tilespmem:s26], [sflag:$0x5], $0x80, s13, s24, $0xb8;
	[tilespmem:$0x1F800] =	vst v63  }
0x64: {  	_ =	swait.ge [sflag:s2], $0x3000  }
0x65: {  	[sflag:s2] =	ssyncset.done $0x0  }
0x66: {  	s12 =	simm.s32 $0x200;
	[sflag:s2] =	ssyncadd.s32 $0xFFFFD000  }
0x67: {  	[tilespmem:s26], [sflag:$0x2] =	stream.indirect.gather [hbm4b:s4+s24], $0x80, s12, s24, $0xb8;
	[tilespmem:$0x1F800] =	vst v63  }
0x68: {  	_ =	swait.ge [sflag:s5], $0x3000  }
0x69: {  	[sflag:s5] =	ssyncset.done $0x0  }
0x6a: {  	s13 =	simm.s32 $0x1500;
	[sflag:s5] =	ssyncadd.s32 $0xFFFFD000  }
0x6b: {  	[spmem:s1] =	stream.indirect.scatter.add.f32 [tilespmem:s29], [sflag:$0x6], $0x80, s13, s24, $0xb8;
	[tilespmem:$0x1F800] =	vst v63  }
0x6c: {  	_ =	swait.ge [sflag:s6], $0x3000  }
0x6d: {  	[sflag:s6] =	ssyncset.done $0x0  }
0x6e: {  	s10 =	simm.s32 $0x600;
	s12 =	simm.s32 $0x280;
	[sflag:s6] =	ssyncadd.s32 $0xFFFFD000  }
.LBB2_4:
0x6f: {  	[tilespmem:s29], [sflag:$0x3] =	stream.indirect.gather [hbm4b:s4+s24], $0x80, s12, s24, $0xb8;
	[tilespmem:$0x1F800] =	vst v63  }
0x70: {  	s12 =	smov.u32 s10  }
0x71: {  	p0 =	sne.s32 s10, $0x3C00;
	s10 =	sadd.s32 $0x600, s10;
	_ =	swait.ge [sflag:s30], $0x3000  }
0x72: {  	s12 =	sshra.s32 s12, $0x2;
	[sflag:s30] =	ssyncset.done $0x0  }
0x73: {  	s13 =	sadd.s32 $0x1400, s12;
	[sflag:s30] =	ssyncadd.s32 $0xFFFFD000  }
0x74: {  	[spmem:s1] =	stream.indirect.scatter.add.f32 [tilespmem:s21], [sflag:$0x4], $0x80, s13, s24, $0xb8;
	[tilespmem:$0x1F800] =	vst v63  }
0x75: {  	_ =	swait.ge [sflag:s31], $0x3000  }
0x76: {  	[sflag:s31] =	ssyncset.done $0x0  }
0x77: {  	s13 =	sadd.s32 $0x180, s12;
	[sflag:s31] =	ssyncadd.s32 $0xFFFFD000  }
0x78: {  	[tilespmem:s21], [sflag:$0x1] =	stream.indirect.gather [hbm4b:s4+s24], $0x80, s13, s24, $0xb8;
	[tilespmem:$0x1F800] =	vst v63  }
0x79: {  	_ =	swait.ge [sflag:s0], $0x3000  }
0x7a: {  	[sflag:s0] =	ssyncset.done $0x0  }
0x7b: {  	s13 =	sadd.s32 $0x1480, s12;
	[sflag:s0] =	ssyncadd.s32 $0xFFFFD000  }
0x7c: {  	[spmem:s1] =	stream.indirect.scatter.add.f32 [tilespmem:s26], [sflag:$0x5], $0x80, s13, s24, $0xb8;
	[tilespmem:$0x1F800] =	vst v63  }
0x7d: {  	_ =	swait.ge [sflag:s2], $0x3000  }
0x7e: {  	[sflag:s2] =	ssyncset.done $0x0  }
0x7f: {  	s13 =	sadd.s32 $0x200, s12;
	[sflag:s2] =	ssyncadd.s32 $0xFFFFD000  }
0x80: {  	[tilespmem:s26], [sflag:$0x2] =	stream.indirect.gather [hbm4b:s4+s24], $0x80, s13, s24, $0xb8;
	[tilespmem:$0x1F800] =	vst v63  }
0x81: {  	_ =	swait.ge [sflag:s5], $0x3000  }
0x82: {  	[sflag:s5] =	ssyncset.done $0x0  }
.Ltmp1:
0x83: {  	s13 =	sadd.s32 $0x1500, s12;
	[sflag:s5] =	ssyncadd.s32 $0xFFFFD000;
	(pc) =	sbr.rel @p0 .LBB2_4-.Ltmp1, $4  }
0x84: {  	[spmem:s1] =	stream.indirect.scatter.add.f32 [tilespmem:s29], [sflag:$0x6], $0x80, s13, s24, $0xb8;
	[tilespmem:$0x1F800] =	vst v63  }
0x85: {  	_ =	swait.ge [sflag:s6], $0x3000  }
0x86: {  	[sflag:s6] =	ssyncset.done $0x0  }
0x87: {  	s12 =	sadd.s32 $0x280, s12;
	[sflag:s6] =	ssyncadd.s32 $0xFFFFD000  }
0x88: {  	[tilespmem:s29], [sflag:$0x3] =	stream.indirect.gather [hbm4b:s4+s24], $0x80, s12, s24, $0xb8;
	[tilespmem:$0x1F800] =	vst v63  }
0x89: {  	_ =	swait.ge [sflag:s30], $0x3000  }
0x8a: {  	[sflag:s30] =	ssyncset.done $0x0  }
0x8b: {  	[sflag:s30] =	ssyncadd.s32 $0xFFFFD000  }
0x8c: {  	[spmem:s1] =	stream.indirect.scatter.add.f32 [tilespmem:s21], [sflag:$0x4], $0x80, s7, s24, $0xb8;
	[tilespmem:$0x1F800] =	vst v63  }
0x8d: {  	_ =	swait.ge [sflag:s31], $0x3000  }
0x8e: {  	[sflag:s31] =	ssyncset.done $0x0  }
0x8f: {  	[sflag:s31] =	ssyncadd.s32 $0xFFFFD000  }
0x90: {  	_ =	swait.ge [sflag:s0], $0x3000  }
0x91: {  	[sflag:s0] =	ssyncset.done $0x0  }
0x92: {  	[sflag:s0] =	ssyncadd.s32 $0xFFFFD000  }
0x93: {  	[spmem:s1] =	stream.indirect.scatter.add.f32 [tilespmem:s26], [sflag:$0x5], $0x80, s8, s24, $0xb8;
	[tilespmem:$0x1F800] =	vst v63  }
0x94: {  	_ =	swait.ge [sflag:s2], $0x3000  }
0x95: {  	[sflag:s2] =	ssyncset.done $0x0  }
0x96: {  	[sflag:s2] =	ssyncadd.s32 $0xFFFFD000  }
0x97: {  	_ =	swait.ge [sflag:s5], $0x3000  }
0x98: {  	[sflag:s5] =	ssyncset.done $0x0  }
0x99: {  	[sflag:s5] =	ssyncadd.s32 $0xFFFFD000  }
0x9a: {  	[spmem:s1] =	stream.indirect.scatter.add.f32 [tilespmem:s29], [sflag:$0x6], $0x80, s9, s24, $0xb8;
	[tilespmem:$0x1F800] =	vst v63  }
0x9b: {  	_ =	swait.ge [sflag:s6], $0x3000  }
0x9c: {  	[sflag:s6] =	ssyncset.done $0x0  }
0x9d: {  	s10 =	simm.s32 $0x0;
	s13 =	rddreg [dreg:$0x5];
	[sflag:s6] =	ssyncadd.s32 $0xFFFFD000  }
0x9e: {  	[tilespmem:s10], [sflag:$0x7] =	stream.linear.gather [hbm4b:s13+s10], $0x1200, $0x38;
	[tilespmem:$0x1F800] =	vst v63  }
0x9f: {  	_ =	swait.ge [sflag:s22], $0x1200  }
0xa0: {  	[sflag:s22] =	ssyncset.done $0x0  }
0xa1: {  	s13 =	rddreg [dreg:$0x6];
	[sflag:s22] =	ssyncadd.s32 $0xFFFFEE00  }
0xa2: {  	[tilespmem:s23], [sflag:$0x7] =	stream.linear.gather [hbm4b:s13+s10], $0x1200, $0x38;
	[tilespmem:$0x1F800] =	vst v63  }
0xa3: {  	_ =	swait.ge [sflag:s22], $0x1200  }
0xa4: {  	[sflag:s22] =	ssyncset.done $0x0  }
0xa5: {  	[sflag:s22] =	ssyncadd.s32 $0xFFFFEE00  }
0xa6: {  	[tilespmem:s21], [sflag:$0x1] =	stream.indirect.gather [hbm4b:s4+s24], $0x80, s10, s24, $0xb8;
	[tilespmem:$0x1F800] =	vst v63  }
0xa7: {  	_ = 	snop  }
0xa8: {  	[tilespmem:s26], [sflag:$0x2] =	stream.indirect.gather [hbm4b:s4+s24], $0x80, s25, s24, $0xb8;
	[tilespmem:$0x1F800] =	vst v63  }
0xa9: {  	_ = 	snop  }
0xaa: {  	[tilespmem:s29], [sflag:$0x3] =	stream.indirect.gather [hbm4b:s4+s24], $0x80, s28, s24, $0xb8;
	[tilespmem:$0x1F800] =	vst v63  }
0xab: {  	_ =	swait.ge [sflag:s30], $0x3000  }
0xac: {  	[sflag:s30] =	ssyncset.done $0x0  }
0xad: {  	s13 =	simm.s32 $0x1400;
	[sflag:s30] =	ssyncadd.s32 $0xFFFFD000  }
0xae: {  	[spmem:s1] =	stream.indirect.scatter.add.f32 [tilespmem:s21], [sflag:$0x4], $0x80, s13, s24, $0xb8;
	[tilespmem:$0x1F800] =	vst v63  }
0xaf: {  	_ =	swait.ge [sflag:s31], $0x3000  }
0xb0: {  	[sflag:s31] =	ssyncset.done $0x0  }
0xb1: {  	s12 =	simm.s32 $0x180;
	[sflag:s31] =	ssyncadd.s32 $0xFFFFD000  }
0xb2: {  	[tilespmem:s21], [sflag:$0x1] =	stream.indirect.gather [hbm4b:s4+s24], $0x80, s12, s24, $0xb8;
	[tilespmem:$0x1F800] =	vst v63  }
0xb3: {  	_ =	swait.ge [sflag:s0], $0x3000  }
0xb4: {  	[sflag:s0] =	ssyncset.done $0x0  }
0xb5: {  	s13 =	simm.s32 $0x1480;
	[sflag:s0] =	ssyncadd.s32 $0xFFFFD000  }
0xb6: {  	[spmem:s1] =	stream.indirect.scatter.add.f32 [tilespmem:s26], [sflag:$0x5], $0x80, s13, s24, $0xb8;
	[tilespmem:$0x1F800] =	vst v63  }
0xb7: {  	_ =	swait.ge [sflag:s2], $0x3000  }
0xb8: {  	[sflag:s2] =	ssyncset.done $0x0  }
0xb9: {  	s12 =	simm.s32 $0x200;
	[sflag:s2] =	ssyncadd.s32 $0xFFFFD000  }
0xba: {  	[tilespmem:s26], [sflag:$0x2] =	stream.indirect.gather [hbm4b:s4+s24], $0x80, s12, s24, $0xb8;
	[tilespmem:$0x1F800] =	vst v63  }
0xbb: {  	_ =	swait.ge [sflag:s5], $0x3000  }
0xbc: {  	[sflag:s5] =	ssyncset.done $0x0  }
0xbd: {  	s13 =	simm.s32 $0x1500;
	[sflag:s5] =	ssyncadd.s32 $0xFFFFD000  }
0xbe: {  	[spmem:s1] =	stream.indirect.scatter.add.f32 [tilespmem:s29], [sflag:$0x6], $0x80, s13, s24, $0xb8;
	[tilespmem:$0x1F800] =	vst v63  }
0xbf: {  	_ =	swait.ge [sflag:s6], $0x3000  }
0xc0: {  	[sflag:s6] =	ssyncset.done $0x0  }
0xc1: {  	s10 =	simm.s32 $0x600;
	s12 =	simm.s32 $0x280;
	[sflag:s6] =	ssyncadd.s32 $0xFFFFD000  }
.LBB2_6:
0xc2: {  	[tilespmem:s29], [sflag:$0x3] =	stream.indirect.gather [hbm4b:s4+s24], $0x80, s12, s24, $0xb8;
	[tilespmem:$0x1F800] =	vst v63  }
0xc3: {  	s12 =	smov.u32 s10  }
0xc4: {  	p0 =	sne.s32 s10, $0x3C00;
	s10 =	sadd.s32 $0x600, s10;
	_ =	swait.ge [sflag:s30], $0x3000  }
0xc5: {  	s12 =	sshra.s32 s12, $0x2;
	[sflag:s30] =	ssyncset.done $0x0  }
0xc6: {  	s13 =	sadd.s32 $0x1400, s12;
	[sflag:s30] =	ssyncadd.s32 $0xFFFFD000  }
0xc7: {  	[spmem:s1] =	stream.indirect.scatter.add.f32 [tilespmem:s21], [sflag:$0x4], $0x80, s13, s24, $0xb8;
	[tilespmem:$0x1F800] =	vst v63  }
0xc8: {  	_ =	swait.ge [sflag:s31], $0x3000  }
0xc9: {  	[sflag:s31] =	ssyncset.done $0x0  }
0xca: {  	s13 =	sadd.s32 $0x180, s12;
	[sflag:s31] =	ssyncadd.s32 $0xFFFFD000  }
0xcb: {  	[tilespmem:s21], [sflag:$0x1] =	stream.indirect.gather [hbm4b:s4+s24], $0x80, s13, s24, $0xb8;
	[tilespmem:$0x1F800] =	vst v63  }
0xcc: {  	_ =	swait.ge [sflag:s0], $0x3000  }
0xcd: {  	[sflag:s0] =	ssyncset.done $0x0  }
0xce: {  	s13 =	sadd.s32 $0x1480, s12;
	[sflag:s0] =	ssyncadd.s32 $0xFFFFD000  }
0xcf: {  	[spmem:s1] =	stream.indirect.scatter.add.f32 [tilespmem:s26], [sflag:$0x5], $0x80, s13, s24, $0xb8;
	[tilespmem:$0x1F800] =	vst v63  }
0xd0: {  	_ =	swait.ge [sflag:s2], $0x3000  }
0xd1: {  	[sflag:s2] =	ssyncset.done $0x0  }
0xd2: {  	s13 =	sadd.s32 $0x200, s12;
	[sflag:s2] =	ssyncadd.s32 $0xFFFFD000  }
0xd3: {  	[tilespmem:s26], [sflag:$0x2] =	stream.indirect.gather [hbm4b:s4+s24], $0x80, s13, s24, $0xb8;
	[tilespmem:$0x1F800] =	vst v63  }
0xd4: {  	_ =	swait.ge [sflag:s5], $0x3000  }
0xd5: {  	[sflag:s5] =	ssyncset.done $0x0  }
.Ltmp2:
0xd6: {  	s13 =	sadd.s32 $0x1500, s12;
	[sflag:s5] =	ssyncadd.s32 $0xFFFFD000;
	(pc) =	sbr.rel @p0 .LBB2_6-.Ltmp2, $4  }
0xd7: {  	[spmem:s1] =	stream.indirect.scatter.add.f32 [tilespmem:s29], [sflag:$0x6], $0x80, s13, s24, $0xb8;
	[tilespmem:$0x1F800] =	vst v63  }
0xd8: {  	_ =	swait.ge [sflag:s6], $0x3000  }
0xd9: {  	[sflag:s6] =	ssyncset.done $0x0  }
0xda: {  	s12 =	sadd.s32 $0x280, s12;
	[sflag:s6] =	ssyncadd.s32 $0xFFFFD000  }
0xdb: {  	[tilespmem:s29], [sflag:$0x3] =	stream.indirect.gather [hbm4b:s4+s24], $0x80, s12, s24, $0xb8;
	[tilespmem:$0x1F800] =	vst v63  }
0xdc: {  	_ =	swait.ge [sflag:s30], $0x3000  }
0xdd: {  	[sflag:s30] =	ssyncset.done $0x0  }
0xde: {  	[sflag:s30] =	ssyncadd.s32 $0xFFFFD000  }
0xdf: {  	[spmem:s1] =	stream.indirect.scatter.add.f32 [tilespmem:s21], [sflag:$0x4], $0x80, s7, s24, $0xb8;
	[tilespmem:$0x1F800] =	vst v63  }
0xe0: {  	_ =	swait.ge [sflag:s31], $0x3000  }
0xe1: {  	[sflag:s31] =	ssyncset.done $0x0  }
0xe2: {  	[sflag:s31] =	ssyncadd.s32 $0xFFFFD000  }
0xe3: {  	_ =	swait.ge [sflag:s0], $0x3000  }
0xe4: {  	[sflag:s0] =	ssyncset.done $0x0  }
0xe5: {  	[sflag:s0] =	ssyncadd.s32 $0xFFFFD000  }
0xe6: {  	[spmem:s1] =	stream.indirect.scatter.add.f32 [tilespmem:s26], [sflag:$0x5], $0x80, s8, s24, $0xb8;
	[tilespmem:$0x1F800] =	vst v63  }
0xe7: {  	_ =	swait.ge [sflag:s2], $0x3000  }
0xe8: {  	[sflag:s2] =	ssyncset.done $0x0  }
0xe9: {  	[sflag:s2] =	ssyncadd.s32 $0xFFFFD000  }
0xea: {  	_ =	swait.ge [sflag:s5], $0x3000  }
0xeb: {  	[sflag:s5] =	ssyncset.done $0x0  }
0xec: {  	[sflag:s5] =	ssyncadd.s32 $0xFFFFD000  }
0xed: {  	[spmem:s1] =	stream.indirect.scatter.add.f32 [tilespmem:s29], [sflag:$0x6], $0x80, s9, s24, $0xb8;
	[tilespmem:$0x1F800] =	vst v63  }
0xee: {  	_ =	swait.ge [sflag:s6], $0x3000  }
0xef: {  	[sflag:s6] =	ssyncset.done $0x0  }
0xf0: {  	s10 =	simm.s32 $0x0;
	s13 =	rddreg [dreg:$0x7];
	[sflag:s6] =	ssyncadd.s32 $0xFFFFD000  }
0xf1: {  	[tilespmem:s10], [sflag:$0x7] =	stream.linear.gather [hbm4b:s13+s10], $0x1200, $0x38;
	[tilespmem:$0x1F800] =	vst v63  }
0xf2: {  	_ =	swait.ge [sflag:s22], $0x1200  }
0xf3: {  	[sflag:s22] =	ssyncset.done $0x0  }
0xf4: {  	s13 =	rddreg [dreg:$0x8];
	[sflag:s22] =	ssyncadd.s32 $0xFFFFEE00  }
0xf5: {  	[tilespmem:s23], [sflag:$0x7] =	stream.linear.gather [hbm4b:s13+s10], $0x1200, $0x38;
	[tilespmem:$0x1F800] =	vst v63  }
0xf6: {  	_ =	swait.ge [sflag:s22], $0x1200  }
0xf7: {  	[sflag:s22] =	ssyncset.done $0x0  }
0xf8: {  	[sflag:s22] =	ssyncadd.s32 $0xFFFFEE00  }
0xf9: {  	[tilespmem:s21], [sflag:$0x1] =	stream.indirect.gather [hbm4b:s4+s24], $0x80, s10, s24, $0xb8;
	[tilespmem:$0x1F800] =	vst v63  }
0xfa: {  	_ = 	snop  }
0xfb: {  	[tilespmem:s26], [sflag:$0x2] =	stream.indirect.gather [hbm4b:s4+s24], $0x80, s25, s24, $0xb8;
	[tilespmem:$0x1F800] =	vst v63  }
0xfc: {  	_ = 	snop  }
0xfd: {  	[tilespmem:s29], [sflag:$0x3] =	stream.indirect.gather [hbm4b:s4+s24], $0x80, s28, s24, $0xb8;
	[tilespmem:$0x1F800] =	vst v63  }
0xfe: {  	_ =	swait.ge [sflag:s30], $0x3000  }
0xff: {  	[sflag:s30] =	ssyncset.done $0x0  }
0x100: {  	s13 =	simm.s32 $0x1400;
	[sflag:s30] =	ssyncadd.s32 $0xFFFFD000  }
0x101: {  	[spmem:s1] =	stream.indirect.scatter.add.f32 [tilespmem:s21], [sflag:$0x4], $0x80, s13, s24, $0xb8;
	[tilespmem:$0x1F800] =	vst v63  }
0x102: {  	_ =	swait.ge [sflag:s31], $0x3000  }
0x103: {  	[sflag:s31] =	ssyncset.done $0x0  }
0x104: {  	s12 =	simm.s32 $0x180;
	[sflag:s31] =	ssyncadd.s32 $0xFFFFD000  }
0x105: {  	[tilespmem:s21], [sflag:$0x1] =	stream.indirect.gather [hbm4b:s4+s24], $0x80, s12, s24, $0xb8;
	[tilespmem:$0x1F800] =	vst v63  }
0x106: {  	_ =	swait.ge [sflag:s0], $0x3000  }
0x107: {  	[sflag:s0] =	ssyncset.done $0x0  }
0x108: {  	s13 =	simm.s32 $0x1480;
	[sflag:s0] =	ssyncadd.s32 $0xFFFFD000  }
0x109: {  	[spmem:s1] =	stream.indirect.scatter.add.f32 [tilespmem:s26], [sflag:$0x5], $0x80, s13, s24, $0xb8;
	[tilespmem:$0x1F800] =	vst v63  }
0x10a: {  	_ =	swait.ge [sflag:s2], $0x3000  }
0x10b: {  	[sflag:s2] =	ssyncset.done $0x0  }
0x10c: {  	s12 =	simm.s32 $0x200;
	[sflag:s2] =	ssyncadd.s32 $0xFFFFD000  }
0x10d: {  	[tilespmem:s26], [sflag:$0x2] =	stream.indirect.gather [hbm4b:s4+s24], $0x80, s12, s24, $0xb8;
	[tilespmem:$0x1F800] =	vst v63  }
0x10e: {  	_ =	swait.ge [sflag:s5], $0x3000  }
0x10f: {  	[sflag:s5] =	ssyncset.done $0x0  }
0x110: {  	s13 =	simm.s32 $0x1500;
	[sflag:s5] =	ssyncadd.s32 $0xFFFFD000  }
0x111: {  	[spmem:s1] =	stream.indirect.scatter.add.f32 [tilespmem:s29], [sflag:$0x6], $0x80, s13, s24, $0xb8;
	[tilespmem:$0x1F800] =	vst v63  }
0x112: {  	_ =	swait.ge [sflag:s6], $0x3000  }
0x113: {  	[sflag:s6] =	ssyncset.done $0x0  }
0x114: {  	s10 =	simm.s32 $0x600;
	s12 =	simm.s32 $0x280;
	[sflag:s6] =	ssyncadd.s32 $0xFFFFD000  }
.LBB2_8:
0x115: {  	[tilespmem:s29], [sflag:$0x3] =	stream.indirect.gather [hbm4b:s4+s24], $0x80, s12, s24, $0xb8;
	[tilespmem:$0x1F800] =	vst v63  }
0x116: {  	s12 =	smov.u32 s10  }
0x117: {  	p0 =	sne.s32 s10, $0x3C00;
	s10 =	sadd.s32 $0x600, s10;
	_ =	swait.ge [sflag:s30], $0x3000  }
0x118: {  	s12 =	sshra.s32 s12, $0x2;
	[sflag:s30] =	ssyncset.done $0x0  }
0x119: {  	s13 =	sadd.s32 $0x1400, s12;
	[sflag:s30] =	ssyncadd.s32 $0xFFFFD000  }
0x11a: {  	[spmem:s1] =	stream.indirect.scatter.add.f32 [tilespmem:s21], [sflag:$0x4], $0x80, s13, s24, $0xb8;
	[tilespmem:$0x1F800] =	vst v63  }
0x11b: {  	_ =	swait.ge [sflag:s31], $0x3000  }
0x11c: {  	[sflag:s31] =	ssyncset.done $0x0  }
0x11d: {  	s13 =	sadd.s32 $0x180, s12;
	[sflag:s31] =	ssyncadd.s32 $0xFFFFD000  }
0x11e: {  	[tilespmem:s21], [sflag:$0x1] =	stream.indirect.gather [hbm4b:s4+s24], $0x80, s13, s24, $0xb8;
	[tilespmem:$0x1F800] =	vst v63  }
0x11f: {  	_ =	swait.ge [sflag:s0], $0x3000  }
0x120: {  	[sflag:s0] =	ssyncset.done $0x0  }
0x121: {  	s13 =	sadd.s32 $0x1480, s12;
	[sflag:s0] =	ssyncadd.s32 $0xFFFFD000  }
0x122: {  	[spmem:s1] =	stream.indirect.scatter.add.f32 [tilespmem:s26], [sflag:$0x5], $0x80, s13, s24, $0xb8;
	[tilespmem:$0x1F800] =	vst v63  }
0x123: {  	_ =	swait.ge [sflag:s2], $0x3000  }
0x124: {  	[sflag:s2] =	ssyncset.done $0x0  }
0x125: {  	s13 =	sadd.s32 $0x200, s12;
	[sflag:s2] =	ssyncadd.s32 $0xFFFFD000  }
0x126: {  	[tilespmem:s26], [sflag:$0x2] =	stream.indirect.gather [hbm4b:s4+s24], $0x80, s13, s24, $0xb8;
	[tilespmem:$0x1F800] =	vst v63  }
0x127: {  	_ =	swait.ge [sflag:s5], $0x3000  }
0x128: {  	[sflag:s5] =	ssyncset.done $0x0  }
.Ltmp3:
0x129: {  	s13 =	sadd.s32 $0x1500, s12;
	[sflag:s5] =	ssyncadd.s32 $0xFFFFD000;
	(pc) =	sbr.rel @p0 .LBB2_8-.Ltmp3, $4  }
0x12a: {  	[spmem:s1] =	stream.indirect.scatter.add.f32 [tilespmem:s29], [sflag:$0x6], $0x80, s13, s24, $0xb8;
	[tilespmem:$0x1F800] =	vst v63  }
0x12b: {  	_ =	swait.ge [sflag:s6], $0x3000  }
0x12c: {  	[sflag:s6] =	ssyncset.done $0x0  }
0x12d: {  	s12 =	sadd.s32 $0x280, s12;
	[sflag:s6] =	ssyncadd.s32 $0xFFFFD000  }
0x12e: {  	[tilespmem:s29], [sflag:$0x3] =	stream.indirect.gather [hbm4b:s4+s24], $0x80, s12, s24, $0xb8;
	[tilespmem:$0x1F800] =	vst v63  }
0x12f: {  	_ =	swait.ge [sflag:s30], $0x3000  }
0x130: {  	[sflag:s30] =	ssyncset.done $0x0  }
0x131: {  	[sflag:s30] =	ssyncadd.s32 $0xFFFFD000  }
0x132: {  	[spmem:s1] =	stream.indirect.scatter.add.f32 [tilespmem:s21], [sflag:$0x4], $0x80, s7, s24, $0xb8;
	[tilespmem:$0x1F800] =	vst v63  }
0x133: {  	_ =	swait.ge [sflag:s31], $0x3000  }
0x134: {  	[sflag:s31] =	ssyncset.done $0x0  }
0x135: {  	[sflag:s31] =	ssyncadd.s32 $0xFFFFD000  }
0x136: {  	_ =	swait.ge [sflag:s0], $0x3000  }
0x137: {  	[sflag:s0] =	ssyncset.done $0x0  }
0x138: {  	[sflag:s0] =	ssyncadd.s32 $0xFFFFD000  }
0x139: {  	[spmem:s1] =	stream.indirect.scatter.add.f32 [tilespmem:s26], [sflag:$0x5], $0x80, s8, s24, $0xb8;
	[tilespmem:$0x1F800] =	vst v63  }
0x13a: {  	_ =	swait.ge [sflag:s2], $0x3000  }
0x13b: {  	[sflag:s2] =	ssyncset.done $0x0  }
0x13c: {  	[sflag:s2] =	ssyncadd.s32 $0xFFFFD000  }
0x13d: {  	_ =	swait.ge [sflag:s5], $0x3000  }
0x13e: {  	[sflag:s5] =	ssyncset.done $0x0  }
0x13f: {  	[sflag:s5] =	ssyncadd.s32 $0xFFFFD000  }
0x140: {  	[spmem:s1] =	stream.indirect.scatter.add.f32 [tilespmem:s29], [sflag:$0x6], $0x80, s9, s24, $0xb8;
	[tilespmem:$0x1F800] =	vst v63  }
0x141: {  	_ =	swait.ge [sflag:s6], $0x3000  }
0x142: {  	[sflag:s6] =	ssyncset.done $0x0  }
0x143: {  	s10 =	stileid.u32;
	[sflag:s6] =	ssyncadd.s32 $0xFFFFD000  }
0x144: {  	s10 =	sshll.u32 s10, $0x6;
	[bflag:$0x0] =	sbarrier.arrive $0xFFFF  }
0x145: {  	s12 =	sshrl.u32 s11, $0x3;
	s10 =	sor.u32 $0x1C07, s10;
	s13 =	rddreg [dreg:$0x9]  }
0x146: {  	[hbm:s13], [sflag:s10] =	dma.local [spmem:s12], $0x2800  }
0x147: {  	_ =	swait.ge [sflag:s22], $0x2800  }
0x148: {  	s3 =	sadd.s32 $0x1, s3;
	s13 =	rddreg [dreg:$0xa]  }
0x149: {  	p0 =	sne.s32 s3, s13  }
.Ltmp4:
0x14a: {  	_ = 	snop;
	(pc) =	sbr.rel @p0 .LBB2_1-.Ltmp4, $3  }
0x14b: {  	_ =	sdelay $0x1  }
0x14c: {  	[sflag:s22] =	ssyncset.done $0x0  }
0x14d: {  	[sflag:s22] =	ssyncadd.s32 $0xFFFFD800  }
0x14e: {  	_ =	sfence.sel $0x180000  }
0x14f: {  	[bflag:$0x0] =	sbarrier.arrive $0xFFFF  }
0x150: {  	_ =	strace $0x9000004D  }
0x151: {  	s0 =	stileid.u32;
	[bflag:$0x2] =	sbarrier.arrive $0xFFFF  }
0x152: {  	p0 =	sne.s32 s0, $0x0;
	s0 =	rddreg [dreg:$0x2]  }
0x153: {  	s0 =	sadd.s32 @!p0 $0x100000, s0  }
0x154: {  	[sflag:s0] =	ssyncadd.tile.s32 @!p0 $0x1;
	_ =	shalt  }
.Lfunc_end2:
_tile_overlayer_lowered:
.L_overlay_start_2:
0x155: {  	(tag) =	ssettag $0x2  }
0x156: {  	s0 =	rddreg [dreg:$0x0];
	s2 =	stileid.u32  }
0x157: {  	s1 =	rddreg [dreg:$0x1];
	p0 =	sne.s32 s2, $0x0  }
0x158: {  	s3 =	rddreg [dreg:$0x2];
	[bflag:$0x3] =	sbarrier.arrive $0xFFFF;
	s2 =	simm.s32 @!p0 $0x1C07  }
0x159: {  	[timem:s3], [sflag:s2] =	dma.local @!p0 [hbm:s0], s1  }
0x15a: {  	s0 =	simm.s32 @!p0 $0x7  }
0x15b: {  	_ =	swait.ge @!p0 [sflag:s0], s1  }
0x15c: {  	s1 =	ssub.s32 @!p0 $0x0, s1;
	[sflag:s0] =	ssyncset.done @!p0 $0x0  }
0x15d: {  	[sflag:s0] =	ssyncadd.s32 @!p0 s1  }
0x15e: {  	[bflag:$0x3] =	sbarrier.arrive $0xFFFF  }
0x15f: {  	_ =	shalt  }

// kernel: kernel.8.cloned.1.call-start
scs
__scs_entry_jumppad:
0x0: {  	(pc) =	sbr.rel $0x88, $3  }
0x1: {  	(tag) =	ssettag $0x0;
	lr =	simm.s32 $0x1  }
0x2: {  	[smem:$0x3F98] =	sst lr;
	_ =	strace $0xD0000000  }
0x3: {  	_ = 	snop  }
0x4: {  	_ = 	snop  }
0x5: {  	_ = 	snop  }
0x6: {  	_ = 	snop  }
0x7: {  	_ = 	snop  }
__scs_overlays_trampoline_lowered:
0x8: {  	[smem:$0x3FA7] =	sst s0  }
0x9: {  	[smem:$0x3FA8] =	sst s1  }
0xa: {  	[smem:$0x3FA9] =	sst s2  }
0xb: {  	[smem:$0x3FAA] =	sst s3  }
0xc: {  	[smem:$0x3FAB] =	sst s4  }
0xd: {  	[smem:$0x3FAC] =	sst s5  }
0xe: {  	[smem:$0x3FAD] =	sst s6  }
0xf: {  	[smem:$0x3FAE] =	sst s7  }
0x10: {  	[smem:$0x3FAF] =	sst s8  }
0x11: {  	[smem:$0x3FB0] =	sst s9;
	s0 =	simm.s32 @!p0 $0x0  }
0x12: {  	s1 =	sld [smem:$0x3F96];
	s0 =	simm.s32 @p0 $0x1  }
0x13: {  	[smem:$0x3FB1] =	sst s0;
	s0 =	simm.s32 @!p1 $0x0  }
0x14: {  	s2 =	sld [smem:$0x3F95];
	s0 =	simm.s32 @p1 $0x1  }
0x15: {  	[smem:$0x3FB2] =	sst s0;
	s0 =	simm.s32 @!p2 $0x0  }
0x16: {  	s3 =	sld [smem:$0x3FDB];
	s0 =	simm.s32 @p2 $0x1  }
0x17: {  	s4 =	simm.s32 $0x1BF5;
	[smem:$0x3FB4] =	sst s0  }
0x18: {  	s0 =	sld [smem:$0x3F97];
	_ =	swait.ge [sflag:s4], $0x0  }
0x19: {  	s7 =	sld [smem:$0x3F98]  }
0x1a: {  	s8 =	sadd.s32 $0xFFFFE003, lr  }
0x1b: {  	s9 =	sadd.s32 $0xFFFFFEF7, lr;
	s5 =	simm.s32 $0xFFFFFFFF;
	p2 =	slt.u32 s8, $0xFFFFF086  }
0x1c: {  	p1 =	slt.u32 s9, $0xF7A;
	s5 =	simm.s32 @!p2 $0x0  }
0x1d: {  	s5 =	simm.s32 @p1 $0x1;
	p0 =	seq.s32 s7, s2  }
0x1e: {  	s7 =	smul.u32 @!p0 $0xF7A, s2;
	p2 =	seq.s32 @!p0 s5, $0x0  }
0x1f: {  	s9 =	smul.u32 $0xF7A, s1;
	s8 =	simm.s32 @!p0 $0x1BF5;
	p2 =	por !p2, p0  }
0x20: {  	[sflag:s8] =	ssyncset.s32 @!p0 $0xFFFFF086;
	s6 =	sadd.s32 @!p0 s3, s7;
	s7 =	simm.s32 @!p0 $0x108  }
0x21: {  	s3 =	sadd.s32 s3, s9;
	s6 =	sadd.s32 @!p0 $0x88, s6;
	s7 =	simm.s32 @p2 $0x1082  }
0x22: {  	[simem:s7], [sflag:s8] =	dma.local @!p0 [hbm:s6], $0xF7A  }
0x23: {  	s9 =	sor.u32 $0xD0000000, s2;
	s6 =	simm.s32 $0x108;
	_ =	swait.ge @!p0 [sflag:s8], $0x0  }
0x24: {  	s3 =	sadd.s32 $0x88, s3;
	s6 =	simm.s32 @!p1 $0x1082;
	[sflag:s4] =	ssyncset.s32 $0xFFFFF086  }
0x25: {  	[simem:s6], [sflag:s4] =	dma.local [hbm:s3], $0xF7A  }
0x26: {  	[smem:$0x3F98] =	sst s1;
	(tag) =	ssettag s2;
	_ =	strace s9  }
0x27: {  	s1 =	sld [smem:$0x3FA8]  }
0x28: {  	s2 =	sld [smem:$0x3FA9]  }
0x29: {  	s4 =	sld [smem:$0x3FAB]  }
0x2a: {  	p0 =	seq.s32 s5, $0x0;
	s5 =	sld [smem:$0x3FAC]  }
0x2b: {  	s6 =	sld [smem:$0x3FAD]  }
0x2c: {  	s7 =	sld [smem:$0x3FAE]  }
0x2d: {  	s3 =	simm.s32 $0x108;
	s8 =	sld [smem:$0x3FAF]  }
0x2e: {  	s3 =	simm.s32 @!p0 $0x1082;
	s9 =	sld [smem:$0x3FB0]  }
0x2f: {  	lr =	sadd.s32 s0, s3;
	s0 =	sld [smem:$0x3FA7]  }
0x30: {  	s3 =	sld [smem:$0x3FAA]  }
0x31: {  	[smem:$0x3FB3] =	sst s10  }
0x32: {  	s10 =	sld [smem:$0x3FB1];
	_ =	sdelay $0x3  }
0x33: {  	p0 =	seq.s32 s10, $0x1;
	s10 =	sld [smem:$0x3FB3];
	_ =	sdelay $0x3  }
0x34: {  	[smem:$0x3FB3] =	sst s10  }
0x35: {  	s10 =	sld [smem:$0x3FB2];
	_ =	sdelay $0x3  }
0x36: {  	p1 =	seq.s32 s10, $0x1;
	s10 =	sld [smem:$0x3FB3];
	_ =	sdelay $0x3  }
0x37: {  	[smem:$0x3FB3] =	sst s10  }
0x38: {  	s10 =	sld [smem:$0x3FB4]  }
0x39: {  	_ = 	snop;
	(pc) =	sbr.ind lr, $3  }
0x3a: {  	_ = 	snop  }
0x3b: {  	_ = 	snop  }
0x3c: {  	p2 =	seq.s32 s10, $0x1;
	s10 =	sld [smem:$0x3FB3]  }
0x3d: {  	_ =	shalt  }
0x3e: {  	_ =	shalt  }
0x3f: {  	_ =	shalt  }
0x40: {  	_ =	shalt  }
0x41: {  	_ =	shalt  }
0x42: {  	_ =	shalt  }
0x43: {  	_ =	shalt  }
0x44: {  	_ =	shalt  }
0x45: {  	_ =	shalt  }
0x46: {  	_ =	shalt  }
0x47: {  	_ =	shalt  }
0x48: {  	_ =	shalt  }
0x49: {  	_ =	shalt  }
0x4a: {  	_ =	shalt  }
0x4b: {  	_ =	shalt  }
0x4c: {  	_ =	shalt  }
0x4d: {  	_ =	shalt  }
0x4e: {  	_ =	shalt  }
0x4f: {  	_ =	shalt  }
0x50: {  	_ =	shalt  }
0x51: {  	_ =	shalt  }
0x52: {  	_ =	shalt  }
0x53: {  	_ =	shalt  }
0x54: {  	_ =	shalt  }
0x55: {  	_ =	shalt  }
0x56: {  	_ =	shalt  }
0x57: {  	_ =	shalt  }
0x58: {  	_ =	shalt  }
0x59: {  	_ =	shalt  }
0x5a: {  	_ =	shalt  }
0x5b: {  	_ =	shalt  }
0x5c: {  	_ =	shalt  }
0x5d: {  	_ =	shalt  }
0x5e: {  	_ =	shalt  }
0x5f: {  	_ =	shalt  }
0x60: {  	_ =	shalt  }
0x61: {  	_ =	shalt  }
0x62: {  	_ =	shalt  }
0x63: {  	_ =	shalt  }
0x64: {  	_ =	shalt  }
0x65: {  	_ =	shalt  }
0x66: {  	_ =	shalt  }
0x67: {  	_ =	shalt  }
0x68: {  	_ =	shalt  }
0x69: {  	_ =	shalt  }
0x6a: {  	_ =	shalt  }
0x6b: {  	_ =	shalt  }
0x6c: {  	_ =	shalt  }
0x6d: {  	_ =	shalt  }
0x6e: {  	_ =	shalt  }
0x6f: {  	_ =	shalt  }
0x70: {  	_ =	shalt  }
0x71: {  	_ =	shalt  }
0x72: {  	_ =	shalt  }
0x73: {  	_ =	shalt  }
0x74: {  	_ =	shalt  }
0x75: {  	_ =	shalt  }
0x76: {  	_ =	shalt  }
0x77: {  	_ =	shalt  }
0x78: {  	_ =	shalt  }
0x79: {  	_ =	shalt  }
0x7a: {  	_ =	shalt  }
0x7b: {  	_ =	shalt  }
0x7c: {  	_ =	shalt  }
0x7d: {  	_ =	shalt  }
0x7e: {  	_ =	shalt  }
0x7f: {  	_ =	shalt  }
0x80: {  	_ =	shalt  }
0x81: {  	_ =	shalt  }
0x82: {  	_ =	shalt  }
0x83: {  	_ =	shalt  }
0x84: {  	_ =	shalt  }
0x85: {  	_ =	shalt  }
0x86: {  	_ =	shalt  }
0x87: {  	_ =	shalt  }
.Lfunc_end0:
.L_simem_size_0:
called_computation_lowered:
.L_overlay_start_0:
0x88: {  	s2 =	sld [smem:$0x3FD9]  }
0x89: {  	s3 =	sld [smem:$0x3FFE];
	_ =	sdelay $0x1  }
0x8a: {  	s1 =	srdreg.scid  }
0x8b: {  	s0 =	sand.u32 $0x1, s1  }
0x8c: {  	s16 =	sshll.u32 s0, $0xA;
	s2 =	sadd.s32 s3, s2  }
0x8d: {  	s2 =	sadd.s32 s2, s16  }
0x8e: {  	[smem:$0x3FBF] =	sst s2  }
0x8f: {  	_ = 	snop  }
0x90: {  	(tm) =	ssettm $0x1  }
0x91: {  	s17 =	sld [smem:$0x3FFB];
	_ =	sdelay $0x3  }
0x92: {  	_ =	strace s17  }
0x93: {  	s2 =	sld [smem:$0x3FFC];
	_ =	sdelay $0x3  }
0x94: {  	_ =	strace s2  }
0x95: {  	s2 =	sld [smem:$0x3FFD];
	_ =	sdelay $0x3  }
0x96: {  	_ =	strace s2  }
0x97: {  	_ =	strace $0x8FFFFFFF  }
0x98: {  	s18 =	sld [smem:$0x3FDB];
	_ =	sdelay $0x1  }
0x99: {  	s19 =	simm.s32 $_scs_section_size  }
0x9a: {  	s4 =	simm.s32 $_size__tile_overlayer_lowered;
	s5 =	simm.s32 $_tile_overlayer_lowered  }
0x9b: {  	s22 =	simm.s32 $0x1BFF;
	s21 =	sshll.u32 s5, $0x1;
	s2 =	sadd.s32 s19, s18  }
0x9c: {  	s6 =	simm.s32 $0x0;
	s20 =	sshll.u32 s4, $0x1;
	s4 =	sadd.s32 s21, s2  }
0x9d: {  	[timem:s6], [sflag:s22] =	dma.local [hbm:s4], s20  }
0x9e: {  	_ =	swait.ge [sflag:s22], s20  }
0x9f: {  	s3 =	ssub.s32 $0x0, s20;
	[sflag:s22] =	ssyncset.done $0x0  }
0xa0: {  	[sflag:s22] =	ssyncadd.s32 s3;
	_ =	sdelay $0x1  }
0xa1: {  	s23 =	simm.s32 $0x1B8B  }
0xa2: {  	_ =	swait.ge [sflag:s23], $0x1  }
0xa3: {  	[sflag:s23] =	ssyncset.done $0x0  }
0xa4: {  	s25 =	simm.s32 $0x1B8E;
	s24 =	sld [smem:$0x3FFE];
	[sflag:s23] =	ssyncadd.s32 $0xFFFFFFFF  }
0xa5: {  	s26 =	simm.s32 $execute0_lowered;
	[smem:$0x3FD2] =	sst s25  }
0xa6: {  	s4 =	sshll.u32 s26, $0x1;
	_ =	strace $0x80000046;
	[dreg:$0x1] =	wrdreg $0xFFFFFFFF  }
0xa7: {  	s28 =	simm.s32 $_size_execute0_lowered;
	s2 =	sadd.s32 s2, s4;
	[dreg:$0x0] =	wrdreg $0x0  }
0xa8: {  	s4 =	sshll.u32 s28, $0x1;
	[dreg:$0x2] =	wrdreg s2  }
0xa9: {  	[dreg:$0x3] =	wrdreg s4  }
0xaa: {  	[dreg:$0x4] =	wrdreg $0xC0  }
0xab: {  	_ =	task [dreg:s6], $0x5FFFF  }
0xac: {  	[dreg:$0x1] =	wrdreg $0xFFFFFFFF  }
0xad: {  	[dreg:$0x0] =	wrdreg $0x60  }
0xae: {  	[dreg:$0x2] =	wrdreg s24  }
0xaf: {  	[dreg:$0x3] =	wrdreg $0x1BC000  }
0xb0: {  	[dreg:$0x4] =	wrdreg $0x9  }
0xb1: {  	_ =	task.clear_ibuf [dreg:s6], $0x5FFFF;
	_ =	strace $0x90000046  }
0xb2: {  	s29 =	simm.s32 $0x9;
	_ =	strace $0x80000048  }
0xb3: {  	_ =	swait.ge [sflag:s29], $0x1  }
0xb4: {  	[sflag:s29] =	ssyncadd.s32 $0xFFFFFFFF  }
0xb5: {  	_ =	strace $0x90000048  }
0xb6: {  	_ =	sfence  }
0xb7: {  	s30 =	sld [smem:$0x0];
	_ =	sdelay $0x2  }
0xb8: {  	s31 =	sshll.u32 s1, $0xD;
	s1 =	sshrl.u32 s1, $0x2  }
0xb9: {  	s3 =	sand.u32 $0x4000, s31;
	s1 =	sadd.s32 s1, s30  }
0xba: {  	s0 =	sor.u32 s3, s0;
	s1 =	sshll.u32 s1, $0x11  }
0xbb: {  	s0 =	sor.u32 s1, s0  }
0xbc: {  	s0 =	sadd.s32 $0x8F2B, s0  }
0xbd: {  	[sflag:s0] =	ssyncadd.remote.s32 $0x1  }
0xbe: {  	_ =	sfence.sel $0xFFFF  }
0xbf: {  	[dreg:$0x0] =	wrdreg $0xFFFFFFFF;
	(pc) =	sbr.abs _section_cstart, $3  }
0xc0: {  	[dreg:$0x1] =	wrdreg $0xFFFFFFFF  }
0xc1: {  	_ =	task.clear_ibuf [dreg:s6], $0x2FFFF;
	_ =	strace $0x9FFFFFFF  }
0xc2: {  	(tm) =	ssettm $0x7FFFFFFF  }
0xc3: {  	_ =	shalt  }
tec
execute0_lowered:
.L_overlay_start_1:
0x0: {  	(tag) =	ssettag $0x1  }
0x1: {  	s3 =	rddreg [dreg:$0x0]  }
0x2: {  	s5 =	rddreg [dreg:$0x1];
	s2 =	srdreg.scid  }
0x3: {  	s0 =	rddreg [dreg:$0x2];
	s1 =	stileid.u32;
	s12 =	simm.s32 $0x1400  }
0x4: {  	s13 =	simm.s32 $0x14000;
	s14 =	simm.s32 $0x5400;
	s15 =	simm.s32 $0x7C00  }
0x5: {  	s16 =	simm.s32 $0x0;
	s4 =	sand.u32 $0x1, s2;
	s7 =	smul.u32 $0x2800, s1  }
0x6: {  	s2 =	simm.s32 $0x0;
	s9 =	sshrl.u32 s1, $0x3;
	s10 =	smul.u32 $0x5000, s1  }
0x7: {  	s29 =	sshll.u32 s1, $0x7;
	s6 =	sshll.u32 s4, $0x4;
	s8 =	smul.u32 $0x28000, s4  }
0x8: {  	[smem:$0x7FF] =	sst s2;
	s4 =	ssub.s32 $0x2, s4;
	s26 =	smul.u32 $0x50000, s9  }
0x9: {  	s30 =	sand.u32 $0x380, s29;
	s9 =	simm.s32 $0x2C00;
	s6 =	sor.u32 s1, s6  }
0xa: {  	_ =	strace $0x80000047;
	s28 =	sshrl.u32 s4, $0x1;
	s31 =	sshrl.u32 s10, $0x2  }
0xb: {  	s10 =	simm.s32 $0x80;
	s6 =	smul.u32 $0x580, s6;
	s7 =	sadd.s32 s7, s8  }
0xc: {  	s8 =	sshrl.u32 s26, $0x2;
	s11 =	ssub.s32 s4, s28;
	s7 =	sadd.s32 s7, s3  }
0xd: {  	s8 =	sadd.s32 s8, s5;
	s5 =	sadd.s32 s31, s5;
	s6 =	sadd.s32 s6, s3  }
0xe: {  	s4 =	sadd.s32 s30, s8;
	s8 =	simm.s32 $0x1;
	s3 =	sadd.s32 $0x2E00, s6  }
0xf: {  	v0 =	vimm.f32 $0.0e+00;
	v1 =	vimm.f32 $1.000000000e+00;
	s6 =	sadd.s32 $0xDE00, s7;
	s7 =	smax.u32 s11, $0x1;
	s11 =	simm.s32 $0x400  }
.LBB2_1:
0x10: {  	s17 =	simm.s32 $0x40;
	s18 =	simm.s32 $0x0  }
.LBB2_2:
0x11: {  	p0 =	sne.s32 s17, $0x9FC0;
	[tilespmem:s18+$0x2C00] =	vst v0;
	s18 =	smov.u32 s17;
	s17 =	sadd.s32 $0x40, s17  }
.Ltmp0:
0x12: {  	(pc) =	sbr.rel @p0 .LBB2_2-.Ltmp0, $2  }
0x13: {  	_ =	sdelay $0x2  }
0x14: {  	s18 =	sshra.s32 s18, $0x2  }
0x15: {  	[tilespmem:s18+$0x2C00] =	vst v0;
	s17 =	simm.s32 $0x0  }
0x16: {  	[tilespmem:s17], [sflag:$0x1] =	stream.linear.gather [hbm4b:s3+s17], $0x2880, $0x38;
	[tilespmem:$0x1E400] =	vst v63  }
0x17: {  	_ =	swait.ge [sflag:s8], $0x2880  }
0x18: {  	[sflag:s8] =	ssyncset.done $0x0  }
0x19: {  	[sflag:s8] =	ssyncadd.s32 $0xFFFFD780  }
.LBB2_4:
0x1a: {  	s18 =	sshra.s32 s17, $0x2  }
0x1b: {  	v2 =	vld [tilespmem:s18+$0x0];
	_ =	sdelay $0x7  }
0x1c: {  	[tilespmem:v2+s9+$0x0] =	vst.idx.add.f32.msk $0xffff, v1  }
0x1d: {  	v2 =	vld [tilespmem:s18+$0x10];
	_ =	sdelay $0x7  }
0x1e: {  	[tilespmem:v2+s9+$0x0] =	vst.idx.add.f32.msk $0xffff, v1  }
0x1f: {  	v2 =	vld [tilespmem:s18+$0x20];
	_ =	sdelay $0x7  }
0x20: {  	[tilespmem:v2+s9+$0x0] =	vst.idx.add.f32.msk $0xffff, v1  }
0x21: {  	v2 =	vld [tilespmem:s18+$0x30];
	_ =	sdelay $0x7  }
0x22: {  	[tilespmem:v2+s9+$0x0] =	vst.idx.add.f32.msk $0xffff, v1  }
0x23: {  	v2 =	vld [tilespmem:s18+$0x40];
	_ =	sdelay $0x7  }
0x24: {  	[tilespmem:v2+s9+$0x0] =	vst.idx.add.f32.msk $0xffff, v1  }
0x25: {  	v2 =	vld [tilespmem:s18+$0x50];
	_ =	sdelay $0x7  }
0x26: {  	[tilespmem:v2+s9+$0x0] =	vst.idx.add.f32.msk $0xffff, v1  }
0x27: {  	v2 =	vld [tilespmem:s18+$0x60];
	_ =	sdelay $0x7  }
0x28: {  	[tilespmem:v2+s9+$0x0] =	vst.idx.add.f32.msk $0xffff, v1  }
0x29: {  	v2 =	vld [tilespmem:s18+$0x70];
	_ =	sdelay $0x2  }
0x2a: {  	p0 =	sne.s32 s17, $0xA000  }
.Ltmp1:
0x2b: {  	_ = 	snop;
	(pc) =	sbr.rel @p0 .LBB2_4-.Ltmp1, $2  }
0x2c: {  	_ =	sdelay $0x2  }
0x2d: {  	s17 =	sadd.s32 $0x200, s17;
	[tilespmem:v2+s9+$0x0] =	vst.idx.add.f32.msk $0xffff, v1  }
0x2e: {  	s17 =	simm.s32 $0x2C00  }
0x2f: {  	[spmem:s4] =	stream.strided.scatter [tilespmem:s17], [sflag:$0x1], $0x2800, s11, s10, $0x38;
	[tilespmem:$0x1E400] =	vst v63  }
0x30: {  	_ =	swait.ge [sflag:s8], $0x2800  }
0x31: {  	[sflag:s8] =	ssyncset.done $0x0  }
0x32: {  	[sflag:s8] =	ssyncadd.s32 $0xFFFFD800  }
0x33: {  	[bflag:$0x0] =	sbarrier.arrive $0xFFFF  }
0x34: {  	[tilespmem:s14], [sflag:$0x1] =	stream.strided.gather [spmem:s5], $0x2800, s13, s12, $0x38;
	[tilespmem:$0x1E400] =	vst v63  }
0x35: {  	s18 =	simm.s32 $0x0;
	_ =	swait.ge [sflag:s8], $0x2800  }
0x36: {  	s19 =	sand.u32 $0x70, s18;
	s18 =	sand.u32 $0x1C00, s18;
	[sflag:s8] =	ssyncset.done $0x0  }
0x37: {  	s18 =	sor.u32 s19, s18;
	[sflag:s8] =	ssyncadd.s32 $0xFFFFD800  }
0x38: {  	v2 =	vld [tilespmem:s18+$0x5480]  }
0x39: {  	v3 =	vld [tilespmem:s18+$0x5400];
	_ =	sdelay $0x1  }
0x3a: {  	v4 =	vld [tilespmem:s18+$0x5500];
	_ =	sdelay $0x1  }
0x3b: {  	v5 =	vld [tilespmem:s18+$0x5580]  }
0x3c: {  	v2 =	vadd.f32 v2, v3  }
0x3d: {  	v3 =	vld [tilespmem:s18+$0x5600]  }
0x3e: {  	v2 =	vadd.f32 v4, v2  }
0x3f: {  	v56 =	vld [tilespmem:s18+$0x5680]  }
0x40: {  	v2 =	vadd.f32 v5, v2  }
0x41: {  	v57 =	vld [tilespmem:s18+$0x5700]  }
0x42: {  	v2 =	vadd.f32 v3, v2  }
0x43: {  	v3 =	vld [tilespmem:s18+$0x5780]  }
0x44: {  	v2 =	vadd.f32 v56, v2  }
0x45: {  	v58 =	vld [tilespmem:s18+$0x6800]  }
0x46: {  	v2 =	vadd.f32 v57, v2  }
0x47: {  	v59 =	vld [tilespmem:s18+$0x6880]  }
0x48: {  	v2 =	vadd.f32 v3, v2  }
0x49: {  	v3 =	vld [tilespmem:s18+$0x6900]  }
0x4a: {  	v2 =	vadd.f32 v58, v2  }
0x4b: {  	v60 =	vld [tilespmem:s18+$0x6980]  }
0x4c: {  	v2 =	vadd.f32 v59, v2  }
0x4d: {  	v61 =	vld [tilespmem:s18+$0x6A00]  }
0x4e: {  	v2 =	vadd.f32 v3, v2  }
0x4f: {  	v3 =	vld [tilespmem:s18+$0x6A80]  }
0x50: {  	v2 =	vadd.f32 v60, v2  }
0x51: {  	v62 =	vld [tilespmem:s18+$0x6B00]  }
0x52: {  	v2 =	vadd.f32 v61, v2  }
0x53: {  	v63 =	vld [tilespmem:s18+$0x6B80]  }
0x54: {  	v2 =	vadd.f32 v3, v2;
	_ =	sdelay $0x1  }
0x55: {  	v2 =	vadd.f32 v62, v2;
	_ =	sdelay $0x1  }
0x56: {  	s31 =	simm.s32 $0x10;
	s19 =	simm.s32 $0x80;
	v2 =	vadd.f32 v63, v2  }
0x57: {  	s20 =	sand.u32 $0x1C00, s19;
	s18 =	sand.u32 $0x70, s31  }
0x58: {  	s18 =	sor.u32 s18, s20;
	s20 =	simm.s32 $0x20;
	[tilespmem:s17+$0x0] =	vst v2  }
.LBB2_6:
0x59: {  	p0 =	sne.s32 s20, $0x270;
	v2 =	vld [tilespmem:s18+$0x5480]  }
0x5a: {  	v3 =	vld [tilespmem:s18+$0x5400];
	_ =	sdelay $0x1  }
0x5b: {  	v4 =	vld [tilespmem:s18+$0x5500];
	_ =	sdelay $0x1  }
0x5c: {  	v5 =	vld [tilespmem:s18+$0x5580]  }
0x5d: {  	v2 =	vadd.f32 v2, v3  }
0x5e: {  	v3 =	vld [tilespmem:s18+$0x5600]  }
0x5f: {  	v2 =	vadd.f32 v4, v2  }
0x60: {  	v4 =	vld [tilespmem:s18+$0x5680]  }
0x61: {  	v2 =	vadd.f32 v5, v2  }
0x62: {  	v5 =	vld [tilespmem:s18+$0x5700]  }
0x63: {  	v2 =	vadd.f32 v3, v2  }
0x64: {  	v3 =	vld [tilespmem:s18+$0x5780]  }
0x65: {  	v2 =	vadd.f32 v4, v2  }
0x66: {  	v4 =	vld [tilespmem:s18+$0x6800]  }
0x67: {  	v2 =	vadd.f32 v5, v2  }
0x68: {  	v5 =	vld [tilespmem:s18+$0x6880]  }
0x69: {  	v2 =	vadd.f32 v3, v2  }
0x6a: {  	v3 =	vld [tilespmem:s18+$0x6900]  }
0x6b: {  	v2 =	vadd.f32 v4, v2  }
0x6c: {  	v4 =	vld [tilespmem:s18+$0x6980]  }
0x6d: {  	v2 =	vadd.f32 v5, v2  }
0x6e: {  	v5 =	vld [tilespmem:s18+$0x6A00]  }
0x6f: {  	v2 =	vadd.f32 v3, v2  }
0x70: {  	v3 =	vld [tilespmem:s18+$0x6A80]  }
0x71: {  	v2 =	vadd.f32 v4, v2  }
0x72: {  	v4 =	vld [tilespmem:s18+$0x6B00]  }
0x73: {  	v2 =	vadd.f32 v5, v2  }
0x74: {  	v5 =	vld [tilespmem:s18+$0x6B80]  }
0x75: {  	v2 =	vadd.f32 v3, v2;
	_ =	sdelay $0x1  }
.Ltmp2:
0x76: {  	v2 =	vadd.f32 v4, v2;
	(pc) =	sbr.rel @p0 .LBB2_6-.Ltmp2, $4  }
0x77: {  	_ = 	snop  }
0x78: {  	s19 =	sadd.s32 $0x80, s19;
	v2 =	vadd.f32 v5, v2  }
0x79: {  	s17 =	sadd.s32 $0x10, s17;
	s21 =	sand.u32 $0x1C00, s19;
	s18 =	sand.u32 $0x70, s20  }
0x7a: {  	s20 =	sadd.s32 $0x10, s20;
	s18 =	sor.u32 s18, s21;
	[tilespmem:s17+$0x0] =	vst v2  }
0x7b: {  	v2 =	vld [tilespmem:s18+$0x5480]  }
0x7c: {  	v3 =	vld [tilespmem:s18+$0x5400];
	_ =	sdelay $0x1  }
0x7d: {  	v4 =	vld [tilespmem:s18+$0x5500];
	_ =	sdelay $0x1  }
0x7e: {  	v5 =	vld [tilespmem:s18+$0x5580]  }
0x7f: {  	v2 =	vadd.f32 v2, v3  }
0x80: {  	v3 =	vld [tilespmem:s18+$0x5600]  }
0x81: {  	v2 =	vadd.f32 v4, v2  }
0x82: {  	v46 =	vld [tilespmem:s18+$0x5680]  }
0x83: {  	v2 =	vadd.f32 v5, v2  }
0x84: {  	v47 =	vld [tilespmem:s18+$0x5700]  }
0x85: {  	v2 =	vadd.f32 v3, v2  }
0x86: {  	v3 =	vld [tilespmem:s18+$0x5780]  }
0x87: {  	v2 =	vadd.f32 v46, v2  }
0x88: {  	v48 =	vld [tilespmem:s18+$0x6800]  }
0x89: {  	v2 =	vadd.f32 v47, v2  }
0x8a: {  	v49 =	vld [tilespmem:s18+$0x6880]  }
0x8b: {  	v2 =	vadd.f32 v3, v2  }
0x8c: {  	v3 =	vld [tilespmem:s18+$0x6900]  }
0x8d: {  	v2 =	vadd.f32 v48, v2  }
0x8e: {  	v50 =	vld [tilespmem:s18+$0x6980]  }
0x8f: {  	v2 =	vadd.f32 v49, v2  }
0x90: {  	v51 =	vld [tilespmem:s18+$0x6A00]  }
0x91: {  	v2 =	vadd.f32 v3, v2  }
0x92: {  	v3 =	vld [tilespmem:s18+$0x6A80]  }
0x93: {  	v2 =	vadd.f32 v50, v2  }
0x94: {  	v52 =	vld [tilespmem:s18+$0x6B00]  }
0x95: {  	v2 =	vadd.f32 v51, v2  }
0x96: {  	v53 =	vld [tilespmem:s18+$0x6B80]  }
0x97: {  	v2 =	vadd.f32 v3, v2;
	_ =	sdelay $0x1  }
0x98: {  	v2 =	vadd.f32 v52, v2;
	_ =	sdelay $0x1  }
0x99: {  	v2 =	vadd.f32 v53, v2  }
0x9a: {  	s17 =	sadd.s32 $0x10, s17  }
0x9b: {  	s31 =	simm.s32 $0x0;
	[tilespmem:s17+$0x0] =	vst v2  }
0x9c: {  	v2 =	vld [tilespmem:s31+$0x2C00];
	_ =	sdelay $0x4  }
0x9d: {  	v3 =	vbroadcast v2, $0x0  }
0x9e: {  	s17 =	simm.s32 $0x8000;
	v54 =	vbroadcast v2, $0x1  }
0x9f: {  	v55 =	vbroadcast v2, $0x2;
	[tilespmem:s17+$0xFFFFFC00] =	vst v3  }
0xa0: {  	v56 =	vbroadcast v2, $0x4;
	[tilespmem:s17+$0xFFFFFC80] =	vst v54  }
0xa1: {  	v57 =	vbroadcast v2, $0x5;
	[tilespmem:s17+$0xFFFFFD00] =	vst v55  }
0xa2: {  	v58 =	vbroadcast v2, $0x7;
	[tilespmem:s17+$0xFFFFFE00] =	vst v56  }
0xa3: {  	v59 =	vbroadcast v2, $0x8;
	[tilespmem:s17+$0xFFFFFE80] =	vst v57  }
0xa4: {  	v60 =	vbroadcast v2, $0xA;
	[tilespmem:s17+$0xFFFFFF80] =	vst v58  }
0xa5: {  	v3 =	vbroadcast v2, $0x3;
	[tilespmem:s17+$0x0] =	vst v59  }
0xa6: {  	v61 =	vbroadcast v2, $0xB;
	[tilespmem:s17+$0x100] =	vst v60  }
0xa7: {  	[tilespmem:s17+$0xFFFFFD80] =	vst v3;
	v3 =	vbroadcast v2, $0x6  }
0xa8: {  	v62 =	vbroadcast v2, $0xD;
	[tilespmem:s17+$0x180] =	vst v61  }
0xa9: {  	[tilespmem:s17+$0xFFFFFF00] =	vst v3;
	v3 =	vbroadcast v2, $0x9  }
0xaa: {  	v63 =	vbroadcast v2, $0xE;
	[tilespmem:s17+$0x280] =	vst v62  }
0xab: {  	[tilespmem:s17+$0x80] =	vst v3;
	v3 =	vbroadcast v2, $0xC  }
0xac: {  	[tilespmem:s17+$0x300] =	vst v63;
	v2 =	vbroadcast v2, $0xF  }
0xad: {  	[tilespmem:s17+$0x200] =	vst v3  }
0xae: {  	s19 =	simm.s32 $0x10;
	s18 =	simm.s32 $0x80;
	[tilespmem:s17+$0x380] =	vst v2  }
.LBB2_8:
0xaf: {  	p0 =	sne.s32 s18, $0x9C0;
	v2 =	vld [tilespmem:s19+$0x2C00];
	_ =	sdelay $0x4  }
0xb0: {  	v3 =	vbroadcast v2, $0x0;
	v4 =	vbroadcast v2, $0x1  }
0xb1: {  	s17 =	sadd.s32 $0x800, s17;
	v5 =	vbroadcast v2, $0x2;
	v6 =	vbroadcast v2, $0x3  }
0xb2: {  	v7 =	vbroadcast v2, $0x5;
	[tilespmem:s17+$0xFFFFFC00] =	vst v3;
	v3 =	vbroadcast v2, $0x4  }
0xb3: {  	v8 =	vbroadcast v2, $0x7;
	[tilespmem:s17+$0xFFFFFC80] =	vst v4;
	v4 =	vbroadcast v2, $0x6  }
0xb4: {  	v9 =	vbroadcast v2, $0x9;
	[tilespmem:s17+$0xFFFFFD00] =	vst v5;
	v5 =	vbroadcast v2, $0x8  }
0xb5: {  	v10 =	vbroadcast v2, $0xB;
	[tilespmem:s17+$0xFFFFFD80] =	vst v6;
	v6 =	vbroadcast v2, $0xA  }
0xb6: {  	v11 =	vbroadcast v2, $0xD;
	[tilespmem:s17+$0xFFFFFE00] =	vst v3;
	v3 =	vbroadcast v2, $0xC  }
0xb7: {  	[tilespmem:s17+$0xFFFFFE80] =	vst v7;
	v7 =	vbroadcast v2, $0xE;
	v2 =	vbroadcast v2, $0xF  }
0xb8: {  	[tilespmem:s17+$0xFFFFFF00] =	vst v4  }
0xb9: {  	[tilespmem:s17+$0xFFFFFF80] =	vst v8  }
0xba: {  	[tilespmem:s17+$0x0] =	vst v5  }
0xbb: {  	[tilespmem:s17+$0x80] =	vst v9  }
0xbc: {  	[tilespmem:s17+$0x100] =	vst v6  }
.Ltmp3:
0xbd: {  	[tilespmem:s17+$0x180] =	vst v10;
	(pc) =	sbr.rel @p0 .LBB2_8-.Ltmp3, $4  }
0xbe: {  	[tilespmem:s17+$0x200] =	vst v3  }
0xbf: {  	[tilespmem:s17+$0x280] =	vst v11  }
0xc0: {  	[tilespmem:s17+$0x300] =	vst v7  }
0xc1: {  	s19 =	sshra.s32 s18, $0x2;
	s18 =	sadd.s32 $0x40, s18;
	[tilespmem:s17+$0x380] =	vst v2  }
0xc2: {  	v2 =	vld [tilespmem:s19+$0x2C00];
	_ =	sdelay $0x4  }
0xc3: {  	v3 =	vbroadcast v2, $0x0  }
0xc4: {  	s17 =	sadd.s32 $0x800, s17;
	v4 =	vbroadcast v2, $0x1  }
0xc5: {  	v5 =	vbroadcast v2, $0x2;
	[tilespmem:s17+$0xFFFFFC00] =	vst v3  }
0xc6: {  	v56 =	vbroadcast v2, $0x4;
	[tilespmem:s17+$0xFFFFFC80] =	vst v4  }
0xc7: {  	v57 =	vbroadcast v2, $0x5;
	[tilespmem:s17+$0xFFFFFD00] =	vst v5  }
0xc8: {  	v58 =	vbroadcast v2, $0x7;
	[tilespmem:s17+$0xFFFFFE00] =	vst v56  }
0xc9: {  	v59 =	vbroadcast v2, $0x8;
	[tilespmem:s17+$0xFFFFFE80] =	vst v57  }
0xca: {  	v60 =	vbroadcast v2, $0xA;
	[tilespmem:s17+$0xFFFFFF80] =	vst v58  }
0xcb: {  	v3 =	vbroadcast v2, $0x3;
	[tilespmem:s17+$0x0] =	vst v59  }
0xcc: {  	v61 =	vbroadcast v2, $0xB;
	[tilespmem:s17+$0x100] =	vst v60  }
0xcd: {  	[tilespmem:s17+$0xFFFFFD80] =	vst v3;
	v3 =	vbroadcast v2, $0x6  }
0xce: {  	v62 =	vbroadcast v2, $0xD;
	[tilespmem:s17+$0x180] =	vst v61  }
0xcf: {  	[tilespmem:s17+$0xFFFFFF00] =	vst v3;
	v3 =	vbroadcast v2, $0x9  }
0xd0: {  	v63 =	vbroadcast v2, $0xE;
	[tilespmem:s17+$0x280] =	vst v62  }
0xd1: {  	[tilespmem:s17+$0x80] =	vst v3;
	v3 =	vbroadcast v2, $0xC  }
0xd2: {  	s16 =	sadd.s32 $0x1, s16;
	[tilespmem:s17+$0x300] =	vst v63;
	v2 =	vbroadcast v2, $0xF  }
0xd3: {  	p0 =	sne.s32 s16, s7;
	[tilespmem:s17+$0x200] =	vst v3  }
.Ltmp4:
0xd4: {  	[tilespmem:s17+$0x380] =	vst v2;
	(pc) =	sbr.rel @p0 .LBB2_1-.Ltmp4, $4  }
0xd5: {  	[hbm4b:s6+s2] =	stream.linear.scatter [tilespmem:s15], [sflag:$0x1], $0x14000, $0x38;
	[tilespmem:$0x1E400] =	vst v63  }
0xd6: {  	_ =	swait.ge [sflag:s8], $0x14000  }
0xd7: {  	[sflag:s8] =	ssyncset.done $0x0  }
0xd8: {  	[sflag:s8] =	ssyncadd.s32 $0xFFFEC000  }
0xd9: {  	_ =	sfence.sel $0x180000  }
0xda: {  	[bflag:$0x0] =	sbarrier.arrive $0xFFFF  }
0xdb: {  	p0 =	sne.s32 s1, $0x0;
	_ =	strace $0x90000047  }
0xdc: {  	s0 =	sadd.s32 @!p0 $0x100000, s0;
	[bflag:$0x2] =	sbarrier.arrive $0xFFFF  }
0xdd: {  	[sflag:s0] =	ssyncadd.tile.s32 @!p0 $0x1;
	_ =	shalt  }
.Lfunc_end2:
_tile_overlayer_lowered:
.L_overlay_start_2:
0xde: {  	(tag) =	ssettag $0x2  }
0xdf: {  	s0 =	rddreg [dreg:$0x0];
	s2 =	stileid.u32  }
0xe0: {  	s1 =	rddreg [dreg:$0x1];
	p0 =	sne.s32 s2, $0x0  }
0xe1: {  	s3 =	rddreg [dreg:$0x2];
	[bflag:$0x3] =	sbarrier.arrive $0xFFFF;
	s2 =	simm.s32 @!p0 $0x1C01  }
0xe2: {  	[timem:s3], [sflag:s2] =	dma.local @!p0 [hbm:s0], s1  }
0xe3: {  	s0 =	simm.s32 @!p0 $0x1  }
0xe4: {  	_ =	swait.ge @!p0 [sflag:s0], s1  }
0xe5: {  	s1 =	ssub.s32 @!p0 $0x0, s1;
	[sflag:s0] =	ssyncset.done @!p0 $0x0  }
0xe6: {  	[sflag:s0] =	ssyncadd.s32 @!p0 s1  }
0xe7: {  	[bflag:$0x3] =	sbarrier.arrive $0xFFFF  }
0xe8: {  	_ =	shalt  }

</sc_bundles>
